<compile_context>
chip_gen: v7x
topology: tpu7x:2x2x1
jax: 0.10.2.dev20260603
libtpu: 0.0.44.dev20260713+nightly
codegen_flags: <defaults>
</compile_context>

<pallas_src>
import functools

import jax
import jax.numpy as jnp
from jax import lax
from jax.experimental import pallas as pl
from jax.experimental.pallas import tpu as pltpu

N_TOKENS = 2048
D_IN = 1024
D_OUT = 1024
N_EXP = 8
BALANCE_W = 0.01

BLK = 256
NBLK = 24
NDISP = NBLK * BLK


def _gate_kernel(x_ref, gw_ref, sc1_ref, sc2_ref, posa_ref, posb_ref,
                 be_ref, loss_ref):
    xf = x_ref[...]
    logits = lax.dot_general(xf, gw_ref[...], (((1,), (1,)), ((), ())),
                             preferred_element_type=jnp.float32)
    idx = lax.broadcasted_iota(jnp.int32, logits.shape, 1)
    big = jnp.float32(3.4e38)
    m1 = jnp.max(logits, axis=1, keepdims=True)
    i1 = jnp.min(jnp.where(logits == m1, idx, N_EXP), axis=1, keepdims=True)
    masked = jnp.where(idx == i1, -big, logits)
    m2 = jnp.max(masked, axis=1, keepdims=True)
    i2 = jnp.min(jnp.where(masked == m2, idx, N_EXP), axis=1, keepdims=True)
    s2 = 1.0 / (1.0 + jnp.exp(m1 - m2))
    s1 = 1.0 - s2
    selA = (idx == i1).astype(jnp.float32)
    selB = (idx == i2).astype(jnp.float32)

    r = lax.broadcasted_iota(jnp.int32, (N_TOKENS, N_TOKENS), 0)
    c = lax.broadcasted_iota(jnp.int32, (N_TOKENS, N_TOKENS), 1)
    tri = (c < r).astype(jnp.float32)
    rankA = lax.dot_general(tri, selA, (((1,), (0,)), ((), ())),
                            preferred_element_type=jnp.float32)
    rankB = lax.dot_general(tri, selB, (((1,), (0,)), ((), ())),
                            preferred_element_type=jnp.float32)

    cntA = jnp.sum(selA, axis=0, keepdims=True)
    cntB = jnp.sum(selB, axis=0, keepdims=True)
    cnt = cntA + cntB
    pc = jnp.float32(BLK) * jnp.ceil(cnt / BLK)
    e8r = lax.broadcasted_iota(jnp.int32, (N_EXP, N_EXP), 0)
    e8c = lax.broadcasted_iota(jnp.int32, (N_EXP, N_EXP), 1)
    tri8 = (e8r < e8c).astype(jnp.float32)
    off = lax.dot_general(pc, tri8, (((1,), (0,)), ((), ())),
                          preferred_element_type=jnp.float32)

    posA = jnp.sum(selA * (off + rankA), axis=1, keepdims=True)
    posB = jnp.sum(selB * (off + cntA + rankB), axis=1, keepdims=True)
    posa_ref[...] = posA.astype(jnp.int32)
    posb_ref[...] = posB.astype(jnp.int32)
    sc1_ref[...] = jnp.broadcast_to(s1, (N_TOKENS, 16))
    sc2_ref[...] = jnp.broadcast_to(s2, (N_TOKENS, 16))

    offs_end = off + pc
    bi = (lax.broadcasted_iota(jnp.int32, (128, N_EXP), 0)
          .astype(jnp.float32) * jnp.float32(BLK))
    cmp = (bi >= offs_end).astype(jnp.int32)
    be = jnp.sum(cmp, axis=1, keepdims=True)
    be_ref[...] = jnp.minimum(be, N_EXP - 1)

    importance = jnp.sum(selA * s1 + selB * s2, axis=0)
    load = jnp.sum(selA * (s1 > 0) + selB * (s2 > 0), axis=0)

    def cv_sq(v):
        mean = jnp.mean(v)
        var = jnp.sum((v - mean) ** 2) / (N_EXP - 1)
        return var / (mean * mean + 1e-10)

    loss = BALANCE_W * (cv_sq(importance) + cv_sq(load))
    loss_ref[...] = jnp.reshape(loss, (1, 1))


def _gate(xf, gate_W, interpret=False):
    return pl.pallas_call(
        _gate_kernel,
        in_specs=[pl.BlockSpec((N_TOKENS, D_IN), lambda: (0, 0)),
                  pl.BlockSpec((N_EXP, D_IN), lambda: (0, 0))],
        out_specs=[pl.BlockSpec((N_TOKENS, 16), lambda: (0, 0)),
                   pl.BlockSpec((N_TOKENS, 16), lambda: (0, 0)),
                   pl.BlockSpec((N_TOKENS, 1), lambda: (0, 0)),
                   pl.BlockSpec((N_TOKENS, 1), lambda: (0, 0)),
                   pl.BlockSpec((128, 1), lambda: (0, 0)),
                   pl.BlockSpec((1, 1), lambda: (0, 0))],
        out_shape=[
            jax.ShapeDtypeStruct((N_TOKENS, 16), jnp.float32),
            jax.ShapeDtypeStruct((N_TOKENS, 16), jnp.float32),
            jax.ShapeDtypeStruct((N_TOKENS, 1), jnp.int32),
            jax.ShapeDtypeStruct((N_TOKENS, 1), jnp.int32),
            jax.ShapeDtypeStruct((128, 1), jnp.int32),
            jax.ShapeDtypeStruct((1, 1), jnp.float32),
        ],
        interpret=interpret,
    )(xf, gate_W)


def _gmm_kernel(be_ref, disp_ref, ew_ref, eb_ref, out_ref):
    out_ref[...] = lax.dot_general(
        disp_ref[...], ew_ref[0], (((1,), (1,)), ((), ())),
        preferred_element_type=jnp.float32) + eb_ref[0]


def _gmm(be, disp, expert_W, expert_b, interpret=False):
    grid_spec = pltpu.PrefetchScalarGridSpec(
        num_scalar_prefetch=1,
        grid=(NBLK,),
        in_specs=[
            pl.BlockSpec((BLK, D_IN), lambda i, be: (i, 0)),
            pl.BlockSpec((1, D_OUT, D_IN), lambda i, be: (be[i], 0, 0)),
            pl.BlockSpec((1, 1, D_OUT), lambda i, be: (be[i], 0, 0)),
        ],
        out_specs=pl.BlockSpec((BLK, D_OUT), lambda i, be: (i, 0)),
    )
    return pl.pallas_call(
        _gmm_kernel,
        grid_spec=grid_spec,
        out_shape=jax.ShapeDtypeStruct((NDISP, D_OUT), jnp.float32),
        interpret=interpret,
    )(be, disp, expert_W, expert_b.reshape(N_EXP, 1, D_OUT))


from jax.experimental.pallas import tpu_sc as plsc

_SC_NUM_CORES = 2
_SC_NUM_SUBCORES = 16
NW = _SC_NUM_CORES * _SC_NUM_SUBCORES
TPW = N_TOKENS // NW
HALF = TPW // 2

def _dispatch_body(x_hbm, posa_hbm, posb_hbm, disp_hbm, ia_v, ib_v, rows_v,
                   sema, semb):
    wid = lax.axis_index("s") * _SC_NUM_CORES + lax.axis_index("c")
    base = wid * TPW
    pltpu.sync_copy(posa_hbm.at[wid], ia_v)
    pltpu.sync_copy(posb_hbm.at[wid], ib_v)
    pltpu.sync_copy(x_hbm.at[pl.ds(base, TPW)], rows_v)
    cpa = pltpu.async_copy(rows_v, disp_hbm.at[ia_v], sema)
    cpb = pltpu.async_copy(rows_v, disp_hbm.at[ib_v], semb)
    cpa.wait()
    cpb.wait()


def _combine_body(rows_hbm, posa_hbm, posb_hbm, sca_hbm, scb_hbm, y_hbm,
                  ia_v, ib_v, sa_v, sb_v, ra_v, rb_v, yv, sema, semb):
    wid = lax.axis_index("s") * _SC_NUM_CORES + lax.axis_index("c")
    base = wid * TPW
    pltpu.sync_copy(sca_hbm.at[wid], sa_v)
    pltpu.sync_copy(scb_hbm.at[wid], sb_v)
    for c in range(2):
        pltpu.sync_copy(posa_hbm.at[wid, pl.ds(c * HALF, HALF)], ia_v)
        pltpu.sync_copy(posb_hbm.at[wid, pl.ds(c * HALF, HALF)], ib_v)
        cpa = pltpu.async_copy(rows_hbm.at[ia_v], ra_v, sema)
        cpb = pltpu.async_copy(rows_hbm.at[ib_v], rb_v, semb)
        cpa.wait()
        cpb.wait()

        def body(i, _):
            tok = c * HALF + i
            sa = sa_v[tok, :]
            sb = sb_v[tok, :]
            for v in range(D_OUT // 16):
                sl = pl.ds(v * 16, 16)
                yv[i, sl] = sa * ra_v[i, sl] + sb * rb_v[i, sl]
            return 0

        lax.fori_loop(0, HALF, body, 0)
        pltpu.sync_copy(yv, y_hbm.at[pl.ds(base + c * HALF, HALF)])


@functools.cache
def _sc_kernels():
    mesh = plsc.VectorSubcoreMesh(core_axis_name="c", subcore_axis_name="s")
    dispatch = functools.partial(
        pl.kernel, mesh=mesh,
        out_type=jax.ShapeDtypeStruct((NDISP, D_IN), jnp.float32),
        scratch_types=[
            pltpu.VMEM((TPW,), jnp.int32),
            pltpu.VMEM((TPW,), jnp.int32),
            pltpu.VMEM((TPW, D_IN), jnp.float32),
            pltpu.SemaphoreType.DMA,
            pltpu.SemaphoreType.DMA,
        ],
    )(_dispatch_body)
    combine = functools.partial(
        pl.kernel, mesh=mesh,
        out_type=jax.ShapeDtypeStruct((N_TOKENS, D_OUT), jnp.float32),
        scratch_types=[
            pltpu.VMEM((HALF,), jnp.int32),
            pltpu.VMEM((HALF,), jnp.int32),
            pltpu.VMEM((TPW, 16), jnp.float32),
            pltpu.VMEM((TPW, 16), jnp.float32),
            pltpu.VMEM((HALF, D_OUT), jnp.float32),
            pltpu.VMEM((HALF, D_OUT), jnp.float32),
            pltpu.VMEM((HALF, D_OUT), jnp.float32),
            pltpu.SemaphoreType.DMA,
            pltpu.SemaphoreType.DMA,
        ],
    )(_combine_body)
    return dispatch, combine


def _route_sim(xf, sc1, sc2, posA, posB):
    disp = jnp.zeros((NDISP, D_IN), jnp.float32)
    disp = disp.at[posA].set(xf)
    disp = disp.at[posB].set(xf)
    return disp


def _combine_sim(rows, sc1, sc2, posA, posB):
    return sc1[:, None] * rows[posA] + sc2[:, None] * rows[posB]


_STAGE = 4


@jax.jit
def _moe_routed(xf, gate_W, expert_W, expert_b):
    sc1, sc2, posA, posB, be, loss = _gate(xf, gate_W)
    if _STAGE == 1:
        return jnp.broadcast_to(posA.astype(jnp.float32) + sc1[:, :1],
                                (N_TOKENS, D_OUT)), loss
    posa32 = posA.reshape(NW, TPW)
    posb32 = posB.reshape(NW, TPW)
    dispatch, combine = _sc_kernels()
    disp = dispatch(xf, posa32, posb32)
    if _STAGE == 2:
        return disp[:N_TOKENS], loss
    rows = _gmm(be[:NBLK, 0], disp, expert_W, expert_b)
    if _STAGE == 3:
        return rows[:N_TOKENS], loss
    y = combine(rows, posa32, posb32,
                sc1.reshape(NW, TPW, 16), sc2.reshape(NW, TPW, 16))
    return y, loss


def kernel(x, gate_W, expert_W, expert_b):
    orig_shape = x.shape[:-1]
    xf = x.reshape(-1, D_IN)
    y, loss = _moe_routed(xf, gate_W, expert_W, expert_b)
    return y.reshape(orig_shape + (D_OUT,)), loss[0, 0]


def kernel_cpu_test(x, gate_W, expert_W, expert_b):
    xf = x.reshape(-1, D_IN)
    sc1, sc2, posA, posB, be, loss = _gate(xf, gate_W, interpret=True)
    sc1, sc2 = sc1[:, 0], sc2[:, 0]
    posA, posB, be = posA[:, 0], posB[:, 0], be[:24, 0]
    disp = _route_sim(xf, sc1, sc2, posA, posB)
    rows = _gmm(be, disp, expert_W, expert_b, interpret=True)
    y = _combine_sim(rows, sc1, sc2, posA, posB)
    return y.reshape(x.shape[:-1] + (D_OUT,)), loss[0, 0]

# --- scband reference (transcript-rebuilt; emitter-appended) ---
"""Pipeline reference for scband-linear-mo-elayer-18176301597482 (READ-ONLY COPY).

The authoritative reference and input builder live on the scoring server;
editing this copy changes nothing except your own understanding.
"""

import jax, jax.numpy as jnp
import numpy as np

INPUT_SIZE = 1024
OUTPUT_SIZE = 1024
NUM_EXPERTS = 8
NUM_SELECTS = 2
BALANCE_LOSS_WEIGHT = 0.01


def setup_inputs(seed: int = 0):
    key = jax.random.key(seed)
    k1, k2, k3, k4 = jax.random.split(key, 4)
    x = jax.random.normal(k1, (1, 2048, INPUT_SIZE), dtype=jnp.float32)
    gate_W = jax.random.normal(k2, (NUM_EXPERTS, INPUT_SIZE), dtype=jnp.float32) * (1.0 / np.sqrt(INPUT_SIZE))
    expert_W = jax.random.normal(k3, (NUM_EXPERTS, OUTPUT_SIZE, INPUT_SIZE), dtype=jnp.float32) * (1.0 / np.sqrt(INPUT_SIZE))
    expert_b = jax.random.normal(k4, (NUM_EXPERTS, OUTPUT_SIZE), dtype=jnp.float32) * 0.01
    return {"x": x, "gate_W": gate_W, "expert_W": expert_W, "expert_b": expert_b}


def _cv_squared(v):
    v = v.astype(jnp.float32)
    if v.shape[0] == 1:
        return jnp.float32(0.0)
    # torch.var defaults to unbiased (ddof=1)
    return jnp.var(v, ddof=1) / (jnp.mean(v) ** 2 + 1e-10)


def reference(x, gate_W, expert_W, expert_b):
    # LinearMoELayer.forward
    orig_shape = x.shape[:-1]
    xf = x.reshape(-1, INPUT_SIZE)
    n = xf.shape[0]

    # --- TopKBalancedNoisyGate (add_noise=False -> eval-style logits) ---
    logits = xf @ gate_W.T  # linear gate_network, bias=False
    k_plus = min(NUM_SELECTS + 1, NUM_EXPERTS)
    top_logits, top_indices = jax.lax.top_k(logits, k_plus)
    top_k_logits = top_logits[:, :NUM_SELECTS]
    top_k_indices = top_indices[:, :NUM_SELECTS]
    top_k_scores = jax.nn.softmax(top_k_logits.astype(jnp.float32), axis=1)  # use_softmax=True
    top_k_scores = top_k_scores.astype(logits.dtype)

    # scatter top-k scores into a dense [n, E] matrix
    scores_filtered = jnp.zeros_like(logits).at[jnp.arange(n)[:, None], top_k_indices].set(top_k_scores)
    importance = scores_filtered.sum(axis=0)
    # training branch with add_noise=False: load is a hard count
    load = (scores_filtered > 0).sum(axis=0)
    balance_loss = BALANCE_LOSS_WEIGHT * (_cv_squared(importance) + _cv_squared(load))

    # --- UniversalCalculator with LinearExperts (multiply_gate_scores=True) ---
    # Mathematically identical to the sort/split/index_add dispatch in torch:
    # y[b] = sum_e scores_filtered[b, e] * (x[b] @ W_e^T + b_e)
    expert_out = jnp.einsum('ni,eoi->neo', xf, expert_W) + expert_b[None, :, :]
    y = jnp.einsum('ne,neo->no', scores_filtered, expert_out)

    y = y.reshape(orig_shape + (OUTPUT_SIZE,))
    return y, balance_loss

if __name__ == "__main__":
    import jax
    _d = setup_inputs()
    print(jax.jit(kernel)(*tuple(_d.values())))

</pallas_src>

<mosaic_0001>
#map = affine_map<(d0, d1) -> (0, 0)>
module attributes {stable_mosaic.version = 14 : i64} {
  func.func @_dispatch_body(%arg0: i32, %arg1: i32, %arg2: memref<2048x1024xf32, #tpu.memory_space<hbm>>, %arg3: memref<32x64xi32, #tpu.memory_space<hbm>>, %arg4: memref<32x64xi32, #tpu.memory_space<hbm>>, %arg5: memref<6144x1024xf32, #tpu.memory_space<hbm>>, %arg6: memref<64xi32, #tpu.memory_space<vmem>>, %arg7: memref<64xi32, #tpu.memory_space<vmem>>, %arg8: memref<64x1024xf32, #tpu.memory_space<vmem>>, %arg9: memref<!tpu.dma_semaphore, #tpu.memory_space<semaphore_mem>>, %arg10: memref<!tpu.dma_semaphore, #tpu.memory_space<semaphore_mem>>) attributes {dimension_semantics = [#tpu.dimension_semantics<core_parallel>, #tpu.dimension_semantics<subcore_parallel>], iteration_bounds = array<i64: 2, 16>, scalar_prefetch = 0 : i64, scratch_operands = 5 : i64, tpu.core_type = #tpu.core_type<sc_vector_subcore>, window_params = [{transform_indices = #map}, {transform_indices = #map}, {transform_indices = #map}, {transform_indices = #map}]} {
    %mul3A = arith.constant 2 : i32
    %mul3A_0 = arith.muli %arg1, %mul3A : i32
    %add3A = arith.addi %mul3A_0, %arg0 : i32
    %mul3A_1 = arith.constant 64 : i32
    %mul3A_2 = arith.muli %add3A, %mul3A_1 : i32
    "tpu.region"() ({
      %run_scoped3A = tpu.sem_alloc : memref<!tpu.dma_semaphore, #tpu.memory_space<semaphore_mem>>
      %dma_start3A_13 = arith.constant 0 : i32
      %dma_start3A_14 = tpu.memref_slice %arg3[%add3A, %dma_start3A_13] : memref<32x64xi32, #tpu.memory_space<hbm>> -> memref<1x64xi32, #tpu.memory_space<hbm>>
      %dma_start3A_15 = tpu.memref_squeeze %dma_start3A_14 : memref<1x64xi32, #tpu.memory_space<hbm>> -> memref<64xi32, #tpu.memory_space<hbm>>
      %dma_start3A_16 = arith.constant 0 : i32
      %dma_start3A_17 = tpu.memref_slice %arg3[%add3A, %dma_start3A_16] : memref<32x64xi32, #tpu.memory_space<hbm>> -> memref<1x64xi32, #tpu.memory_space<hbm>>
      %dma_start3A_18 = tpu.memref_squeeze %dma_start3A_17 : memref<1x64xi32, #tpu.memory_space<hbm>> -> memref<64xi32, #tpu.memory_space<hbm>>
      tpu.enqueue_dma source(%dma_start3A_18 : memref<64xi32, #tpu.memory_space<hbm>>) target(%arg6 : memref<64xi32, #tpu.memory_space<vmem>>) target_semaphore(%run_scoped3A : memref<!tpu.dma_semaphore, #tpu.memory_space<semaphore_mem>>)
      %dma_wait3A_19 = arith.constant 0 : i32
      %dma_wait3A_20 = tpu.memref_slice %arg3[%add3A, %dma_wait3A_19] : memref<32x64xi32, #tpu.memory_space<hbm>> -> memref<1x64xi32, #tpu.memory_space<hbm>>
      %dma_wait3A_21 = tpu.memref_squeeze %dma_wait3A_20 : memref<1x64xi32, #tpu.memory_space<hbm>> -> memref<64xi32, #tpu.memory_space<hbm>>
      %dma_wait3A_22 = arith.constant 0 : i32
      %dma_wait3A_23 = tpu.memref_slice %arg3[%add3A, %dma_wait3A_22] : memref<32x64xi32, #tpu.memory_space<hbm>> -> memref<1x64xi32, #tpu.memory_space<hbm>>
      %dma_wait3A_24 = tpu.memref_squeeze %dma_wait3A_23 : memref<1x64xi32, #tpu.memory_space<hbm>> -> memref<64xi32, #tpu.memory_space<hbm>>
      tpu.wait_dma2 semaphore(%run_scoped3A : memref<!tpu.dma_semaphore, #tpu.memory_space<semaphore_mem>>) src(%dma_wait3A_24 : memref<64xi32, #tpu.memory_space<hbm>>) dst(%arg6 : memref<64xi32, #tpu.memory_space<vmem>>)
      tpu.yield
    }) : () -> ()
    "tpu.region"() ({
      %run_scoped3A = tpu.sem_alloc : memref<!tpu.dma_semaphore, #tpu.memory_space<semaphore_mem>>
      %dma_start3A_13 = arith.constant 0 : i32
      %dma_start3A_14 = tpu.memref_slice %arg4[%add3A, %dma_start3A_13] : memref<32x64xi32, #tpu.memory_space<hbm>> -> memref<1x64xi32, #tpu.memory_space<hbm>>
      %dma_start3A_15 = tpu.memref_squeeze %dma_start3A_14 : memref<1x64xi32, #tpu.memory_space<hbm>> -> memref<64xi32, #tpu.memory_space<hbm>>
      %dma_start3A_16 = arith.constant 0 : i32
      %dma_start3A_17 = tpu.memref_slice %arg4[%add3A, %dma_start3A_16] : memref<32x64xi32, #tpu.memory_space<hbm>> -> memref<1x64xi32, #tpu.memory_space<hbm>>
      %dma_start3A_18 = tpu.memref_squeeze %dma_start3A_17 : memref<1x64xi32, #tpu.memory_space<hbm>> -> memref<64xi32, #tpu.memory_space<hbm>>
      tpu.enqueue_dma source(%dma_start3A_18 : memref<64xi32, #tpu.memory_space<hbm>>) target(%arg7 : memref<64xi32, #tpu.memory_space<vmem>>) target_semaphore(%run_scoped3A : memref<!tpu.dma_semaphore, #tpu.memory_space<semaphore_mem>>)
      %dma_wait3A_19 = arith.constant 0 : i32
      %dma_wait3A_20 = tpu.memref_slice %arg4[%add3A, %dma_wait3A_19] : memref<32x64xi32, #tpu.memory_space<hbm>> -> memref<1x64xi32, #tpu.memory_space<hbm>>
      %dma_wait3A_21 = tpu.memref_squeeze %dma_wait3A_20 : memref<1x64xi32, #tpu.memory_space<hbm>> -> memref<64xi32, #tpu.memory_space<hbm>>
      %dma_wait3A_22 = arith.constant 0 : i32
      %dma_wait3A_23 = tpu.memref_slice %arg4[%add3A, %dma_wait3A_22] : memref<32x64xi32, #tpu.memory_space<hbm>> -> memref<1x64xi32, #tpu.memory_space<hbm>>
      %dma_wait3A_24 = tpu.memref_squeeze %dma_wait3A_23 : memref<1x64xi32, #tpu.memory_space<hbm>> -> memref<64xi32, #tpu.memory_space<hbm>>
      tpu.wait_dma2 semaphore(%run_scoped3A : memref<!tpu.dma_semaphore, #tpu.memory_space<semaphore_mem>>) src(%dma_wait3A_24 : memref<64xi32, #tpu.memory_space<hbm>>) dst(%arg7 : memref<64xi32, #tpu.memory_space<vmem>>)
      tpu.yield
    }) : () -> ()
    "tpu.region"() ({
      %run_scoped3A = tpu.sem_alloc : memref<!tpu.dma_semaphore, #tpu.memory_space<semaphore_mem>>
      %dma_start3A_13 = arith.constant 0 : i32
      %dma_start3A_14 = tpu.memref_slice %arg2[%mul3A_2, %dma_start3A_13] : memref<2048x1024xf32, #tpu.memory_space<hbm>> -> memref<64x1024xf32, #tpu.memory_space<hbm>>
      %dma_start3A_15 = arith.constant 0 : i32
      %dma_start3A_16 = tpu.memref_slice %arg2[%mul3A_2, %dma_start3A_15] : memref<2048x1024xf32, #tpu.memory_space<hbm>> -> memref<64x1024xf32, #tpu.memory_space<hbm>>
      tpu.enqueue_dma source(%dma_start3A_16 : memref<64x1024xf32, #tpu.memory_space<hbm>>) target(%arg8 : memref<64x1024xf32, #tpu.memory_space<vmem>>) target_semaphore(%run_scoped3A : memref<!tpu.dma_semaphore, #tpu.memory_space<semaphore_mem>>)
      %dma_wait3A_17 = arith.constant 0 : i32
      %dma_wait3A_18 = tpu.memref_slice %arg2[%mul3A_2, %dma_wait3A_17] : memref<2048x1024xf32, #tpu.memory_space<hbm>> -> memref<64x1024xf32, #tpu.memory_space<hbm>>
      %dma_wait3A_19 = arith.constant 0 : i32
      %dma_wait3A_20 = tpu.memref_slice %arg2[%mul3A_2, %dma_wait3A_19] : memref<2048x1024xf32, #tpu.memory_space<hbm>> -> memref<64x1024xf32, #tpu.memory_space<hbm>>
      tpu.wait_dma2 semaphore(%run_scoped3A : memref<!tpu.dma_semaphore, #tpu.memory_space<semaphore_mem>>) src(%dma_wait3A_20 : memref<64x1024xf32, #tpu.memory_space<hbm>>) dst(%arg8 : memref<64x1024xf32, #tpu.memory_space<vmem>>)
      tpu.yield
    }) : () -> ()
    %dma_start3A = arith.constant 0 : i32
    %dma_start3A_3 = arith.constant 0 : i32
    %dma_start3A_4 = tpu.memref_slice %arg5[%dma_start3A, %dma_start3A_3] : memref<6144x1024xf32, #tpu.memory_space<hbm>> -> memref<6144x1024xf32, #tpu.memory_space<hbm>>
    tpu.enqueue_indirect_dma source(%arg8 : memref<64x1024xf32, #tpu.memory_space<vmem>>) target(%dma_start3A_4 : memref<6144x1024xf32, #tpu.memory_space<hbm>>) offsets(%arg6 : memref<64xi32, #tpu.memory_space<vmem>>) semaphore(%arg9 : memref<!tpu.dma_semaphore, #tpu.memory_space<semaphore_mem>>)
    %dma_start3A_5 = arith.constant 0 : i32
    %dma_start3A_6 = arith.constant 0 : i32
    %dma_start3A_7 = tpu.memref_slice %arg5[%dma_start3A_5, %dma_start3A_6] : memref<6144x1024xf32, #tpu.memory_space<hbm>> -> memref<6144x1024xf32, #tpu.memory_space<hbm>>
    tpu.enqueue_indirect_dma source(%arg8 : memref<64x1024xf32, #tpu.memory_space<vmem>>) target(%dma_start3A_7 : memref<6144x1024xf32, #tpu.memory_space<hbm>>) offsets(%arg7 : memref<64xi32, #tpu.memory_space<vmem>>) semaphore(%arg10 : memref<!tpu.dma_semaphore, #tpu.memory_space<semaphore_mem>>)
    %dma_wait3A = arith.constant 0 : i32
    %dma_wait3A_8 = arith.constant 0 : i32
    %dma_wait3A_9 = tpu.memref_slice %arg5[%dma_wait3A, %dma_wait3A_8] : memref<6144x1024xf32, #tpu.memory_space<hbm>> -> memref<6144x1024xf32, #tpu.memory_space<hbm>>
    tpu.wait_indirect_dma semaphore(%arg9 : memref<!tpu.dma_semaphore, #tpu.memory_space<semaphore_mem>>) src(%arg8 : memref<64x1024xf32, #tpu.memory_space<vmem>>) dst(%dma_wait3A_9 : memref<6144x1024xf32, #tpu.memory_space<hbm>>)
    %dma_wait3A_10 = arith.constant 0 : i32
    %dma_wait3A_11 = arith.constant 0 : i32
    %dma_wait3A_12 = tpu.memref_slice %arg5[%dma_wait3A_10, %dma_wait3A_11] : memref<6144x1024xf32, #tpu.memory_space<hbm>> -> memref<6144x1024xf32, #tpu.memory_space<hbm>>
    tpu.wait_indirect_dma semaphore(%arg10 : memref<!tpu.dma_semaphore, #tpu.memory_space<semaphore_mem>>) src(%arg8 : memref<64x1024xf32, #tpu.memory_space<vmem>>) dst(%dma_wait3A_12 : memref<6144x1024xf32, #tpu.memory_space<hbm>>)
    return
  }
}

#map = affine_map<(d0, d1) -> (0, 0)>
#map1 = affine_map<(d0, d1) -> (0, 0, 0)>
module attributes {stable_mosaic.version = 14 : i64} {
  func.func @_combine_body(%arg0: i32, %arg1: i32, %arg2: memref<6144x1024xf32, #tpu.memory_space<hbm>>, %arg3: memref<32x64xi32, #tpu.memory_space<hbm>>, %arg4: memref<32x64xi32, #tpu.memory_space<hbm>>, %arg5: memref<32x64x16xf32, #tpu.memory_space<hbm>>, %arg6: memref<32x64x16xf32, #tpu.memory_space<hbm>>, %arg7: memref<2048x1024xf32, #tpu.memory_space<hbm>>, %arg8: memref<32xi32, #tpu.memory_space<vmem>>, %arg9: memref<32xi32, #tpu.memory_space<vmem>>, %arg10: memref<64x16xf32, #tpu.memory_space<vmem>>, %arg11: memref<64x16xf32, #tpu.memory_space<vmem>>, %arg12: memref<32x1024xf32, #tpu.memory_space<vmem>>, %arg13: memref<32x1024xf32, #tpu.memory_space<vmem>>, %arg14: memref<32x1024xf32, #tpu.memory_space<vmem>>, %arg15: memref<!tpu.dma_semaphore, #tpu.memory_space<semaphore_mem>>, %arg16: memref<!tpu.dma_semaphore, #tpu.memory_space<semaphore_mem>>) attributes {dimension_semantics = [#tpu.dimension_semantics<core_parallel>, #tpu.dimension_semantics<subcore_parallel>], iteration_bounds = array<i64: 2, 16>, scalar_prefetch = 0 : i64, scratch_operands = 9 : i64, tpu.core_type = #tpu.core_type<sc_vector_subcore>, window_params = [{transform_indices = #map}, {transform_indices = #map}, {transform_indices = #map}, {transform_indices = #map1}, {transform_indices = #map1}, {transform_indices = #map}]} {
    %mul3A = arith.constant 2 : i32
    %mul3A_0 = arith.muli %arg1, %mul3A : i32
    %add3A = arith.addi %mul3A_0, %arg0 : i32
    %mul3A_1 = arith.constant 64 : i32
    %mul3A_2 = arith.muli %add3A, %mul3A_1 : i32
    "tpu.region"() ({
      %run_scoped3A = tpu.sem_alloc : memref<!tpu.dma_semaphore, #tpu.memory_space<semaphore_mem>>
      %dma_start3A_42 = arith.constant 0 : i32
      %dma_start3A_43 = arith.constant 0 : i32
      %dma_start3A_44 = tpu.memref_slice %arg5[%add3A, %dma_start3A_42, %dma_start3A_43] : memref<32x64x16xf32, #tpu.memory_space<hbm>> -> memref<1x64x16xf32, #tpu.memory_space<hbm>>
      %dma_start3A_45 = tpu.memref_squeeze %dma_start3A_44 : memref<1x64x16xf32, #tpu.memory_space<hbm>> -> memref<64x16xf32, #tpu.memory_space<hbm>>
      %dma_start3A_46 = arith.constant 0 : i32
      %dma_start3A_47 = arith.constant 0 : i32
      %dma_start3A_48 = tpu.memref_slice %arg5[%add3A, %dma_start3A_46, %dma_start3A_47] : memref<32x64x16xf32, #tpu.memory_space<hbm>> -> memref<1x64x16xf32, #tpu.memory_space<hbm>>
      %dma_start3A_49 = tpu.memref_squeeze %dma_start3A_48 : memref<1x64x16xf32, #tpu.memory_space<hbm>> -> memref<64x16xf32, #tpu.memory_space<hbm>>
      tpu.enqueue_dma source(%dma_start3A_49 : memref<64x16xf32, #tpu.memory_space<hbm>>) target(%arg10 : memref<64x16xf32, #tpu.memory_space<vmem>>) target_semaphore(%run_scoped3A : memref<!tpu.dma_semaphore, #tpu.memory_space<semaphore_mem>>)
      %dma_wait3A_50 = arith.constant 0 : i32
      %dma_wait3A_51 = arith.constant 0 : i32
      %dma_wait3A_52 = tpu.memref_slice %arg5[%add3A, %dma_wait3A_50, %dma_wait3A_51] : memref<32x64x16xf32, #tpu.memory_space<hbm>> -> memref<1x64x16xf32, #tpu.memory_space<hbm>>
      %dma_wait3A_53 = tpu.memref_squeeze %dma_wait3A_52 : memref<1x64x16xf32, #tpu.memory_space<hbm>> -> memref<64x16xf32, #tpu.memory_space<hbm>>
      %dma_wait3A_54 = arith.constant 0 : i32
      %dma_wait3A_55 = arith.constant 0 : i32
      %dma_wait3A_56 = tpu.memref_slice %arg5[%add3A, %dma_wait3A_54, %dma_wait3A_55] : memref<32x64x16xf32, #tpu.memory_space<hbm>> -> memref<1x64x16xf32, #tpu.memory_space<hbm>>
      %dma_wait3A_57 = tpu.memref_squeeze %dma_wait3A_56 : memref<1x64x16xf32, #tpu.memory_space<hbm>> -> memref<64x16xf32, #tpu.memory_space<hbm>>
      tpu.wait_dma2 semaphore(%run_scoped3A : memref<!tpu.dma_semaphore, #tpu.memory_space<semaphore_mem>>) src(%dma_wait3A_57 : memref<64x16xf32, #tpu.memory_space<hbm>>) dst(%arg10 : memref<64x16xf32, #tpu.memory_space<vmem>>)
      tpu.yield
    }) : () -> ()
    "tpu.region"() ({
      %run_scoped3A = tpu.sem_alloc : memref<!tpu.dma_semaphore, #tpu.memory_space<semaphore_mem>>
      %dma_start3A_42 = arith.constant 0 : i32
      %dma_start3A_43 = arith.constant 0 : i32
      %dma_start3A_44 = tpu.memref_slice %arg6[%add3A, %dma_start3A_42, %dma_start3A_43] : memref<32x64x16xf32, #tpu.memory_space<hbm>> -> memref<1x64x16xf32, #tpu.memory_space<hbm>>
      %dma_start3A_45 = tpu.memref_squeeze %dma_start3A_44 : memref<1x64x16xf32, #tpu.memory_space<hbm>> -> memref<64x16xf32, #tpu.memory_space<hbm>>
      %dma_start3A_46 = arith.constant 0 : i32
      %dma_start3A_47 = arith.constant 0 : i32
      %dma_start3A_48 = tpu.memref_slice %arg6[%add3A, %dma_start3A_46, %dma_start3A_47] : memref<32x64x16xf32, #tpu.memory_space<hbm>> -> memref<1x64x16xf32, #tpu.memory_space<hbm>>
      %dma_start3A_49 = tpu.memref_squeeze %dma_start3A_48 : memref<1x64x16xf32, #tpu.memory_space<hbm>> -> memref<64x16xf32, #tpu.memory_space<hbm>>
      tpu.enqueue_dma source(%dma_start3A_49 : memref<64x16xf32, #tpu.memory_space<hbm>>) target(%arg11 : memref<64x16xf32, #tpu.memory_space<vmem>>) target_semaphore(%run_scoped3A : memref<!tpu.dma_semaphore, #tpu.memory_space<semaphore_mem>>)
      %dma_wait3A_50 = arith.constant 0 : i32
      %dma_wait3A_51 = arith.constant 0 : i32
      %dma_wait3A_52 = tpu.memref_slice %arg6[%add3A, %dma_wait3A_50, %dma_wait3A_51] : memref<32x64x16xf32, #tpu.memory_space<hbm>> -> memref<1x64x16xf32, #tpu.memory_space<hbm>>
      %dma_wait3A_53 = tpu.memref_squeeze %dma_wait3A_52 : memref<1x64x16xf32, #tpu.memory_space<hbm>> -> memref<64x16xf32, #tpu.memory_space<hbm>>
      %dma_wait3A_54 = arith.constant 0 : i32
      %dma_wait3A_55 = arith.constant 0 : i32
      %dma_wait3A_56 = tpu.memref_slice %arg6[%add3A, %dma_wait3A_54, %dma_wait3A_55] : memref<32x64x16xf32, #tpu.memory_space<hbm>> -> memref<1x64x16xf32, #tpu.memory_space<hbm>>
      %dma_wait3A_57 = tpu.memref_squeeze %dma_wait3A_56 : memref<1x64x16xf32, #tpu.memory_space<hbm>> -> memref<64x16xf32, #tpu.memory_space<hbm>>
      tpu.wait_dma2 semaphore(%run_scoped3A : memref<!tpu.dma_semaphore, #tpu.memory_space<semaphore_mem>>) src(%dma_wait3A_57 : memref<64x16xf32, #tpu.memory_space<hbm>>) dst(%arg11 : memref<64x16xf32, #tpu.memory_space<vmem>>)
      tpu.yield
    }) : () -> ()
    "tpu.region"() ({
      %run_scoped3A = tpu.sem_alloc : memref<!tpu.dma_semaphore, #tpu.memory_space<semaphore_mem>>
      %dma_start3A_42 = arith.constant 0 : i32
      %dma_start3A_43 = tpu.memref_slice %arg3[%add3A, %dma_start3A_42] : memref<32x64xi32, #tpu.memory_space<hbm>> -> memref<1x32xi32, #tpu.memory_space<hbm>>
      %dma_start3A_44 = tpu.memref_squeeze %dma_start3A_43 : memref<1x32xi32, #tpu.memory_space<hbm>> -> memref<32xi32, #tpu.memory_space<hbm>>
      %dma_start3A_45 = arith.constant 0 : i32
      %dma_start3A_46 = tpu.memref_slice %arg3[%add3A, %dma_start3A_45] : memref<32x64xi32, #tpu.memory_space<hbm>> -> memref<1x32xi32, #tpu.memory_space<hbm>>
      %dma_start3A_47 = tpu.memref_squeeze %dma_start3A_46 : memref<1x32xi32, #tpu.memory_space<hbm>> -> memref<32xi32, #tpu.memory_space<hbm>>
      tpu.enqueue_dma source(%dma_start3A_47 : memref<32xi32, #tpu.memory_space<hbm>>) target(%arg8 : memref<32xi32, #tpu.memory_space<vmem>>) target_semaphore(%run_scoped3A : memref<!tpu.dma_semaphore, #tpu.memory_space<semaphore_mem>>)
      %dma_wait3A_48 = arith.constant 0 : i32
      %dma_wait3A_49 = tpu.memref_slice %arg3[%add3A, %dma_wait3A_48] : memref<32x64xi32, #tpu.memory_space<hbm>> -> memref<1x32xi32, #tpu.memory_space<hbm>>
      %dma_wait3A_50 = tpu.memref_squeeze %dma_wait3A_49 : memref<1x32xi32, #tpu.memory_space<hbm>> -> memref<32xi32, #tpu.memory_space<hbm>>
      %dma_wait3A_51 = arith.constant 0 : i32
      %dma_wait3A_52 = tpu.memref_slice %arg3[%add3A, %dma_wait3A_51] : memref<32x64xi32, #tpu.memory_space<hbm>> -> memref<1x32xi32, #tpu.memory_space<hbm>>
      %dma_wait3A_53 = tpu.memref_squeeze %dma_wait3A_52 : memref<1x32xi32, #tpu.memory_space<hbm>> -> memref<32xi32, #tpu.memory_space<hbm>>
      tpu.wait_dma2 semaphore(%run_scoped3A : memref<!tpu.dma_semaphore, #tpu.memory_space<semaphore_mem>>) src(%dma_wait3A_53 : memref<32xi32, #tpu.memory_space<hbm>>) dst(%arg8 : memref<32xi32, #tpu.memory_space<vmem>>)
      tpu.yield
    }) : () -> ()
    "tpu.region"() ({
      %run_scoped3A = tpu.sem_alloc : memref<!tpu.dma_semaphore, #tpu.memory_space<semaphore_mem>>
      %dma_start3A_42 = arith.constant 0 : i32
      %dma_start3A_43 = tpu.memref_slice %arg4[%add3A, %dma_start3A_42] : memref<32x64xi32, #tpu.memory_space<hbm>> -> memref<1x32xi32, #tpu.memory_space<hbm>>
      %dma_start3A_44 = tpu.memref_squeeze %dma_start3A_43 : memref<1x32xi32, #tpu.memory_space<hbm>> -> memref<32xi32, #tpu.memory_space<hbm>>
      %dma_start3A_45 = arith.constant 0 : i32
      %dma_start3A_46 = tpu.memref_slice %arg4[%add3A, %dma_start3A_45] : memref<32x64xi32, #tpu.memory_space<hbm>> -> memref<1x32xi32, #tpu.memory_space<hbm>>
      %dma_start3A_47 = tpu.memref_squeeze %dma_start3A_46 : memref<1x32xi32, #tpu.memory_space<hbm>> -> memref<32xi32, #tpu.memory_space<hbm>>
      tpu.enqueue_dma source(%dma_start3A_47 : memref<32xi32, #tpu.memory_space<hbm>>) target(%arg9 : memref<32xi32, #tpu.memory_space<vmem>>) target_semaphore(%run_scoped3A : memref<!tpu.dma_semaphore, #tpu.memory_space<semaphore_mem>>)
      %dma_wait3A_48 = arith.constant 0 : i32
      %dma_wait3A_49 = tpu.memref_slice %arg4[%add3A, %dma_wait3A_48] : memref<32x64xi32, #tpu.memory_space<hbm>> -> memref<1x32xi32, #tpu.memory_space<hbm>>
      %dma_wait3A_50 = tpu.memref_squeeze %dma_wait3A_49 : memref<1x32xi32, #tpu.memory_space<hbm>> -> memref<32xi32, #tpu.memory_space<hbm>>
      %dma_wait3A_51 = arith.constant 0 : i32
      %dma_wait3A_52 = tpu.memref_slice %arg4[%add3A, %dma_wait3A_51] : memref<32x64xi32, #tpu.memory_space<hbm>> -> memref<1x32xi32, #tpu.memory_space<hbm>>
      %dma_wait3A_53 = tpu.memref_squeeze %dma_wait3A_52 : memref<1x32xi32, #tpu.memory_space<hbm>> -> memref<32xi32, #tpu.memory_space<hbm>>
      tpu.wait_dma2 semaphore(%run_scoped3A : memref<!tpu.dma_semaphore, #tpu.memory_space<semaphore_mem>>) src(%dma_wait3A_53 : memref<32xi32, #tpu.memory_space<hbm>>) dst(%arg9 : memref<32xi32, #tpu.memory_space<vmem>>)
      tpu.yield
    }) : () -> ()
    %dma_start3A = arith.constant 0 : i32
    %dma_start3A_3 = arith.constant 0 : i32
    %dma_start3A_4 = tpu.memref_slice %arg2[%dma_start3A, %dma_start3A_3] : memref<6144x1024xf32, #tpu.memory_space<hbm>> -> memref<6144x1024xf32, #tpu.memory_space<hbm>>
    tpu.enqueue_indirect_dma source(%dma_start3A_4 : memref<6144x1024xf32, #tpu.memory_space<hbm>>) target(%arg12 : memref<32x1024xf32, #tpu.memory_space<vmem>>) offsets(%arg8 : memref<32xi32, #tpu.memory_space<vmem>>) semaphore(%arg15 : memref<!tpu.dma_semaphore, #tpu.memory_space<semaphore_mem>>)
    %dma_start3A_5 = arith.constant 0 : i32
    %dma_start3A_6 = arith.constant 0 : i32
    %dma_start3A_7 = tpu.memref_slice %arg2[%dma_start3A_5, %dma_start3A_6] : memref<6144x1024xf32, #tpu.memory_space<hbm>> -> memref<6144x1024xf32, #tpu.memory_space<hbm>>
    tpu.enqueue_indirect_dma source(%dma_start3A_7 : memref<6144x1024xf32, #tpu.memory_space<hbm>>) target(%arg13 : memref<32x1024xf32, #tpu.memory_space<vmem>>) offsets(%arg9 : memref<32xi32, #tpu.memory_space<vmem>>) semaphore(%arg16 : memref<!tpu.dma_semaphore, #tpu.memory_space<semaphore_mem>>)
    %dma_wait3A = arith.constant 0 : i32
    %dma_wait3A_8 = arith.constant 0 : i32
    %dma_wait3A_9 = tpu.memref_slice %arg2[%dma_wait3A, %dma_wait3A_8] : memref<6144x1024xf32, #tpu.memory_space<hbm>> -> memref<6144x1024xf32, #tpu.memory_space<hbm>>
    tpu.wait_indirect_dma semaphore(%arg15 : memref<!tpu.dma_semaphore, #tpu.memory_space<semaphore_mem>>) src(%dma_wait3A_9 : memref<6144x1024xf32, #tpu.memory_space<hbm>>) dst(%arg12 : memref<32x1024xf32, #tpu.memory_space<vmem>>)
    %dma_wait3A_10 = arith.constant 0 : i32
    %dma_wait3A_11 = arith.constant 0 : i32
    %dma_wait3A_12 = tpu.memref_slice %arg2[%dma_wait3A_10, %dma_wait3A_11] : memref<6144x1024xf32, #tpu.memory_space<hbm>> -> memref<6144x1024xf32, #tpu.memory_space<hbm>>
    tpu.wait_indirect_dma semaphore(%arg16 : memref<!tpu.dma_semaphore, #tpu.memory_space<semaphore_mem>>) src(%dma_wait3A_12 : memref<6144x1024xf32, #tpu.memory_space<hbm>>) dst(%arg13 : memref<32x1024xf32, #tpu.memory_space<vmem>>)
    %scan3A = arith.constant 0 : i32
    %scan3A_13 = arith.constant 0 : i32
    %scan3A_14 = arith.constant 32 : i32
    %scan3A_15 = arith.addi %scan3A_13, %scan3A_14 : i32
    %scan3A_16 = arith.constant 1 : i32
    %scan3A_17 = scf.for %scan3A_42 = %scan3A_13 to %scan3A_15 step %scan3A_16 iter_args(%scan3A_43 = %scan3A) -> (i32)  : i32 {
      %add3A_44 = arith.constant 0 : i32
      %add3A_45 = arith.addi %add3A_44, %scan3A_42 : i32
      %get3A = arith.index_cast %add3A_45 : i32 to index
      %get3A_46 = arith.constant 0 : index
      %get3A_47 = tpu.vector_load %arg10[%get3A, %get3A_46] {strides = array<i32>} : memref<64x16xf32, #tpu.memory_space<vmem>>, vector<1x16xf32>,
      %get3A_48 = vector.shape_cast %get3A_47 : vector<1x16xf32> to vector<16xf32>
      %get3A_49 = arith.index_cast %add3A_45 : i32 to index
      %get3A_50 = arith.constant 0 : index
      %get3A_51 = tpu.vector_load %arg11[%get3A_49, %get3A_50] {strides = array<i32>} : memref<64x16xf32, #tpu.memory_space<vmem>>, vector<1x16xf32>,
      %get3A_52 = vector.shape_cast %get3A_51 : vector<1x16xf32> to vector<16xf32>
      %get3A_53 = arith.index_cast %scan3A_42 : i32 to index
      %get3A_54 = arith.constant 0 : index
      %get3A_55 = tpu.vector_load %arg12[%get3A_53, %get3A_54] {strides = array<i32>} : memref<32x1024xf32, #tpu.memory_space<vmem>>, vector<1x16xf32>,
      %get3A_56 = vector.shape_cast %get3A_55 : vector<1x16xf32> to vector<16xf32>
      %mul3A_57 = arith.mulf %get3A_48, %get3A_56 : vector<16xf32>
      %get3A_58 = arith.index_cast %scan3A_42 : i32 to index
      %get3A_59 = arith.constant 0 : index
      %get3A_60 = tpu.vector_load %arg13[%get3A_58, %get3A_59] {strides = array<i32>} : memref<32x1024xf32, #tpu.memory_space<vmem>>, vector<1x16xf32>,
      %get3A_61 = vector.shape_cast %get3A_60 : vector<1x16xf32> to vector<16xf32>
      %mul3A_62 = arith.mulf %get3A_52, %get3A_61 : vector<16xf32>
      %add3A_63 = arith.addf %mul3A_57, %mul3A_62 : vector<16xf32>
      %swap3A = arith.index_cast %scan3A_42 : i32 to index
      %swap3A_64 = arith.constant 0 : index
      %swap3A_65 = tpu.vector_load %arg14[%swap3A, %swap3A_64] {strides = array<i32>} : memref<32x1024xf32, #tpu.memory_space<vmem>>, vector<1x16xf32>,
      %swap3A_66 = vector.shape_cast %swap3A_65 : vector<1x16xf32> to vector<16xf32>
      %swap3A_67 = vector.shape_cast %add3A_63 : vector<16xf32> to vector<1x16xf32>
      tpu.vector_store %arg14[%swap3A, %swap3A_64], %swap3A_67 {strides = array<i32>} : memref<32x1024xf32, #tpu.memory_space<vmem>>, vector<1x16xf32>,
      %get3A_68 = arith.index_cast %scan3A_42 : i32 to index
      %get3A_69 = arith.constant 16 : index
      %get3A_70 = tpu.vector_load %arg12[%get3A_68, %get3A_69] {strides = array<i32>} : memref<32x1024xf32, #tpu.memory_space<vmem>>, vector<1x16xf32>,
      %get3A_71 = vector.shape_cast %get3A_70 : vector<1x16xf32> to vector<16xf32>
      %mul3A_72 = arith.mulf %get3A_48, %get3A_71 : vector<16xf32>
      %get3A_73 = arith.index_cast %scan3A_42 : i32 to index
      %get3A_74 = arith.constant 16 : index
      %get3A_75 = tpu.vector_load %arg13[%get3A_73, %get3A_74] {strides = array<i32>} : memref<32x1024xf32, #tpu.memory_space<vmem>>, vector<1x16xf32>,
      %get3A_76 = vector.shape_cast %get3A_75 : vector<1x16xf32> to vector<16xf32>
      %mul3A_77 = arith.mulf %get3A_52, %get3A_76 : vector<16xf32>
      %add3A_78 = arith.addf %mul3A_72, %mul3A_77 : vector<16xf32>
      %swap3A_79 = arith.index_cast %scan3A_42 : i32 to index
      %swap3A_80 = arith.constant 16 : index
      %swap3A_81 = tpu.vector_load %arg14[%swap3A_79, %swap3A_80] {strides = array<i32>} : memref<32x1024xf32, #tpu.memory_space<vmem>>, vector<1x16xf32>,
      %swap3A_82 = vector.shape_cast %swap3A_81 : vector<1x16xf32> to vector<16xf32>
      %swap3A_83 = vector.shape_cast %add3A_78 : vector<16xf32> to vector<1x16xf32>
      tpu.vector_store %arg14[%swap3A_79, %swap3A_80], %swap3A_83 {strides = array<i32>} : memref<32x1024xf32, #tpu.memory_space<vmem>>, vector<1x16xf32>,
      %get3A_84 = arith.index_cast %scan3A_42 : i32 to index
      %get3A_85 = arith.constant 32 : index
      %get3A_86 = tpu.vector_load %arg12[%get3A_84, %get3A_85] {strides = array<i32>} : memref<32x1024xf32, #tpu.memory_space<vmem>>, vector<1x16xf32>,
      %get3A_87 = vector.shape_cast %get3A_86 : vector<1x16xf32> to vector<16xf32>
      %mul3A_88 = arith.mulf %get3A_48, %get3A_87 : vector<16xf32>
      %get3A_89 = arith.index_cast %scan3A_42 : i32 to index
      %get3A_90 = arith.constant 32 : index
      %get3A_91 = tpu.vector_load %arg13[%get3A_89, %get3A_90] {strides = array<i32>} : memref<32x1024xf32, #tpu.memory_space<vmem>>, vector<1x16xf32>,
      %get3A_92 = vector.shape_cast %get3A_91 : vector<1x16xf32> to vector<16xf32>
      %mul3A_93 = arith.mulf %get3A_52, %get3A_92 : vector<16xf32>
      %add3A_94 = arith.addf %mul3A_88, %mul3A_93 : vector<16xf32>
      %swap3A_95 = arith.index_cast %scan3A_42 : i32 to index
      %swap3A_96 = arith.constant 32 : index
      %swap3A_97 = tpu.vector_load %arg14[%swap3A_95, %swap3A_96] {strides = array<i32>} : memref<32x1024xf32, #tpu.memory_space<vmem>>, vector<1x16xf32>,
      %swap3A_98 = vector.shape_cast %swap3A_97 : vector<1x16xf32> to vector<16xf32>
      %swap3A_99 = vector.shape_cast %add3A_94 : vector<16xf32> to vector<1x16xf32>
      tpu.vector_store %arg14[%swap3A_95, %swap3A_96], %swap3A_99 {strides = array<i32>} : memref<32x1024xf32, #tpu.memory_space<vmem>>, vector<1x16xf32>,
      %get3A_100 = arith.index_cast %scan3A_42 : i32 to index
      %get3A_101 = arith.constant 48 : index
      %get3A_102 = tpu.vector_load %arg12[%get3A_100, %get3A_101] {strides = array<i32>} : memref<32x1024xf32, #tpu.memory_space<vmem>>, vector<1x16xf32>,
      %get3A_103 = vector.shape_cast %get3A_102 : vector<1x16xf32> to vector<16xf32>
      %mul3A_104 = arith.mulf %get3A_48, %get3A_103 : vector<16xf32>
      %get3A_105 = arith.index_cast %scan3A_42 : i32 to index
      %get3A_106 = arith.constant 48 : index
      %get3A_107 = tpu.vector_load %arg13[%get3A_105, %get3A_106] {strides = array<i32>} : memref<32x1024xf32, #tpu.memory_space<vmem>>, vector<1x16xf32>,
      %get3A_108 = vector.shape_cast %get3A_107 : vector<1x16xf32> to vector<16xf32>
      %mul3A_109 = arith.mulf %get3A_52, %get3A_108 : vector<16xf32>
      %add3A_110 = arith.addf %mul3A_104, %mul3A_109 : vector<16xf32>
      %swap3A_111 = arith.index_cast %scan3A_42 : i32 to index
      %swap3A_112 = arith.constant 48 : index
      %swap3A_113 = tpu.vector_load %arg14[%swap3A_111, %swap3A_112] {strides = array<i32>} : memref<32x1024xf32, #tpu.memory_space<vmem>>, vector<1x16xf32>,
      %swap3A_114 = vector.shape_cast %swap3A_113 : vector<1x16xf32> to vector<16xf32>
      %swap3A_115 = vector.shape_cast %add3A_110 : vector<16xf32> to vector<1x16xf32>
      tpu.vector_store %arg14[%swap3A_111, %swap3A_112], %swap3A_115 {strides = array<i32>} : memref<32x1024xf32, #tpu.memory_space<vmem>>, vector<1x16xf32>,
      %get3A_116 = arith.index_cast %scan3A_42 : i32 to index
      %get3A_117 = arith.constant 64 : index
      %get3A_118 = tpu.vector_load %arg12[%get3A_116, %get3A_117] {strides = array<i32>} : memref<32x1024xf32, #tpu.memory_space<vmem>>, vector<1x16xf32>,
      %get3A_119 = vector.shape_cast %get3A_118 : vector<1x16xf32> to vector<16xf32>
      %mul3A_120 = arith.mulf %get3A_48, %get3A_119 : vector<16xf32>
      %get3A_121 = arith.index_cast %scan3A_42 : i32 to index
      %get3A_122 = arith.constant 64 : index
      %get3A_123 = tpu.vector_load %arg13[%get3A_121, %get3A_122] {strides = array<i32>} : memref<32x1024xf32, #tpu.memory_space<vmem>>, vector<1x16xf32>,
      %get3A_124 = vector.shape_cast %get3A_123 : vector<1x16xf32> to vector<16xf32>
      %mul3A_125 = arith.mulf %get3A_52, %get3A_124 : vector<16xf32>
      %add3A_126 = arith.addf %mul3A_120, %mul3A_125 : vector<16xf32>
      %swap3A_127 = arith.index_cast %scan3A_42 : i32 to index
      %swap3A_128 = arith.constant 64 : index
      %swap3A_129 = tpu.vector_load %arg14[%swap3A_127, %swap3A_128] {strides = array<i32>} : memref<32x1024xf32, #tpu.memory_space<vmem>>, vector<1x16xf32>,
      %swap3A_130 = vector.shape_cast %swap3A_129 : vector<1x16xf32> to vector<16xf32>
      %swap3A_131 = vector.shape_cast %add3A_126 : vector<16xf32> to vector<1x16xf32>
      tpu.vector_store %arg14[%swap3A_127, %swap3A_128], %swap3A_131 {strides = array<i32>} : memref<32x1024xf32, #tpu.memory_space<vmem>>, vector<1x16xf32>,
      %get3A_132 = arith.index_cast %scan3A_42 : i32 to index
      %get3A_133 = arith.constant 80 : index
      %get3A_134 = tpu.vector_load %arg12[%get3A_132, %get3A_133] {strides = array<i32>} : memref<32x1024xf32, #tpu.memory_space<vmem>>, vector<1x16xf32>,
      %get3A_135 = vector.shape_cast %get3A_134 : vector<1x16xf32> to vector<16xf32>
      %mul3A_136 = arith.mulf %get3A_48, %get3A_135 : vector<16xf32>
      %get3A_137 = arith.index_cast %scan3A_42 : i32 to index
      %get3A_138 = arith.constant 80 : index
      %get3A_139 = tpu.vector_load %arg13[%get3A_137, %get3A_138] {strides = array<i32>} : memref<32x1024xf32, #tpu.memory_space<vmem>>, vector<1x16xf32>,
      %get3A_140 = vector.shape_cast %get3A_139 : vector<1x16xf32> to vector<16xf32>
      %mul3A_141 = arith.mulf %get3A_52, %get3A_140 : vector<16xf32>
      %add3A_142 = arith.addf %mul3A_136, %mul3A_141 : vector<16xf32>
      %swap3A_143 = arith.index_cast %scan3A_42 : i32 to index
      %swap3A_144 = arith.constant 80 : index
      %swap3A_145 = tpu.vector_load %arg14[%swap3A_143, %swap3A_144] {strides = array<i32>} : memref<32x1024xf32, #tpu.memory_space<vmem>>, vector<1x16xf32>,
      %swap3A_146 = vector.shape_cast %swap3A_145 : vector<1x16xf32> to vector<16xf32>
      %swap3A_147 = vector.shape_cast %add3A_142 : vector<16xf32> to vector<1x16xf32>
      tpu.vector_store %arg14[%swap3A_143, %swap3A_144], %swap3A_147 {strides = array<i32>} : memref<32x1024xf32, #tpu.memory_space<vmem>>, vector<1x16xf32>,
      %get3A_148 = arith.index_cast %scan3A_42 : i32 to index
      %get3A_149 = arith.constant 96 : index
      %get3A_150 = tpu.vector_load %arg12[%get3A_148, %get3A_149] {strides = array<i32>} : memref<32x1024xf32, #tpu.memory_space<vmem>>, vector<1x16xf32>,
      %get3A_151 = vector.shape_cast %get3A_150 : vector<1x16xf32> to vector<16xf32>
      %mul3A_152 = arith.mulf %get3A_48, %get3A_151 : vector<16xf32>
      %get3A_153 = arith.index_cast %scan3A_42 : i32 to index
      %get3A_154 = arith.constant 96 : index
      %get3A_155 = tpu.vector_load %arg13[%get3A_153, %get3A_154] {strides = array<i32>} : memref<32x1024xf32, #tpu.memory_space<vmem>>, vector<1x16xf32>,
      %get3A_156 = vector.shape_cast %get3A_155 : vector<1x16xf32> to vector<16xf32>
      %mul3A_157 = arith.mulf %get3A_52, %get3A_156 : vector<16xf32>
      %add3A_158 = arith.addf %mul3A_152, %mul3A_157 : vector<16xf32>
      %swap3A_159 = arith.index_cast %scan3A_42 : i32 to index
      %swap3A_160 = arith.constant 96 : index
      %swap3A_161 = tpu.vector_load %arg14[%swap3A_159, %swap3A_160] {strides = array<i32>} : memref<32x1024xf32, #tpu.memory_space<vmem>>, vector<1x16xf32>,
      %swap3A_162 = vector.shape_cast %swap3A_161 : vector<1x16xf32> to vector<16xf32>
      %swap3A_163 = vector.shape_cast %add3A_158 : vector<16xf32> to vector<1x16xf32>
      tpu.vector_store %arg14[%swap3A_159, %swap3A_160], %swap3A_163 {strides = array<i32>} : memref<32x1024xf32, #tpu.memory_space<vmem>>, vector<1x16xf32>,
      %get3A_164 = arith.index_cast %scan3A_42 : i32 to index
      %get3A_165 = arith.constant 112 : index
      %get3A_166 = tpu.vector_load %arg12[%get3A_164, %get3A_165] {strides = array<i32>} : memref<32x1024xf32, #tpu.memory_space<vmem>>, vector<1x16xf32>,
      %get3A_167 = vector.shape_cast %get3A_166 : vector<1x16xf32> to vector<16xf32>
      %mul3A_168 = arith.mulf %get3A_48, %get3A_167 : vector<16xf32>
      %get3A_169 = arith.index_cast %scan3A_42 : i32 to index
      %get3A_170 = arith.constant 112 : index
      %get3A_171 = tpu.vector_load %arg13[%get3A_169, %get3A_170] {strides = array<i32>} : memref<32x1024xf32, #tpu.memory_space<vmem>>, vector<1x16xf32>,
      %get3A_172 = vector.shape_cast %get3A_171 : vector<1x16xf32> to vector<16xf32>
      %mul3A_173 = arith.mulf %get3A_52, %get3A_172 : vector<16xf32>
      %add3A_174 = arith.addf %mul3A_168, %mul3A_173 : vector<16xf32>
      %swap3A_175 = arith.index_cast %scan3A_42 : i32 to index
      %swap3A_176 = arith.constant 112 : index
      %swap3A_177 = tpu.vector_load %arg14[%swap3A_175, %swap3A_176] {strides = array<i32>} : memref<32x1024xf32, #tpu.memory_space<vmem>>, vector<1x16xf32>,
      %swap3A_178 = vector.shape_cast %swap3A_177 : vector<1x16xf32> to vector<16xf32>
      %swap3A_179 = vector.shape_cast %add3A_174 : vector<16xf32> to vector<1x16xf32>
      tpu.vector_store %arg14[%swap3A_175, %swap3A_176], %swap3A_179 {strides = array<i32>} : memref<32x1024xf32, #tpu.memory_space<vmem>>, vector<1x16xf32>,
      %get3A_180 = arith.index_cast %scan3A_42 : i32 to index
      %get3A_181 = arith.constant 128 : index
      %get3A_182 = tpu.vector_load %arg12[%get3A_180, %get3A_181] {strides = array<i32>} : memref<32x1024xf32, #tpu.memory_space<vmem>>, vector<1x16xf32>,
      %get3A_183 = vector.shape_cast %get3A_182 : vector<1x16xf32> to vector<16xf32>
      %mul3A_184 = arith.mulf %get3A_48, %get3A_183 : vector<16xf32>
      %get3A_185 = arith.index_cast %scan3A_42 : i32 to index
      %get3A_186 = arith.constant 128 : index
      %get3A_187 = tpu.vector_load %arg13[%get3A_185, %get3A_186] {strides = array<i32>} : memref<32x1024xf32, #tpu.memory_space<vmem>>, vector<1x16xf32>,
      %get3A_188 = vector.shape_cast %get3A_187 : vector<1x16xf32> to vector<16xf32>
      %mul3A_189 = arith.mulf %get3A_52, %get3A_188 : vector<16xf32>
      %add3A_190 = arith.addf %mul3A_184, %mul3A_189 : vector<16xf32>
      %swap3A_191 = arith.index_cast %scan3A_42 : i32 to index
      %swap3A_192 = arith.constant 128 : index
      %swap3A_193 = tpu.vector_load %arg14[%swap3A_191, %swap3A_192] {strides = array<i32>} : memref<32x1024xf32, #tpu.memory_space<vmem>>, vector<1x16xf32>,
      %swap3A_194 = vector.shape_cast %swap3A_193 : vector<1x16xf32> to vector<16xf32>
      %swap3A_195 = vector.shape_cast %add3A_190 : vector<16xf32> to vector<1x16xf32>
      tpu.vector_store %arg14[%swap3A_191, %swap3A_192], %swap3A_195 {strides = array<i32>} : memref<32x1024xf32, #tpu.memory_space<vmem>>, vector<1x16xf32>,
      %get3A_196 = arith.index_cast %scan3A_42 : i32 to index
      %get3A_197 = arith.constant 144 : index
      %get3A_198 = tpu.vector_load %arg12[%get3A_196, %get3A_197] {strides = array<i32>} : memref<32x1024xf32, #tpu.memory_space<vmem>>, vector<1x16xf32>,
      %get3A_199 = vector.shape_cast %get3A_198 : vector<1x16xf32> to vector<16xf32>
      %mul3A_200 = arith.mulf %get3A_48, %get3A_199 : vector<16xf32>
      %get3A_201 = arith.index_cast %scan3A_42 : i32 to index
      %get3A_202 = arith.constant 144 : index
      %get3A_203 = tpu.vector_load %arg13[%get3A_201, %get3A_202] {strides = array<i32>} : memref<32x1024xf32, #tpu.memory_space<vmem>>, vector<1x16xf32>,
      %get3A_204 = vector.shape_cast %get3A_203 : vector<1x16xf32> to vector<16xf32>
      %mul3A_205 = arith.mulf %get3A_52, %get3A_204 : vector<16xf32>
      %add3A_206 = arith.addf %mul3A_200, %mul3A_205 : vector<16xf32>
      %swap3A_207 = arith.index_cast %scan3A_42 : i32 to index
      %swap3A_208 = arith.constant 144 : index
      %swap3A_209 = tpu.vector_load %arg14[%swap3A_207, %swap3A_208] {strides = array<i32>} : memref<32x1024xf32, #tpu.memory_space<vmem>>, vector<1x16xf32>,
      %swap3A_210 = vector.shape_cast %swap3A_209 : vector<1x16xf32> to vector<16xf32>
      %swap3A_211 = vector.shape_cast %add3A_206 : vector<16xf32> to vector<1x16xf32>
      tpu.vector_store %arg14[%swap3A_207, %swap3A_208], %swap3A_211 {strides = array<i32>} : memref<32x1024xf32, #tpu.memory_space<vmem>>, vector<1x16xf32>,
      %get3A_212 = arith.index_cast %scan3A_42 : i32 to index
      %get3A_213 = arith.constant 160 : index
      %get3A_214 = tpu.vector_load %arg12[%get3A_212, %get3A_213] {strides = array<i32>} : memref<32x1024xf32, #tpu.memory_space<vmem>>, vector<1x16xf32>,
      %get3A_215 = vector.shape_cast %get3A_214 : vector<1x16xf32> to vector<16xf32>
      %mul3A_216 = arith.mulf %get3A_48, %get3A_215 : vector<16xf32>
      %get3A_217 = arith.index_cast %scan3A_42 : i32 to index
      %get3A_218 = arith.constant 160 : index
      %get3A_219 = tpu.vector_load %arg13[%get3A_217, %get3A_218] {strides = array<i32>} : memref<32x1024xf32, #tpu.memory_space<vmem>>, vector<1x16xf32>,
      %get3A_220 = vector.shape_cast %get3A_219 : vector<1x16xf32> to vector<16xf32>
      %mul3A_221 = arith.mulf %get3A_52, %get3A_220 : vector<16xf32>
      %add3A_222 = arith.addf %mul3A_216, %mul3A_221 : vector<16xf32>
      %swap3A_223 = arith.index_cast %scan3A_42 : i32 to index
      %swap3A_224 = arith.constant 160 : index
      %swap3A_225 = tpu.vector_load %arg14[%swap3A_223, %swap3A_224] {strides = array<i32>} : memref<32x1024xf32, #tpu.memory_space<vmem>>, vector<1x16xf32>,
      %swap3A_226 = vector.shape_cast %swap3A_225 : vector<1x16xf32> to vector<16xf32>
      %swap3A_227 = vector.shape_cast %add3A_222 : vector<16xf32> to vector<1x16xf32>
      tpu.vector_store %arg14[%swap3A_223, %swap3A_224], %swap3A_227 {strides = array<i32>} : memref<32x1024xf32, #tpu.memory_space<vmem>>, vector<1x16xf32>,
      %get3A_228 = arith.index_cast %scan3A_42 : i32 to index
      %get3A_229 = arith.constant 176 : index
      %get3A_230 = tpu.vector_load %arg12[%get3A_228, %get3A_229] {strides = array<i32>} : memref<32x1024xf32, #tpu.memory_space<vmem>>, vector<1x16xf32>,
      %get3A_231 = vector.shape_cast %get3A_230 : vector<1x16xf32> to vector<16xf32>
      %mul3A_232 = arith.mulf %get3A_48, %get3A_231 : vector<16xf32>
      %get3A_233 = arith.index_cast %scan3A_42 : i32 to index
      %get3A_234 = arith.constant 176 : index
      %get3A_235 = tpu.vector_load %arg13[%get3A_233, %get3A_234] {strides = array<i32>} : memref<32x1024xf32, #tpu.memory_space<vmem>>, vector<1x16xf32>,
      %get3A_236 = vector.shape_cast %get3A_235 : vector<1x16xf32> to vector<16xf32>
      %mul3A_237 = arith.mulf %get3A_52, %get3A_236 : vector<16xf32>
      %add3A_238 = arith.addf %mul3A_232, %mul3A_237 : vector<16xf32>
      %swap3A_239 = arith.index_cast %scan3A_42 : i32 to index
      %swap3A_240 = arith.constant 176 : index
      %swap3A_241 = tpu.vector_load %arg14[%swap3A_239, %swap3A_240] {strides = array<i32>} : memref<32x1024xf32, #tpu.memory_space<vmem>>, vector<1x16xf32>,
      %swap3A_242 = vector.shape_cast %swap3A_241 : vector<1x16xf32> to vector<16xf32>
      %swap3A_243 = vector.shape_cast %add3A_238 : vector<16xf32> to vector<1x16xf32>
      tpu.vector_store %arg14[%swap3A_239, %swap3A_240], %swap3A_243 {strides = array<i32>} : memref<32x1024xf32, #tpu.memory_space<vmem>>, vector<1x16xf32>,
      %get3A_244 = arith.index_cast %scan3A_42 : i32 to index
      %get3A_245 = arith.constant 192 : index
      %get3A_246 = tpu.vector_load %arg12[%get3A_244, %get3A_245] {strides = array<i32>} : memref<32x1024xf32, #tpu.memory_space<vmem>>, vector<1x16xf32>,
      %get3A_247 = vector.shape_cast %get3A_246 : vector<1x16xf32> to vector<16xf32>
      %mul3A_248 = arith.mulf %get3A_48, %get3A_247 : vector<16xf32>
      %get3A_249 = arith.index_cast %scan3A_42 : i32 to index
      %get3A_250 = arith.constant 192 : index
      %get3A_251 = tpu.vector_load %arg13[%get3A_249, %get3A_250] {strides = array<i32>} : memref<32x1024xf32, #tpu.memory_space<vmem>>, vector<1x16xf32>,
      %get3A_252 = vector.shape_cast %get3A_251 : vector<1x16xf32> to vector<16xf32>
      %mul3A_253 = arith.mulf %get3A_52, %get3A_252 : vector<16xf32>
      %add3A_254 = arith.addf %mul3A_248, %mul3A_253 : vector<16xf32>
      %swap3A_255 = arith.index_cast %scan3A_42 : i32 to index
      %swap3A_256 = arith.constant 192 : index
      %swap3A_257 = tpu.vector_load %arg14[%swap3A_255, %swap3A_256] {strides = array<i32>} : memref<32x1024xf32, #tpu.memory_space<vmem>>, vector<1x16xf32>,
      %swap3A_258 = vector.shape_cast %swap3A_257 : vector<1x16xf32> to vector<16xf32>
      %swap3A_259 = vector.shape_cast %add3A_254 : vector<16xf32> to vector<1x16xf32>
      tpu.vector_store %arg14[%swap3A_255, %swap3A_256], %swap3A_259 {strides = array<i32>} : memref<32x1024xf32, #tpu.memory_space<vmem>>, vector<1x16xf32>,
      %get3A_260 = arith.index_cast %scan3A_42 : i32 to index
      %get3A_261 = arith.constant 208 : index
      %get3A_262 = tpu.vector_load %arg12[%get3A_260, %get3A_261] {strides = array<i32>} : memref<32x1024xf32, #tpu.memory_space<vmem>>, vector<1x16xf32>,
      %get3A_263 = vector.shape_cast %get3A_262 : vector<1x16xf32> to vector<16xf32>
      %mul3A_264 = arith.mulf %get3A_48, %get3A_263 : vector<16xf32>
      %get3A_265 = arith.index_cast %scan3A_42 : i32 to index
      %get3A_266 = arith.constant 208 : index
      %get3A_267 = tpu.vector_load %arg13[%get3A_265, %get3A_266] {strides = array<i32>} : memref<32x1024xf32, #tpu.memory_space<vmem>>, vector<1x16xf32>,
      %get3A_268 = vector.shape_cast %get3A_267 : vector<1x16xf32> to vector<16xf32>
      %mul3A_269 = arith.mulf %get3A_52, %get3A_268 : vector<16xf32>
      %add3A_270 = arith.addf %mul3A_264, %mul3A_269 : vector<16xf32>
      %swap3A_271 = arith.index_cast %scan3A_42 : i32 to index
      %swap3A_272 = arith.constant 208 : index
      %swap3A_273 = tpu.vector_load %arg14[%swap3A_271, %swap3A_272] {strides = array<i32>} : memref<32x1024xf32, #tpu.memory_space<vmem>>, vector<1x16xf32>,
      %swap3A_274 = vector.shape_cast %swap3A_273 : vector<1x16xf32> to vector<16xf32>
      %swap3A_275 = vector.shape_cast %add3A_270 : vector<16xf32> to vector<1x16xf32>
      tpu.vector_store %arg14[%swap3A_271, %swap3A_272], %swap3A_275 {strides = array<i32>} : memref<32x1024xf32, #tpu.memory_space<vmem>>, vector<1x16xf32>,
      %get3A_276 = arith.index_cast %scan3A_42 : i32 to index
      %get3A_277 = arith.constant 224 : index
      %get3A_278 = tpu.vector_load %arg12[%get3A_276, %get3A_277] {strides = array<i32>} : memref<32x1024xf32, #tpu.memory_space<vmem>>, vector<1x16xf32>,
      %get3A_279 = vector.shape_cast %get3A_278 : vector<1x16xf32> to vector<16xf32>
      %mul3A_280 = arith.mulf %get3A_48, %get3A_279 : vector<16xf32>
      %get3A_281 = arith.index_cast %scan3A_42 : i32 to index
      %get3A_282 = arith.constant 224 : index
      %get3A_283 = tpu.vector_load %arg13[%get3A_281, %get3A_282] {strides = array<i32>} : memref<32x1024xf32, #tpu.memory_space<vmem>>, vector<1x16xf32>,
      %get3A_284 = vector.shape_cast %get3A_283 : vector<1x16xf32> to vector<16xf32>
      %mul3A_285 = arith.mulf %get3A_52, %get3A_284 : vector<16xf32>
      %add3A_286 = arith.addf %mul3A_280, %mul3A_285 : vector<16xf32>
      %swap3A_287 = arith.index_cast %scan3A_42 : i32 to index
      %swap3A_288 = arith.constant 224 : index
      %swap3A_289 = tpu.vector_load %arg14[%swap3A_287, %swap3A_288] {strides = array<i32>} : memref<32x1024xf32, #tpu.memory_space<vmem>>, vector<1x16xf32>,
      %swap3A_290 = vector.shape_cast %swap3A_289 : vector<1x16xf32> to vector<16xf32>
      %swap3A_291 = vector.shape_cast %add3A_286 : vector<16xf32> to vector<1x16xf32>
      tpu.vector_store %arg14[%swap3A_287, %swap3A_288], %swap3A_291 {strides = array<i32>} : memref<32x1024xf32, #tpu.memory_space<vmem>>, vector<1x16xf32>,
      %get3A_292 = arith.index_cast %scan3A_42 : i32 to index
      %get3A_293 = arith.constant 240 : index
      %get3A_294 = tpu.vector_load %arg12[%get3A_292, %get3A_293] {strides = array<i32>} : memref<32x1024xf32, #tpu.memory_space<vmem>>, vector<1x16xf32>,
      %get3A_295 = vector.shape_cast %get3A_294 : vector<1x16xf32> to vector<16xf32>
      %mul3A_296 = arith.mulf %get3A_48, %get3A_295 : vector<16xf32>
      %get3A_297 = arith.index_cast %scan3A_42 : i32 to index
      %get3A_298 = arith.constant 240 : index
      %get3A_299 = tpu.vector_load %arg13[%get3A_297, %get3A_298] {strides = array<i32>} : memref<32x1024xf32, #tpu.memory_space<vmem>>, vector<1x16xf32>,
      %get3A_300 = vector.shape_cast %get3A_299 : vector<1x16xf32> to vector<16xf32>
      %mul3A_301 = arith.mulf %get3A_52, %get3A_300 : vector<16xf32>
      %add3A_302 = arith.addf %mul3A_296, %mul3A_301 : vector<16xf32>
      %swap3A_303 = arith.index_cast %scan3A_42 : i32 to index
      %swap3A_304 = arith.constant 240 : index
      %swap3A_305 = tpu.vector_load %arg14[%swap3A_303, %swap3A_304] {strides = array<i32>} : memref<32x1024xf32, #tpu.memory_space<vmem>>, vector<1x16xf32>,
      %swap3A_306 = vector.shape_cast %swap3A_305 : vector<1x16xf32> to vector<16xf32>
      %swap3A_307 = vector.shape_cast %add3A_302 : vector<16xf32> to vector<1x16xf32>
      tpu.vector_store %arg14[%swap3A_303, %swap3A_304], %swap3A_307 {strides = array<i32>} : memref<32x1024xf32, #tpu.memory_space<vmem>>, vector<1x16xf32>,
      %get3A_308 = arith.index_cast %scan3A_42 : i32 to index
      %get3A_309 = arith.constant 256 : index
      %get3A_310 = tpu.vector_load %arg12[%get3A_308, %get3A_309] {strides = array<i32>} : memref<32x1024xf32, #tpu.memory_space<vmem>>, vector<1x16xf32>,
      %get3A_311 = vector.shape_cast %get3A_310 : vector<1x16xf32> to vector<16xf32>
      %mul3A_312 = arith.mulf %get3A_48, %get3A_311 : vector<16xf32>
      %get3A_313 = arith.index_cast %scan3A_42 : i32 to index
      %get3A_314 = arith.constant 256 : index
      %get3A_315 = tpu.vector_load %arg13[%get3A_313, %get3A_314] {strides = array<i32>} : memref<32x1024xf32, #tpu.memory_space<vmem>>, vector<1x16xf32>,
      %get3A_316 = vector.shape_cast %get3A_315 : vector<1x16xf32> to vector<16xf32>
      %mul3A_317 = arith.mulf %get3A_52, %get3A_316 : vector<16xf32>
      %add3A_318 = arith.addf %mul3A_312, %mul3A_317 : vector<16xf32>
      %swap3A_319 = arith.index_cast %scan3A_42 : i32 to index
      %swap3A_320 = arith.constant 256 : index
      %swap3A_321 = tpu.vector_load %arg14[%swap3A_319, %swap3A_320] {strides = array<i32>} : memref<32x1024xf32, #tpu.memory_space<vmem>>, vector<1x16xf32>,
      %swap3A_322 = vector.shape_cast %swap3A_321 : vector<1x16xf32> to vector<16xf32>
      %swap3A_323 = vector.shape_cast %add3A_318 : vector<16xf32> to vector<1x16xf32>
      tpu.vector_store %arg14[%swap3A_319, %swap3A_320], %swap3A_323 {strides = array<i32>} : memref<32x1024xf32, #tpu.memory_space<vmem>>, vector<1x16xf32>,
      %get3A_324 = arith.index_cast %scan3A_42 : i32 to index
      %get3A_325 = arith.constant 272 : index
      %get3A_326 = tpu.vector_load %arg12[%get3A_324, %get3A_325] {strides = array<i32>} : memref<32x1024xf32, #tpu.memory_space<vmem>>, vector<1x16xf32>,
      %get3A_327 = vector.shape_cast %get3A_326 : vector<1x16xf32> to vector<16xf32>
      %mul3A_328 = arith.mulf %get3A_48, %get3A_327 : vector<16xf32>
      %get3A_329 = arith.index_cast %scan3A_42 : i32 to index
      %get3A_330 = arith.constant 272 : index
      %get3A_331 = tpu.vector_load %arg13[%get3A_329, %get3A_330] {strides = array<i32>} : memref<32x1024xf32, #tpu.memory_space<vmem>>, vector<1x16xf32>,
      %get3A_332 = vector.shape_cast %get3A_331 : vector<1x16xf32> to vector<16xf32>
      %mul3A_333 = arith.mulf %get3A_52, %get3A_332 : vector<16xf32>
      %add3A_334 = arith.addf %mul3A_328, %mul3A_333 : vector<16xf32>
      %swap3A_335 = arith.index_cast %scan3A_42 : i32 to index
      %swap3A_336 = arith.constant 272 : index
      %swap3A_337 = tpu.vector_load %arg14[%swap3A_335, %swap3A_336] {strides = array<i32>} : memref<32x1024xf32, #tpu.memory_space<vmem>>, vector<1x16xf32>,
      %swap3A_338 = vector.shape_cast %swap3A_337 : vector<1x16xf32> to vector<16xf32>
      %swap3A_339 = vector.shape_cast %add3A_334 : vector<16xf32> to vector<1x16xf32>
      tpu.vector_store %arg14[%swap3A_335, %swap3A_336], %swap3A_339 {strides = array<i32>} : memref<32x1024xf32, #tpu.memory_space<vmem>>, vector<1x16xf32>,
      %get3A_340 = arith.index_cast %scan3A_42 : i32 to index
      %get3A_341 = arith.constant 288 : index
      %get3A_342 = tpu.vector_load %arg12[%get3A_340, %get3A_341] {strides = array<i32>} : memref<32x1024xf32, #tpu.memory_space<vmem>>, vector<1x16xf32>,
      %get3A_343 = vector.shape_cast %get3A_342 : vector<1x16xf32> to vector<16xf32>
      %mul3A_344 = arith.mulf %get3A_48, %get3A_343 : vector<16xf32>
      %get3A_345 = arith.index_cast %scan3A_42 : i32 to index
      %get3A_346 = arith.constant 288 : index
      %get3A_347 = tpu.vector_load %arg13[%get3A_345, %get3A_346] {strides = array<i32>} : memref<32x1024xf32, #tpu.memory_space<vmem>>, vector<1x16xf32>,
      %get3A_348 = vector.shape_cast %get3A_347 : vector<1x16xf32> to vector<16xf32>
      %mul3A_349 = arith.mulf %get3A_52, %get3A_348 : vector<16xf32>
      %add3A_350 = arith.addf %mul3A_344, %mul3A_349 : vector<16xf32>
      %swap3A_351 = arith.index_cast %scan3A_42 : i32 to index
      %swap3A_352 = arith.constant 288 : index
      %swap3A_353 = tpu.vector_load %arg14[%swap3A_351, %swap3A_352] {strides = array<i32>} : memref<32x1024xf32, #tpu.memory_space<vmem>>, vector<1x16xf32>,
      %swap3A_354 = vector.shape_cast %swap3A_353 : vector<1x16xf32> to vector<16xf32>
      %swap3A_355 = vector.shape_cast %add3A_350 : vector<16xf32> to vector<1x16xf32>
      tpu.vector_store %arg14[%swap3A_351, %swap3A_352], %swap3A_355 {strides = array<i32>} : memref<32x1024xf32, #tpu.memory_space<vmem>>, vector<1x16xf32>,
      %get3A_356 = arith.index_cast %scan3A_42 : i32 to index
      %get3A_357 = arith.constant 304 : index
      %get3A_358 = tpu.vector_load %arg12[%get3A_356, %get3A_357] {strides = array<i32>} : memref<32x1024xf32, #tpu.memory_space<vmem>>, vector<1x16xf32>,
      %get3A_359 = vector.shape_cast %get3A_358 : vector<1x16xf32> to vector<16xf32>
      %mul3A_360 = arith.mulf %get3A_48, %get3A_359 : vector<16xf32>
      %get3A_361 = arith.index_cast %scan3A_42 : i32 to index
      %get3A_362 = arith.constant 304 : index
      %get3A_363 = tpu.vector_load %arg13[%get3A_361, %get3A_362] {strides = array<i32>} : memref<32x1024xf32, #tpu.memory_space<vmem>>, vector<1x16xf32>,
      %get3A_364 = vector.shape_cast %get3A_363 : vector<1x16xf32> to vector<16xf32>
      %mul3A_365 = arith.mulf %get3A_52, %get3A_364 : vector<16xf32>
      %add3A_366 = arith.addf %mul3A_360, %mul3A_365 : vector<16xf32>
      %swap3A_367 = arith.index_cast %scan3A_42 : i32 to index
      %swap3A_368 = arith.constant 304 : index
      %swap3A_369 = tpu.vector_load %arg14[%swap3A_367, %swap3A_368] {strides = array<i32>} : memref<32x1024xf32, #tpu.memory_space<vmem>>, vector<1x16xf32>,
      %swap3A_370 = vector.shape_cast %swap3A_369 : vector<1x16xf32> to vector<16xf32>
      %swap3A_371 = vector.shape_cast %add3A_366 : vector<16xf32> to vector<1x16xf32>
      tpu.vector_store %arg14[%swap3A_367, %swap3A_368], %swap3A_371 {strides = array<i32>} : memref<32x1024xf32, #tpu.memory_space<vmem>>, vector<1x16xf32>,
      %get3A_372 = arith.index_cast %scan3A_42 : i32 to index
      %get3A_373 = arith.constant 320 : index
      %get3A_374 = tpu.vector_load %arg12[%get3A_372, %get3A_373] {strides = array<i32>} : memref<32x1024xf32, #tpu.memory_space<vmem>>, vector<1x16xf32>,
      %get3A_375 = vector.shape_cast %get3A_374 : vector<1x16xf32> to vector<16xf32>
      %mul3A_376 = arith.mulf %get3A_48, %get3A_375 : vector<16xf32>
      %get3A_377 = arith.index_cast %scan3A_42 : i32 to index
      %get3A_378 = arith.constant 320 : index
      %get3A_379 = tpu.vector_load %arg13[%get3A_377, %get3A_378] {strides = array<i32>} : memref<32x1024xf32, #tpu.memory_space<vmem>>, vector<1x16xf32>,
      %get3A_380 = vector.shape_cast %get3A_379 : vector<1x16xf32> to vector<16xf32>
      %mul3A_381 = arith.mulf %get3A_52, %get3A_380 : vector<16xf32>
      %add3A_382 = arith.addf %mul3A_376, %mul3A_381 : vector<16xf32>
      %swap3A_383 = arith.index_cast %scan3A_42 : i32 to index
      %swap3A_384 = arith.constant 320 : index
      %swap3A_385 = tpu.vector_load %arg14[%swap3A_383, %swap3A_384] {strides = array<i32>} : memref<32x1024xf32, #tpu.memory_space<vmem>>, vector<1x16xf32>,
      %swap3A_386 = vector.shape_cast %swap3A_385 : vector<1x16xf32> to vector<16xf32>
      %swap3A_387 = vector.shape_cast %add3A_382 : vector<16xf32> to vector<1x16xf32>
      tpu.vector_store %arg14[%swap3A_383, %swap3A_384], %swap3A_387 {strides = array<i32>} : memref<32x1024xf32, #tpu.memory_space<vmem>>, vector<1x16xf32>,
      %get3A_388 = arith.index_cast %scan3A_42 : i32 to index
      %get3A_389 = arith.constant 336 : index
      %get3A_390 = tpu.vector_load %arg12[%get3A_388, %get3A_389] {strides = array<i32>} : memref<32x1024xf32, #tpu.memory_space<vmem>>, vector<1x16xf32>,
      %get3A_391 = vector.shape_cast %get3A_390 : vector<1x16xf32> to vector<16xf32>
      %mul3A_392 = arith.mulf %get3A_48, %get3A_391 : vector<16xf32>
      %get3A_393 = arith.index_cast %scan3A_42 : i32 to index
      %get3A_394 = arith.constant 336 : index
      %get3A_395 = tpu.vector_load %arg13[%get3A_393, %get3A_394] {strides = array<i32>} : memref<32x1024xf32, #tpu.memory_space<vmem>>, vector<1x16xf32>,
      %get3A_396 = vector.shape_cast %get3A_395 : vector<1x16xf32> to vector<16xf32>
      %mul3A_397 = arith.mulf %get3A_52, %get3A_396 : vector<16xf32>
      %add3A_398 = arith.addf %mul3A_392, %mul3A_397 : vector<16xf32>
      %swap3A_399 = arith.index_cast %scan3A_42 : i32 to index
      %swap3A_400 = arith.constant 336 : index
      %swap3A_401 = tpu.vector_load %arg14[%swap3A_399, %swap3A_400] {strides = array<i32>} : memref<32x1024xf32, #tpu.memory_space<vmem>>, vector<1x16xf32>,
      %swap3A_402 = vector.shape_cast %swap3A_401 : vector<1x16xf32> to vector<16xf32>
      %swap3A_403 = vector.shape_cast %add3A_398 : vector<16xf32> to vector<1x16xf32>
      tpu.vector_store %arg14[%swap3A_399, %swap3A_400], %swap3A_403 {strides = array<i32>} : memref<32x1024xf32, #tpu.memory_space<vmem>>, vector<1x16xf32>,
      %get3A_404 = arith.index_cast %scan3A_42 : i32 to index
      %get3A_405 = arith.constant 352 : index
      %get3A_406 = tpu.vector_load %arg12[%get3A_404, %get3A_405] {strides = array<i32>} : memref<32x1024xf32, #tpu.memory_space<vmem>>, vector<1x16xf32>,
      %get3A_407 = vector.shape_cast %get3A_406 : vector<1x16xf32> to vector<16xf32>
      %mul3A_408 = arith.mulf %get3A_48, %get3A_407 : vector<16xf32>
      %get3A_409 = arith.index_cast %scan3A_42 : i32 to index
      %get3A_410 = arith.constant 352 : index
      %get3A_411 = tpu.vector_load %arg13[%get3A_409, %get3A_410] {strides = array<i32>} : memref<32x1024xf32, #tpu.memory_space<vmem>>, vector<1x16xf32>,
      %get3A_412 = vector.shape_cast %get3A_411 : vector<1x16xf32> to vector<16xf32>
      %mul3A_413 = arith.mulf %get3A_52, %get3A_412 : vector<16xf32>
      %add3A_414 = arith.addf %mul3A_408, %mul3A_413 : vector<16xf32>
      %swap3A_415 = arith.index_cast %scan3A_42 : i32 to index
      %swap3A_416 = arith.constant 352 : index
      %swap3A_417 = tpu.vector_load %arg14[%swap3A_415, %swap3A_416] {strides = array<i32>} : memref<32x1024xf32, #tpu.memory_space<vmem>>, vector<1x16xf32>,
      %swap3A_418 = vector.shape_cast %swap3A_417 : vector<1x16xf32> to vector<16xf32>
      %swap3A_419 = vector.shape_cast %add3A_414 : vector<16xf32> to vector<1x16xf32>
      tpu.vector_store %arg14[%swap3A_415, %swap3A_416], %swap3A_419 {strides = array<i32>} : memref<32x1024xf32, #tpu.memory_space<vmem>>, vector<1x16xf32>,
      %get3A_420 = arith.index_cast %scan3A_42 : i32 to index
      %get3A_421 = arith.constant 368 : index
      %get3A_422 = tpu.vector_load %arg12[%get3A_420, %get3A_421] {strides = array<i32>} : memref<32x1024xf32, #tpu.memory_space<vmem>>, vector<1x16xf32>,
      %get3A_423 = vector.shape_cast %get3A_422 : vector<1x16xf32> to vector<16xf32>
      %mul3A_424 = arith.mulf %get3A_48, %get3A_423 : vector<16xf32>
      %get3A_425 = arith.index_cast %scan3A_42 : i32 to index
      %get3A_426 = arith.constant 368 : index
      %get3A_427 = tpu.vector_load %arg13[%get3A_425, %get3A_426] {strides = array<i32>} : memref<32x1024xf32, #tpu.memory_space<vmem>>, vector<1x16xf32>,
      %get3A_428 = vector.shape_cast %get3A_427 : vector<1x16xf32> to vector<16xf32>
      %mul3A_429 = arith.mulf %get3A_52, %get3A_428 : vector<16xf32>
      %add3A_430 = arith.addf %mul3A_424, %mul3A_429 : vector<16xf32>
      %swap3A_431 = arith.index_cast %scan3A_42 : i32 to index
      %swap3A_432 = arith.constant 368 : index
      %swap3A_433 = tpu.vector_load %arg14[%swap3A_431, %swap3A_432] {strides = array<i32>} : memref<32x1024xf32, #tpu.memory_space<vmem>>, vector<1x16xf32>,
      %swap3A_434 = vector.shape_cast %swap3A_433 : vector<1x16xf32> to vector<16xf32>
      %swap3A_435 = vector.shape_cast %add3A_430 : vector<16xf32> to vector<1x16xf32>
      tpu.vector_store %arg14[%swap3A_431, %swap3A_432], %swap3A_435 {strides = array<i32>} : memref<32x1024xf32, #tpu.memory_space<vmem>>, vector<1x16xf32>,
      %get3A_436 = arith.index_cast %scan3A_42 : i32 to index
      %get3A_437 = arith.constant 384 : index
      %get3A_438 = tpu.vector_load %arg12[%get3A_436, %get3A_437] {strides = array<i32>} : memref<32x1024xf32, #tpu.memory_space<vmem>>, vector<1x16xf32>,
      %get3A_439 = vector.shape_cast %get3A_438 : vector<1x16xf32> to vector<16xf32>
      %mul3A_440 = arith.mulf %get3A_48, %get3A_439 : vector<16xf32>
      %get3A_441 = arith.index_cast %scan3A_42 : i32 to index
      %get3A_442 = arith.constant 384 : index
      %get3A_443 = tpu.vector_load %arg13[%get3A_441, %get3A_442] {strides = array<i32>} : memref<32x1024xf32, #tpu.memory_space<vmem>>, vector<1x16xf32>,
      %get3A_444 = vector.shape_cast %get3A_443 : vector<1x16xf32> to vector<16xf32>
      %mul3A_445 = arith.mulf %get3A_52, %get3A_444 : vector<16xf32>
      %add3A_446 = arith.addf %mul3A_440, %mul3A_445 : vector<16xf32>
      %swap3A_447 = arith.index_cast %scan3A_42 : i32 to index
      %swap3A_448 = arith.constant 384 : index
      %swap3A_449 = tpu.vector_load %arg14[%swap3A_447, %swap3A_448] {strides = array<i32>} : memref<32x1024xf32, #tpu.memory_space<vmem>>, vector<1x16xf32>,
      %swap3A_450 = vector.shape_cast %swap3A_449 : vector<1x16xf32> to vector<16xf32>
      %swap3A_451 = vector.shape_cast %add3A_446 : vector<16xf32> to vector<1x16xf32>
      tpu.vector_store %arg14[%swap3A_447, %swap3A_448], %swap3A_451 {strides = array<i32>} : memref<32x1024xf32, #tpu.memory_space<vmem>>, vector<1x16xf32>,
      %get3A_452 = arith.index_cast %scan3A_42 : i32 to index
      %get3A_453 = arith.constant 400 : index
      %get3A_454 = tpu.vector_load %arg12[%get3A_452, %get3A_453] {strides = array<i32>} : memref<32x1024xf32, #tpu.memory_space<vmem>>, vector<1x16xf32>,
      %get3A_455 = vector.shape_cast %get3A_454 : vector<1x16xf32> to vector<16xf32>
      %mul3A_456 = arith.mulf %get3A_48, %get3A_455 : vector<16xf32>
      %get3A_457 = arith.index_cast %scan3A_42 : i32 to index
      %get3A_458 = arith.constant 400 : index
      %get3A_459 = tpu.vector_load %arg13[%get3A_457, %get3A_458] {strides = array<i32>} : memref<32x1024xf32, #tpu.memory_space<vmem>>, vector<1x16xf32>,
      %get3A_460 = vector.shape_cast %get3A_459 : vector<1x16xf32> to vector<16xf32>
      %mul3A_461 = arith.mulf %get3A_52, %get3A_460 : vector<16xf32>
      %add3A_462 = arith.addf %mul3A_456, %mul3A_461 : vector<16xf32>
      %swap3A_463 = arith.index_cast %scan3A_42 : i32 to index
      %swap3A_464 = arith.constant 400 : index
      %swap3A_465 = tpu.vector_load %arg14[%swap3A_463, %swap3A_464] {strides = array<i32>} : memref<32x1024xf32, #tpu.memory_space<vmem>>, vector<1x16xf32>,
      %swap3A_466 = vector.shape_cast %swap3A_465 : vector<1x16xf32> to vector<16xf32>
      %swap3A_467 = vector.shape_cast %add3A_462 : vector<16xf32> to vector<1x16xf32>
      tpu.vector_store %arg14[%swap3A_463, %swap3A_464], %swap3A_467 {strides = array<i32>} : memref<32x1024xf32, #tpu.memory_space<vmem>>, vector<1x16xf32>,
      %get3A_468 = arith.index_cast %scan3A_42 : i32 to index
      %get3A_469 = arith.constant 416 : index
      %get3A_470 = tpu.vector_load %arg12[%get3A_468, %get3A_469] {strides = array<i32>} : memref<32x1024xf32, #tpu.memory_space<vmem>>, vector<1x16xf32>,
      %get3A_471 = vector.shape_cast %get3A_470 : vector<1x16xf32> to vector<16xf32>
      %mul3A_472 = arith.mulf %get3A_48, %get3A_471 : vector<16xf32>
      %get3A_473 = arith.index_cast %scan3A_42 : i32 to index
      %get3A_474 = arith.constant 416 : index
      %get3A_475 = tpu.vector_load %arg13[%get3A_473, %get3A_474] {strides = array<i32>} : memref<32x1024xf32, #tpu.memory_space<vmem>>, vector<1x16xf32>,
      %get3A_476 = vector.shape_cast %get3A_475 : vector<1x16xf32> to vector<16xf32>
      %mul3A_477 = arith.mulf %get3A_52, %get3A_476 : vector<16xf32>
      %add3A_478 = arith.addf %mul3A_472, %mul3A_477 : vector<16xf32>
      %swap3A_479 = arith.index_cast %scan3A_42 : i32 to index
      %swap3A_480 = arith.constant 416 : index
      %swap3A_481 = tpu.vector_load %arg14[%swap3A_479, %swap3A_480] {strides = array<i32>} : memref<32x1024xf32, #tpu.memory_space<vmem>>, vector<1x16xf32>,
      %swap3A_482 = vector.shape_cast %swap3A_481 : vector<1x16xf32> to vector<16xf32>
      %swap3A_483 = vector.shape_cast %add3A_478 : vector<16xf32> to vector<1x16xf32>
      tpu.vector_store %arg14[%swap3A_479, %swap3A_480], %swap3A_483 {strides = array<i32>} : memref<32x1024xf32, #tpu.memory_space<vmem>>, vector<1x16xf32>,
      %get3A_484 = arith.index_cast %scan3A_42 : i32 to index
      %get3A_485 = arith.constant 432 : index
      %get3A_486 = tpu.vector_load %arg12[%get3A_484, %get3A_485] {strides = array<i32>} : memref<32x1024xf32, #tpu.memory_space<vmem>>, vector<1x16xf32>,
      %get3A_487 = vector.shape_cast %get3A_486 : vector<1x16xf32> to vector<16xf32>
      %mul3A_488 = arith.mulf %get3A_48, %get3A_487 : vector<16xf32>
      %get3A_489 = arith.index_cast %scan3A_42 : i32 to index
      %get3A_490 = arith.constant 432 : index
      %get3A_491 = tpu.vector_load %arg13[%get3A_489, %get3A_490] {strides = array<i32>} : memref<32x1024xf32, #tpu.memory_space<vmem>>, vector<1x16xf32>,
      %get3A_492 = vector.shape_cast %get3A_491 : vector<1x16xf32> to vector<16xf32>
      %mul3A_493 = arith.mulf %get3A_52, %get3A_492 : vector<16xf32>
      %add3A_494 = arith.addf %mul3A_488, %mul3A_493 : vector<16xf32>
      %swap3A_495 = arith.index_cast %scan3A_42 : i32 to index
      %swap3A_496 = arith.constant 432 : index
      %swap3A_497 = tpu.vector_load %arg14[%swap3A_495, %swap3A_496] {strides = array<i32>} : memref<32x1024xf32, #tpu.memory_space<vmem>>, vector<1x16xf32>,
      %swap3A_498 = vector.shape_cast %swap3A_497 : vector<1x16xf32> to vector<16xf32>
      %swap3A_499 = vector.shape_cast %add3A_494 : vector<16xf32> to vector<1x16xf32>
      tpu.vector_store %arg14[%swap3A_495, %swap3A_496], %swap3A_499 {strides = array<i32>} : memref<32x1024xf32, #tpu.memory_space<vmem>>, vector<1x16xf32>,
      %get3A_500 = arith.index_cast %scan3A_42 : i32 to index
      %get3A_501 = arith.constant 448 : index
      %get3A_502 = tpu.vector_load %arg12[%get3A_500, %get3A_501] {strides = array<i32>} : memref<32x1024xf32, #tpu.memory_space<vmem>>, vector<1x16xf32>,
      %get3A_503 = vector.shape_cast %get3A_502 : vector<1x16xf32> to vector<16xf32>
      %mul3A_504 = arith.mulf %get3A_48, %get3A_503 : vector<16xf32>
      %get3A_505 = arith.index_cast %scan3A_42 : i32 to index
      %get3A_506 = arith.constant 448 : index
      %get3A_507 = tpu.vector_load %arg13[%get3A_505, %get3A_506] {strides = array<i32>} : memref<32x1024xf32, #tpu.memory_space<vmem>>, vector<1x16xf32>,
      %get3A_508 = vector.shape_cast %get3A_507 : vector<1x16xf32> to vector<16xf32>
      %mul3A_509 = arith.mulf %get3A_52, %get3A_508 : vector<16xf32>
      %add3A_510 = arith.addf %mul3A_504, %mul3A_509 : vector<16xf32>
      %swap3A_511 = arith.index_cast %scan3A_42 : i32 to index
      %swap3A_512 = arith.constant 448 : index
      %swap3A_513 = tpu.vector_load %arg14[%swap3A_511, %swap3A_512] {strides = array<i32>} : memref<32x1024xf32, #tpu.memory_space<vmem>>, vector<1x16xf32>,
      %swap3A_514 = vector.shape_cast %swap3A_513 : vector<1x16xf32> to vector<16xf32>
      %swap3A_515 = vector.shape_cast %add3A_510 : vector<16xf32> to vector<1x16xf32>
      tpu.vector_store %arg14[%swap3A_511, %swap3A_512], %swap3A_515 {strides = array<i32>} : memref<32x1024xf32, #tpu.memory_space<vmem>>, vector<1x16xf32>,
      %get3A_516 = arith.index_cast %scan3A_42 : i32 to index
      %get3A_517 = arith.constant 464 : index
      %get3A_518 = tpu.vector_load %arg12[%get3A_516, %get3A_517] {strides = array<i32>} : memref<32x1024xf32, #tpu.memory_space<vmem>>, vector<1x16xf32>,
      %get3A_519 = vector.shape_cast %get3A_518 : vector<1x16xf32> to vector<16xf32>
      %mul3A_520 = arith.mulf %get3A_48, %get3A_519 : vector<16xf32>
      %get3A_521 = arith.index_cast %scan3A_42 : i32 to index
      %get3A_522 = arith.constant 464 : index
      %get3A_523 = tpu.vector_load %arg13[%get3A_521, %get3A_522] {strides = array<i32>} : memref<32x1024xf32, #tpu.memory_space<vmem>>, vector<1x16xf32>,
      %get3A_524 = vector.shape_cast %get3A_523 : vector<1x16xf32> to vector<16xf32>
      %mul3A_525 = arith.mulf %get3A_52, %get3A_524 : vector<16xf32>
      %add3A_526 = arith.addf %mul3A_520, %mul3A_525 : vector<16xf32>
      %swap3A_527 = arith.index_cast %scan3A_42 : i32 to index
      %swap3A_528 = arith.constant 464 : index
      %swap3A_529 = tpu.vector_load %arg14[%swap3A_527, %swap3A_528] {strides = array<i32>} : memref<32x1024xf32, #tpu.memory_space<vmem>>, vector<1x16xf32>,
      %swap3A_530 = vector.shape_cast %swap3A_529 : vector<1x16xf32> to vector<16xf32>
      %swap3A_531 = vector.shape_cast %add3A_526 : vector<16xf32> to vector<1x16xf32>
      tpu.vector_store %arg14[%swap3A_527, %swap3A_528], %swap3A_531 {strides = array<i32>} : memref<32x1024xf32, #tpu.memory_space<vmem>>, vector<1x16xf32>,
      %get3A_532 = arith.index_cast %scan3A_42 : i32 to index
      %get3A_533 = arith.constant 480 : index
      %get3A_534 = tpu.vector_load %arg12[%get3A_532, %get3A_533] {strides = array<i32>} : memref<32x1024xf32, #tpu.memory_space<vmem>>, vector<1x16xf32>,
      %get3A_535 = vector.shape_cast %get3A_534 : vector<1x16xf32> to vector<16xf32>
      %mul3A_536 = arith.mulf %get3A_48, %get3A_535 : vector<16xf32>
      %get3A_537 = arith.index_cast %scan3A_42 : i32 to index
      %get3A_538 = arith.constant 480 : index
      %get3A_539 = tpu.vector_load %arg13[%get3A_537, %get3A_538] {strides = array<i32>} : memref<32x1024xf32, #tpu.memory_space<vmem>>, vector<1x16xf32>,
      %get3A_540 = vector.shape_cast %get3A_539 : vector<1x16xf32> to vector<16xf32>
      %mul3A_541 = arith.mulf %get3A_52, %get3A_540 : vector<16xf32>
      %add3A_542 = arith.addf %mul3A_536, %mul3A_541 : vector<16xf32>
      %swap3A_543 = arith.index_cast %scan3A_42 : i32 to index
      %swap3A_544 = arith.constant 480 : index
      %swap3A_545 = tpu.vector_load %arg14[%swap3A_543, %swap3A_544] {strides = array<i32>} : memref<32x1024xf32, #tpu.memory_space<vmem>>, vector<1x16xf32>,
      %swap3A_546 = vector.shape_cast %swap3A_545 : vector<1x16xf32> to vector<16xf32>
      %swap3A_547 = vector.shape_cast %add3A_542 : vector<16xf32> to vector<1x16xf32>
      tpu.vector_store %arg14[%swap3A_543, %swap3A_544], %swap3A_547 {strides = array<i32>} : memref<32x1024xf32, #tpu.memory_space<vmem>>, vector<1x16xf32>,
      %get3A_548 = arith.index_cast %scan3A_42 : i32 to index
      %get3A_549 = arith.constant 496 : index
      %get3A_550 = tpu.vector_load %arg12[%get3A_548, %get3A_549] {strides = array<i32>} : memref<32x1024xf32, #tpu.memory_space<vmem>>, vector<1x16xf32>,
      %get3A_551 = vector.shape_cast %get3A_550 : vector<1x16xf32> to vector<16xf32>
      %mul3A_552 = arith.mulf %get3A_48, %get3A_551 : vector<16xf32>
      %get3A_553 = arith.index_cast %scan3A_42 : i32 to index
      %get3A_554 = arith.constant 496 : index
      %get3A_555 = tpu.vector_load %arg13[%get3A_553, %get3A_554] {strides = array<i32>} : memref<32x1024xf32, #tpu.memory_space<vmem>>, vector<1x16xf32>,
      %get3A_556 = vector.shape_cast %get3A_555 : vector<1x16xf32> to vector<16xf32>
      %mul3A_557 = arith.mulf %get3A_52, %get3A_556 : vector<16xf32>
      %add3A_558 = arith.addf %mul3A_552, %mul3A_557 : vector<16xf32>
      %swap3A_559 = arith.index_cast %scan3A_42 : i32 to index
      %swap3A_560 = arith.constant 496 : index
      %swap3A_561 = tpu.vector_load %arg14[%swap3A_559, %swap3A_560] {strides = array<i32>} : memref<32x1024xf32, #tpu.memory_space<vmem>>, vector<1x16xf32>,
      %swap3A_562 = vector.shape_cast %swap3A_561 : vector<1x16xf32> to vector<16xf32>
      %swap3A_563 = vector.shape_cast %add3A_558 : vector<16xf32> to vector<1x16xf32>
      tpu.vector_store %arg14[%swap3A_559, %swap3A_560], %swap3A_563 {strides = array<i32>} : memref<32x1024xf32, #tpu.memory_space<vmem>>, vector<1x16xf32>,
      %get3A_564 = arith.index_cast %scan3A_42 : i32 to index
      %get3A_565 = arith.constant 512 : index
      %get3A_566 = tpu.vector_load %arg12[%get3A_564, %get3A_565] {strides = array<i32>} : memref<32x1024xf32, #tpu.memory_space<vmem>>, vector<1x16xf32>,
      %get3A_567 = vector.shape_cast %get3A_566 : vector<1x16xf32> to vector<16xf32>
      %mul3A_568 = arith.mulf %get3A_48, %get3A_567 : vector<16xf32>
      %get3A_569 = arith.index_cast %scan3A_42 : i32 to index
      %get3A_570 = arith.constant 512 : index
      %get3A_571 = tpu.vector_load %arg13[%get3A_569, %get3A_570] {strides = array<i32>} : memref<32x1024xf32, #tpu.memory_space<vmem>>, vector<1x16xf32>,
      %get3A_572 = vector.shape_cast %get3A_571 : vector<1x16xf32> to vector<16xf32>
      %mul3A_573 = arith.mulf %get3A_52, %get3A_572 : vector<16xf32>
      %add3A_574 = arith.addf %mul3A_568, %mul3A_573 : vector<16xf32>
      %swap3A_575 = arith.index_cast %scan3A_42 : i32 to index
      %swap3A_576 = arith.constant 512 : index
      %swap3A_577 = tpu.vector_load %arg14[%swap3A_575, %swap3A_576] {strides = array<i32>} : memref<32x1024xf32, #tpu.memory_space<vmem>>, vector<1x16xf32>,
      %swap3A_578 = vector.shape_cast %swap3A_577 : vector<1x16xf32> to vector<16xf32>
      %swap3A_579 = vector.shape_cast %add3A_574 : vector<16xf32> to vector<1x16xf32>
      tpu.vector_store %arg14[%swap3A_575, %swap3A_576], %swap3A_579 {strides = array<i32>} : memref<32x1024xf32, #tpu.memory_space<vmem>>, vector<1x16xf32>,
      %get3A_580 = arith.index_cast %scan3A_42 : i32 to index
      %get3A_581 = arith.constant 528 : index
      %get3A_582 = tpu.vector_load %arg12[%get3A_580, %get3A_581] {strides = array<i32>} : memref<32x1024xf32, #tpu.memory_space<vmem>>, vector<1x16xf32>,
      %get3A_583 = vector.shape_cast %get3A_582 : vector<1x16xf32> to vector<16xf32>
      %mul3A_584 = arith.mulf %get3A_48, %get3A_583 : vector<16xf32>
      %get3A_585 = arith.index_cast %scan3A_42 : i32 to index
      %get3A_586 = arith.constant 528 : index
      %get3A_587 = tpu.vector_load %arg13[%get3A_585, %get3A_586] {strides = array<i32>} : memref<32x1024xf32, #tpu.memory_space<vmem>>, vector<1x16xf32>,
      %get3A_588 = vector.shape_cast %get3A_587 : vector<1x16xf32> to vector<16xf32>
      %mul3A_589 = arith.mulf %get3A_52, %get3A_588 : vector<16xf32>
      %add3A_590 = arith.addf %mul3A_584, %mul3A_589 : vector<16xf32>
      %swap3A_591 = arith.index_cast %scan3A_42 : i32 to index
      %swap3A_592 = arith.constant 528 : index
      %swap3A_593 = tpu.vector_load %arg14[%swap3A_591, %swap3A_592] {strides = array<i32>} : memref<32x1024xf32, #tpu.memory_space<vmem>>, vector<1x16xf32>,
      %swap3A_594 = vector.shape_cast %swap3A_593 : vector<1x16xf32> to vector<16xf32>
      %swap3A_595 = vector.shape_cast %add3A_590 : vector<16xf32> to vector<1x16xf32>
      tpu.vector_store %arg14[%swap3A_591, %swap3A_592], %swap3A_595 {strides = array<i32>} : memref<32x1024xf32, #tpu.memory_space<vmem>>, vector<1x16xf32>,
      %get3A_596 = arith.index_cast %scan3A_42 : i32 to index
      %get3A_597 = arith.constant 544 : index
      %get3A_598 = tpu.vector_load %arg12[%get3A_596, %get3A_597] {strides = array<i32>} : memref<32x1024xf32, #tpu.memory_space<vmem>>, vector<1x16xf32>,
      %get3A_599 = vector.shape_cast %get3A_598 : vector<1x16xf32> to vector<16xf32>
      %mul3A_600 = arith.mulf %get3A_48, %get3A_599 : vector<16xf32>
      %get3A_601 = arith.index_cast %scan3A_42 : i32 to index
      %get3A_602 = arith.constant 544 : index
      %get3A_603 = tpu.vector_load %arg13[%get3A_601, %get3A_602] {strides = array<i32>} : memref<32x1024xf32, #tpu.memory_space<vmem>>, vector<1x16xf32>,
      %get3A_604 = vector.shape_cast %get3A_603 : vector<1x16xf32> to vector<16xf32>
      %mul3A_605 = arith.mulf %get3A_52, %get3A_604 : vector<16xf32>
      %add3A_606 = arith.addf %mul3A_600, %mul3A_605 : vector<16xf32>
      %swap3A_607 = arith.index_cast %scan3A_42 : i32 to index
      %swap3A_608 = arith.constant 544 : index
      %swap3A_609 = tpu.vector_load %arg14[%swap3A_607, %swap3A_608] {strides = array<i32>} : memref<32x1024xf32, #tpu.memory_space<vmem>>, vector<1x16xf32>,
      %swap3A_610 = vector.shape_cast %swap3A_609 : vector<1x16xf32> to vector<16xf32>
      %swap3A_611 = vector.shape_cast %add3A_606 : vector<16xf32> to vector<1x16xf32>
      tpu.vector_store %arg14[%swap3A_607, %swap3A_608], %swap3A_611 {strides = array<i32>} : memref<32x1024xf32, #tpu.memory_space<vmem>>, vector<1x16xf32>,
      %get3A_612 = arith.index_cast %scan3A_42 : i32 to index
      %get3A_613 = arith.constant 560 : index
      %get3A_614 = tpu.vector_load %arg12[%get3A_612, %get3A_613] {strides = array<i32>} : memref<32x1024xf32, #tpu.memory_space<vmem>>, vector<1x16xf32>,
      %get3A_615 = vector.shape_cast %get3A_614 : vector<1x16xf32> to vector<16xf32>
      %mul3A_616 = arith.mulf %get3A_48, %get3A_615 : vector<16xf32>
      %get3A_617 = arith.index_cast %scan3A_42 : i32 to index
      %get3A_618 = arith.constant 560 : index
      %get3A_619 = tpu.vector_load %arg13[%get3A_617, %get3A_618] {strides = array<i32>} : memref<32x1024xf32, #tpu.memory_space<vmem>>, vector<1x16xf32>,
      %get3A_620 = vector.shape_cast %get3A_619 : vector<1x16xf32> to vector<16xf32>
      %mul3A_621 = arith.mulf %get3A_52, %get3A_620 : vector<16xf32>
      %add3A_622 = arith.addf %mul3A_616, %mul3A_621 : vector<16xf32>
      %swap3A_623 = arith.index_cast %scan3A_42 : i32 to index
      %swap3A_624 = arith.constant 560 : index
      %swap3A_625 = tpu.vector_load %arg14[%swap3A_623, %swap3A_624] {strides = array<i32>} : memref<32x1024xf32, #tpu.memory_space<vmem>>, vector<1x16xf32>,
      %swap3A_626 = vector.shape_cast %swap3A_625 : vector<1x16xf32> to vector<16xf32>
      %swap3A_627 = vector.shape_cast %add3A_622 : vector<16xf32> to vector<1x16xf32>
      tpu.vector_store %arg14[%swap3A_623, %swap3A_624], %swap3A_627 {strides = array<i32>} : memref<32x1024xf32, #tpu.memory_space<vmem>>, vector<1x16xf32>,
      %get3A_628 = arith.index_cast %scan3A_42 : i32 to index
      %get3A_629 = arith.constant 576 : index
      %get3A_630 = tpu.vector_load %arg12[%get3A_628, %get3A_629] {strides = array<i32>} : memref<32x1024xf32, #tpu.memory_space<vmem>>, vector<1x16xf32>,
      %get3A_631 = vector.shape_cast %get3A_630 : vector<1x16xf32> to vector<16xf32>
      %mul3A_632 = arith.mulf %get3A_48, %get3A_631 : vector<16xf32>
      %get3A_633 = arith.index_cast %scan3A_42 : i32 to index
      %get3A_634 = arith.constant 576 : index
      %get3A_635 = tpu.vector_load %arg13[%get3A_633, %get3A_634] {strides = array<i32>} : memref<32x1024xf32, #tpu.memory_space<vmem>>, vector<1x16xf32>,
      %get3A_636 = vector.shape_cast %get3A_635 : vector<1x16xf32> to vector<16xf32>
      %mul3A_637 = arith.mulf %get3A_52, %get3A_636 : vector<16xf32>
      %add3A_638 = arith.addf %mul3A_632, %mul3A_637 : vector<16xf32>
      %swap3A_639 = arith.index_cast %scan3A_42 : i32 to index
      %swap3A_640 = arith.constant 576 : index
      %swap3A_641 = tpu.vector_load %arg14[%swap3A_639, %swap3A_640] {strides = array<i32>} : memref<32x1024xf32, #tpu.memory_space<vmem>>, vector<1x16xf32>,
      %swap3A_642 = vector.shape_cast %swap3A_641 : vector<1x16xf32> to vector<16xf32>
      %swap3A_643 = vector.shape_cast %add3A_638 : vector<16xf32> to vector<1x16xf32>
      tpu.vector_store %arg14[%swap3A_639, %swap3A_640], %swap3A_643 {strides = array<i32>} : memref<32x1024xf32, #tpu.memory_space<vmem>>, vector<1x16xf32>,
      %get3A_644 = arith.index_cast %scan3A_42 : i32 to index
      %get3A_645 = arith.constant 592 : index
      %get3A_646 = tpu.vector_load %arg12[%get3A_644, %get3A_645] {strides = array<i32>} : memref<32x1024xf32, #tpu.memory_space<vmem>>, vector<1x16xf32>,
      %get3A_647 = vector.shape_cast %get3A_646 : vector<1x16xf32> to vector<16xf32>
      %mul3A_648 = arith.mulf %get3A_48, %get3A_647 : vector<16xf32>
      %get3A_649 = arith.index_cast %scan3A_42 : i32 to index
      %get3A_650 = arith.constant 592 : index
      %get3A_651 = tpu.vector_load %arg13[%get3A_649, %get3A_650] {strides = array<i32>} : memref<32x1024xf32, #tpu.memory_space<vmem>>, vector<1x16xf32>,
      %get3A_652 = vector.shape_cast %get3A_651 : vector<1x16xf32> to vector<16xf32>
      %mul3A_653 = arith.mulf %get3A_52, %get3A_652 : vector<16xf32>
      %add3A_654 = arith.addf %mul3A_648, %mul3A_653 : vector<16xf32>
      %swap3A_655 = arith.index_cast %scan3A_42 : i32 to index
      %swap3A_656 = arith.constant 592 : index
      %swap3A_657 = tpu.vector_load %arg14[%swap3A_655, %swap3A_656] {strides = array<i32>} : memref<32x1024xf32, #tpu.memory_space<vmem>>, vector<1x16xf32>,
      %swap3A_658 = vector.shape_cast %swap3A_657 : vector<1x16xf32> to vector<16xf32>
      %swap3A_659 = vector.shape_cast %add3A_654 : vector<16xf32> to vector<1x16xf32>
      tpu.vector_store %arg14[%swap3A_655, %swap3A_656], %swap3A_659 {strides = array<i32>} : memref<32x1024xf32, #tpu.memory_space<vmem>>, vector<1x16xf32>,
      %get3A_660 = arith.index_cast %scan3A_42 : i32 to index
      %get3A_661 = arith.constant 608 : index
      %get3A_662 = tpu.vector_load %arg12[%get3A_660, %get3A_661] {strides = array<i32>} : memref<32x1024xf32, #tpu.memory_space<vmem>>, vector<1x16xf32>,
      %get3A_663 = vector.shape_cast %get3A_662 : vector<1x16xf32> to vector<16xf32>
      %mul3A_664 = arith.mulf %get3A_48, %get3A_663 : vector<16xf32>
      %get3A_665 = arith.index_cast %scan3A_42 : i32 to index
      %get3A_666 = arith.constant 608 : index
      %get3A_667 = tpu.vector_load %arg13[%get3A_665, %get3A_666] {strides = array<i32>} : memref<32x1024xf32, #tpu.memory_space<vmem>>, vector<1x16xf32>,
      %get3A_668 = vector.shape_cast %get3A_667 : vector<1x16xf32> to vector<16xf32>
      %mul3A_669 = arith.mulf %get3A_52, %get3A_668 : vector<16xf32>
      %add3A_670 = arith.addf %mul3A_664, %mul3A_669 : vector<16xf32>
      %swap3A_671 = arith.index_cast %scan3A_42 : i32 to index
      %swap3A_672 = arith.constant 608 : index
      %swap3A_673 = tpu.vector_load %arg14[%swap3A_671, %swap3A_672] {strides = array<i32>} : memref<32x1024xf32, #tpu.memory_space<vmem>>, vector<1x16xf32>,
      %swap3A_674 = vector.shape_cast %swap3A_673 : vector<1x16xf32> to vector<16xf32>
      %swap3A_675 = vector.shape_cast %add3A_670 : vector<16xf32> to vector<1x16xf32>
      tpu.vector_store %arg14[%swap3A_671, %swap3A_672], %swap3A_675 {strides = array<i32>} : memref<32x1024xf32, #tpu.memory_space<vmem>>, vector<1x16xf32>,
      %get3A_676 = arith.index_cast %scan3A_42 : i32 to index
      %get3A_677 = arith.constant 624 : index
      %get3A_678 = tpu.vector_load %arg12[%get3A_676, %get3A_677] {strides = array<i32>} : memref<32x1024xf32, #tpu.memory_space<vmem>>, vector<1x16xf32>,
      %get3A_679 = vector.shape_cast %get3A_678 : vector<1x16xf32> to vector<16xf32>
      %mul3A_680 = arith.mulf %get3A_48, %get3A_679 : vector<16xf32>
      %get3A_681 = arith.index_cast %scan3A_42 : i32 to index
      %get3A_682 = arith.constant 624 : index
      %get3A_683 = tpu.vector_load %arg13[%get3A_681, %get3A_682] {strides = array<i32>} : memref<32x1024xf32, #tpu.memory_space<vmem>>, vector<1x16xf32>,
      %get3A_684 = vector.shape_cast %get3A_683 : vector<1x16xf32> to vector<16xf32>
      %mul3A_685 = arith.mulf %get3A_52, %get3A_684 : vector<16xf32>
      %add3A_686 = arith.addf %mul3A_680, %mul3A_685 : vector<16xf32>
      %swap3A_687 = arith.index_cast %scan3A_42 : i32 to index
      %swap3A_688 = arith.constant 624 : index
      %swap3A_689 = tpu.vector_load %arg14[%swap3A_687, %swap3A_688] {strides = array<i32>} : memref<32x1024xf32, #tpu.memory_space<vmem>>, vector<1x16xf32>,
      %swap3A_690 = vector.shape_cast %swap3A_689 : vector<1x16xf32> to vector<16xf32>
      %swap3A_691 = vector.shape_cast %add3A_686 : vector<16xf32> to vector<1x16xf32>
      tpu.vector_store %arg14[%swap3A_687, %swap3A_688], %swap3A_691 {strides = array<i32>} : memref<32x1024xf32, #tpu.memory_space<vmem>>, vector<1x16xf32>,
      %get3A_692 = arith.index_cast %scan3A_42 : i32 to index
      %get3A_693 = arith.constant 640 : index
      %get3A_694 = tpu.vector_load %arg12[%get3A_692, %get3A_693] {strides = array<i32>} : memref<32x1024xf32, #tpu.memory_space<vmem>>, vector<1x16xf32>,
      %get3A_695 = vector.shape_cast %get3A_694 : vector<1x16xf32> to vector<16xf32>
      %mul3A_696 = arith.mulf %get3A_48, %get3A_695 : vector<16xf32>
      %get3A_697 = arith.index_cast %scan3A_42 : i32 to index
      %get3A_698 = arith.constant 640 : index
      %get3A_699 = tpu.vector_load %arg13[%get3A_697, %get3A_698] {strides = array<i32>} : memref<32x1024xf32, #tpu.memory_space<vmem>>, vector<1x16xf32>,
      %get3A_700 = vector.shape_cast %get3A_699 : vector<1x16xf32> to vector<16xf32>
      %mul3A_701 = arith.mulf %get3A_52, %get3A_700 : vector<16xf32>
      %add3A_702 = arith.addf %mul3A_696, %mul3A_701 : vector<16xf32>
      %swap3A_703 = arith.index_cast %scan3A_42 : i32 to index
      %swap3A_704 = arith.constant 640 : index
      %swap3A_705 = tpu.vector_load %arg14[%swap3A_703, %swap3A_704] {strides = array<i32>} : memref<32x1024xf32, #tpu.memory_space<vmem>>, vector<1x16xf32>,
      %swap3A_706 = vector.shape_cast %swap3A_705 : vector<1x16xf32> to vector<16xf32>
      %swap3A_707 = vector.shape_cast %add3A_702 : vector<16xf32> to vector<1x16xf32>
      tpu.vector_store %arg14[%swap3A_703, %swap3A_704], %swap3A_707 {strides = array<i32>} : memref<32x1024xf32, #tpu.memory_space<vmem>>, vector<1x16xf32>,
      %get3A_708 = arith.index_cast %scan3A_42 : i32 to index
      %get3A_709 = arith.constant 656 : index
      %get3A_710 = tpu.vector_load %arg12[%get3A_708, %get3A_709] {strides = array<i32>} : memref<32x1024xf32, #tpu.memory_space<vmem>>, vector<1x16xf32>,
      %get3A_711 = vector.shape_cast %get3A_710 : vector<1x16xf32> to vector<16xf32>
      %mul3A_712 = arith.mulf %get3A_48, %get3A_711 : vector<16xf32>
      %get3A_713 = arith.index_cast %scan3A_42 : i32 to index
      %get3A_714 = arith.constant 656 : index
      %get3A_715 = tpu.vector_load %arg13[%get3A_713, %get3A_714] {strides = array<i32>} : memref<32x1024xf32, #tpu.memory_space<vmem>>, vector<1x16xf32>,
      %get3A_716 = vector.shape_cast %get3A_715 : vector<1x16xf32> to vector<16xf32>
      %mul3A_717 = arith.mulf %get3A_52, %get3A_716 : vector<16xf32>
      %add3A_718 = arith.addf %mul3A_712, %mul3A_717 : vector<16xf32>
      %swap3A_719 = arith.index_cast %scan3A_42 : i32 to index
      %swap3A_720 = arith.constant 656 : index
      %swap3A_721 = tpu.vector_load %arg14[%swap3A_719, %swap3A_720] {strides = array<i32>} : memref<32x1024xf32, #tpu.memory_space<vmem>>, vector<1x16xf32>,
      %swap3A_722 = vector.shape_cast %swap3A_721 : vector<1x16xf32> to vector<16xf32>
      %swap3A_723 = vector.shape_cast %add3A_718 : vector<16xf32> to vector<1x16xf32>
      tpu.vector_store %arg14[%swap3A_719, %swap3A_720], %swap3A_723 {strides = array<i32>} : memref<32x1024xf32, #tpu.memory_space<vmem>>, vector<1x16xf32>,
      %get3A_724 = arith.index_cast %scan3A_42 : i32 to index
      %get3A_725 = arith.constant 672 : index
      %get3A_726 = tpu.vector_load %arg12[%get3A_724, %get3A_725] {strides = array<i32>} : memref<32x1024xf32, #tpu.memory_space<vmem>>, vector<1x16xf32>,
      %get3A_727 = vector.shape_cast %get3A_726 : vector<1x16xf32> to vector<16xf32>
      %mul3A_728 = arith.mulf %get3A_48, %get3A_727 : vector<16xf32>
      %get3A_729 = arith.index_cast %scan3A_42 : i32 to index
      %get3A_730 = arith.constant 672 : index
      %get3A_731 = tpu.vector_load %arg13[%get3A_729, %get3A_730] {strides = array<i32>} : memref<32x1024xf32, #tpu.memory_space<vmem>>, vector<1x16xf32>,
      %get3A_732 = vector.shape_cast %get3A_731 : vector<1x16xf32> to vector<16xf32>
      %mul3A_733 = arith.mulf %get3A_52, %get3A_732 : vector<16xf32>
      %add3A_734 = arith.addf %mul3A_728, %mul3A_733 : vector<16xf32>
      %swap3A_735 = arith.index_cast %scan3A_42 : i32 to index
      %swap3A_736 = arith.constant 672 : index
      %swap3A_737 = tpu.vector_load %arg14[%swap3A_735, %swap3A_736] {strides = array<i32>} : memref<32x1024xf32, #tpu.memory_space<vmem>>, vector<1x16xf32>,
      %swap3A_738 = vector.shape_cast %swap3A_737 : vector<1x16xf32> to vector<16xf32>
      %swap3A_739 = vector.shape_cast %add3A_734 : vector<16xf32> to vector<1x16xf32>
      tpu.vector_store %arg14[%swap3A_735, %swap3A_736], %swap3A_739 {strides = array<i32>} : memref<32x1024xf32, #tpu.memory_space<vmem>>, vector<1x16xf32>,
      %get3A_740 = arith.index_cast %scan3A_42 : i32 to index
      %get3A_741 = arith.constant 688 : index
      %get3A_742 = tpu.vector_load %arg12[%get3A_740, %get3A_741] {strides = array<i32>} : memref<32x1024xf32, #tpu.memory_space<vmem>>, vector<1x16xf32>,
      %get3A_743 = vector.shape_cast %get3A_742 : vector<1x16xf32> to vector<16xf32>
      %mul3A_744 = arith.mulf %get3A_48, %get3A_743 : vector<16xf32>
      %get3A_745 = arith.index_cast %scan3A_42 : i32 to index
      %get3A_746 = arith.constant 688 : index
      %get3A_747 = tpu.vector_load %arg13[%get3A_745, %get3A_746] {strides = array<i32>} : memref<32x1024xf32, #tpu.memory_space<vmem>>, vector<1x16xf32>,
      %get3A_748 = vector.shape_cast %get3A_747 : vector<1x16xf32> to vector<16xf32>
      %mul3A_749 = arith.mulf %get3A_52, %get3A_748 : vector<16xf32>
      %add3A_750 = arith.addf %mul3A_744, %mul3A_749 : vector<16xf32>
      %swap3A_751 = arith.index_cast %scan3A_42 : i32 to index
      %swap3A_752 = arith.constant 688 : index
      %swap3A_753 = tpu.vector_load %arg14[%swap3A_751, %swap3A_752] {strides = array<i32>} : memref<32x1024xf32, #tpu.memory_space<vmem>>, vector<1x16xf32>,
      %swap3A_754 = vector.shape_cast %swap3A_753 : vector<1x16xf32> to vector<16xf32>
      %swap3A_755 = vector.shape_cast %add3A_750 : vector<16xf32> to vector<1x16xf32>
      tpu.vector_store %arg14[%swap3A_751, %swap3A_752], %swap3A_755 {strides = array<i32>} : memref<32x1024xf32, #tpu.memory_space<vmem>>, vector<1x16xf32>,
      %get3A_756 = arith.index_cast %scan3A_42 : i32 to index
      %get3A_757 = arith.constant 704 : index
      %get3A_758 = tpu.vector_load %arg12[%get3A_756, %get3A_757] {strides = array<i32>} : memref<32x1024xf32, #tpu.memory_space<vmem>>, vector<1x16xf32>,
      %get3A_759 = vector.shape_cast %get3A_758 : vector<1x16xf32> to vector<16xf32>
      %mul3A_760 = arith.mulf %get3A_48, %get3A_759 : vector<16xf32>
      %get3A_761 = arith.index_cast %scan3A_42 : i32 to index
      %get3A_762 = arith.constant 704 : index
      %get3A_763 = tpu.vector_load %arg13[%get3A_761, %get3A_762] {strides = array<i32>} : memref<32x1024xf32, #tpu.memory_space<vmem>>, vector<1x16xf32>,
      %get3A_764 = vector.shape_cast %get3A_763 : vector<1x16xf32> to vector<16xf32>
      %mul3A_765 = arith.mulf %get3A_52, %get3A_764 : vector<16xf32>
      %add3A_766 = arith.addf %mul3A_760, %mul3A_765 : vector<16xf32>
      %swap3A_767 = arith.index_cast %scan3A_42 : i32 to index
      %swap3A_768 = arith.constant 704 : index
      %swap3A_769 = tpu.vector_load %arg14[%swap3A_767, %swap3A_768] {strides = array<i32>} : memref<32x1024xf32, #tpu.memory_space<vmem>>, vector<1x16xf32>,
      %swap3A_770 = vector.shape_cast %swap3A_769 : vector<1x16xf32> to vector<16xf32>
      %swap3A_771 = vector.shape_cast %add3A_766 : vector<16xf32> to vector<1x16xf32>
      tpu.vector_store %arg14[%swap3A_767, %swap3A_768], %swap3A_771 {strides = array<i32>} : memref<32x1024xf32, #tpu.memory_space<vmem>>, vector<1x16xf32>,
      %get3A_772 = arith.index_cast %scan3A_42 : i32 to index
      %get3A_773 = arith.constant 720 : index
      %get3A_774 = tpu.vector_load %arg12[%get3A_772, %get3A_773] {strides = array<i32>} : memref<32x1024xf32, #tpu.memory_space<vmem>>, vector<1x16xf32>,
      %get3A_775 = vector.shape_cast %get3A_774 : vector<1x16xf32> to vector<16xf32>
      %mul3A_776 = arith.mulf %get3A_48, %get3A_775 : vector<16xf32>
      %get3A_777 = arith.index_cast %scan3A_42 : i32 to index
      %get3A_778 = arith.constant 720 : index
      %get3A_779 = tpu.vector_load %arg13[%get3A_777, %get3A_778] {strides = array<i32>} : memref<32x1024xf32, #tpu.memory_space<vmem>>, vector<1x16xf32>,
      %get3A_780 = vector.shape_cast %get3A_779 : vector<1x16xf32> to vector<16xf32>
      %mul3A_781 = arith.mulf %get3A_52, %get3A_780 : vector<16xf32>
      %add3A_782 = arith.addf %mul3A_776, %mul3A_781 : vector<16xf32>
      %swap3A_783 = arith.index_cast %scan3A_42 : i32 to index
      %swap3A_784 = arith.constant 720 : index
      %swap3A_785 = tpu.vector_load %arg14[%swap3A_783, %swap3A_784] {strides = array<i32>} : memref<32x1024xf32, #tpu.memory_space<vmem>>, vector<1x16xf32>,
      %swap3A_786 = vector.shape_cast %swap3A_785 : vector<1x16xf32> to vector<16xf32>
      %swap3A_787 = vector.shape_cast %add3A_782 : vector<16xf32> to vector<1x16xf32>
      tpu.vector_store %arg14[%swap3A_783, %swap3A_784], %swap3A_787 {strides = array<i32>} : memref<32x1024xf32, #tpu.memory_space<vmem>>, vector<1x16xf32>,
      %get3A_788 = arith.index_cast %scan3A_42 : i32 to index
      %get3A_789 = arith.constant 736 : index
      %get3A_790 = tpu.vector_load %arg12[%get3A_788, %get3A_789] {strides = array<i32>} : memref<32x1024xf32, #tpu.memory_space<vmem>>, vector<1x16xf32>,
      %get3A_791 = vector.shape_cast %get3A_790 : vector<1x16xf32> to vector<16xf32>
      %mul3A_792 = arith.mulf %get3A_48, %get3A_791 : vector<16xf32>
      %get3A_793 = arith.index_cast %scan3A_42 : i32 to index
      %get3A_794 = arith.constant 736 : index
      %get3A_795 = tpu.vector_load %arg13[%get3A_793, %get3A_794] {strides = array<i32>} : memref<32x1024xf32, #tpu.memory_space<vmem>>, vector<1x16xf32>,
      %get3A_796 = vector.shape_cast %get3A_795 : vector<1x16xf32> to vector<16xf32>
      %mul3A_797 = arith.mulf %get3A_52, %get3A_796 : vector<16xf32>
      %add3A_798 = arith.addf %mul3A_792, %mul3A_797 : vector<16xf32>
      %swap3A_799 = arith.index_cast %scan3A_42 : i32 to index
      %swap3A_800 = arith.constant 736 : index
      %swap3A_801 = tpu.vector_load %arg14[%swap3A_799, %swap3A_800] {strides = array<i32>} : memref<32x1024xf32, #tpu.memory_space<vmem>>, vector<1x16xf32>,
      %swap3A_802 = vector.shape_cast %swap3A_801 : vector<1x16xf32> to vector<16xf32>
      %swap3A_803 = vector.shape_cast %add3A_798 : vector<16xf32> to vector<1x16xf32>
      tpu.vector_store %arg14[%swap3A_799, %swap3A_800], %swap3A_803 {strides = array<i32>} : memref<32x1024xf32, #tpu.memory_space<vmem>>, vector<1x16xf32>,
      %get3A_804 = arith.index_cast %scan3A_42 : i32 to index
      %get3A_805 = arith.constant 752 : index
      %get3A_806 = tpu.vector_load %arg12[%get3A_804, %get3A_805] {strides = array<i32>} : memref<32x1024xf32, #tpu.memory_space<vmem>>, vector<1x16xf32>,
      %get3A_807 = vector.shape_cast %get3A_806 : vector<1x16xf32> to vector<16xf32>
      %mul3A_808 = arith.mulf %get3A_48, %get3A_807 : vector<16xf32>
      %get3A_809 = arith.index_cast %scan3A_42 : i32 to index
      %get3A_810 = arith.constant 752 : index
      %get3A_811 = tpu.vector_load %arg13[%get3A_809, %get3A_810] {strides = array<i32>} : memref<32x1024xf32, #tpu.memory_space<vmem>>, vector<1x16xf32>,
      %get3A_812 = vector.shape_cast %get3A_811 : vector<1x16xf32> to vector<16xf32>
      %mul3A_813 = arith.mulf %get3A_52, %get3A_812 : vector<16xf32>
      %add3A_814 = arith.addf %mul3A_808, %mul3A_813 : vector<16xf32>
      %swap3A_815 = arith.index_cast %scan3A_42 : i32 to index
      %swap3A_816 = arith.constant 752 : index
      %swap3A_817 = tpu.vector_load %arg14[%swap3A_815, %swap3A_816] {strides = array<i32>} : memref<32x1024xf32, #tpu.memory_space<vmem>>, vector<1x16xf32>,
      %swap3A_818 = vector.shape_cast %swap3A_817 : vector<1x16xf32> to vector<16xf32>
      %swap3A_819 = vector.shape_cast %add3A_814 : vector<16xf32> to vector<1x16xf32>
      tpu.vector_store %arg14[%swap3A_815, %swap3A_816], %swap3A_819 {strides = array<i32>} : memref<32x1024xf32, #tpu.memory_space<vmem>>, vector<1x16xf32>,
      %get3A_820 = arith.index_cast %scan3A_42 : i32 to index
      %get3A_821 = arith.constant 768 : index
      %get3A_822 = tpu.vector_load %arg12[%get3A_820, %get3A_821] {strides = array<i32>} : memref<32x1024xf32, #tpu.memory_space<vmem>>, vector<1x16xf32>,
      %get3A_823 = vector.shape_cast %get3A_822 : vector<1x16xf32> to vector<16xf32>
      %mul3A_824 = arith.mulf %get3A_48, %get3A_823 : vector<16xf32>
      %get3A_825 = arith.index_cast %scan3A_42 : i32 to index
      %get3A_826 = arith.constant 768 : index
      %get3A_827 = tpu.vector_load %arg13[%get3A_825, %get3A_826] {strides = array<i32>} : memref<32x1024xf32, #tpu.memory_space<vmem>>, vector<1x16xf32>,
      %get3A_828 = vector.shape_cast %get3A_827 : vector<1x16xf32> to vector<16xf32>
      %mul3A_829 = arith.mulf %get3A_52, %get3A_828 : vector<16xf32>
      %add3A_830 = arith.addf %mul3A_824, %mul3A_829 : vector<16xf32>
      %swap3A_831 = arith.index_cast %scan3A_42 : i32 to index
      %swap3A_832 = arith.constant 768 : index
      %swap3A_833 = tpu.vector_load %arg14[%swap3A_831, %swap3A_832] {strides = array<i32>} : memref<32x1024xf32, #tpu.memory_space<vmem>>, vector<1x16xf32>,
      %swap3A_834 = vector.shape_cast %swap3A_833 : vector<1x16xf32> to vector<16xf32>
      %swap3A_835 = vector.shape_cast %add3A_830 : vector<16xf32> to vector<1x16xf32>
      tpu.vector_store %arg14[%swap3A_831, %swap3A_832], %swap3A_835 {strides = array<i32>} : memref<32x1024xf32, #tpu.memory_space<vmem>>, vector<1x16xf32>,
      %get3A_836 = arith.index_cast %scan3A_42 : i32 to index
      %get3A_837 = arith.constant 784 : index
      %get3A_838 = tpu.vector_load %arg12[%get3A_836, %get3A_837] {strides = array<i32>} : memref<32x1024xf32, #tpu.memory_space<vmem>>, vector<1x16xf32>,
      %get3A_839 = vector.shape_cast %get3A_838 : vector<1x16xf32> to vector<16xf32>
      %mul3A_840 = arith.mulf %get3A_48, %get3A_839 : vector<16xf32>
      %get3A_841 = arith.index_cast %scan3A_42 : i32 to index
      %get3A_842 = arith.constant 784 : index
      %get3A_843 = tpu.vector_load %arg13[%get3A_841, %get3A_842] {strides = array<i32>} : memref<32x1024xf32, #tpu.memory_space<vmem>>, vector<1x16xf32>,
      %get3A_844 = vector.shape_cast %get3A_843 : vector<1x16xf32> to vector<16xf32>
      %mul3A_845 = arith.mulf %get3A_52, %get3A_844 : vector<16xf32>
      %add3A_846 = arith.addf %mul3A_840, %mul3A_845 : vector<16xf32>
      %swap3A_847 = arith.index_cast %scan3A_42 : i32 to index
      %swap3A_848 = arith.constant 784 : index
      %swap3A_849 = tpu.vector_load %arg14[%swap3A_847, %swap3A_848] {strides = array<i32>} : memref<32x1024xf32, #tpu.memory_space<vmem>>, vector<1x16xf32>,
      %swap3A_850 = vector.shape_cast %swap3A_849 : vector<1x16xf32> to vector<16xf32>
      %swap3A_851 = vector.shape_cast %add3A_846 : vector<16xf32> to vector<1x16xf32>
      tpu.vector_store %arg14[%swap3A_847, %swap3A_848], %swap3A_851 {strides = array<i32>} : memref<32x1024xf32, #tpu.memory_space<vmem>>, vector<1x16xf32>,
      %get3A_852 = arith.index_cast %scan3A_42 : i32 to index
      %get3A_853 = arith.constant 800 : index
      %get3A_854 = tpu.vector_load %arg12[%get3A_852, %get3A_853] {strides = array<i32>} : memref<32x1024xf32, #tpu.memory_space<vmem>>, vector<1x16xf32>,
      %get3A_855 = vector.shape_cast %get3A_854 : vector<1x16xf32> to vector<16xf32>
      %mul3A_856 = arith.mulf %get3A_48, %get3A_855 : vector<16xf32>
      %get3A_857 = arith.index_cast %scan3A_42 : i32 to index
      %get3A_858 = arith.constant 800 : index
      %get3A_859 = tpu.vector_load %arg13[%get3A_857, %get3A_858] {strides = array<i32>} : memref<32x1024xf32, #tpu.memory_space<vmem>>, vector<1x16xf32>,
      %get3A_860 = vector.shape_cast %get3A_859 : vector<1x16xf32> to vector<16xf32>
      %mul3A_861 = arith.mulf %get3A_52, %get3A_860 : vector<16xf32>
      %add3A_862 = arith.addf %mul3A_856, %mul3A_861 : vector<16xf32>
      %swap3A_863 = arith.index_cast %scan3A_42 : i32 to index
      %swap3A_864 = arith.constant 800 : index
      %swap3A_865 = tpu.vector_load %arg14[%swap3A_863, %swap3A_864] {strides = array<i32>} : memref<32x1024xf32, #tpu.memory_space<vmem>>, vector<1x16xf32>,
      %swap3A_866 = vector.shape_cast %swap3A_865 : vector<1x16xf32> to vector<16xf32>
      %swap3A_867 = vector.shape_cast %add3A_862 : vector<16xf32> to vector<1x16xf32>
      tpu.vector_store %arg14[%swap3A_863, %swap3A_864], %swap3A_867 {strides = array<i32>} : memref<32x1024xf32, #tpu.memory_space<vmem>>, vector<1x16xf32>,
      %get3A_868 = arith.index_cast %scan3A_42 : i32 to index
      %get3A_869 = arith.constant 816 : index
      %get3A_870 = tpu.vector_load %arg12[%get3A_868, %get3A_869] {strides = array<i32>} : memref<32x1024xf32, #tpu.memory_space<vmem>>, vector<1x16xf32>,
      %get3A_871 = vector.shape_cast %get3A_870 : vector<1x16xf32> to vector<16xf32>
      %mul3A_872 = arith.mulf %get3A_48, %get3A_871 : vector<16xf32>
      %get3A_873 = arith.index_cast %scan3A_42 : i32 to index
      %get3A_874 = arith.constant 816 : index
      %get3A_875 = tpu.vector_load %arg13[%get3A_873, %get3A_874] {strides = array<i32>} : memref<32x1024xf32, #tpu.memory_space<vmem>>, vector<1x16xf32>,
      %get3A_876 = vector.shape_cast %get3A_875 : vector<1x16xf32> to vector<16xf32>
      %mul3A_877 = arith.mulf %get3A_52, %get3A_876 : vector<16xf32>
      %add3A_878 = arith.addf %mul3A_872, %mul3A_877 : vector<16xf32>
      %swap3A_879 = arith.index_cast %scan3A_42 : i32 to index
      %swap3A_880 = arith.constant 816 : index
      %swap3A_881 = tpu.vector_load %arg14[%swap3A_879, %swap3A_880] {strides = array<i32>} : memref<32x1024xf32, #tpu.memory_space<vmem>>, vector<1x16xf32>,
      %swap3A_882 = vector.shape_cast %swap3A_881 : vector<1x16xf32> to vector<16xf32>
      %swap3A_883 = vector.shape_cast %add3A_878 : vector<16xf32> to vector<1x16xf32>
      tpu.vector_store %arg14[%swap3A_879, %swap3A_880], %swap3A_883 {strides = array<i32>} : memref<32x1024xf32, #tpu.memory_space<vmem>>, vector<1x16xf32>,
      %get3A_884 = arith.index_cast %scan3A_42 : i32 to index
      %get3A_885 = arith.constant 832 : index
      %get3A_886 = tpu.vector_load %arg12[%get3A_884, %get3A_885] {strides = array<i32>} : memref<32x1024xf32, #tpu.memory_space<vmem>>, vector<1x16xf32>,
      %get3A_887 = vector.shape_cast %get3A_886 : vector<1x16xf32> to vector<16xf32>
      %mul3A_888 = arith.mulf %get3A_48, %get3A_887 : vector<16xf32>
      %get3A_889 = arith.index_cast %scan3A_42 : i32 to index
      %get3A_890 = arith.constant 832 : index
      %get3A_891 = tpu.vector_load %arg13[%get3A_889, %get3A_890] {strides = array<i32>} : memref<32x1024xf32, #tpu.memory_space<vmem>>, vector<1x16xf32>,
      %get3A_892 = vector.shape_cast %get3A_891 : vector<1x16xf32> to vector<16xf32>
      %mul3A_893 = arith.mulf %get3A_52, %get3A_892 : vector<16xf32>
      %add3A_894 = arith.addf %mul3A_888, %mul3A_893 : vector<16xf32>
      %swap3A_895 = arith.index_cast %scan3A_42 : i32 to index
      %swap3A_896 = arith.constant 832 : index
      %swap3A_897 = tpu.vector_load %arg14[%swap3A_895, %swap3A_896] {strides = array<i32>} : memref<32x1024xf32, #tpu.memory_space<vmem>>, vector<1x16xf32>,
      %swap3A_898 = vector.shape_cast %swap3A_897 : vector<1x16xf32> to vector<16xf32>
      %swap3A_899 = vector.shape_cast %add3A_894 : vector<16xf32> to vector<1x16xf32>
      tpu.vector_store %arg14[%swap3A_895, %swap3A_896], %swap3A_899 {strides = array<i32>} : memref<32x1024xf32, #tpu.memory_space<vmem>>, vector<1x16xf32>,
      %get3A_900 = arith.index_cast %scan3A_42 : i32 to index
      %get3A_901 = arith.constant 848 : index
      %get3A_902 = tpu.vector_load %arg12[%get3A_900, %get3A_901] {strides = array<i32>} : memref<32x1024xf32, #tpu.memory_space<vmem>>, vector<1x16xf32>,
      %get3A_903 = vector.shape_cast %get3A_902 : vector<1x16xf32> to vector<16xf32>
      %mul3A_904 = arith.mulf %get3A_48, %get3A_903 : vector<16xf32>
      %get3A_905 = arith.index_cast %scan3A_42 : i32 to index
      %get3A_906 = arith.constant 848 : index
      %get3A_907 = tpu.vector_load %arg13[%get3A_905, %get3A_906] {strides = array<i32>} : memref<32x1024xf32, #tpu.memory_space<vmem>>, vector<1x16xf32>,
      %get3A_908 = vector.shape_cast %get3A_907 : vector<1x16xf32> to vector<16xf32>
      %mul3A_909 = arith.mulf %get3A_52, %get3A_908 : vector<16xf32>
      %add3A_910 = arith.addf %mul3A_904, %mul3A_909 : vector<16xf32>
      %swap3A_911 = arith.index_cast %scan3A_42 : i32 to index
      %swap3A_912 = arith.constant 848 : index
      %swap3A_913 = tpu.vector_load %arg14[%swap3A_911, %swap3A_912] {strides = array<i32>} : memref<32x1024xf32, #tpu.memory_space<vmem>>, vector<1x16xf32>,
      %swap3A_914 = vector.shape_cast %swap3A_913 : vector<1x16xf32> to vector<16xf32>
      %swap3A_915 = vector.shape_cast %add3A_910 : vector<16xf32> to vector<1x16xf32>
      tpu.vector_store %arg14[%swap3A_911, %swap3A_912], %swap3A_915 {strides = array<i32>} : memref<32x1024xf32, #tpu.memory_space<vmem>>, vector<1x16xf32>,
      %get3A_916 = arith.index_cast %scan3A_42 : i32 to index
      %get3A_917 = arith.constant 864 : index
      %get3A_918 = tpu.vector_load %arg12[%get3A_916, %get3A_917] {strides = array<i32>} : memref<32x1024xf32, #tpu.memory_space<vmem>>, vector<1x16xf32>,
      %get3A_919 = vector.shape_cast %get3A_918 : vector<1x16xf32> to vector<16xf32>
      %mul3A_920 = arith.mulf %get3A_48, %get3A_919 : vector<16xf32>
      %get3A_921 = arith.index_cast %scan3A_42 : i32 to index
      %get3A_922 = arith.constant 864 : index
      %get3A_923 = tpu.vector_load %arg13[%get3A_921, %get3A_922] {strides = array<i32>} : memref<32x1024xf32, #tpu.memory_space<vmem>>, vector<1x16xf32>,
      %get3A_924 = vector.shape_cast %get3A_923 : vector<1x16xf32> to vector<16xf32>
      %mul3A_925 = arith.mulf %get3A_52, %get3A_924 : vector<16xf32>
      %add3A_926 = arith.addf %mul3A_920, %mul3A_925 : vector<16xf32>
      %swap3A_927 = arith.index_cast %scan3A_42 : i32 to index
      %swap3A_928 = arith.constant 864 : index
      %swap3A_929 = tpu.vector_load %arg14[%swap3A_927, %swap3A_928] {strides = array<i32>} : memref<32x1024xf32, #tpu.memory_space<vmem>>, vector<1x16xf32>,
      %swap3A_930 = vector.shape_cast %swap3A_929 : vector<1x16xf32> to vector<16xf32>
      %swap3A_931 = vector.shape_cast %add3A_926 : vector<16xf32> to vector<1x16xf32>
      tpu.vector_store %arg14[%swap3A_927, %swap3A_928], %swap3A_931 {strides = array<i32>} : memref<32x1024xf32, #tpu.memory_space<vmem>>, vector<1x16xf32>,
      %get3A_932 = arith.index_cast %scan3A_42 : i32 to index
      %get3A_933 = arith.constant 880 : index
      %get3A_934 = tpu.vector_load %arg12[%get3A_932, %get3A_933] {strides = array<i32>} : memref<32x1024xf32, #tpu.memory_space<vmem>>, vector<1x16xf32>,
      %get3A_935 = vector.shape_cast %get3A_934 : vector<1x16xf32> to vector<16xf32>
      %mul3A_936 = arith.mulf %get3A_48, %get3A_935 : vector<16xf32>
      %get3A_937 = arith.index_cast %scan3A_42 : i32 to index
      %get3A_938 = arith.constant 880 : index
      %get3A_939 = tpu.vector_load %arg13[%get3A_937, %get3A_938] {strides = array<i32>} : memref<32x1024xf32, #tpu.memory_space<vmem>>, vector<1x16xf32>,
      %get3A_940 = vector.shape_cast %get3A_939 : vector<1x16xf32> to vector<16xf32>
      %mul3A_941 = arith.mulf %get3A_52, %get3A_940 : vector<16xf32>
      %add3A_942 = arith.addf %mul3A_936, %mul3A_941 : vector<16xf32>
      %swap3A_943 = arith.index_cast %scan3A_42 : i32 to index
      %swap3A_944 = arith.constant 880 : index
      %swap3A_945 = tpu.vector_load %arg14[%swap3A_943, %swap3A_944] {strides = array<i32>} : memref<32x1024xf32, #tpu.memory_space<vmem>>, vector<1x16xf32>,
      %swap3A_946 = vector.shape_cast %swap3A_945 : vector<1x16xf32> to vector<16xf32>
      %swap3A_947 = vector.shape_cast %add3A_942 : vector<16xf32> to vector<1x16xf32>
      tpu.vector_store %arg14[%swap3A_943, %swap3A_944], %swap3A_947 {strides = array<i32>} : memref<32x1024xf32, #tpu.memory_space<vmem>>, vector<1x16xf32>,
      %get3A_948 = arith.index_cast %scan3A_42 : i32 to index
      %get3A_949 = arith.constant 896 : index
      %get3A_950 = tpu.vector_load %arg12[%get3A_948, %get3A_949] {strides = array<i32>} : memref<32x1024xf32, #tpu.memory_space<vmem>>, vector<1x16xf32>,
      %get3A_951 = vector.shape_cast %get3A_950 : vector<1x16xf32> to vector<16xf32>
      %mul3A_952 = arith.mulf %get3A_48, %get3A_951 : vector<16xf32>
      %get3A_953 = arith.index_cast %scan3A_42 : i32 to index
      %get3A_954 = arith.constant 896 : index
      %get3A_955 = tpu.vector_load %arg13[%get3A_953, %get3A_954] {strides = array<i32>} : memref<32x1024xf32, #tpu.memory_space<vmem>>, vector<1x16xf32>,
      %get3A_956 = vector.shape_cast %get3A_955 : vector<1x16xf32> to vector<16xf32>
      %mul3A_957 = arith.mulf %get3A_52, %get3A_956 : vector<16xf32>
      %add3A_958 = arith.addf %mul3A_952, %mul3A_957 : vector<16xf32>
      %swap3A_959 = arith.index_cast %scan3A_42 : i32 to index
      %swap3A_960 = arith.constant 896 : index
      %swap3A_961 = tpu.vector_load %arg14[%swap3A_959, %swap3A_960] {strides = array<i32>} : memref<32x1024xf32, #tpu.memory_space<vmem>>, vector<1x16xf32>,
      %swap3A_962 = vector.shape_cast %swap3A_961 : vector<1x16xf32> to vector<16xf32>
      %swap3A_963 = vector.shape_cast %add3A_958 : vector<16xf32> to vector<1x16xf32>
      tpu.vector_store %arg14[%swap3A_959, %swap3A_960], %swap3A_963 {strides = array<i32>} : memref<32x1024xf32, #tpu.memory_space<vmem>>, vector<1x16xf32>,
      %get3A_964 = arith.index_cast %scan3A_42 : i32 to index
      %get3A_965 = arith.constant 912 : index
      %get3A_966 = tpu.vector_load %arg12[%get3A_964, %get3A_965] {strides = array<i32>} : memref<32x1024xf32, #tpu.memory_space<vmem>>, vector<1x16xf32>,
      %get3A_967 = vector.shape_cast %get3A_966 : vector<1x16xf32> to vector<16xf32>
      %mul3A_968 = arith.mulf %get3A_48, %get3A_967 : vector<16xf32>
      %get3A_969 = arith.index_cast %scan3A_42 : i32 to index
      %get3A_970 = arith.constant 912 : index
      %get3A_971 = tpu.vector_load %arg13[%get3A_969, %get3A_970] {strides = array<i32>} : memref<32x1024xf32, #tpu.memory_space<vmem>>, vector<1x16xf32>,
      %get3A_972 = vector.shape_cast %get3A_971 : vector<1x16xf32> to vector<16xf32>
      %mul3A_973 = arith.mulf %get3A_52, %get3A_972 : vector<16xf32>
      %add3A_974 = arith.addf %mul3A_968, %mul3A_973 : vector<16xf32>
      %swap3A_975 = arith.index_cast %scan3A_42 : i32 to index
      %swap3A_976 = arith.constant 912 : index
      %swap3A_977 = tpu.vector_load %arg14[%swap3A_975, %swap3A_976] {strides = array<i32>} : memref<32x1024xf32, #tpu.memory_space<vmem>>, vector<1x16xf32>,
      %swap3A_978 = vector.shape_cast %swap3A_977 : vector<1x16xf32> to vector<16xf32>
      %swap3A_979 = vector.shape_cast %add3A_974 : vector<16xf32> to vector<1x16xf32>
      tpu.vector_store %arg14[%swap3A_975, %swap3A_976], %swap3A_979 {strides = array<i32>} : memref<32x1024xf32, #tpu.memory_space<vmem>>, vector<1x16xf32>,
      %get3A_980 = arith.index_cast %scan3A_42 : i32 to index
      %get3A_981 = arith.constant 928 : index
      %get3A_982 = tpu.vector_load %arg12[%get3A_980, %get3A_981] {strides = array<i32>} : memref<32x1024xf32, #tpu.memory_space<vmem>>, vector<1x16xf32>,
      %get3A_983 = vector.shape_cast %get3A_982 : vector<1x16xf32> to vector<16xf32>
      %mul3A_984 = arith.mulf %get3A_48, %get3A_983 : vector<16xf32>
      %get3A_985 = arith.index_cast %scan3A_42 : i32 to index
      %get3A_986 = arith.constant 928 : index
      %get3A_987 = tpu.vector_load %arg13[%get3A_985, %get3A_986] {strides = array<i32>} : memref<32x1024xf32, #tpu.memory_space<vmem>>, vector<1x16xf32>,
      %get3A_988 = vector.shape_cast %get3A_987 : vector<1x16xf32> to vector<16xf32>
      %mul3A_989 = arith.mulf %get3A_52, %get3A_988 : vector<16xf32>
      %add3A_990 = arith.addf %mul3A_984, %mul3A_989 : vector<16xf32>
      %swap3A_991 = arith.index_cast %scan3A_42 : i32 to index
      %swap3A_992 = arith.constant 928 : index
      %swap3A_993 = tpu.vector_load %arg14[%swap3A_991, %swap3A_992] {strides = array<i32>} : memref<32x1024xf32, #tpu.memory_space<vmem>>, vector<1x16xf32>,
      %swap3A_994 = vector.shape_cast %swap3A_993 : vector<1x16xf32> to vector<16xf32>
      %swap3A_995 = vector.shape_cast %add3A_990 : vector<16xf32> to vector<1x16xf32>
      tpu.vector_store %arg14[%swap3A_991, %swap3A_992], %swap3A_995 {strides = array<i32>} : memref<32x1024xf32, #tpu.memory_space<vmem>>, vector<1x16xf32>,
      %get3A_996 = arith.index_cast %scan3A_42 : i32 to index
      %get3A_997 = arith.constant 944 : index
      %get3A_998 = tpu.vector_load %arg12[%get3A_996, %get3A_997] {strides = array<i32>} : memref<32x1024xf32, #tpu.memory_space<vmem>>, vector<1x16xf32>,
      %get3A_999 = vector.shape_cast %get3A_998 : vector<1x16xf32> to vector<16xf32>
      %mul3A_1000 = arith.mulf %get3A_48, %get3A_999 : vector<16xf32>
      %get3A_1001 = arith.index_cast %scan3A_42 : i32 to index
      %get3A_1002 = arith.constant 944 : index
      %get3A_1003 = tpu.vector_load %arg13[%get3A_1001, %get3A_1002] {strides = array<i32>} : memref<32x1024xf32, #tpu.memory_space<vmem>>, vector<1x16xf32>,
      %get3A_1004 = vector.shape_cast %get3A_1003 : vector<1x16xf32> to vector<16xf32>
      %mul3A_1005 = arith.mulf %get3A_52, %get3A_1004 : vector<16xf32>
      %add3A_1006 = arith.addf %mul3A_1000, %mul3A_1005 : vector<16xf32>
      %swap3A_1007 = arith.index_cast %scan3A_42 : i32 to index
      %swap3A_1008 = arith.constant 944 : index
      %swap3A_1009 = tpu.vector_load %arg14[%swap3A_1007, %swap3A_1008] {strides = array<i32>} : memref<32x1024xf32, #tpu.memory_space<vmem>>, vector<1x16xf32>,
      %swap3A_1010 = vector.shape_cast %swap3A_1009 : vector<1x16xf32> to vector<16xf32>
      %swap3A_1011 = vector.shape_cast %add3A_1006 : vector<16xf32> to vector<1x16xf32>
      tpu.vector_store %arg14[%swap3A_1007, %swap3A_1008], %swap3A_1011 {strides = array<i32>} : memref<32x1024xf32, #tpu.memory_space<vmem>>, vector<1x16xf32>,
      %get3A_1012 = arith.index_cast %scan3A_42 : i32 to index
      %get3A_1013 = arith.constant 960 : index
      %get3A_1014 = tpu.vector_load %arg12[%get3A_1012, %get3A_1013] {strides = array<i32>} : memref<32x1024xf32, #tpu.memory_space<vmem>>, vector<1x16xf32>,
      %get3A_1015 = vector.shape_cast %get3A_1014 : vector<1x16xf32> to vector<16xf32>
      %mul3A_1016 = arith.mulf %get3A_48, %get3A_1015 : vector<16xf32>
      %get3A_1017 = arith.index_cast %scan3A_42 : i32 to index
      %get3A_1018 = arith.constant 960 : index
      %get3A_1019 = tpu.vector_load %arg13[%get3A_1017, %get3A_1018] {strides = array<i32>} : memref<32x1024xf32, #tpu.memory_space<vmem>>, vector<1x16xf32>,
      %get3A_1020 = vector.shape_cast %get3A_1019 : vector<1x16xf32> to vector<16xf32>
      %mul3A_1021 = arith.mulf %get3A_52, %get3A_1020 : vector<16xf32>
      %add3A_1022 = arith.addf %mul3A_1016, %mul3A_1021 : vector<16xf32>
      %swap3A_1023 = arith.index_cast %scan3A_42 : i32 to index
      %swap3A_1024 = arith.constant 960 : index
      %swap3A_1025 = tpu.vector_load %arg14[%swap3A_1023, %swap3A_1024] {strides = array<i32>} : memref<32x1024xf32, #tpu.memory_space<vmem>>, vector<1x16xf32>,
      %swap3A_1026 = vector.shape_cast %swap3A_1025 : vector<1x16xf32> to vector<16xf32>
      %swap3A_1027 = vector.shape_cast %add3A_1022 : vector<16xf32> to vector<1x16xf32>
      tpu.vector_store %arg14[%swap3A_1023, %swap3A_1024], %swap3A_1027 {strides = array<i32>} : memref<32x1024xf32, #tpu.memory_space<vmem>>, vector<1x16xf32>,
      %get3A_1028 = arith.index_cast %scan3A_42 : i32 to index
      %get3A_1029 = arith.constant 976 : index
      %get3A_1030 = tpu.vector_load %arg12[%get3A_1028, %get3A_1029] {strides = array<i32>} : memref<32x1024xf32, #tpu.memory_space<vmem>>, vector<1x16xf32>,
      %get3A_1031 = vector.shape_cast %get3A_1030 : vector<1x16xf32> to vector<16xf32>
      %mul3A_1032 = arith.mulf %get3A_48, %get3A_1031 : vector<16xf32>
      %get3A_1033 = arith.index_cast %scan3A_42 : i32 to index
      %get3A_1034 = arith.constant 976 : index
      %get3A_1035 = tpu.vector_load %arg13[%get3A_1033, %get3A_1034] {strides = array<i32>} : memref<32x1024xf32, #tpu.memory_space<vmem>>, vector<1x16xf32>,
      %get3A_1036 = vector.shape_cast %get3A_1035 : vector<1x16xf32> to vector<16xf32>
      %mul3A_1037 = arith.mulf %get3A_52, %get3A_1036 : vector<16xf32>
      %add3A_1038 = arith.addf %mul3A_1032, %mul3A_1037 : vector<16xf32>
      %swap3A_1039 = arith.index_cast %scan3A_42 : i32 to index
      %swap3A_1040 = arith.constant 976 : index
      %swap3A_1041 = tpu.vector_load %arg14[%swap3A_1039, %swap3A_1040] {strides = array<i32>} : memref<32x1024xf32, #tpu.memory_space<vmem>>, vector<1x16xf32>,
      %swap3A_1042 = vector.shape_cast %swap3A_1041 : vector<1x16xf32> to vector<16xf32>
      %swap3A_1043 = vector.shape_cast %add3A_1038 : vector<16xf32> to vector<1x16xf32>
      tpu.vector_store %arg14[%swap3A_1039, %swap3A_1040], %swap3A_1043 {strides = array<i32>} : memref<32x1024xf32, #tpu.memory_space<vmem>>, vector<1x16xf32>,
      %get3A_1044 = arith.index_cast %scan3A_42 : i32 to index
      %get3A_1045 = arith.constant 992 : index
      %get3A_1046 = tpu.vector_load %arg12[%get3A_1044, %get3A_1045] {strides = array<i32>} : memref<32x1024xf32, #tpu.memory_space<vmem>>, vector<1x16xf32>,
      %get3A_1047 = vector.shape_cast %get3A_1046 : vector<1x16xf32> to vector<16xf32>
      %mul3A_1048 = arith.mulf %get3A_48, %get3A_1047 : vector<16xf32>
      %get3A_1049 = arith.index_cast %scan3A_42 : i32 to index
      %get3A_1050 = arith.constant 992 : index
      %get3A_1051 = tpu.vector_load %arg13[%get3A_1049, %get3A_1050] {strides = array<i32>} : memref<32x1024xf32, #tpu.memory_space<vmem>>, vector<1x16xf32>,
      %get3A_1052 = vector.shape_cast %get3A_1051 : vector<1x16xf32> to vector<16xf32>
      %mul3A_1053 = arith.mulf %get3A_52, %get3A_1052 : vector<16xf32>
      %add3A_1054 = arith.addf %mul3A_1048, %mul3A_1053 : vector<16xf32>
      %swap3A_1055 = arith.index_cast %scan3A_42 : i32 to index
      %swap3A_1056 = arith.constant 992 : index
      %swap3A_1057 = tpu.vector_load %arg14[%swap3A_1055, %swap3A_1056] {strides = array<i32>} : memref<32x1024xf32, #tpu.memory_space<vmem>>, vector<1x16xf32>,
      %swap3A_1058 = vector.shape_cast %swap3A_1057 : vector<1x16xf32> to vector<16xf32>
      %swap3A_1059 = vector.shape_cast %add3A_1054 : vector<16xf32> to vector<1x16xf32>
      tpu.vector_store %arg14[%swap3A_1055, %swap3A_1056], %swap3A_1059 {strides = array<i32>} : memref<32x1024xf32, #tpu.memory_space<vmem>>, vector<1x16xf32>,
      %get3A_1060 = arith.index_cast %scan3A_42 : i32 to index
      %get3A_1061 = arith.constant 1008 : index
      %get3A_1062 = tpu.vector_load %arg12[%get3A_1060, %get3A_1061] {strides = array<i32>} : memref<32x1024xf32, #tpu.memory_space<vmem>>, vector<1x16xf32>,
      %get3A_1063 = vector.shape_cast %get3A_1062 : vector<1x16xf32> to vector<16xf32>
      %mul3A_1064 = arith.mulf %get3A_48, %get3A_1063 : vector<16xf32>
      %get3A_1065 = arith.index_cast %scan3A_42 : i32 to index
      %get3A_1066 = arith.constant 1008 : index
      %get3A_1067 = tpu.vector_load %arg13[%get3A_1065, %get3A_1066] {strides = array<i32>} : memref<32x1024xf32, #tpu.memory_space<vmem>>, vector<1x16xf32>,
      %get3A_1068 = vector.shape_cast %get3A_1067 : vector<1x16xf32> to vector<16xf32>
      %mul3A_1069 = arith.mulf %get3A_52, %get3A_1068 : vector<16xf32>
      %add3A_1070 = arith.addf %mul3A_1064, %mul3A_1069 : vector<16xf32>
      %swap3A_1071 = arith.index_cast %scan3A_42 : i32 to index
      %swap3A_1072 = arith.constant 1008 : index
      %swap3A_1073 = tpu.vector_load %arg14[%swap3A_1071, %swap3A_1072] {strides = array<i32>} : memref<32x1024xf32, #tpu.memory_space<vmem>>, vector<1x16xf32>,
      %swap3A_1074 = vector.shape_cast %swap3A_1073 : vector<1x16xf32> to vector<16xf32>
      %swap3A_1075 = vector.shape_cast %add3A_1070 : vector<16xf32> to vector<1x16xf32>
      tpu.vector_store %arg14[%swap3A_1071, %swap3A_1072], %swap3A_1075 {strides = array<i32>} : memref<32x1024xf32, #tpu.memory_space<vmem>>, vector<1x16xf32>,
      %scan3A_1076 = arith.constant 0 : i32
      scf.yield %scan3A_1076 : i32
    }
    %scan3A_18 = arith.constant 32 : i32
    %add3A_19 = arith.constant 0 : i32
    %add3A_20 = arith.addi %mul3A_2, %add3A_19 : i32
    "tpu.region"() ({
      %run_scoped3A = tpu.sem_alloc : memref<!tpu.dma_semaphore, #tpu.memory_space<semaphore_mem>>
      %dma_start3A_42 = arith.constant 0 : i32
      %dma_start3A_43 = tpu.memref_slice %arg7[%add3A_20, %dma_start3A_42] : memref<2048x1024xf32, #tpu.memory_space<hbm>> -> memref<32x1024xf32, #tpu.memory_space<hbm>>
      %dma_start3A_44 = arith.constant 0 : i32
      %dma_start3A_45 = tpu.memref_slice %arg7[%add3A_20, %dma_start3A_44] : memref<2048x1024xf32, #tpu.memory_space<hbm>> -> memref<32x1024xf32, #tpu.memory_space<hbm>>
      tpu.enqueue_dma source(%arg14 : memref<32x1024xf32, #tpu.memory_space<vmem>>) target(%dma_start3A_45 : memref<32x1024xf32, #tpu.memory_space<hbm>>) target_semaphore(%run_scoped3A : memref<!tpu.dma_semaphore, #tpu.memory_space<semaphore_mem>>)
      %dma_wait3A_46 = arith.constant 0 : i32
      %dma_wait3A_47 = tpu.memref_slice %arg7[%add3A_20, %dma_wait3A_46] : memref<2048x1024xf32, #tpu.memory_space<hbm>> -> memref<32x1024xf32, #tpu.memory_space<hbm>>
      %dma_wait3A_48 = arith.constant 0 : i32
      %dma_wait3A_49 = tpu.memref_slice %arg7[%add3A_20, %dma_wait3A_48] : memref<2048x1024xf32, #tpu.memory_space<hbm>> -> memref<32x1024xf32, #tpu.memory_space<hbm>>
      tpu.wait_dma2 semaphore(%run_scoped3A : memref<!tpu.dma_semaphore, #tpu.memory_space<semaphore_mem>>) src(%arg14 : memref<32x1024xf32, #tpu.memory_space<vmem>>) dst(%dma_wait3A_49 : memref<32x1024xf32, #tpu.memory_space<hbm>>)
      tpu.yield
    }) : () -> ()
    "tpu.region"() ({
      %run_scoped3A = tpu.sem_alloc : memref<!tpu.dma_semaphore, #tpu.memory_space<semaphore_mem>>
      %dma_start3A_42 = arith.constant 32 : i32
      %dma_start3A_43 = tpu.memref_slice %arg3[%add3A, %dma_start3A_42] : memref<32x64xi32, #tpu.memory_space<hbm>> -> memref<1x32xi32, #tpu.memory_space<hbm>>
      %dma_start3A_44 = tpu.memref_squeeze %dma_start3A_43 : memref<1x32xi32, #tpu.memory_space<hbm>> -> memref<32xi32, #tpu.memory_space<hbm>>
      %dma_start3A_45 = arith.constant 32 : i32
      %dma_start3A_46 = tpu.memref_slice %arg3[%add3A, %dma_start3A_45] : memref<32x64xi32, #tpu.memory_space<hbm>> -> memref<1x32xi32, #tpu.memory_space<hbm>>
      %dma_start3A_47 = tpu.memref_squeeze %dma_start3A_46 : memref<1x32xi32, #tpu.memory_space<hbm>> -> memref<32xi32, #tpu.memory_space<hbm>>
      tpu.enqueue_dma source(%dma_start3A_47 : memref<32xi32, #tpu.memory_space<hbm>>) target(%arg8 : memref<32xi32, #tpu.memory_space<vmem>>) target_semaphore(%run_scoped3A : memref<!tpu.dma_semaphore, #tpu.memory_space<semaphore_mem>>)
      %dma_wait3A_48 = arith.constant 32 : i32
      %dma_wait3A_49 = tpu.memref_slice %arg3[%add3A, %dma_wait3A_48] : memref<32x64xi32, #tpu.memory_space<hbm>> -> memref<1x32xi32, #tpu.memory_space<hbm>>
      %dma_wait3A_50 = tpu.memref_squeeze %dma_wait3A_49 : memref<1x32xi32, #tpu.memory_space<hbm>> -> memref<32xi32, #tpu.memory_space<hbm>>
      %dma_wait3A_51 = arith.constant 32 : i32
      %dma_wait3A_52 = tpu.memref_slice %arg3[%add3A, %dma_wait3A_51] : memref<32x64xi32, #tpu.memory_space<hbm>> -> memref<1x32xi32, #tpu.memory_space<hbm>>
      %dma_wait3A_53 = tpu.memref_squeeze %dma_wait3A_52 : memref<1x32xi32, #tpu.memory_space<hbm>> -> memref<32xi32, #tpu.memory_space<hbm>>
      tpu.wait_dma2 semaphore(%run_scoped3A : memref<!tpu.dma_semaphore, #tpu.memory_space<semaphore_mem>>) src(%dma_wait3A_53 : memref<32xi32, #tpu.memory_space<hbm>>) dst(%arg8 : memref<32xi32, #tpu.memory_space<vmem>>)
      tpu.yield
    }) : () -> ()
    "tpu.region"() ({
      %run_scoped3A = tpu.sem_alloc : memref<!tpu.dma_semaphore, #tpu.memory_space<semaphore_mem>>
      %dma_start3A_42 = arith.constant 32 : i32
      %dma_start3A_43 = tpu.memref_slice %arg4[%add3A, %dma_start3A_42] : memref<32x64xi32, #tpu.memory_space<hbm>> -> memref<1x32xi32, #tpu.memory_space<hbm>>
      %dma_start3A_44 = tpu.memref_squeeze %dma_start3A_43 : memref<1x32xi32, #tpu.memory_space<hbm>> -> memref<32xi32, #tpu.memory_space<hbm>>
      %dma_start3A_45 = arith.constant 32 : i32
      %dma_start3A_46 = tpu.memref_slice %arg4[%add3A, %dma_start3A_45] : memref<32x64xi32, #tpu.memory_space<hbm>> -> memref<1x32xi32, #tpu.memory_space<hbm>>
      %dma_start3A_47 = tpu.memref_squeeze %dma_start3A_46 : memref<1x32xi32, #tpu.memory_space<hbm>> -> memref<32xi32, #tpu.memory_space<hbm>>
      tpu.enqueue_dma source(%dma_start3A_47 : memref<32xi32, #tpu.memory_space<hbm>>) target(%arg9 : memref<32xi32, #tpu.memory_space<vmem>>) target_semaphore(%run_scoped3A : memref<!tpu.dma_semaphore, #tpu.memory_space<semaphore_mem>>)
      %dma_wait3A_48 = arith.constant 32 : i32
      %dma_wait3A_49 = tpu.memref_slice %arg4[%add3A, %dma_wait3A_48] : memref<32x64xi32, #tpu.memory_space<hbm>> -> memref<1x32xi32, #tpu.memory_space<hbm>>
      %dma_wait3A_50 = tpu.memref_squeeze %dma_wait3A_49 : memref<1x32xi32, #tpu.memory_space<hbm>> -> memref<32xi32, #tpu.memory_space<hbm>>
      %dma_wait3A_51 = arith.constant 32 : i32
      %dma_wait3A_52 = tpu.memref_slice %arg4[%add3A, %dma_wait3A_51] : memref<32x64xi32, #tpu.memory_space<hbm>> -> memref<1x32xi32, #tpu.memory_space<hbm>>
      %dma_wait3A_53 = tpu.memref_squeeze %dma_wait3A_52 : memref<1x32xi32, #tpu.memory_space<hbm>> -> memref<32xi32, #tpu.memory_space<hbm>>
      tpu.wait_dma2 semaphore(%run_scoped3A : memref<!tpu.dma_semaphore, #tpu.memory_space<semaphore_mem>>) src(%dma_wait3A_53 : memref<32xi32, #tpu.memory_space<hbm>>) dst(%arg9 : memref<32xi32, #tpu.memory_space<vmem>>)
      tpu.yield
    }) : () -> ()
    %dma_start3A_21 = arith.constant 0 : i32
    %dma_start3A_22 = arith.constant 0 : i32
    %dma_start3A_23 = tpu.memref_slice %arg2[%dma_start3A_21, %dma_start3A_22] : memref<6144x1024xf32, #tpu.memory_space<hbm>> -> memref<6144x1024xf32, #tpu.memory_space<hbm>>
    tpu.enqueue_indirect_dma source(%dma_start3A_23 : memref<6144x1024xf32, #tpu.memory_space<hbm>>) target(%arg12 : memref<32x1024xf32, #tpu.memory_space<vmem>>) offsets(%arg8 : memref<32xi32, #tpu.memory_space<vmem>>) semaphore(%arg15 : memref<!tpu.dma_semaphore, #tpu.memory_space<semaphore_mem>>)
    %dma_start3A_24 = arith.constant 0 : i32
    %dma_start3A_25 = arith.constant 0 : i32
    %dma_start3A_26 = tpu.memref_slice %arg2[%dma_start3A_24, %dma_start3A_25] : memref<6144x1024xf32, #tpu.memory_space<hbm>> -> memref<6144x1024xf32, #tpu.memory_space<hbm>>
    tpu.enqueue_indirect_dma source(%dma_start3A_26 : memref<6144x1024xf32, #tpu.memory_space<hbm>>) target(%arg13 : memref<32x1024xf32, #tpu.memory_space<vmem>>) offsets(%arg9 : memref<32xi32, #tpu.memory_space<vmem>>) semaphore(%arg16 : memref<!tpu.dma_semaphore, #tpu.memory_space<semaphore_mem>>)
    %dma_wait3A_27 = arith.constant 0 : i32
    %dma_wait3A_28 = arith.constant 0 : i32
    %dma_wait3A_29 = tpu.memref_slice %arg2[%dma_wait3A_27, %dma_wait3A_28] : memref<6144x1024xf32, #tpu.memory_space<hbm>> -> memref<6144x1024xf32, #tpu.memory_space<hbm>>
    tpu.wait_indirect_dma semaphore(%arg15 : memref<!tpu.dma_semaphore, #tpu.memory_space<semaphore_mem>>) src(%dma_wait3A_29 : memref<6144x1024xf32, #tpu.memory_space<hbm>>) dst(%arg12 : memref<32x1024xf32, #tpu.memory_space<vmem>>)
    %dma_wait3A_30 = arith.constant 0 : i32
    %dma_wait3A_31 = arith.constant 0 : i32
    %dma_wait3A_32 = tpu.memref_slice %arg2[%dma_wait3A_30, %dma_wait3A_31] : memref<6144x1024xf32, #tpu.memory_space<hbm>> -> memref<6144x1024xf32, #tpu.memory_space<hbm>>
    tpu.wait_indirect_dma semaphore(%arg16 : memref<!tpu.dma_semaphore, #tpu.memory_space<semaphore_mem>>) src(%dma_wait3A_32 : memref<6144x1024xf32, #tpu.memory_space<hbm>>) dst(%arg13 : memref<32x1024xf32, #tpu.memory_space<vmem>>)
    %scan3A_33 = arith.constant 0 : i32
    %scan3A_34 = arith.constant 0 : i32
    %scan3A_35 = arith.constant 32 : i32
    %scan3A_36 = arith.addi %scan3A_34, %scan3A_35 : i32
    %scan3A_37 = arith.constant 1 : i32
    %scan3A_38 = scf.for %scan3A_42 = %scan3A_34 to %scan3A_36 step %scan3A_37 iter_args(%scan3A_43 = %scan3A_33) -> (i32)  : i32 {
      %add3A_44 = arith.constant 32 : i32
      %add3A_45 = arith.addi %add3A_44, %scan3A_42 : i32
      %get3A = arith.index_cast %add3A_45 : i32 to index
      %get3A_46 = arith.constant 0 : index
      %get3A_47 = tpu.vector_load %arg10[%get3A, %get3A_46] {strides = array<i32>} : memref<64x16xf32, #tpu.memory_space<vmem>>, vector<1x16xf32>,
      %get3A_48 = vector.shape_cast %get3A_47 : vector<1x16xf32> to vector<16xf32>
      %get3A_49 = arith.index_cast %add3A_45 : i32 to index
      %get3A_50 = arith.constant 0 : index
      %get3A_51 = tpu.vector_load %arg11[%get3A_49, %get3A_50] {strides = array<i32>} : memref<64x16xf32, #tpu.memory_space<vmem>>, vector<1x16xf32>,
      %get3A_52 = vector.shape_cast %get3A_51 : vector<1x16xf32> to vector<16xf32>
      %get3A_53 = arith.index_cast %scan3A_42 : i32 to index
      %get3A_54 = arith.constant 0 : index
      %get3A_55 = tpu.vector_load %arg12[%get3A_53, %get3A_54] {strides = array<i32>} : memref<32x1024xf32, #tpu.memory_space<vmem>>, vector<1x16xf32>,
      %get3A_56 = vector.shape_cast %get3A_55 : vector<1x16xf32> to vector<16xf32>
      %mul3A_57 = arith.mulf %get3A_48, %get3A_56 : vector<16xf32>
      %get3A_58 = arith.index_cast %scan3A_42 : i32 to index
      %get3A_59 = arith.constant 0 : index
      %get3A_60 = tpu.vector_load %arg13[%get3A_58, %get3A_59] {strides = array<i32>} : memref<32x1024xf32, #tpu.memory_space<vmem>>, vector<1x16xf32>,
      %get3A_61 = vector.shape_cast %get3A_60 : vector<1x16xf32> to vector<16xf32>
      %mul3A_62 = arith.mulf %get3A_52, %get3A_61 : vector<16xf32>
      %add3A_63 = arith.addf %mul3A_57, %mul3A_62 : vector<16xf32>
      %swap3A = arith.index_cast %scan3A_42 : i32 to index
      %swap3A_64 = arith.constant 0 : index
      %swap3A_65 = tpu.vector_load %arg14[%swap3A, %swap3A_64] {strides = array<i32>} : memref<32x1024xf32, #tpu.memory_space<vmem>>, vector<1x16xf32>,
      %swap3A_66 = vector.shape_cast %swap3A_65 : vector<1x16xf32> to vector<16xf32>
      %swap3A_67 = vector.shape_cast %add3A_63 : vector<16xf32> to vector<1x16xf32>
      tpu.vector_store %arg14[%swap3A, %swap3A_64], %swap3A_67 {strides = array<i32>} : memref<32x1024xf32, #tpu.memory_space<vmem>>, vector<1x16xf32>,
      %get3A_68 = arith.index_cast %scan3A_42 : i32 to index
      %get3A_69 = arith.constant 16 : index
      %get3A_70 = tpu.vector_load %arg12[%get3A_68, %get3A_69] {strides = array<i32>} : memref<32x1024xf32, #tpu.memory_space<vmem>>, vector<1x16xf32>,
      %get3A_71 = vector.shape_cast %get3A_70 : vector<1x16xf32> to vector<16xf32>
      %mul3A_72 = arith.mulf %get3A_48, %get3A_71 : vector<16xf32>
      %get3A_73 = arith.index_cast %scan3A_42 : i32 to index
      %get3A_74 = arith.constant 16 : index
      %get3A_75 = tpu.vector_load %arg13[%get3A_73, %get3A_74] {strides = array<i32>} : memref<32x1024xf32, #tpu.memory_space<vmem>>, vector<1x16xf32>,
      %get3A_76 = vector.shape_cast %get3A_75 : vector<1x16xf32> to vector<16xf32>
      %mul3A_77 = arith.mulf %get3A_52, %get3A_76 : vector<16xf32>
      %add3A_78 = arith.addf %mul3A_72, %mul3A_77 : vector<16xf32>
      %swap3A_79 = arith.index_cast %scan3A_42 : i32 to index
      %swap3A_80 = arith.constant 16 : index
      %swap3A_81 = tpu.vector_load %arg14[%swap3A_79, %swap3A_80] {strides = array<i32>} : memref<32x1024xf32, #tpu.memory_space<vmem>>, vector<1x16xf32>,
      %swap3A_82 = vector.shape_cast %swap3A_81 : vector<1x16xf32> to vector<16xf32>
      %swap3A_83 = vector.shape_cast %add3A_78 : vector<16xf32> to vector<1x16xf32>
      tpu.vector_store %arg14[%swap3A_79, %swap3A_80], %swap3A_83 {strides = array<i32>} : memref<32x1024xf32, #tpu.memory_space<vmem>>, vector<1x16xf32>,
      %get3A_84 = arith.index_cast %scan3A_42 : i32 to index
      %get3A_85 = arith.constant 32 : index
      %get3A_86 = tpu.vector_load %arg12[%get3A_84, %get3A_85] {strides = array<i32>} : memref<32x1024xf32, #tpu.memory_space<vmem>>, vector<1x16xf32>,
      %get3A_87 = vector.shape_cast %get3A_86 : vector<1x16xf32> to vector<16xf32>
      %mul3A_88 = arith.mulf %get3A_48, %get3A_87 : vector<16xf32>
      %get3A_89 = arith.index_cast %scan3A_42 : i32 to index
      %get3A_90 = arith.constant 32 : index
      %get3A_91 = tpu.vector_load %arg13[%get3A_89, %get3A_90] {strides = array<i32>} : memref<32x1024xf32, #tpu.memory_space<vmem>>, vector<1x16xf32>,
      %get3A_92 = vector.shape_cast %get3A_91 : vector<1x16xf32> to vector<16xf32>
      %mul3A_93 = arith.mulf %get3A_52, %get3A_92 : vector<16xf32>
      %add3A_94 = arith.addf %mul3A_88, %mul3A_93 : vector<16xf32>
      %swap3A_95 = arith.index_cast %scan3A_42 : i32 to index
      %swap3A_96 = arith.constant 32 : index
      %swap3A_97 = tpu.vector_load %arg14[%swap3A_95, %swap3A_96] {strides = array<i32>} : memref<32x1024xf32, #tpu.memory_space<vmem>>, vector<1x16xf32>,
      %swap3A_98 = vector.shape_cast %swap3A_97 : vector<1x16xf32> to vector<16xf32>
      %swap3A_99 = vector.shape_cast %add3A_94 : vector<16xf32> to vector<1x16xf32>
      tpu.vector_store %arg14[%swap3A_95, %swap3A_96], %swap3A_99 {strides = array<i32>} : memref<32x1024xf32, #tpu.memory_space<vmem>>, vector<1x16xf32>,
      %get3A_100 = arith.index_cast %scan3A_42 : i32 to index
      %get3A_101 = arith.constant 48 : index
      %get3A_102 = tpu.vector_load %arg12[%get3A_100, %get3A_101] {strides = array<i32>} : memref<32x1024xf32, #tpu.memory_space<vmem>>, vector<1x16xf32>,
      %get3A_103 = vector.shape_cast %get3A_102 : vector<1x16xf32> to vector<16xf32>
      %mul3A_104 = arith.mulf %get3A_48, %get3A_103 : vector<16xf32>
      %get3A_105 = arith.index_cast %scan3A_42 : i32 to index
      %get3A_106 = arith.constant 48 : index
      %get3A_107 = tpu.vector_load %arg13[%get3A_105, %get3A_106] {strides = array<i32>} : memref<32x1024xf32, #tpu.memory_space<vmem>>, vector<1x16xf32>,
      %get3A_108 = vector.shape_cast %get3A_107 : vector<1x16xf32> to vector<16xf32>
      %mul3A_109 = arith.mulf %get3A_52, %get3A_108 : vector<16xf32>
      %add3A_110 = arith.addf %mul3A_104, %mul3A_109 : vector<16xf32>
      %swap3A_111 = arith.index_cast %scan3A_42 : i32 to index
      %swap3A_112 = arith.constant 48 : index
      %swap3A_113 = tpu.vector_load %arg14[%swap3A_111, %swap3A_112] {strides = array<i32>} : memref<32x1024xf32, #tpu.memory_space<vmem>>, vector<1x16xf32>,
      %swap3A_114 = vector.shape_cast %swap3A_113 : vector<1x16xf32> to vector<16xf32>
      %swap3A_115 = vector.shape_cast %add3A_110 : vector<16xf32> to vector<1x16xf32>
      tpu.vector_store %arg14[%swap3A_111, %swap3A_112], %swap3A_115 {strides = array<i32>} : memref<32x1024xf32, #tpu.memory_space<vmem>>, vector<1x16xf32>,
      %get3A_116 = arith.index_cast %scan3A_42 : i32 to index
      %get3A_117 = arith.constant 64 : index
      %get3A_118 = tpu.vector_load %arg12[%get3A_116, %get3A_117] {strides = array<i32>} : memref<32x1024xf32, #tpu.memory_space<vmem>>, vector<1x16xf32>,
      %get3A_119 = vector.shape_cast %get3A_118 : vector<1x16xf32> to vector<16xf32>
      %mul3A_120 = arith.mulf %get3A_48, %get3A_119 : vector<16xf32>
      %get3A_121 = arith.index_cast %scan3A_42 : i32 to index
      %get3A_122 = arith.constant 64 : index
      %get3A_123 = tpu.vector_load %arg13[%get3A_121, %get3A_122] {strides = array<i32>} : memref<32x1024xf32, #tpu.memory_space<vmem>>, vector<1x16xf32>,
      %get3A_124 = vector.shape_cast %get3A_123 : vector<1x16xf32> to vector<16xf32>
      %mul3A_125 = arith.mulf %get3A_52, %get3A_124 : vector<16xf32>
      %add3A_126 = arith.addf %mul3A_120, %mul3A_125 : vector<16xf32>
      %swap3A_127 = arith.index_cast %scan3A_42 : i32 to index
      %swap3A_128 = arith.constant 64 : index
      %swap3A_129 = tpu.vector_load %arg14[%swap3A_127, %swap3A_128] {strides = array<i32>} : memref<32x1024xf32, #tpu.memory_space<vmem>>, vector<1x16xf32>,
      %swap3A_130 = vector.shape_cast %swap3A_129 : vector<1x16xf32> to vector<16xf32>
      %swap3A_131 = vector.shape_cast %add3A_126 : vector<16xf32> to vector<1x16xf32>
      tpu.vector_store %arg14[%swap3A_127, %swap3A_128], %swap3A_131 {strides = array<i32>} : memref<32x1024xf32, #tpu.memory_space<vmem>>, vector<1x16xf32>,
      %get3A_132 = arith.index_cast %scan3A_42 : i32 to index
      %get3A_133 = arith.constant 80 : index
      %get3A_134 = tpu.vector_load %arg12[%get3A_132, %get3A_133] {strides = array<i32>} : memref<32x1024xf32, #tpu.memory_space<vmem>>, vector<1x16xf32>,
      %get3A_135 = vector.shape_cast %get3A_134 : vector<1x16xf32> to vector<16xf32>
      %mul3A_136 = arith.mulf %get3A_48, %get3A_135 : vector<16xf32>
      %get3A_137 = arith.index_cast %scan3A_42 : i32 to index
      %get3A_138 = arith.constant 80 : index
      %get3A_139 = tpu.vector_load %arg13[%get3A_137, %get3A_138] {strides = array<i32>} : memref<32x1024xf32, #tpu.memory_space<vmem>>, vector<1x16xf32>,
      %get3A_140 = vector.shape_cast %get3A_139 : vector<1x16xf32> to vector<16xf32>
      %mul3A_141 = arith.mulf %get3A_52, %get3A_140 : vector<16xf32>
      %add3A_142 = arith.addf %mul3A_136, %mul3A_141 : vector<16xf32>
      %swap3A_143 = arith.index_cast %scan3A_42 : i32 to index
      %swap3A_144 = arith.constant 80 : index
      %swap3A_145 = tpu.vector_load %arg14[%swap3A_143, %swap3A_144] {strides = array<i32>} : memref<32x1024xf32, #tpu.memory_space<vmem>>, vector<1x16xf32>,
      %swap3A_146 = vector.shape_cast %swap3A_145 : vector<1x16xf32> to vector<16xf32>
      %swap3A_147 = vector.shape_cast %add3A_142 : vector<16xf32> to vector<1x16xf32>
      tpu.vector_store %arg14[%swap3A_143, %swap3A_144], %swap3A_147 {strides = array<i32>} : memref<32x1024xf32, #tpu.memory_space<vmem>>, vector<1x16xf32>,
      %get3A_148 = arith.index_cast %scan3A_42 : i32 to index
      %get3A_149 = arith.constant 96 : index
      %get3A_150 = tpu.vector_load %arg12[%get3A_148, %get3A_149] {strides = array<i32>} : memref<32x1024xf32, #tpu.memory_space<vmem>>, vector<1x16xf32>,
      %get3A_151 = vector.shape_cast %get3A_150 : vector<1x16xf32> to vector<16xf32>
      %mul3A_152 = arith.mulf %get3A_48, %get3A_151 : vector<16xf32>
      %get3A_153 = arith.index_cast %scan3A_42 : i32 to index
      %get3A_154 = arith.constant 96 : index
      %get3A_155 = tpu.vector_load %arg13[%get3A_153, %get3A_154] {strides = array<i32>} : memref<32x1024xf32, #tpu.memory_space<vmem>>, vector<1x16xf32>,
      %get3A_156 = vector.shape_cast %get3A_155 : vector<1x16xf32> to vector<16xf32>
      %mul3A_157 = arith.mulf %get3A_52, %get3A_156 : vector<16xf32>
      %add3A_158 = arith.addf %mul3A_152, %mul3A_157 : vector<16xf32>
      %swap3A_159 = arith.index_cast %scan3A_42 : i32 to index
      %swap3A_160 = arith.constant 96 : index
      %swap3A_161 = tpu.vector_load %arg14[%swap3A_159, %swap3A_160] {strides = array<i32>} : memref<32x1024xf32, #tpu.memory_space<vmem>>, vector<1x16xf32>,
      %swap3A_162 = vector.shape_cast %swap3A_161 : vector<1x16xf32> to vector<16xf32>
      %swap3A_163 = vector.shape_cast %add3A_158 : vector<16xf32> to vector<1x16xf32>
      tpu.vector_store %arg14[%swap3A_159, %swap3A_160], %swap3A_163 {strides = array<i32>} : memref<32x1024xf32, #tpu.memory_space<vmem>>, vector<1x16xf32>,
      %get3A_164 = arith.index_cast %scan3A_42 : i32 to index
      %get3A_165 = arith.constant 112 : index
      %get3A_166 = tpu.vector_load %arg12[%get3A_164, %get3A_165] {strides = array<i32>} : memref<32x1024xf32, #tpu.memory_space<vmem>>, vector<1x16xf32>,
      %get3A_167 = vector.shape_cast %get3A_166 : vector<1x16xf32> to vector<16xf32>
      %mul3A_168 = arith.mulf %get3A_48, %get3A_167 : vector<16xf32>
      %get3A_169 = arith.index_cast %scan3A_42 : i32 to index
      %get3A_170 = arith.constant 112 : index
      %get3A_171 = tpu.vector_load %arg13[%get3A_169, %get3A_170] {strides = array<i32>} : memref<32x1024xf32, #tpu.memory_space<vmem>>, vector<1x16xf32>,
      %get3A_172 = vector.shape_cast %get3A_171 : vector<1x16xf32> to vector<16xf32>
      %mul3A_173 = arith.mulf %get3A_52, %get3A_172 : vector<16xf32>
      %add3A_174 = arith.addf %mul3A_168, %mul3A_173 : vector<16xf32>
      %swap3A_175 = arith.index_cast %scan3A_42 : i32 to index
      %swap3A_176 = arith.constant 112 : index
      %swap3A_177 = tpu.vector_load %arg14[%swap3A_175, %swap3A_176] {strides = array<i32>} : memref<32x1024xf32, #tpu.memory_space<vmem>>, vector<1x16xf32>,
      %swap3A_178 = vector.shape_cast %swap3A_177 : vector<1x16xf32> to vector<16xf32>
      %swap3A_179 = vector.shape_cast %add3A_174 : vector<16xf32> to vector<1x16xf32>
      tpu.vector_store %arg14[%swap3A_175, %swap3A_176], %swap3A_179 {strides = array<i32>} : memref<32x1024xf32, #tpu.memory_space<vmem>>, vector<1x16xf32>,
      %get3A_180 = arith.index_cast %scan3A_42 : i32 to index
      %get3A_181 = arith.constant 128 : index
      %get3A_182 = tpu.vector_load %arg12[%get3A_180, %get3A_181] {strides = array<i32>} : memref<32x1024xf32, #tpu.memory_space<vmem>>, vector<1x16xf32>,
      %get3A_183 = vector.shape_cast %get3A_182 : vector<1x16xf32> to vector<16xf32>
      %mul3A_184 = arith.mulf %get3A_48, %get3A_183 : vector<16xf32>
      %get3A_185 = arith.index_cast %scan3A_42 : i32 to index
      %get3A_186 = arith.constant 128 : index
      %get3A_187 = tpu.vector_load %arg13[%get3A_185, %get3A_186] {strides = array<i32>} : memref<32x1024xf32, #tpu.memory_space<vmem>>, vector<1x16xf32>,
      %get3A_188 = vector.shape_cast %get3A_187 : vector<1x16xf32> to vector<16xf32>
      %mul3A_189 = arith.mulf %get3A_52, %get3A_188 : vector<16xf32>
      %add3A_190 = arith.addf %mul3A_184, %mul3A_189 : vector<16xf32>
      %swap3A_191 = arith.index_cast %scan3A_42 : i32 to index
      %swap3A_192 = arith.constant 128 : index
      %swap3A_193 = tpu.vector_load %arg14[%swap3A_191, %swap3A_192] {strides = array<i32>} : memref<32x1024xf32, #tpu.memory_space<vmem>>, vector<1x16xf32>,
      %swap3A_194 = vector.shape_cast %swap3A_193 : vector<1x16xf32> to vector<16xf32>
      %swap3A_195 = vector.shape_cast %add3A_190 : vector<16xf32> to vector<1x16xf32>
      tpu.vector_store %arg14[%swap3A_191, %swap3A_192], %swap3A_195 {strides = array<i32>} : memref<32x1024xf32, #tpu.memory_space<vmem>>, vector<1x16xf32>,
      %get3A_196 = arith.index_cast %scan3A_42 : i32 to index
      %get3A_197 = arith.constant 144 : index
      %get3A_198 = tpu.vector_load %arg12[%get3A_196, %get3A_197] {strides = array<i32>} : memref<32x1024xf32, #tpu.memory_space<vmem>>, vector<1x16xf32>,
      %get3A_199 = vector.shape_cast %get3A_198 : vector<1x16xf32> to vector<16xf32>
      %mul3A_200 = arith.mulf %get3A_48, %get3A_199 : vector<16xf32>
      %get3A_201 = arith.index_cast %scan3A_42 : i32 to index
      %get3A_202 = arith.constant 144 : index
      %get3A_203 = tpu.vector_load %arg13[%get3A_201, %get3A_202] {strides = array<i32>} : memref<32x1024xf32, #tpu.memory_space<vmem>>, vector<1x16xf32>,
      %get3A_204 = vector.shape_cast %get3A_203 : vector<1x16xf32> to vector<16xf32>
      %mul3A_205 = arith.mulf %get3A_52, %get3A_204 : vector<16xf32>
      %add3A_206 = arith.addf %mul3A_200, %mul3A_205 : vector<16xf32>
      %swap3A_207 = arith.index_cast %scan3A_42 : i32 to index
      %swap3A_208 = arith.constant 144 : index
      %swap3A_209 = tpu.vector_load %arg14[%swap3A_207, %swap3A_208] {strides = array<i32>} : memref<32x1024xf32, #tpu.memory_space<vmem>>, vector<1x16xf32>,
      %swap3A_210 = vector.shape_cast %swap3A_209 : vector<1x16xf32> to vector<16xf32>
      %swap3A_211 = vector.shape_cast %add3A_206 : vector<16xf32> to vector<1x16xf32>
      tpu.vector_store %arg14[%swap3A_207, %swap3A_208], %swap3A_211 {strides = array<i32>} : memref<32x1024xf32, #tpu.memory_space<vmem>>, vector<1x16xf32>,
      %get3A_212 = arith.index_cast %scan3A_42 : i32 to index
      %get3A_213 = arith.constant 160 : index
      %get3A_214 = tpu.vector_load %arg12[%get3A_212, %get3A_213] {strides = array<i32>} : memref<32x1024xf32, #tpu.memory_space<vmem>>, vector<1x16xf32>,
      %get3A_215 = vector.shape_cast %get3A_214 : vector<1x16xf32> to vector<16xf32>
      %mul3A_216 = arith.mulf %get3A_48, %get3A_215 : vector<16xf32>
      %get3A_217 = arith.index_cast %scan3A_42 : i32 to index
      %get3A_218 = arith.constant 160 : index
      %get3A_219 = tpu.vector_load %arg13[%get3A_217, %get3A_218] {strides = array<i32>} : memref<32x1024xf32, #tpu.memory_space<vmem>>, vector<1x16xf32>,
      %get3A_220 = vector.shape_cast %get3A_219 : vector<1x16xf32> to vector<16xf32>
      %mul3A_221 = arith.mulf %get3A_52, %get3A_220 : vector<16xf32>
      %add3A_222 = arith.addf %mul3A_216, %mul3A_221 : vector<16xf32>
      %swap3A_223 = arith.index_cast %scan3A_42 : i32 to index
      %swap3A_224 = arith.constant 160 : index
      %swap3A_225 = tpu.vector_load %arg14[%swap3A_223, %swap3A_224] {strides = array<i32>} : memref<32x1024xf32, #tpu.memory_space<vmem>>, vector<1x16xf32>,
      %swap3A_226 = vector.shape_cast %swap3A_225 : vector<1x16xf32> to vector<16xf32>
      %swap3A_227 = vector.shape_cast %add3A_222 : vector<16xf32> to vector<1x16xf32>
      tpu.vector_store %arg14[%swap3A_223, %swap3A_224], %swap3A_227 {strides = array<i32>} : memref<32x1024xf32, #tpu.memory_space<vmem>>, vector<1x16xf32>,
      %get3A_228 = arith.index_cast %scan3A_42 : i32 to index
      %get3A_229 = arith.constant 176 : index
      %get3A_230 = tpu.vector_load %arg12[%get3A_228, %get3A_229] {strides = array<i32>} : memref<32x1024xf32, #tpu.memory_space<vmem>>, vector<1x16xf32>,
      %get3A_231 = vector.shape_cast %get3A_230 : vector<1x16xf32> to vector<16xf32>
      %mul3A_232 = arith.mulf %get3A_48, %get3A_231 : vector<16xf32>
      %get3A_233 = arith.index_cast %scan3A_42 : i32 to index
      %get3A_234 = arith.constant 176 : index
      %get3A_235 = tpu.vector_load %arg13[%get3A_233, %get3A_234] {strides = array<i32>} : memref<32x1024xf32, #tpu.memory_space<vmem>>, vector<1x16xf32>,
      %get3A_236 = vector.shape_cast %get3A_235 : vector<1x16xf32> to vector<16xf32>
      %mul3A_237 = arith.mulf %get3A_52, %get3A_236 : vector<16xf32>
      %add3A_238 = arith.addf %mul3A_232, %mul3A_237 : vector<16xf32>
      %swap3A_239 = arith.index_cast %scan3A_42 : i32 to index
      %swap3A_240 = arith.constant 176 : index
      %swap3A_241 = tpu.vector_load %arg14[%swap3A_239, %swap3A_240] {strides = array<i32>} : memref<32x1024xf32, #tpu.memory_space<vmem>>, vector<1x16xf32>,
      %swap3A_242 = vector.shape_cast %swap3A_241 : vector<1x16xf32> to vector<16xf32>
      %swap3A_243 = vector.shape_cast %add3A_238 : vector<16xf32> to vector<1x16xf32>
      tpu.vector_store %arg14[%swap3A_239, %swap3A_240], %swap3A_243 {strides = array<i32>} : memref<32x1024xf32, #tpu.memory_space<vmem>>, vector<1x16xf32>,
      %get3A_244 = arith.index_cast %scan3A_42 : i32 to index
      %get3A_245 = arith.constant 192 : index
      %get3A_246 = tpu.vector_load %arg12[%get3A_244, %get3A_245] {strides = array<i32>} : memref<32x1024xf32, #tpu.memory_space<vmem>>, vector<1x16xf32>,
      %get3A_247 = vector.shape_cast %get3A_246 : vector<1x16xf32> to vector<16xf32>
      %mul3A_248 = arith.mulf %get3A_48, %get3A_247 : vector<16xf32>
      %get3A_249 = arith.index_cast %scan3A_42 : i32 to index
      %get3A_250 = arith.constant 192 : index
      %get3A_251 = tpu.vector_load %arg13[%get3A_249, %get3A_250] {strides = array<i32>} : memref<32x1024xf32, #tpu.memory_space<vmem>>, vector<1x16xf32>,
      %get3A_252 = vector.shape_cast %get3A_251 : vector<1x16xf32> to vector<16xf32>
      %mul3A_253 = arith.mulf %get3A_52, %get3A_252 : vector<16xf32>
      %add3A_254 = arith.addf %mul3A_248, %mul3A_253 : vector<16xf32>
      %swap3A_255 = arith.index_cast %scan3A_42 : i32 to index
      %swap3A_256 = arith.constant 192 : index
      %swap3A_257 = tpu.vector_load %arg14[%swap3A_255, %swap3A_256] {strides = array<i32>} : memref<32x1024xf32, #tpu.memory_space<vmem>>, vector<1x16xf32>,
      %swap3A_258 = vector.shape_cast %swap3A_257 : vector<1x16xf32> to vector<16xf32>
      %swap3A_259 = vector.shape_cast %add3A_254 : vector<16xf32> to vector<1x16xf32>
      tpu.vector_store %arg14[%swap3A_255, %swap3A_256], %swap3A_259 {strides = array<i32>} : memref<32x1024xf32, #tpu.memory_space<vmem>>, vector<1x16xf32>,
      %get3A_260 = arith.index_cast %scan3A_42 : i32 to index
      %get3A_261 = arith.constant 208 : index
      %get3A_262 = tpu.vector_load %arg12[%get3A_260, %get3A_261] {strides = array<i32>} : memref<32x1024xf32, #tpu.memory_space<vmem>>, vector<1x16xf32>,
      %get3A_263 = vector.shape_cast %get3A_262 : vector<1x16xf32> to vector<16xf32>
      %mul3A_264 = arith.mulf %get3A_48, %get3A_263 : vector<16xf32>
      %get3A_265 = arith.index_cast %scan3A_42 : i32 to index
      %get3A_266 = arith.constant 208 : index
      %get3A_267 = tpu.vector_load %arg13[%get3A_265, %get3A_266] {strides = array<i32>} : memref<32x1024xf32, #tpu.memory_space<vmem>>, vector<1x16xf32>,
      %get3A_268 = vector.shape_cast %get3A_267 : vector<1x16xf32> to vector<16xf32>
      %mul3A_269 = arith.mulf %get3A_52, %get3A_268 : vector<16xf32>
      %add3A_270 = arith.addf %mul3A_264, %mul3A_269 : vector<16xf32>
      %swap3A_271 = arith.index_cast %scan3A_42 : i32 to index
      %swap3A_272 = arith.constant 208 : index
      %swap3A_273 = tpu.vector_load %arg14[%swap3A_271, %swap3A_272] {strides = array<i32>} : memref<32x1024xf32, #tpu.memory_space<vmem>>, vector<1x16xf32>,
      %swap3A_274 = vector.shape_cast %swap3A_273 : vector<1x16xf32> to vector<16xf32>
      %swap3A_275 = vector.shape_cast %add3A_270 : vector<16xf32> to vector<1x16xf32>
      tpu.vector_store %arg14[%swap3A_271, %swap3A_272], %swap3A_275 {strides = array<i32>} : memref<32x1024xf32, #tpu.memory_space<vmem>>, vector<1x16xf32>,
      %get3A_276 = arith.index_cast %scan3A_42 : i32 to index
      %get3A_277 = arith.constant 224 : index
      %get3A_278 = tpu.vector_load %arg12[%get3A_276, %get3A_277] {strides = array<i32>} : memref<32x1024xf32, #tpu.memory_space<vmem>>, vector<1x16xf32>,
      %get3A_279 = vector.shape_cast %get3A_278 : vector<1x16xf32> to vector<16xf32>
      %mul3A_280 = arith.mulf %get3A_48, %get3A_279 : vector<16xf32>
      %get3A_281 = arith.index_cast %scan3A_42 : i32 to index
      %get3A_282 = arith.constant 224 : index
      %get3A_283 = tpu.vector_load %arg13[%get3A_281, %get3A_282] {strides = array<i32>} : memref<32x1024xf32, #tpu.memory_space<vmem>>, vector<1x16xf32>,
      %get3A_284 = vector.shape_cast %get3A_283 : vector<1x16xf32> to vector<16xf32>
      %mul3A_285 = arith.mulf %get3A_52, %get3A_284 : vector<16xf32>
      %add3A_286 = arith.addf %mul3A_280, %mul3A_285 : vector<16xf32>
      %swap3A_287 = arith.index_cast %scan3A_42 : i32 to index
      %swap3A_288 = arith.constant 224 : index
      %swap3A_289 = tpu.vector_load %arg14[%swap3A_287, %swap3A_288] {strides = array<i32>} : memref<32x1024xf32, #tpu.memory_space<vmem>>, vector<1x16xf32>,
      %swap3A_290 = vector.shape_cast %swap3A_289 : vector<1x16xf32> to vector<16xf32>
      %swap3A_291 = vector.shape_cast %add3A_286 : vector<16xf32> to vector<1x16xf32>
      tpu.vector_store %arg14[%swap3A_287, %swap3A_288], %swap3A_291 {strides = array<i32>} : memref<32x1024xf32, #tpu.memory_space<vmem>>, vector<1x16xf32>,
      %get3A_292 = arith.index_cast %scan3A_42 : i32 to index
      %get3A_293 = arith.constant 240 : index
      %get3A_294 = tpu.vector_load %arg12[%get3A_292, %get3A_293] {strides = array<i32>} : memref<32x1024xf32, #tpu.memory_space<vmem>>, vector<1x16xf32>,
      %get3A_295 = vector.shape_cast %get3A_294 : vector<1x16xf32> to vector<16xf32>
      %mul3A_296 = arith.mulf %get3A_48, %get3A_295 : vector<16xf32>
      %get3A_297 = arith.index_cast %scan3A_42 : i32 to index
      %get3A_298 = arith.constant 240 : index
      %get3A_299 = tpu.vector_load %arg13[%get3A_297, %get3A_298] {strides = array<i32>} : memref<32x1024xf32, #tpu.memory_space<vmem>>, vector<1x16xf32>,
      %get3A_300 = vector.shape_cast %get3A_299 : vector<1x16xf32> to vector<16xf32>
      %mul3A_301 = arith.mulf %get3A_52, %get3A_300 : vector<16xf32>
      %add3A_302 = arith.addf %mul3A_296, %mul3A_301 : vector<16xf32>
      %swap3A_303 = arith.index_cast %scan3A_42 : i32 to index
      %swap3A_304 = arith.constant 240 : index
      %swap3A_305 = tpu.vector_load %arg14[%swap3A_303, %swap3A_304] {strides = array<i32>} : memref<32x1024xf32, #tpu.memory_space<vmem>>, vector<1x16xf32>,
      %swap3A_306 = vector.shape_cast %swap3A_305 : vector<1x16xf32> to vector<16xf32>
      %swap3A_307 = vector.shape_cast %add3A_302 : vector<16xf32> to vector<1x16xf32>
      tpu.vector_store %arg14[%swap3A_303, %swap3A_304], %swap3A_307 {strides = array<i32>} : memref<32x1024xf32, #tpu.memory_space<vmem>>, vector<1x16xf32>,
      %get3A_308 = arith.index_cast %scan3A_42 : i32 to index
      %get3A_309 = arith.constant 256 : index
      %get3A_310 = tpu.vector_load %arg12[%get3A_308, %get3A_309] {strides = array<i32>} : memref<32x1024xf32, #tpu.memory_space<vmem>>, vector<1x16xf32>,
      %get3A_311 = vector.shape_cast %get3A_310 : vector<1x16xf32> to vector<16xf32>
      %mul3A_312 = arith.mulf %get3A_48, %get3A_311 : vector<16xf32>
      %get3A_313 = arith.index_cast %scan3A_42 : i32 to index
      %get3A_314 = arith.constant 256 : index
      %get3A_315 = tpu.vector_load %arg13[%get3A_313, %get3A_314] {strides = array<i32>} : memref<32x1024xf32, #tpu.memory_space<vmem>>, vector<1x16xf32>,
      %get3A_316 = vector.shape_cast %get3A_315 : vector<1x16xf32> to vector<16xf32>
      %mul3A_317 = arith.mulf %get3A_52, %get3A_316 : vector<16xf32>
      %add3A_318 = arith.addf %mul3A_312, %mul3A_317 : vector<16xf32>
      %swap3A_319 = arith.index_cast %scan3A_42 : i32 to index
      %swap3A_320 = arith.constant 256 : index
      %swap3A_321 = tpu.vector_load %arg14[%swap3A_319, %swap3A_320] {strides = array<i32>} : memref<32x1024xf32, #tpu.memory_space<vmem>>, vector<1x16xf32>,
      %swap3A_322 = vector.shape_cast %swap3A_321 : vector<1x16xf32> to vector<16xf32>
      %swap3A_323 = vector.shape_cast %add3A_318 : vector<16xf32> to vector<1x16xf32>
      tpu.vector_store %arg14[%swap3A_319, %swap3A_320], %swap3A_323 {strides = array<i32>} : memref<32x1024xf32, #tpu.memory_space<vmem>>, vector<1x16xf32>,
      %get3A_324 = arith.index_cast %scan3A_42 : i32 to index
      %get3A_325 = arith.constant 272 : index
      %get3A_326 = tpu.vector_load %arg12[%get3A_324, %get3A_325] {strides = array<i32>} : memref<32x1024xf32, #tpu.memory_space<vmem>>, vector<1x16xf32>,
      %get3A_327 = vector.shape_cast %get3A_326 : vector<1x16xf32> to vector<16xf32>
      %mul3A_328 = arith.mulf %get3A_48, %get3A_327 : vector<16xf32>
      %get3A_329 = arith.index_cast %scan3A_42 : i32 to index
      %get3A_330 = arith.constant 272 : index
      %get3A_331 = tpu.vector_load %arg13[%get3A_329, %get3A_330] {strides = array<i32>} : memref<32x1024xf32, #tpu.memory_space<vmem>>, vector<1x16xf32>,
      %get3A_332 = vector.shape_cast %get3A_331 : vector<1x16xf32> to vector<16xf32>
      %mul3A_333 = arith.mulf %get3A_52, %get3A_332 : vector<16xf32>
      %add3A_334 = arith.addf %mul3A_328, %mul3A_333 : vector<16xf32>
      %swap3A_335 = arith.index_cast %scan3A_42 : i32 to index
      %swap3A_336 = arith.constant 272 : index
      %swap3A_337 = tpu.vector_load %arg14[%swap3A_335, %swap3A_336] {strides = array<i32>} : memref<32x1024xf32, #tpu.memory_space<vmem>>, vector<1x16xf32>,
      %swap3A_338 = vector.shape_cast %swap3A_337 : vector<1x16xf32> to vector<16xf32>
      %swap3A_339 = vector.shape_cast %add3A_334 : vector<16xf32> to vector<1x16xf32>
      tpu.vector_store %arg14[%swap3A_335, %swap3A_336], %swap3A_339 {strides = array<i32>} : memref<32x1024xf32, #tpu.memory_space<vmem>>, vector<1x16xf32>,
      %get3A_340 = arith.index_cast %scan3A_42 : i32 to index
      %get3A_341 = arith.constant 288 : index
      %get3A_342 = tpu.vector_load %arg12[%get3A_340, %get3A_341] {strides = array<i32>} : memref<32x1024xf32, #tpu.memory_space<vmem>>, vector<1x16xf32>,
      %get3A_343 = vector.shape_cast %get3A_342 : vector<1x16xf32> to vector<16xf32>
      %mul3A_344 = arith.mulf %get3A_48, %get3A_343 : vector<16xf32>
      %get3A_345 = arith.index_cast %scan3A_42 : i32 to index
      %get3A_346 = arith.constant 288 : index
      %get3A_347 = tpu.vector_load %arg13[%get3A_345, %get3A_346] {strides = array<i32>} : memref<32x1024xf32, #tpu.memory_space<vmem>>, vector<1x16xf32>,
      %get3A_348 = vector.shape_cast %get3A_347 : vector<1x16xf32> to vector<16xf32>
      %mul3A_349 = arith.mulf %get3A_52, %get3A_348 : vector<16xf32>
      %add3A_350 = arith.addf %mul3A_344, %mul3A_349 : vector<16xf32>
      %swap3A_351 = arith.index_cast %scan3A_42 : i32 to index
      %swap3A_352 = arith.constant 288 : index
      %swap3A_353 = tpu.vector_load %arg14[%swap3A_351, %swap3A_352] {strides = array<i32>} : memref<32x1024xf32, #tpu.memory_space<vmem>>, vector<1x16xf32>,
      %swap3A_354 = vector.shape_cast %swap3A_353 : vector<1x16xf32> to vector<16xf32>
      %swap3A_355 = vector.shape_cast %add3A_350 : vector<16xf32> to vector<1x16xf32>
      tpu.vector_store %arg14[%swap3A_351, %swap3A_352], %swap3A_355 {strides = array<i32>} : memref<32x1024xf32, #tpu.memory_space<vmem>>, vector<1x16xf32>,
      %get3A_356 = arith.index_cast %scan3A_42 : i32 to index
      %get3A_357 = arith.constant 304 : index
      %get3A_358 = tpu.vector_load %arg12[%get3A_356, %get3A_357] {strides = array<i32>} : memref<32x1024xf32, #tpu.memory_space<vmem>>, vector<1x16xf32>,
      %get3A_359 = vector.shape_cast %get3A_358 : vector<1x16xf32> to vector<16xf32>
      %mul3A_360 = arith.mulf %get3A_48, %get3A_359 : vector<16xf32>
      %get3A_361 = arith.index_cast %scan3A_42 : i32 to index
      %get3A_362 = arith.constant 304 : index
      %get3A_363 = tpu.vector_load %arg13[%get3A_361, %get3A_362] {strides = array<i32>} : memref<32x1024xf32, #tpu.memory_space<vmem>>, vector<1x16xf32>,
      %get3A_364 = vector.shape_cast %get3A_363 : vector<1x16xf32> to vector<16xf32>
      %mul3A_365 = arith.mulf %get3A_52, %get3A_364 : vector<16xf32>
      %add3A_366 = arith.addf %mul3A_360, %mul3A_365 : vector<16xf32>
      %swap3A_367 = arith.index_cast %scan3A_42 : i32 to index
      %swap3A_368 = arith.constant 304 : index
      %swap3A_369 = tpu.vector_load %arg14[%swap3A_367, %swap3A_368] {strides = array<i32>} : memref<32x1024xf32, #tpu.memory_space<vmem>>, vector<1x16xf32>,
      %swap3A_370 = vector.shape_cast %swap3A_369 : vector<1x16xf32> to vector<16xf32>
      %swap3A_371 = vector.shape_cast %add3A_366 : vector<16xf32> to vector<1x16xf32>
      tpu.vector_store %arg14[%swap3A_367, %swap3A_368], %swap3A_371 {strides = array<i32>} : memref<32x1024xf32, #tpu.memory_space<vmem>>, vector<1x16xf32>,
      %get3A_372 = arith.index_cast %scan3A_42 : i32 to index
      %get3A_373 = arith.constant 320 : index
      %get3A_374 = tpu.vector_load %arg12[%get3A_372, %get3A_373] {strides = array<i32>} : memref<32x1024xf32, #tpu.memory_space<vmem>>, vector<1x16xf32>,
      %get3A_375 = vector.shape_cast %get3A_374 : vector<1x16xf32> to vector<16xf32>
      %mul3A_376 = arith.mulf %get3A_48, %get3A_375 : vector<16xf32>
      %get3A_377 = arith.index_cast %scan3A_42 : i32 to index
      %get3A_378 = arith.constant 320 : index
      %get3A_379 = tpu.vector_load %arg13[%get3A_377, %get3A_378] {strides = array<i32>} : memref<32x1024xf32, #tpu.memory_space<vmem>>, vector<1x16xf32>,
      %get3A_380 = vector.shape_cast %get3A_379 : vector<1x16xf32> to vector<16xf32>
      %mul3A_381 = arith.mulf %get3A_52, %get3A_380 : vector<16xf32>
      %add3A_382 = arith.addf %mul3A_376, %mul3A_381 : vector<16xf32>
      %swap3A_383 = arith.index_cast %scan3A_42 : i32 to index
      %swap3A_384 = arith.constant 320 : index
      %swap3A_385 = tpu.vector_load %arg14[%swap3A_383, %swap3A_384] {strides = array<i32>} : memref<32x1024xf32, #tpu.memory_space<vmem>>, vector<1x16xf32>,
      %swap3A_386 = vector.shape_cast %swap3A_385 : vector<1x16xf32> to vector<16xf32>
      %swap3A_387 = vector.shape_cast %add3A_382 : vector<16xf32> to vector<1x16xf32>
      tpu.vector_store %arg14[%swap3A_383, %swap3A_384], %swap3A_387 {strides = array<i32>} : memref<32x1024xf32, #tpu.memory_space<vmem>>, vector<1x16xf32>,
      %get3A_388 = arith.index_cast %scan3A_42 : i32 to index
      %get3A_389 = arith.constant 336 : index
      %get3A_390 = tpu.vector_load %arg12[%get3A_388, %get3A_389] {strides = array<i32>} : memref<32x1024xf32, #tpu.memory_space<vmem>>, vector<1x16xf32>,
      %get3A_391 = vector.shape_cast %get3A_390 : vector<1x16xf32> to vector<16xf32>
      %mul3A_392 = arith.mulf %get3A_48, %get3A_391 : vector<16xf32>
      %get3A_393 = arith.index_cast %scan3A_42 : i32 to index
      %get3A_394 = arith.constant 336 : index
      %get3A_395 = tpu.vector_load %arg13[%get3A_393, %get3A_394] {strides = array<i32>} : memref<32x1024xf32, #tpu.memory_space<vmem>>, vector<1x16xf32>,
      %get3A_396 = vector.shape_cast %get3A_395 : vector<1x16xf32> to vector<16xf32>
      %mul3A_397 = arith.mulf %get3A_52, %get3A_396 : vector<16xf32>
      %add3A_398 = arith.addf %mul3A_392, %mul3A_397 : vector<16xf32>
      %swap3A_399 = arith.index_cast %scan3A_42 : i32 to index
      %swap3A_400 = arith.constant 336 : index
      %swap3A_401 = tpu.vector_load %arg14[%swap3A_399, %swap3A_400] {strides = array<i32>} : memref<32x1024xf32, #tpu.memory_space<vmem>>, vector<1x16xf32>,
      %swap3A_402 = vector.shape_cast %swap3A_401 : vector<1x16xf32> to vector<16xf32>
      %swap3A_403 = vector.shape_cast %add3A_398 : vector<16xf32> to vector<1x16xf32>
      tpu.vector_store %arg14[%swap3A_399, %swap3A_400], %swap3A_403 {strides = array<i32>} : memref<32x1024xf32, #tpu.memory_space<vmem>>, vector<1x16xf32>,
      %get3A_404 = arith.index_cast %scan3A_42 : i32 to index
      %get3A_405 = arith.constant 352 : index
      %get3A_406 = tpu.vector_load %arg12[%get3A_404, %get3A_405] {strides = array<i32>} : memref<32x1024xf32, #tpu.memory_space<vmem>>, vector<1x16xf32>,
      %get3A_407 = vector.shape_cast %get3A_406 : vector<1x16xf32> to vector<16xf32>
      %mul3A_408 = arith.mulf %get3A_48, %get3A_407 : vector<16xf32>
      %get3A_409 = arith.index_cast %scan3A_42 : i32 to index
      %get3A_410 = arith.constant 352 : index
      %get3A_411 = tpu.vector_load %arg13[%get3A_409, %get3A_410] {strides = array<i32>} : memref<32x1024xf32, #tpu.memory_space<vmem>>, vector<1x16xf32>,
      %get3A_412 = vector.shape_cast %get3A_411 : vector<1x16xf32> to vector<16xf32>
      %mul3A_413 = arith.mulf %get3A_52, %get3A_412 : vector<16xf32>
      %add3A_414 = arith.addf %mul3A_408, %mul3A_413 : vector<16xf32>
      %swap3A_415 = arith.index_cast %scan3A_42 : i32 to index
      %swap3A_416 = arith.constant 352 : index
      %swap3A_417 = tpu.vector_load %arg14[%swap3A_415, %swap3A_416] {strides = array<i32>} : memref<32x1024xf32, #tpu.memory_space<vmem>>, vector<1x16xf32>,
      %swap3A_418 = vector.shape_cast %swap3A_417 : vector<1x16xf32> to vector<16xf32>
      %swap3A_419 = vector.shape_cast %add3A_414 : vector<16xf32> to vector<1x16xf32>
      tpu.vector_store %arg14[%swap3A_415, %swap3A_416], %swap3A_419 {strides = array<i32>} : memref<32x1024xf32, #tpu.memory_space<vmem>>, vector<1x16xf32>,
      %get3A_420 = arith.index_cast %scan3A_42 : i32 to index
      %get3A_421 = arith.constant 368 : index
      %get3A_422 = tpu.vector_load %arg12[%get3A_420, %get3A_421] {strides = array<i32>} : memref<32x1024xf32, #tpu.memory_space<vmem>>, vector<1x16xf32>,
      %get3A_423 = vector.shape_cast %get3A_422 : vector<1x16xf32> to vector<16xf32>
      %mul3A_424 = arith.mulf %get3A_48, %get3A_423 : vector<16xf32>
      %get3A_425 = arith.index_cast %scan3A_42 : i32 to index
      %get3A_426 = arith.constant 368 : index
      %get3A_427 = tpu.vector_load %arg13[%get3A_425, %get3A_426] {strides = array<i32>} : memref<32x1024xf32, #tpu.memory_space<vmem>>, vector<1x16xf32>,
      %get3A_428 = vector.shape_cast %get3A_427 : vector<1x16xf32> to vector<16xf32>
      %mul3A_429 = arith.mulf %get3A_52, %get3A_428 : vector<16xf32>
      %add3A_430 = arith.addf %mul3A_424, %mul3A_429 : vector<16xf32>
      %swap3A_431 = arith.index_cast %scan3A_42 : i32 to index
      %swap3A_432 = arith.constant 368 : index
      %swap3A_433 = tpu.vector_load %arg14[%swap3A_431, %swap3A_432] {strides = array<i32>} : memref<32x1024xf32, #tpu.memory_space<vmem>>, vector<1x16xf32>,
      %swap3A_434 = vector.shape_cast %swap3A_433 : vector<1x16xf32> to vector<16xf32>
      %swap3A_435 = vector.shape_cast %add3A_430 : vector<16xf32> to vector<1x16xf32>
      tpu.vector_store %arg14[%swap3A_431, %swap3A_432], %swap3A_435 {strides = array<i32>} : memref<32x1024xf32, #tpu.memory_space<vmem>>, vector<1x16xf32>,
      %get3A_436 = arith.index_cast %scan3A_42 : i32 to index
      %get3A_437 = arith.constant 384 : index
      %get3A_438 = tpu.vector_load %arg12[%get3A_436, %get3A_437] {strides = array<i32>} : memref<32x1024xf32, #tpu.memory_space<vmem>>, vector<1x16xf32>,
      %get3A_439 = vector.shape_cast %get3A_438 : vector<1x16xf32> to vector<16xf32>
      %mul3A_440 = arith.mulf %get3A_48, %get3A_439 : vector<16xf32>
      %get3A_441 = arith.index_cast %scan3A_42 : i32 to index
      %get3A_442 = arith.constant 384 : index
      %get3A_443 = tpu.vector_load %arg13[%get3A_441, %get3A_442] {strides = array<i32>} : memref<32x1024xf32, #tpu.memory_space<vmem>>, vector<1x16xf32>,
      %get3A_444 = vector.shape_cast %get3A_443 : vector<1x16xf32> to vector<16xf32>
      %mul3A_445 = arith.mulf %get3A_52, %get3A_444 : vector<16xf32>
      %add3A_446 = arith.addf %mul3A_440, %mul3A_445 : vector<16xf32>
      %swap3A_447 = arith.index_cast %scan3A_42 : i32 to index
      %swap3A_448 = arith.constant 384 : index
      %swap3A_449 = tpu.vector_load %arg14[%swap3A_447, %swap3A_448] {strides = array<i32>} : memref<32x1024xf32, #tpu.memory_space<vmem>>, vector<1x16xf32>,
      %swap3A_450 = vector.shape_cast %swap3A_449 : vector<1x16xf32> to vector<16xf32>
      %swap3A_451 = vector.shape_cast %add3A_446 : vector<16xf32> to vector<1x16xf32>
      tpu.vector_store %arg14[%swap3A_447, %swap3A_448], %swap3A_451 {strides = array<i32>} : memref<32x1024xf32, #tpu.memory_space<vmem>>, vector<1x16xf32>,
      %get3A_452 = arith.index_cast %scan3A_42 : i32 to index
      %get3A_453 = arith.constant 400 : index
      %get3A_454 = tpu.vector_load %arg12[%get3A_452, %get3A_453] {strides = array<i32>} : memref<32x1024xf32, #tpu.memory_space<vmem>>, vector<1x16xf32>,
      %get3A_455 = vector.shape_cast %get3A_454 : vector<1x16xf32> to vector<16xf32>
      %mul3A_456 = arith.mulf %get3A_48, %get3A_455 : vector<16xf32>
      %get3A_457 = arith.index_cast %scan3A_42 : i32 to index
      %get3A_458 = arith.constant 400 : index
      %get3A_459 = tpu.vector_load %arg13[%get3A_457, %get3A_458] {strides = array<i32>} : memref<32x1024xf32, #tpu.memory_space<vmem>>, vector<1x16xf32>,
      %get3A_460 = vector.shape_cast %get3A_459 : vector<1x16xf32> to vector<16xf32>
      %mul3A_461 = arith.mulf %get3A_52, %get3A_460 : vector<16xf32>
      %add3A_462 = arith.addf %mul3A_456, %mul3A_461 : vector<16xf32>
      %swap3A_463 = arith.index_cast %scan3A_42 : i32 to index
      %swap3A_464 = arith.constant 400 : index
      %swap3A_465 = tpu.vector_load %arg14[%swap3A_463, %swap3A_464] {strides = array<i32>} : memref<32x1024xf32, #tpu.memory_space<vmem>>, vector<1x16xf32>,
      %swap3A_466 = vector.shape_cast %swap3A_465 : vector<1x16xf32> to vector<16xf32>
      %swap3A_467 = vector.shape_cast %add3A_462 : vector<16xf32> to vector<1x16xf32>
      tpu.vector_store %arg14[%swap3A_463, %swap3A_464], %swap3A_467 {strides = array<i32>} : memref<32x1024xf32, #tpu.memory_space<vmem>>, vector<1x16xf32>,
      %get3A_468 = arith.index_cast %scan3A_42 : i32 to index
      %get3A_469 = arith.constant 416 : index
      %get3A_470 = tpu.vector_load %arg12[%get3A_468, %get3A_469] {strides = array<i32>} : memref<32x1024xf32, #tpu.memory_space<vmem>>, vector<1x16xf32>,
      %get3A_471 = vector.shape_cast %get3A_470 : vector<1x16xf32> to vector<16xf32>
      %mul3A_472 = arith.mulf %get3A_48, %get3A_471 : vector<16xf32>
      %get3A_473 = arith.index_cast %scan3A_42 : i32 to index
      %get3A_474 = arith.constant 416 : index
      %get3A_475 = tpu.vector_load %arg13[%get3A_473, %get3A_474] {strides = array<i32>} : memref<32x1024xf32, #tpu.memory_space<vmem>>, vector<1x16xf32>,
      %get3A_476 = vector.shape_cast %get3A_475 : vector<1x16xf32> to vector<16xf32>
      %mul3A_477 = arith.mulf %get3A_52, %get3A_476 : vector<16xf32>
      %add3A_478 = arith.addf %mul3A_472, %mul3A_477 : vector<16xf32>
      %swap3A_479 = arith.index_cast %scan3A_42 : i32 to index
      %swap3A_480 = arith.constant 416 : index
      %swap3A_481 = tpu.vector_load %arg14[%swap3A_479, %swap3A_480] {strides = array<i32>} : memref<32x1024xf32, #tpu.memory_space<vmem>>, vector<1x16xf32>,
      %swap3A_482 = vector.shape_cast %swap3A_481 : vector<1x16xf32> to vector<16xf32>
      %swap3A_483 = vector.shape_cast %add3A_478 : vector<16xf32> to vector<1x16xf32>
      tpu.vector_store %arg14[%swap3A_479, %swap3A_480], %swap3A_483 {strides = array<i32>} : memref<32x1024xf32, #tpu.memory_space<vmem>>, vector<1x16xf32>,
      %get3A_484 = arith.index_cast %scan3A_42 : i32 to index
      %get3A_485 = arith.constant 432 : index
      %get3A_486 = tpu.vector_load %arg12[%get3A_484, %get3A_485] {strides = array<i32>} : memref<32x1024xf32, #tpu.memory_space<vmem>>, vector<1x16xf32>,
      %get3A_487 = vector.shape_cast %get3A_486 : vector<1x16xf32> to vector<16xf32>
      %mul3A_488 = arith.mulf %get3A_48, %get3A_487 : vector<16xf32>
      %get3A_489 = arith.index_cast %scan3A_42 : i32 to index
      %get3A_490 = arith.constant 432 : index
      %get3A_491 = tpu.vector_load %arg13[%get3A_489, %get3A_490] {strides = array<i32>} : memref<32x1024xf32, #tpu.memory_space<vmem>>, vector<1x16xf32>,
      %get3A_492 = vector.shape_cast %get3A_491 : vector<1x16xf32> to vector<16xf32>
      %mul3A_493 = arith.mulf %get3A_52, %get3A_492 : vector<16xf32>
      %add3A_494 = arith.addf %mul3A_488, %mul3A_493 : vector<16xf32>
      %swap3A_495 = arith.index_cast %scan3A_42 : i32 to index
      %swap3A_496 = arith.constant 432 : index
      %swap3A_497 = tpu.vector_load %arg14[%swap3A_495, %swap3A_496] {strides = array<i32>} : memref<32x1024xf32, #tpu.memory_space<vmem>>, vector<1x16xf32>,
      %swap3A_498 = vector.shape_cast %swap3A_497 : vector<1x16xf32> to vector<16xf32>
      %swap3A_499 = vector.shape_cast %add3A_494 : vector<16xf32> to vector<1x16xf32>
      tpu.vector_store %arg14[%swap3A_495, %swap3A_496], %swap3A_499 {strides = array<i32>} : memref<32x1024xf32, #tpu.memory_space<vmem>>, vector<1x16xf32>,
      %get3A_500 = arith.index_cast %scan3A_42 : i32 to index
      %get3A_501 = arith.constant 448 : index
      %get3A_502 = tpu.vector_load %arg12[%get3A_500, %get3A_501] {strides = array<i32>} : memref<32x1024xf32, #tpu.memory_space<vmem>>, vector<1x16xf32>,
      %get3A_503 = vector.shape_cast %get3A_502 : vector<1x16xf32> to vector<16xf32>
      %mul3A_504 = arith.mulf %get3A_48, %get3A_503 : vector<16xf32>
      %get3A_505 = arith.index_cast %scan3A_42 : i32 to index
      %get3A_506 = arith.constant 448 : index
      %get3A_507 = tpu.vector_load %arg13[%get3A_505, %get3A_506] {strides = array<i32>} : memref<32x1024xf32, #tpu.memory_space<vmem>>, vector<1x16xf32>,
      %get3A_508 = vector.shape_cast %get3A_507 : vector<1x16xf32> to vector<16xf32>
      %mul3A_509 = arith.mulf %get3A_52, %get3A_508 : vector<16xf32>
      %add3A_510 = arith.addf %mul3A_504, %mul3A_509 : vector<16xf32>
      %swap3A_511 = arith.index_cast %scan3A_42 : i32 to index
      %swap3A_512 = arith.constant 448 : index
      %swap3A_513 = tpu.vector_load %arg14[%swap3A_511, %swap3A_512] {strides = array<i32>} : memref<32x1024xf32, #tpu.memory_space<vmem>>, vector<1x16xf32>,
      %swap3A_514 = vector.shape_cast %swap3A_513 : vector<1x16xf32> to vector<16xf32>
      %swap3A_515 = vector.shape_cast %add3A_510 : vector<16xf32> to vector<1x16xf32>
      tpu.vector_store %arg14[%swap3A_511, %swap3A_512], %swap3A_515 {strides = array<i32>} : memref<32x1024xf32, #tpu.memory_space<vmem>>, vector<1x16xf32>,
      %get3A_516 = arith.index_cast %scan3A_42 : i32 to index
      %get3A_517 = arith.constant 464 : index
      %get3A_518 = tpu.vector_load %arg12[%get3A_516, %get3A_517] {strides = array<i32>} : memref<32x1024xf32, #tpu.memory_space<vmem>>, vector<1x16xf32>,
      %get3A_519 = vector.shape_cast %get3A_518 : vector<1x16xf32> to vector<16xf32>
      %mul3A_520 = arith.mulf %get3A_48, %get3A_519 : vector<16xf32>
      %get3A_521 = arith.index_cast %scan3A_42 : i32 to index
      %get3A_522 = arith.constant 464 : index
      %get3A_523 = tpu.vector_load %arg13[%get3A_521, %get3A_522] {strides = array<i32>} : memref<32x1024xf32, #tpu.memory_space<vmem>>, vector<1x16xf32>,
      %get3A_524 = vector.shape_cast %get3A_523 : vector<1x16xf32> to vector<16xf32>
      %mul3A_525 = arith.mulf %get3A_52, %get3A_524 : vector<16xf32>
      %add3A_526 = arith.addf %mul3A_520, %mul3A_525 : vector<16xf32>
      %swap3A_527 = arith.index_cast %scan3A_42 : i32 to index
      %swap3A_528 = arith.constant 464 : index
      %swap3A_529 = tpu.vector_load %arg14[%swap3A_527, %swap3A_528] {strides = array<i32>} : memref<32x1024xf32, #tpu.memory_space<vmem>>, vector<1x16xf32>,
      %swap3A_530 = vector.shape_cast %swap3A_529 : vector<1x16xf32> to vector<16xf32>
      %swap3A_531 = vector.shape_cast %add3A_526 : vector<16xf32> to vector<1x16xf32>
      tpu.vector_store %arg14[%swap3A_527, %swap3A_528], %swap3A_531 {strides = array<i32>} : memref<32x1024xf32, #tpu.memory_space<vmem>>, vector<1x16xf32>,
      %get3A_532 = arith.index_cast %scan3A_42 : i32 to index
      %get3A_533 = arith.constant 480 : index
      %get3A_534 = tpu.vector_load %arg12[%get3A_532, %get3A_533] {strides = array<i32>} : memref<32x1024xf32, #tpu.memory_space<vmem>>, vector<1x16xf32>,
      %get3A_535 = vector.shape_cast %get3A_534 : vector<1x16xf32> to vector<16xf32>
      %mul3A_536 = arith.mulf %get3A_48, %get3A_535 : vector<16xf32>
      %get3A_537 = arith.index_cast %scan3A_42 : i32 to index
      %get3A_538 = arith.constant 480 : index
      %get3A_539 = tpu.vector_load %arg13[%get3A_537, %get3A_538] {strides = array<i32>} : memref<32x1024xf32, #tpu.memory_space<vmem>>, vector<1x16xf32>,
      %get3A_540 = vector.shape_cast %get3A_539 : vector<1x16xf32> to vector<16xf32>
      %mul3A_541 = arith.mulf %get3A_52, %get3A_540 : vector<16xf32>
      %add3A_542 = arith.addf %mul3A_536, %mul3A_541 : vector<16xf32>
      %swap3A_543 = arith.index_cast %scan3A_42 : i32 to index
      %swap3A_544 = arith.constant 480 : index
      %swap3A_545 = tpu.vector_load %arg14[%swap3A_543, %swap3A_544] {strides = array<i32>} : memref<32x1024xf32, #tpu.memory_space<vmem>>, vector<1x16xf32>,
      %swap3A_546 = vector.shape_cast %swap3A_545 : vector<1x16xf32> to vector<16xf32>
      %swap3A_547 = vector.shape_cast %add3A_542 : vector<16xf32> to vector<1x16xf32>
      tpu.vector_store %arg14[%swap3A_543, %swap3A_544], %swap3A_547 {strides = array<i32>} : memref<32x1024xf32, #tpu.memory_space<vmem>>, vector<1x16xf32>,
      %get3A_548 = arith.index_cast %scan3A_42 : i32 to index
      %get3A_549 = arith.constant 496 : index
      %get3A_550 = tpu.vector_load %arg12[%get3A_548, %get3A_549] {strides = array<i32>} : memref<32x1024xf32, #tpu.memory_space<vmem>>, vector<1x16xf32>,
      %get3A_551 = vector.shape_cast %get3A_550 : vector<1x16xf32> to vector<16xf32>
      %mul3A_552 = arith.mulf %get3A_48, %get3A_551 : vector<16xf32>
      %get3A_553 = arith.index_cast %scan3A_42 : i32 to index
      %get3A_554 = arith.constant 496 : index
      %get3A_555 = tpu.vector_load %arg13[%get3A_553, %get3A_554] {strides = array<i32>} : memref<32x1024xf32, #tpu.memory_space<vmem>>, vector<1x16xf32>,
      %get3A_556 = vector.shape_cast %get3A_555 : vector<1x16xf32> to vector<16xf32>
      %mul3A_557 = arith.mulf %get3A_52, %get3A_556 : vector<16xf32>
      %add3A_558 = arith.addf %mul3A_552, %mul3A_557 : vector<16xf32>
      %swap3A_559 = arith.index_cast %scan3A_42 : i32 to index
      %swap3A_560 = arith.constant 496 : index
      %swap3A_561 = tpu.vector_load %arg14[%swap3A_559, %swap3A_560] {strides = array<i32>} : memref<32x1024xf32, #tpu.memory_space<vmem>>, vector<1x16xf32>,
      %swap3A_562 = vector.shape_cast %swap3A_561 : vector<1x16xf32> to vector<16xf32>
      %swap3A_563 = vector.shape_cast %add3A_558 : vector<16xf32> to vector<1x16xf32>
      tpu.vector_store %arg14[%swap3A_559, %swap3A_560], %swap3A_563 {strides = array<i32>} : memref<32x1024xf32, #tpu.memory_space<vmem>>, vector<1x16xf32>,
      %get3A_564 = arith.index_cast %scan3A_42 : i32 to index
      %get3A_565 = arith.constant 512 : index
      %get3A_566 = tpu.vector_load %arg12[%get3A_564, %get3A_565] {strides = array<i32>} : memref<32x1024xf32, #tpu.memory_space<vmem>>, vector<1x16xf32>,
      %get3A_567 = vector.shape_cast %get3A_566 : vector<1x16xf32> to vector<16xf32>
      %mul3A_568 = arith.mulf %get3A_48, %get3A_567 : vector<16xf32>
      %get3A_569 = arith.index_cast %scan3A_42 : i32 to index
      %get3A_570 = arith.constant 512 : index
      %get3A_571 = tpu.vector_load %arg13[%get3A_569, %get3A_570] {strides = array<i32>} : memref<32x1024xf32, #tpu.memory_space<vmem>>, vector<1x16xf32>,
      %get3A_572 = vector.shape_cast %get3A_571 : vector<1x16xf32> to vector<16xf32>
      %mul3A_573 = arith.mulf %get3A_52, %get3A_572 : vector<16xf32>
      %add3A_574 = arith.addf %mul3A_568, %mul3A_573 : vector<16xf32>
      %swap3A_575 = arith.index_cast %scan3A_42 : i32 to index
      %swap3A_576 = arith.constant 512 : index
      %swap3A_577 = tpu.vector_load %arg14[%swap3A_575, %swap3A_576] {strides = array<i32>} : memref<32x1024xf32, #tpu.memory_space<vmem>>, vector<1x16xf32>,
      %swap3A_578 = vector.shape_cast %swap3A_577 : vector<1x16xf32> to vector<16xf32>
      %swap3A_579 = vector.shape_cast %add3A_574 : vector<16xf32> to vector<1x16xf32>
      tpu.vector_store %arg14[%swap3A_575, %swap3A_576], %swap3A_579 {strides = array<i32>} : memref<32x1024xf32, #tpu.memory_space<vmem>>, vector<1x16xf32>,
      %get3A_580 = arith.index_cast %scan3A_42 : i32 to index
      %get3A_581 = arith.constant 528 : index
      %get3A_582 = tpu.vector_load %arg12[%get3A_580, %get3A_581] {strides = array<i32>} : memref<32x1024xf32, #tpu.memory_space<vmem>>, vector<1x16xf32>,
      %get3A_583 = vector.shape_cast %get3A_582 : vector<1x16xf32> to vector<16xf32>
      %mul3A_584 = arith.mulf %get3A_48, %get3A_583 : vector<16xf32>
      %get3A_585 = arith.index_cast %scan3A_42 : i32 to index
      %get3A_586 = arith.constant 528 : index
      %get3A_587 = tpu.vector_load %arg13[%get3A_585, %get3A_586] {strides = array<i32>} : memref<32x1024xf32, #tpu.memory_space<vmem>>, vector<1x16xf32>,
      %get3A_588 = vector.shape_cast %get3A_587 : vector<1x16xf32> to vector<16xf32>
      %mul3A_589 = arith.mulf %get3A_52, %get3A_588 : vector<16xf32>
      %add3A_590 = arith.addf %mul3A_584, %mul3A_589 : vector<16xf32>
      %swap3A_591 = arith.index_cast %scan3A_42 : i32 to index
      %swap3A_592 = arith.constant 528 : index
      %swap3A_593 = tpu.vector_load %arg14[%swap3A_591, %swap3A_592] {strides = array<i32>} : memref<32x1024xf32, #tpu.memory_space<vmem>>, vector<1x16xf32>,
      %swap3A_594 = vector.shape_cast %swap3A_593 : vector<1x16xf32> to vector<16xf32>
      %swap3A_595 = vector.shape_cast %add3A_590 : vector<16xf32> to vector<1x16xf32>
      tpu.vector_store %arg14[%swap3A_591, %swap3A_592], %swap3A_595 {strides = array<i32>} : memref<32x1024xf32, #tpu.memory_space<vmem>>, vector<1x16xf32>,
      %get3A_596 = arith.index_cast %scan3A_42 : i32 to index
      %get3A_597 = arith.constant 544 : index
      %get3A_598 = tpu.vector_load %arg12[%get3A_596, %get3A_597] {strides = array<i32>} : memref<32x1024xf32, #tpu.memory_space<vmem>>, vector<1x16xf32>,
      %get3A_599 = vector.shape_cast %get3A_598 : vector<1x16xf32> to vector<16xf32>
      %mul3A_600 = arith.mulf %get3A_48, %get3A_599 : vector<16xf32>
      %get3A_601 = arith.index_cast %scan3A_42 : i32 to index
      %get3A_602 = arith.constant 544 : index
      %get3A_603 = tpu.vector_load %arg13[%get3A_601, %get3A_602] {strides = array<i32>} : memref<32x1024xf32, #tpu.memory_space<vmem>>, vector<1x16xf32>,
      %get3A_604 = vector.shape_cast %get3A_603 : vector<1x16xf32> to vector<16xf32>
      %mul3A_605 = arith.mulf %get3A_52, %get3A_604 : vector<16xf32>
      %add3A_606 = arith.addf %mul3A_600, %mul3A_605 : vector<16xf32>
      %swap3A_607 = arith.index_cast %scan3A_42 : i32 to index
      %swap3A_608 = arith.constant 544 : index
      %swap3A_609 = tpu.vector_load %arg14[%swap3A_607, %swap3A_608] {strides = array<i32>} : memref<32x1024xf32, #tpu.memory_space<vmem>>, vector<1x16xf32>,
      %swap3A_610 = vector.shape_cast %swap3A_609 : vector<1x16xf32> to vector<16xf32>
      %swap3A_611 = vector.shape_cast %add3A_606 : vector<16xf32> to vector<1x16xf32>
      tpu.vector_store %arg14[%swap3A_607, %swap3A_608], %swap3A_611 {strides = array<i32>} : memref<32x1024xf32, #tpu.memory_space<vmem>>, vector<1x16xf32>,
      %get3A_612 = arith.index_cast %scan3A_42 : i32 to index
      %get3A_613 = arith.constant 560 : index
      %get3A_614 = tpu.vector_load %arg12[%get3A_612, %get3A_613] {strides = array<i32>} : memref<32x1024xf32, #tpu.memory_space<vmem>>, vector<1x16xf32>,
      %get3A_615 = vector.shape_cast %get3A_614 : vector<1x16xf32> to vector<16xf32>
      %mul3A_616 = arith.mulf %get3A_48, %get3A_615 : vector<16xf32>
      %get3A_617 = arith.index_cast %scan3A_42 : i32 to index
      %get3A_618 = arith.constant 560 : index
      %get3A_619 = tpu.vector_load %arg13[%get3A_617, %get3A_618] {strides = array<i32>} : memref<32x1024xf32, #tpu.memory_space<vmem>>, vector<1x16xf32>,
      %get3A_620 = vector.shape_cast %get3A_619 : vector<1x16xf32> to vector<16xf32>
      %mul3A_621 = arith.mulf %get3A_52, %get3A_620 : vector<16xf32>
      %add3A_622 = arith.addf %mul3A_616, %mul3A_621 : vector<16xf32>
      %swap3A_623 = arith.index_cast %scan3A_42 : i32 to index
      %swap3A_624 = arith.constant 560 : index
      %swap3A_625 = tpu.vector_load %arg14[%swap3A_623, %swap3A_624] {strides = array<i32>} : memref<32x1024xf32, #tpu.memory_space<vmem>>, vector<1x16xf32>,
      %swap3A_626 = vector.shape_cast %swap3A_625 : vector<1x16xf32> to vector<16xf32>
      %swap3A_627 = vector.shape_cast %add3A_622 : vector<16xf32> to vector<1x16xf32>
      tpu.vector_store %arg14[%swap3A_623, %swap3A_624], %swap3A_627 {strides = array<i32>} : memref<32x1024xf32, #tpu.memory_space<vmem>>, vector<1x16xf32>,
      %get3A_628 = arith.index_cast %scan3A_42 : i32 to index
      %get3A_629 = arith.constant 576 : index
      %get3A_630 = tpu.vector_load %arg12[%get3A_628, %get3A_629] {strides = array<i32>} : memref<32x1024xf32, #tpu.memory_space<vmem>>, vector<1x16xf32>,
      %get3A_631 = vector.shape_cast %get3A_630 : vector<1x16xf32> to vector<16xf32>
      %mul3A_632 = arith.mulf %get3A_48, %get3A_631 : vector<16xf32>
      %get3A_633 = arith.index_cast %scan3A_42 : i32 to index
      %get3A_634 = arith.constant 576 : index
      %get3A_635 = tpu.vector_load %arg13[%get3A_633, %get3A_634] {strides = array<i32>} : memref<32x1024xf32, #tpu.memory_space<vmem>>, vector<1x16xf32>,
      %get3A_636 = vector.shape_cast %get3A_635 : vector<1x16xf32> to vector<16xf32>
      %mul3A_637 = arith.mulf %get3A_52, %get3A_636 : vector<16xf32>
      %add3A_638 = arith.addf %mul3A_632, %mul3A_637 : vector<16xf32>
      %swap3A_639 = arith.index_cast %scan3A_42 : i32 to index
      %swap3A_640 = arith.constant 576 : index
      %swap3A_641 = tpu.vector_load %arg14[%swap3A_639, %swap3A_640] {strides = array<i32>} : memref<32x1024xf32, #tpu.memory_space<vmem>>, vector<1x16xf32>,
      %swap3A_642 = vector.shape_cast %swap3A_641 : vector<1x16xf32> to vector<16xf32>
      %swap3A_643 = vector.shape_cast %add3A_638 : vector<16xf32> to vector<1x16xf32>
      tpu.vector_store %arg14[%swap3A_639, %swap3A_640], %swap3A_643 {strides = array<i32>} : memref<32x1024xf32, #tpu.memory_space<vmem>>, vector<1x16xf32>,
      %get3A_644 = arith.index_cast %scan3A_42 : i32 to index
      %get3A_645 = arith.constant 592 : index
      %get3A_646 = tpu.vector_load %arg12[%get3A_644, %get3A_645] {strides = array<i32>} : memref<32x1024xf32, #tpu.memory_space<vmem>>, vector<1x16xf32>,
      %get3A_647 = vector.shape_cast %get3A_646 : vector<1x16xf32> to vector<16xf32>
      %mul3A_648 = arith.mulf %get3A_48, %get3A_647 : vector<16xf32>
      %get3A_649 = arith.index_cast %scan3A_42 : i32 to index
      %get3A_650 = arith.constant 592 : index
      %get3A_651 = tpu.vector_load %arg13[%get3A_649, %get3A_650] {strides = array<i32>} : memref<32x1024xf32, #tpu.memory_space<vmem>>, vector<1x16xf32>,
      %get3A_652 = vector.shape_cast %get3A_651 : vector<1x16xf32> to vector<16xf32>
      %mul3A_653 = arith.mulf %get3A_52, %get3A_652 : vector<16xf32>
      %add3A_654 = arith.addf %mul3A_648, %mul3A_653 : vector<16xf32>
      %swap3A_655 = arith.index_cast %scan3A_42 : i32 to index
      %swap3A_656 = arith.constant 592 : index
      %swap3A_657 = tpu.vector_load %arg14[%swap3A_655, %swap3A_656] {strides = array<i32>} : memref<32x1024xf32, #tpu.memory_space<vmem>>, vector<1x16xf32>,
      %swap3A_658 = vector.shape_cast %swap3A_657 : vector<1x16xf32> to vector<16xf32>
      %swap3A_659 = vector.shape_cast %add3A_654 : vector<16xf32> to vector<1x16xf32>
      tpu.vector_store %arg14[%swap3A_655, %swap3A_656], %swap3A_659 {strides = array<i32>} : memref<32x1024xf32, #tpu.memory_space<vmem>>, vector<1x16xf32>,
      %get3A_660 = arith.index_cast %scan3A_42 : i32 to index
      %get3A_661 = arith.constant 608 : index
      %get3A_662 = tpu.vector_load %arg12[%get3A_660, %get3A_661] {strides = array<i32>} : memref<32x1024xf32, #tpu.memory_space<vmem>>, vector<1x16xf32>,
      %get3A_663 = vector.shape_cast %get3A_662 : vector<1x16xf32> to vector<16xf32>
      %mul3A_664 = arith.mulf %get3A_48, %get3A_663 : vector<16xf32>
      %get3A_665 = arith.index_cast %scan3A_42 : i32 to index
      %get3A_666 = arith.constant 608 : index
      %get3A_667 = tpu.vector_load %arg13[%get3A_665, %get3A_666] {strides = array<i32>} : memref<32x1024xf32, #tpu.memory_space<vmem>>, vector<1x16xf32>,
      %get3A_668 = vector.shape_cast %get3A_667 : vector<1x16xf32> to vector<16xf32>
      %mul3A_669 = arith.mulf %get3A_52, %get3A_668 : vector<16xf32>
      %add3A_670 = arith.addf %mul3A_664, %mul3A_669 : vector<16xf32>
      %swap3A_671 = arith.index_cast %scan3A_42 : i32 to index
      %swap3A_672 = arith.constant 608 : index
      %swap3A_673 = tpu.vector_load %arg14[%swap3A_671, %swap3A_672] {strides = array<i32>} : memref<32x1024xf32, #tpu.memory_space<vmem>>, vector<1x16xf32>,
      %swap3A_674 = vector.shape_cast %swap3A_673 : vector<1x16xf32> to vector<16xf32>
      %swap3A_675 = vector.shape_cast %add3A_670 : vector<16xf32> to vector<1x16xf32>
      tpu.vector_store %arg14[%swap3A_671, %swap3A_672], %swap3A_675 {strides = array<i32>} : memref<32x1024xf32, #tpu.memory_space<vmem>>, vector<1x16xf32>,
      %get3A_676 = arith.index_cast %scan3A_42 : i32 to index
      %get3A_677 = arith.constant 624 : index
      %get3A_678 = tpu.vector_load %arg12[%get3A_676, %get3A_677] {strides = array<i32>} : memref<32x1024xf32, #tpu.memory_space<vmem>>, vector<1x16xf32>,
      %get3A_679 = vector.shape_cast %get3A_678 : vector<1x16xf32> to vector<16xf32>
      %mul3A_680 = arith.mulf %get3A_48, %get3A_679 : vector<16xf32>
      %get3A_681 = arith.index_cast %scan3A_42 : i32 to index
      %get3A_682 = arith.constant 624 : index
      %get3A_683 = tpu.vector_load %arg13[%get3A_681, %get3A_682] {strides = array<i32>} : memref<32x1024xf32, #tpu.memory_space<vmem>>, vector<1x16xf32>,
      %get3A_684 = vector.shape_cast %get3A_683 : vector<1x16xf32> to vector<16xf32>
      %mul3A_685 = arith.mulf %get3A_52, %get3A_684 : vector<16xf32>
      %add3A_686 = arith.addf %mul3A_680, %mul3A_685 : vector<16xf32>
      %swap3A_687 = arith.index_cast %scan3A_42 : i32 to index
      %swap3A_688 = arith.constant 624 : index
      %swap3A_689 = tpu.vector_load %arg14[%swap3A_687, %swap3A_688] {strides = array<i32>} : memref<32x1024xf32, #tpu.memory_space<vmem>>, vector<1x16xf32>,
      %swap3A_690 = vector.shape_cast %swap3A_689 : vector<1x16xf32> to vector<16xf32>
      %swap3A_691 = vector.shape_cast %add3A_686 : vector<16xf32> to vector<1x16xf32>
      tpu.vector_store %arg14[%swap3A_687, %swap3A_688], %swap3A_691 {strides = array<i32>} : memref<32x1024xf32, #tpu.memory_space<vmem>>, vector<1x16xf32>,
      %get3A_692 = arith.index_cast %scan3A_42 : i32 to index
      %get3A_693 = arith.constant 640 : index
      %get3A_694 = tpu.vector_load %arg12[%get3A_692, %get3A_693] {strides = array<i32>} : memref<32x1024xf32, #tpu.memory_space<vmem>>, vector<1x16xf32>,
      %get3A_695 = vector.shape_cast %get3A_694 : vector<1x16xf32> to vector<16xf32>
      %mul3A_696 = arith.mulf %get3A_48, %get3A_695 : vector<16xf32>
      %get3A_697 = arith.index_cast %scan3A_42 : i32 to index
      %get3A_698 = arith.constant 640 : index
      %get3A_699 = tpu.vector_load %arg13[%get3A_697, %get3A_698] {strides = array<i32>} : memref<32x1024xf32, #tpu.memory_space<vmem>>, vector<1x16xf32>,
      %get3A_700 = vector.shape_cast %get3A_699 : vector<1x16xf32> to vector<16xf32>
      %mul3A_701 = arith.mulf %get3A_52, %get3A_700 : vector<16xf32>
      %add3A_702 = arith.addf %mul3A_696, %mul3A_701 : vector<16xf32>
      %swap3A_703 = arith.index_cast %scan3A_42 : i32 to index
      %swap3A_704 = arith.constant 640 : index
      %swap3A_705 = tpu.vector_load %arg14[%swap3A_703, %swap3A_704] {strides = array<i32>} : memref<32x1024xf32, #tpu.memory_space<vmem>>, vector<1x16xf32>,
      %swap3A_706 = vector.shape_cast %swap3A_705 : vector<1x16xf32> to vector<16xf32>
      %swap3A_707 = vector.shape_cast %add3A_702 : vector<16xf32> to vector<1x16xf32>
      tpu.vector_store %arg14[%swap3A_703, %swap3A_704], %swap3A_707 {strides = array<i32>} : memref<32x1024xf32, #tpu.memory_space<vmem>>, vector<1x16xf32>,
      %get3A_708 = arith.index_cast %scan3A_42 : i32 to index
      %get3A_709 = arith.constant 656 : index
      %get3A_710 = tpu.vector_load %arg12[%get3A_708, %get3A_709] {strides = array<i32>} : memref<32x1024xf32, #tpu.memory_space<vmem>>, vector<1x16xf32>,
      %get3A_711 = vector.shape_cast %get3A_710 : vector<1x16xf32> to vector<16xf32>
      %mul3A_712 = arith.mulf %get3A_48, %get3A_711 : vector<16xf32>
      %get3A_713 = arith.index_cast %scan3A_42 : i32 to index
      %get3A_714 = arith.constant 656 : index
      %get3A_715 = tpu.vector_load %arg13[%get3A_713, %get3A_714] {strides = array<i32>} : memref<32x1024xf32, #tpu.memory_space<vmem>>, vector<1x16xf32>,
      %get3A_716 = vector.shape_cast %get3A_715 : vector<1x16xf32> to vector<16xf32>
      %mul3A_717 = arith.mulf %get3A_52, %get3A_716 : vector<16xf32>
      %add3A_718 = arith.addf %mul3A_712, %mul3A_717 : vector<16xf32>
      %swap3A_719 = arith.index_cast %scan3A_42 : i32 to index
      %swap3A_720 = arith.constant 656 : index
      %swap3A_721 = tpu.vector_load %arg14[%swap3A_719, %swap3A_720] {strides = array<i32>} : memref<32x1024xf32, #tpu.memory_space<vmem>>, vector<1x16xf32>,
      %swap3A_722 = vector.shape_cast %swap3A_721 : vector<1x16xf32> to vector<16xf32>
      %swap3A_723 = vector.shape_cast %add3A_718 : vector<16xf32> to vector<1x16xf32>
      tpu.vector_store %arg14[%swap3A_719, %swap3A_720], %swap3A_723 {strides = array<i32>} : memref<32x1024xf32, #tpu.memory_space<vmem>>, vector<1x16xf32>,
      %get3A_724 = arith.index_cast %scan3A_42 : i32 to index
      %get3A_725 = arith.constant 672 : index
      %get3A_726 = tpu.vector_load %arg12[%get3A_724, %get3A_725] {strides = array<i32>} : memref<32x1024xf32, #tpu.memory_space<vmem>>, vector<1x16xf32>,
      %get3A_727 = vector.shape_cast %get3A_726 : vector<1x16xf32> to vector<16xf32>
      %mul3A_728 = arith.mulf %get3A_48, %get3A_727 : vector<16xf32>
      %get3A_729 = arith.index_cast %scan3A_42 : i32 to index
      %get3A_730 = arith.constant 672 : index
      %get3A_731 = tpu.vector_load %arg13[%get3A_729, %get3A_730] {strides = array<i32>} : memref<32x1024xf32, #tpu.memory_space<vmem>>, vector<1x16xf32>,
      %get3A_732 = vector.shape_cast %get3A_731 : vector<1x16xf32> to vector<16xf32>
      %mul3A_733 = arith.mulf %get3A_52, %get3A_732 : vector<16xf32>
      %add3A_734 = arith.addf %mul3A_728, %mul3A_733 : vector<16xf32>
      %swap3A_735 = arith.index_cast %scan3A_42 : i32 to index
      %swap3A_736 = arith.constant 672 : index
      %swap3A_737 = tpu.vector_load %arg14[%swap3A_735, %swap3A_736] {strides = array<i32>} : memref<32x1024xf32, #tpu.memory_space<vmem>>, vector<1x16xf32>,
      %swap3A_738 = vector.shape_cast %swap3A_737 : vector<1x16xf32> to vector<16xf32>
      %swap3A_739 = vector.shape_cast %add3A_734 : vector<16xf32> to vector<1x16xf32>
      tpu.vector_store %arg14[%swap3A_735, %swap3A_736], %swap3A_739 {strides = array<i32>} : memref<32x1024xf32, #tpu.memory_space<vmem>>, vector<1x16xf32>,
      %get3A_740 = arith.index_cast %scan3A_42 : i32 to index
      %get3A_741 = arith.constant 688 : index
      %get3A_742 = tpu.vector_load %arg12[%get3A_740, %get3A_741] {strides = array<i32>} : memref<32x1024xf32, #tpu.memory_space<vmem>>, vector<1x16xf32>,
      %get3A_743 = vector.shape_cast %get3A_742 : vector<1x16xf32> to vector<16xf32>
      %mul3A_744 = arith.mulf %get3A_48, %get3A_743 : vector<16xf32>
      %get3A_745 = arith.index_cast %scan3A_42 : i32 to index
      %get3A_746 = arith.constant 688 : index
      %get3A_747 = tpu.vector_load %arg13[%get3A_745, %get3A_746] {strides = array<i32>} : memref<32x1024xf32, #tpu.memory_space<vmem>>, vector<1x16xf32>,
      %get3A_748 = vector.shape_cast %get3A_747 : vector<1x16xf32> to vector<16xf32>
      %mul3A_749 = arith.mulf %get3A_52, %get3A_748 : vector<16xf32>
      %add3A_750 = arith.addf %mul3A_744, %mul3A_749 : vector<16xf32>
      %swap3A_751 = arith.index_cast %scan3A_42 : i32 to index
      %swap3A_752 = arith.constant 688 : index
      %swap3A_753 = tpu.vector_load %arg14[%swap3A_751, %swap3A_752] {strides = array<i32>} : memref<32x1024xf32, #tpu.memory_space<vmem>>, vector<1x16xf32>,
      %swap3A_754 = vector.shape_cast %swap3A_753 : vector<1x16xf32> to vector<16xf32>
      %swap3A_755 = vector.shape_cast %add3A_750 : vector<16xf32> to vector<1x16xf32>
      tpu.vector_store %arg14[%swap3A_751, %swap3A_752], %swap3A_755 {strides = array<i32>} : memref<32x1024xf32, #tpu.memory_space<vmem>>, vector<1x16xf32>,
      %get3A_756 = arith.index_cast %scan3A_42 : i32 to index
      %get3A_757 = arith.constant 704 : index
      %get3A_758 = tpu.vector_load %arg12[%get3A_756, %get3A_757] {strides = array<i32>} : memref<32x1024xf32, #tpu.memory_space<vmem>>, vector<1x16xf32>,
      %get3A_759 = vector.shape_cast %get3A_758 : vector<1x16xf32> to vector<16xf32>
      %mul3A_760 = arith.mulf %get3A_48, %get3A_759 : vector<16xf32>
      %get3A_761 = arith.index_cast %scan3A_42 : i32 to index
      %get3A_762 = arith.constant 704 : index
      %get3A_763 = tpu.vector_load %arg13[%get3A_761, %get3A_762] {strides = array<i32>} : memref<32x1024xf32, #tpu.memory_space<vmem>>, vector<1x16xf32>,
      %get3A_764 = vector.shape_cast %get3A_763 : vector<1x16xf32> to vector<16xf32>
      %mul3A_765 = arith.mulf %get3A_52, %get3A_764 : vector<16xf32>
      %add3A_766 = arith.addf %mul3A_760, %mul3A_765 : vector<16xf32>
      %swap3A_767 = arith.index_cast %scan3A_42 : i32 to index
      %swap3A_768 = arith.constant 704 : index
      %swap3A_769 = tpu.vector_load %arg14[%swap3A_767, %swap3A_768] {strides = array<i32>} : memref<32x1024xf32, #tpu.memory_space<vmem>>, vector<1x16xf32>,
      %swap3A_770 = vector.shape_cast %swap3A_769 : vector<1x16xf32> to vector<16xf32>
      %swap3A_771 = vector.shape_cast %add3A_766 : vector<16xf32> to vector<1x16xf32>
      tpu.vector_store %arg14[%swap3A_767, %swap3A_768], %swap3A_771 {strides = array<i32>} : memref<32x1024xf32, #tpu.memory_space<vmem>>, vector<1x16xf32>,
      %get3A_772 = arith.index_cast %scan3A_42 : i32 to index
      %get3A_773 = arith.constant 720 : index
      %get3A_774 = tpu.vector_load %arg12[%get3A_772, %get3A_773] {strides = array<i32>} : memref<32x1024xf32, #tpu.memory_space<vmem>>, vector<1x16xf32>,
      %get3A_775 = vector.shape_cast %get3A_774 : vector<1x16xf32> to vector<16xf32>
      %mul3A_776 = arith.mulf %get3A_48, %get3A_775 : vector<16xf32>
      %get3A_777 = arith.index_cast %scan3A_42 : i32 to index
      %get3A_778 = arith.constant 720 : index
      %get3A_779 = tpu.vector_load %arg13[%get3A_777, %get3A_778] {strides = array<i32>} : memref<32x1024xf32, #tpu.memory_space<vmem>>, vector<1x16xf32>,
      %get3A_780 = vector.shape_cast %get3A_779 : vector<1x16xf32> to vector<16xf32>
      %mul3A_781 = arith.mulf %get3A_52, %get3A_780 : vector<16xf32>
      %add3A_782 = arith.addf %mul3A_776, %mul3A_781 : vector<16xf32>
      %swap3A_783 = arith.index_cast %scan3A_42 : i32 to index
      %swap3A_784 = arith.constant 720 : index
      %swap3A_785 = tpu.vector_load %arg14[%swap3A_783, %swap3A_784] {strides = array<i32>} : memref<32x1024xf32, #tpu.memory_space<vmem>>, vector<1x16xf32>,
      %swap3A_786 = vector.shape_cast %swap3A_785 : vector<1x16xf32> to vector<16xf32>
      %swap3A_787 = vector.shape_cast %add3A_782 : vector<16xf32> to vector<1x16xf32>
      tpu.vector_store %arg14[%swap3A_783, %swap3A_784], %swap3A_787 {strides = array<i32>} : memref<32x1024xf32, #tpu.memory_space<vmem>>, vector<1x16xf32>,
      %get3A_788 = arith.index_cast %scan3A_42 : i32 to index
      %get3A_789 = arith.constant 736 : index
      %get3A_790 = tpu.vector_load %arg12[%get3A_788, %get3A_789] {strides = array<i32>} : memref<32x1024xf32, #tpu.memory_space<vmem>>, vector<1x16xf32>,
      %get3A_791 = vector.shape_cast %get3A_790 : vector<1x16xf32> to vector<16xf32>
      %mul3A_792 = arith.mulf %get3A_48, %get3A_791 : vector<16xf32>
      %get3A_793 = arith.index_cast %scan3A_42 : i32 to index
      %get3A_794 = arith.constant 736 : index
      %get3A_795 = tpu.vector_load %arg13[%get3A_793, %get3A_794] {strides = array<i32>} : memref<32x1024xf32, #tpu.memory_space<vmem>>, vector<1x16xf32>,
      %get3A_796 = vector.shape_cast %get3A_795 : vector<1x16xf32> to vector<16xf32>
      %mul3A_797 = arith.mulf %get3A_52, %get3A_796 : vector<16xf32>
      %add3A_798 = arith.addf %mul3A_792, %mul3A_797 : vector<16xf32>
      %swap3A_799 = arith.index_cast %scan3A_42 : i32 to index
      %swap3A_800 = arith.constant 736 : index
      %swap3A_801 = tpu.vector_load %arg14[%swap3A_799, %swap3A_800] {strides = array<i32>} : memref<32x1024xf32, #tpu.memory_space<vmem>>, vector<1x16xf32>,
      %swap3A_802 = vector.shape_cast %swap3A_801 : vector<1x16xf32> to vector<16xf32>
      %swap3A_803 = vector.shape_cast %add3A_798 : vector<16xf32> to vector<1x16xf32>
      tpu.vector_store %arg14[%swap3A_799, %swap3A_800], %swap3A_803 {strides = array<i32>} : memref<32x1024xf32, #tpu.memory_space<vmem>>, vector<1x16xf32>,
      %get3A_804 = arith.index_cast %scan3A_42 : i32 to index
      %get3A_805 = arith.constant 752 : index
      %get3A_806 = tpu.vector_load %arg12[%get3A_804, %get3A_805] {strides = array<i32>} : memref<32x1024xf32, #tpu.memory_space<vmem>>, vector<1x16xf32>,
      %get3A_807 = vector.shape_cast %get3A_806 : vector<1x16xf32> to vector<16xf32>
      %mul3A_808 = arith.mulf %get3A_48, %get3A_807 : vector<16xf32>
      %get3A_809 = arith.index_cast %scan3A_42 : i32 to index
      %get3A_810 = arith.constant 752 : index
      %get3A_811 = tpu.vector_load %arg13[%get3A_809, %get3A_810] {strides = array<i32>} : memref<32x1024xf32, #tpu.memory_space<vmem>>, vector<1x16xf32>,
      %get3A_812 = vector.shape_cast %get3A_811 : vector<1x16xf32> to vector<16xf32>
      %mul3A_813 = arith.mulf %get3A_52, %get3A_812 : vector<16xf32>
      %add3A_814 = arith.addf %mul3A_808, %mul3A_813 : vector<16xf32>
      %swap3A_815 = arith.index_cast %scan3A_42 : i32 to index
      %swap3A_816 = arith.constant 752 : index
      %swap3A_817 = tpu.vector_load %arg14[%swap3A_815, %swap3A_816] {strides = array<i32>} : memref<32x1024xf32, #tpu.memory_space<vmem>>, vector<1x16xf32>,
      %swap3A_818 = vector.shape_cast %swap3A_817 : vector<1x16xf32> to vector<16xf32>
      %swap3A_819 = vector.shape_cast %add3A_814 : vector<16xf32> to vector<1x16xf32>
      tpu.vector_store %arg14[%swap3A_815, %swap3A_816], %swap3A_819 {strides = array<i32>} : memref<32x1024xf32, #tpu.memory_space<vmem>>, vector<1x16xf32>,
      %get3A_820 = arith.index_cast %scan3A_42 : i32 to index
      %get3A_821 = arith.constant 768 : index
      %get3A_822 = tpu.vector_load %arg12[%get3A_820, %get3A_821] {strides = array<i32>} : memref<32x1024xf32, #tpu.memory_space<vmem>>, vector<1x16xf32>,
      %get3A_823 = vector.shape_cast %get3A_822 : vector<1x16xf32> to vector<16xf32>
      %mul3A_824 = arith.mulf %get3A_48, %get3A_823 : vector<16xf32>
      %get3A_825 = arith.index_cast %scan3A_42 : i32 to index
      %get3A_826 = arith.constant 768 : index
      %get3A_827 = tpu.vector_load %arg13[%get3A_825, %get3A_826] {strides = array<i32>} : memref<32x1024xf32, #tpu.memory_space<vmem>>, vector<1x16xf32>,
      %get3A_828 = vector.shape_cast %get3A_827 : vector<1x16xf32> to vector<16xf32>
      %mul3A_829 = arith.mulf %get3A_52, %get3A_828 : vector<16xf32>
      %add3A_830 = arith.addf %mul3A_824, %mul3A_829 : vector<16xf32>
      %swap3A_831 = arith.index_cast %scan3A_42 : i32 to index
      %swap3A_832 = arith.constant 768 : index
      %swap3A_833 = tpu.vector_load %arg14[%swap3A_831, %swap3A_832] {strides = array<i32>} : memref<32x1024xf32, #tpu.memory_space<vmem>>, vector<1x16xf32>,
      %swap3A_834 = vector.shape_cast %swap3A_833 : vector<1x16xf32> to vector<16xf32>
      %swap3A_835 = vector.shape_cast %add3A_830 : vector<16xf32> to vector<1x16xf32>
      tpu.vector_store %arg14[%swap3A_831, %swap3A_832], %swap3A_835 {strides = array<i32>} : memref<32x1024xf32, #tpu.memory_space<vmem>>, vector<1x16xf32>,
      %get3A_836 = arith.index_cast %scan3A_42 : i32 to index
      %get3A_837 = arith.constant 784 : index
      %get3A_838 = tpu.vector_load %arg12[%get3A_836, %get3A_837] {strides = array<i32>} : memref<32x1024xf32, #tpu.memory_space<vmem>>, vector<1x16xf32>,
      %get3A_839 = vector.shape_cast %get3A_838 : vector<1x16xf32> to vector<16xf32>
      %mul3A_840 = arith.mulf %get3A_48, %get3A_839 : vector<16xf32>
      %get3A_841 = arith.index_cast %scan3A_42 : i32 to index
      %get3A_842 = arith.constant 784 : index
      %get3A_843 = tpu.vector_load %arg13[%get3A_841, %get3A_842] {strides = array<i32>} : memref<32x1024xf32, #tpu.memory_space<vmem>>, vector<1x16xf32>,
      %get3A_844 = vector.shape_cast %get3A_843 : vector<1x16xf32> to vector<16xf32>
      %mul3A_845 = arith.mulf %get3A_52, %get3A_844 : vector<16xf32>
      %add3A_846 = arith.addf %mul3A_840, %mul3A_845 : vector<16xf32>
      %swap3A_847 = arith.index_cast %scan3A_42 : i32 to index
      %swap3A_848 = arith.constant 784 : index
      %swap3A_849 = tpu.vector_load %arg14[%swap3A_847, %swap3A_848] {strides = array<i32>} : memref<32x1024xf32, #tpu.memory_space<vmem>>, vector<1x16xf32>,
      %swap3A_850 = vector.shape_cast %swap3A_849 : vector<1x16xf32> to vector<16xf32>
      %swap3A_851 = vector.shape_cast %add3A_846 : vector<16xf32> to vector<1x16xf32>
      tpu.vector_store %arg14[%swap3A_847, %swap3A_848], %swap3A_851 {strides = array<i32>} : memref<32x1024xf32, #tpu.memory_space<vmem>>, vector<1x16xf32>,
      %get3A_852 = arith.index_cast %scan3A_42 : i32 to index
      %get3A_853 = arith.constant 800 : index
      %get3A_854 = tpu.vector_load %arg12[%get3A_852, %get3A_853] {strides = array<i32>} : memref<32x1024xf32, #tpu.memory_space<vmem>>, vector<1x16xf32>,
      %get3A_855 = vector.shape_cast %get3A_854 : vector<1x16xf32> to vector<16xf32>
      %mul3A_856 = arith.mulf %get3A_48, %get3A_855 : vector<16xf32>
      %get3A_857 = arith.index_cast %scan3A_42 : i32 to index
      %get3A_858 = arith.constant 800 : index
      %get3A_859 = tpu.vector_load %arg13[%get3A_857, %get3A_858] {strides = array<i32>} : memref<32x1024xf32, #tpu.memory_space<vmem>>, vector<1x16xf32>,
      %get3A_860 = vector.shape_cast %get3A_859 : vector<1x16xf32> to vector<16xf32>
      %mul3A_861 = arith.mulf %get3A_52, %get3A_860 : vector<16xf32>
      %add3A_862 = arith.addf %mul3A_856, %mul3A_861 : vector<16xf32>
      %swap3A_863 = arith.index_cast %scan3A_42 : i32 to index
      %swap3A_864 = arith.constant 800 : index
      %swap3A_865 = tpu.vector_load %arg14[%swap3A_863, %swap3A_864] {strides = array<i32>} : memref<32x1024xf32, #tpu.memory_space<vmem>>, vector<1x16xf32>,
      %swap3A_866 = vector.shape_cast %swap3A_865 : vector<1x16xf32> to vector<16xf32>
      %swap3A_867 = vector.shape_cast %add3A_862 : vector<16xf32> to vector<1x16xf32>
      tpu.vector_store %arg14[%swap3A_863, %swap3A_864], %swap3A_867 {strides = array<i32>} : memref<32x1024xf32, #tpu.memory_space<vmem>>, vector<1x16xf32>,
      %get3A_868 = arith.index_cast %scan3A_42 : i32 to index
      %get3A_869 = arith.constant 816 : index
      %get3A_870 = tpu.vector_load %arg12[%get3A_868, %get3A_869] {strides = array<i32>} : memref<32x1024xf32, #tpu.memory_space<vmem>>, vector<1x16xf32>,
      %get3A_871 = vector.shape_cast %get3A_870 : vector<1x16xf32> to vector<16xf32>
      %mul3A_872 = arith.mulf %get3A_48, %get3A_871 : vector<16xf32>
      %get3A_873 = arith.index_cast %scan3A_42 : i32 to index
      %get3A_874 = arith.constant 816 : index
      %get3A_875 = tpu.vector_load %arg13[%get3A_873, %get3A_874] {strides = array<i32>} : memref<32x1024xf32, #tpu.memory_space<vmem>>, vector<1x16xf32>,
      %get3A_876 = vector.shape_cast %get3A_875 : vector<1x16xf32> to vector<16xf32>
      %mul3A_877 = arith.mulf %get3A_52, %get3A_876 : vector<16xf32>
      %add3A_878 = arith.addf %mul3A_872, %mul3A_877 : vector<16xf32>
      %swap3A_879 = arith.index_cast %scan3A_42 : i32 to index
      %swap3A_880 = arith.constant 816 : index
      %swap3A_881 = tpu.vector_load %arg14[%swap3A_879, %swap3A_880] {strides = array<i32>} : memref<32x1024xf32, #tpu.memory_space<vmem>>, vector<1x16xf32>,
      %swap3A_882 = vector.shape_cast %swap3A_881 : vector<1x16xf32> to vector<16xf32>
      %swap3A_883 = vector.shape_cast %add3A_878 : vector<16xf32> to vector<1x16xf32>
      tpu.vector_store %arg14[%swap3A_879, %swap3A_880], %swap3A_883 {strides = array<i32>} : memref<32x1024xf32, #tpu.memory_space<vmem>>, vector<1x16xf32>,
      %get3A_884 = arith.index_cast %scan3A_42 : i32 to index
      %get3A_885 = arith.constant 832 : index
      %get3A_886 = tpu.vector_load %arg12[%get3A_884, %get3A_885] {strides = array<i32>} : memref<32x1024xf32, #tpu.memory_space<vmem>>, vector<1x16xf32>,
      %get3A_887 = vector.shape_cast %get3A_886 : vector<1x16xf32> to vector<16xf32>
      %mul3A_888 = arith.mulf %get3A_48, %get3A_887 : vector<16xf32>
      %get3A_889 = arith.index_cast %scan3A_42 : i32 to index
      %get3A_890 = arith.constant 832 : index
      %get3A_891 = tpu.vector_load %arg13[%get3A_889, %get3A_890] {strides = array<i32>} : memref<32x1024xf32, #tpu.memory_space<vmem>>, vector<1x16xf32>,
      %get3A_892 = vector.shape_cast %get3A_891 : vector<1x16xf32> to vector<16xf32>
      %mul3A_893 = arith.mulf %get3A_52, %get3A_892 : vector<16xf32>
      %add3A_894 = arith.addf %mul3A_888, %mul3A_893 : vector<16xf32>
      %swap3A_895 = arith.index_cast %scan3A_42 : i32 to index
      %swap3A_896 = arith.constant 832 : index
      %swap3A_897 = tpu.vector_load %arg14[%swap3A_895, %swap3A_896] {strides = array<i32>} : memref<32x1024xf32, #tpu.memory_space<vmem>>, vector<1x16xf32>,
      %swap3A_898 = vector.shape_cast %swap3A_897 : vector<1x16xf32> to vector<16xf32>
      %swap3A_899 = vector.shape_cast %add3A_894 : vector<16xf32> to vector<1x16xf32>
      tpu.vector_store %arg14[%swap3A_895, %swap3A_896], %swap3A_899 {strides = array<i32>} : memref<32x1024xf32, #tpu.memory_space<vmem>>, vector<1x16xf32>,
      %get3A_900 = arith.index_cast %scan3A_42 : i32 to index
      %get3A_901 = arith.constant 848 : index
      %get3A_902 = tpu.vector_load %arg12[%get3A_900, %get3A_901] {strides = array<i32>} : memref<32x1024xf32, #tpu.memory_space<vmem>>, vector<1x16xf32>,
      %get3A_903 = vector.shape_cast %get3A_902 : vector<1x16xf32> to vector<16xf32>
      %mul3A_904 = arith.mulf %get3A_48, %get3A_903 : vector<16xf32>
      %get3A_905 = arith.index_cast %scan3A_42 : i32 to index
      %get3A_906 = arith.constant 848 : index
      %get3A_907 = tpu.vector_load %arg13[%get3A_905, %get3A_906] {strides = array<i32>} : memref<32x1024xf32, #tpu.memory_space<vmem>>, vector<1x16xf32>,
      %get3A_908 = vector.shape_cast %get3A_907 : vector<1x16xf32> to vector<16xf32>
      %mul3A_909 = arith.mulf %get3A_52, %get3A_908 : vector<16xf32>
      %add3A_910 = arith.addf %mul3A_904, %mul3A_909 : vector<16xf32>
      %swap3A_911 = arith.index_cast %scan3A_42 : i32 to index
      %swap3A_912 = arith.constant 848 : index
      %swap3A_913 = tpu.vector_load %arg14[%swap3A_911, %swap3A_912] {strides = array<i32>} : memref<32x1024xf32, #tpu.memory_space<vmem>>, vector<1x16xf32>,
      %swap3A_914 = vector.shape_cast %swap3A_913 : vector<1x16xf32> to vector<16xf32>
      %swap3A_915 = vector.shape_cast %add3A_910 : vector<16xf32> to vector<1x16xf32>
      tpu.vector_store %arg14[%swap3A_911, %swap3A_912], %swap3A_915 {strides = array<i32>} : memref<32x1024xf32, #tpu.memory_space<vmem>>, vector<1x16xf32>,
      %get3A_916 = arith.index_cast %scan3A_42 : i32 to index
      %get3A_917 = arith.constant 864 : index
      %get3A_918 = tpu.vector_load %arg12[%get3A_916, %get3A_917] {strides = array<i32>} : memref<32x1024xf32, #tpu.memory_space<vmem>>, vector<1x16xf32>,
      %get3A_919 = vector.shape_cast %get3A_918 : vector<1x16xf32> to vector<16xf32>
      %mul3A_920 = arith.mulf %get3A_48, %get3A_919 : vector<16xf32>
      %get3A_921 = arith.index_cast %scan3A_42 : i32 to index
      %get3A_922 = arith.constant 864 : index
      %get3A_923 = tpu.vector_load %arg13[%get3A_921, %get3A_922] {strides = array<i32>} : memref<32x1024xf32, #tpu.memory_space<vmem>>, vector<1x16xf32>,
      %get3A_924 = vector.shape_cast %get3A_923 : vector<1x16xf32> to vector<16xf32>
      %mul3A_925 = arith.mulf %get3A_52, %get3A_924 : vector<16xf32>
      %add3A_926 = arith.addf %mul3A_920, %mul3A_925 : vector<16xf32>
      %swap3A_927 = arith.index_cast %scan3A_42 : i32 to index
      %swap3A_928 = arith.constant 864 : index
      %swap3A_929 = tpu.vector_load %arg14[%swap3A_927, %swap3A_928] {strides = array<i32>} : memref<32x1024xf32, #tpu.memory_space<vmem>>, vector<1x16xf32>,
      %swap3A_930 = vector.shape_cast %swap3A_929 : vector<1x16xf32> to vector<16xf32>
      %swap3A_931 = vector.shape_cast %add3A_926 : vector<16xf32> to vector<1x16xf32>
      tpu.vector_store %arg14[%swap3A_927, %swap3A_928], %swap3A_931 {strides = array<i32>} : memref<32x1024xf32, #tpu.memory_space<vmem>>, vector<1x16xf32>,
      %get3A_932 = arith.index_cast %scan3A_42 : i32 to index
      %get3A_933 = arith.constant 880 : index
      %get3A_934 = tpu.vector_load %arg12[%get3A_932, %get3A_933] {strides = array<i32>} : memref<32x1024xf32, #tpu.memory_space<vmem>>, vector<1x16xf32>,
      %get3A_935 = vector.shape_cast %get3A_934 : vector<1x16xf32> to vector<16xf32>
      %mul3A_936 = arith.mulf %get3A_48, %get3A_935 : vector<16xf32>
      %get3A_937 = arith.index_cast %scan3A_42 : i32 to index
      %get3A_938 = arith.constant 880 : index
      %get3A_939 = tpu.vector_load %arg13[%get3A_937, %get3A_938] {strides = array<i32>} : memref<32x1024xf32, #tpu.memory_space<vmem>>, vector<1x16xf32>,
      %get3A_940 = vector.shape_cast %get3A_939 : vector<1x16xf32> to vector<16xf32>
      %mul3A_941 = arith.mulf %get3A_52, %get3A_940 : vector<16xf32>
      %add3A_942 = arith.addf %mul3A_936, %mul3A_941 : vector<16xf32>
      %swap3A_943 = arith.index_cast %scan3A_42 : i32 to index
      %swap3A_944 = arith.constant 880 : index
      %swap3A_945 = tpu.vector_load %arg14[%swap3A_943, %swap3A_944] {strides = array<i32>} : memref<32x1024xf32, #tpu.memory_space<vmem>>, vector<1x16xf32>,
      %swap3A_946 = vector.shape_cast %swap3A_945 : vector<1x16xf32> to vector<16xf32>
      %swap3A_947 = vector.shape_cast %add3A_942 : vector<16xf32> to vector<1x16xf32>
      tpu.vector_store %arg14[%swap3A_943, %swap3A_944], %swap3A_947 {strides = array<i32>} : memref<32x1024xf32, #tpu.memory_space<vmem>>, vector<1x16xf32>,
      %get3A_948 = arith.index_cast %scan3A_42 : i32 to index
      %get3A_949 = arith.constant 896 : index
      %get3A_950 = tpu.vector_load %arg12[%get3A_948, %get3A_949] {strides = array<i32>} : memref<32x1024xf32, #tpu.memory_space<vmem>>, vector<1x16xf32>,
      %get3A_951 = vector.shape_cast %get3A_950 : vector<1x16xf32> to vector<16xf32>
      %mul3A_952 = arith.mulf %get3A_48, %get3A_951 : vector<16xf32>
      %get3A_953 = arith.index_cast %scan3A_42 : i32 to index
      %get3A_954 = arith.constant 896 : index
      %get3A_955 = tpu.vector_load %arg13[%get3A_953, %get3A_954] {strides = array<i32>} : memref<32x1024xf32, #tpu.memory_space<vmem>>, vector<1x16xf32>,
      %get3A_956 = vector.shape_cast %get3A_955 : vector<1x16xf32> to vector<16xf32>
      %mul3A_957 = arith.mulf %get3A_52, %get3A_956 : vector<16xf32>
      %add3A_958 = arith.addf %mul3A_952, %mul3A_957 : vector<16xf32>
      %swap3A_959 = arith.index_cast %scan3A_42 : i32 to index
      %swap3A_960 = arith.constant 896 : index
      %swap3A_961 = tpu.vector_load %arg14[%swap3A_959, %swap3A_960] {strides = array<i32>} : memref<32x1024xf32, #tpu.memory_space<vmem>>, vector<1x16xf32>,
      %swap3A_962 = vector.shape_cast %swap3A_961 : vector<1x16xf32> to vector<16xf32>
      %swap3A_963 = vector.shape_cast %add3A_958 : vector<16xf32> to vector<1x16xf32>
      tpu.vector_store %arg14[%swap3A_959, %swap3A_960], %swap3A_963 {strides = array<i32>} : memref<32x1024xf32, #tpu.memory_space<vmem>>, vector<1x16xf32>,
      %get3A_964 = arith.index_cast %scan3A_42 : i32 to index
      %get3A_965 = arith.constant 912 : index
      %get3A_966 = tpu.vector_load %arg12[%get3A_964, %get3A_965] {strides = array<i32>} : memref<32x1024xf32, #tpu.memory_space<vmem>>, vector<1x16xf32>,
      %get3A_967 = vector.shape_cast %get3A_966 : vector<1x16xf32> to vector<16xf32>
      %mul3A_968 = arith.mulf %get3A_48, %get3A_967 : vector<16xf32>
      %get3A_969 = arith.index_cast %scan3A_42 : i32 to index
      %get3A_970 = arith.constant 912 : index
      %get3A_971 = tpu.vector_load %arg13[%get3A_969, %get3A_970] {strides = array<i32>} : memref<32x1024xf32, #tpu.memory_space<vmem>>, vector<1x16xf32>,
      %get3A_972 = vector.shape_cast %get3A_971 : vector<1x16xf32> to vector<16xf32>
      %mul3A_973 = arith.mulf %get3A_52, %get3A_972 : vector<16xf32>
      %add3A_974 = arith.addf %mul3A_968, %mul3A_973 : vector<16xf32>
      %swap3A_975 = arith.index_cast %scan3A_42 : i32 to index
      %swap3A_976 = arith.constant 912 : index
      %swap3A_977 = tpu.vector_load %arg14[%swap3A_975, %swap3A_976] {strides = array<i32>} : memref<32x1024xf32, #tpu.memory_space<vmem>>, vector<1x16xf32>,
      %swap3A_978 = vector.shape_cast %swap3A_977 : vector<1x16xf32> to vector<16xf32>
      %swap3A_979 = vector.shape_cast %add3A_974 : vector<16xf32> to vector<1x16xf32>
      tpu.vector_store %arg14[%swap3A_975, %swap3A_976], %swap3A_979 {strides = array<i32>} : memref<32x1024xf32, #tpu.memory_space<vmem>>, vector<1x16xf32>,
      %get3A_980 = arith.index_cast %scan3A_42 : i32 to index
      %get3A_981 = arith.constant 928 : index
      %get3A_982 = tpu.vector_load %arg12[%get3A_980, %get3A_981] {strides = array<i32>} : memref<32x1024xf32, #tpu.memory_space<vmem>>, vector<1x16xf32>,
      %get3A_983 = vector.shape_cast %get3A_982 : vector<1x16xf32> to vector<16xf32>
      %mul3A_984 = arith.mulf %get3A_48, %get3A_983 : vector<16xf32>
      %get3A_985 = arith.index_cast %scan3A_42 : i32 to index
      %get3A_986 = arith.constant 928 : index
      %get3A_987 = tpu.vector_load %arg13[%get3A_985, %get3A_986] {strides = array<i32>} : memref<32x1024xf32, #tpu.memory_space<vmem>>, vector<1x16xf32>,
      %get3A_988 = vector.shape_cast %get3A_987 : vector<1x16xf32> to vector<16xf32>
      %mul3A_989 = arith.mulf %get3A_52, %get3A_988 : vector<16xf32>
      %add3A_990 = arith.addf %mul3A_984, %mul3A_989 : vector<16xf32>
      %swap3A_991 = arith.index_cast %scan3A_42 : i32 to index
      %swap3A_992 = arith.constant 928 : index
      %swap3A_993 = tpu.vector_load %arg14[%swap3A_991, %swap3A_992] {strides = array<i32>} : memref<32x1024xf32, #tpu.memory_space<vmem>>, vector<1x16xf32>,
      %swap3A_994 = vector.shape_cast %swap3A_993 : vector<1x16xf32> to vector<16xf32>
      %swap3A_995 = vector.shape_cast %add3A_990 : vector<16xf32> to vector<1x16xf32>
      tpu.vector_store %arg14[%swap3A_991, %swap3A_992], %swap3A_995 {strides = array<i32>} : memref<32x1024xf32, #tpu.memory_space<vmem>>, vector<1x16xf32>,
      %get3A_996 = arith.index_cast %scan3A_42 : i32 to index
      %get3A_997 = arith.constant 944 : index
      %get3A_998 = tpu.vector_load %arg12[%get3A_996, %get3A_997] {strides = array<i32>} : memref<32x1024xf32, #tpu.memory_space<vmem>>, vector<1x16xf32>,
      %get3A_999 = vector.shape_cast %get3A_998 : vector<1x16xf32> to vector<16xf32>
      %mul3A_1000 = arith.mulf %get3A_48, %get3A_999 : vector<16xf32>
      %get3A_1001 = arith.index_cast %scan3A_42 : i32 to index
      %get3A_1002 = arith.constant 944 : index
      %get3A_1003 = tpu.vector_load %arg13[%get3A_1001, %get3A_1002] {strides = array<i32>} : memref<32x1024xf32, #tpu.memory_space<vmem>>, vector<1x16xf32>,
      %get3A_1004 = vector.shape_cast %get3A_1003 : vector<1x16xf32> to vector<16xf32>
      %mul3A_1005 = arith.mulf %get3A_52, %get3A_1004 : vector<16xf32>
      %add3A_1006 = arith.addf %mul3A_1000, %mul3A_1005 : vector<16xf32>
      %swap3A_1007 = arith.index_cast %scan3A_42 : i32 to index
      %swap3A_1008 = arith.constant 944 : index
      %swap3A_1009 = tpu.vector_load %arg14[%swap3A_1007, %swap3A_1008] {strides = array<i32>} : memref<32x1024xf32, #tpu.memory_space<vmem>>, vector<1x16xf32>,
      %swap3A_1010 = vector.shape_cast %swap3A_1009 : vector<1x16xf32> to vector<16xf32>
      %swap3A_1011 = vector.shape_cast %add3A_1006 : vector<16xf32> to vector<1x16xf32>
      tpu.vector_store %arg14[%swap3A_1007, %swap3A_1008], %swap3A_1011 {strides = array<i32>} : memref<32x1024xf32, #tpu.memory_space<vmem>>, vector<1x16xf32>,
      %get3A_1012 = arith.index_cast %scan3A_42 : i32 to index
      %get3A_1013 = arith.constant 960 : index
      %get3A_1014 = tpu.vector_load %arg12[%get3A_1012, %get3A_1013] {strides = array<i32>} : memref<32x1024xf32, #tpu.memory_space<vmem>>, vector<1x16xf32>,
      %get3A_1015 = vector.shape_cast %get3A_1014 : vector<1x16xf32> to vector<16xf32>
      %mul3A_1016 = arith.mulf %get3A_48, %get3A_1015 : vector<16xf32>
      %get3A_1017 = arith.index_cast %scan3A_42 : i32 to index
      %get3A_1018 = arith.constant 960 : index
      %get3A_1019 = tpu.vector_load %arg13[%get3A_1017, %get3A_1018] {strides = array<i32>} : memref<32x1024xf32, #tpu.memory_space<vmem>>, vector<1x16xf32>,
      %get3A_1020 = vector.shape_cast %get3A_1019 : vector<1x16xf32> to vector<16xf32>
      %mul3A_1021 = arith.mulf %get3A_52, %get3A_1020 : vector<16xf32>
      %add3A_1022 = arith.addf %mul3A_1016, %mul3A_1021 : vector<16xf32>
      %swap3A_1023 = arith.index_cast %scan3A_42 : i32 to index
      %swap3A_1024 = arith.constant 960 : index
      %swap3A_1025 = tpu.vector_load %arg14[%swap3A_1023, %swap3A_1024] {strides = array<i32>} : memref<32x1024xf32, #tpu.memory_space<vmem>>, vector<1x16xf32>,
      %swap3A_1026 = vector.shape_cast %swap3A_1025 : vector<1x16xf32> to vector<16xf32>
      %swap3A_1027 = vector.shape_cast %add3A_1022 : vector<16xf32> to vector<1x16xf32>
      tpu.vector_store %arg14[%swap3A_1023, %swap3A_1024], %swap3A_1027 {strides = array<i32>} : memref<32x1024xf32, #tpu.memory_space<vmem>>, vector<1x16xf32>,
      %get3A_1028 = arith.index_cast %scan3A_42 : i32 to index
      %get3A_1029 = arith.constant 976 : index
      %get3A_1030 = tpu.vector_load %arg12[%get3A_1028, %get3A_1029] {strides = array<i32>} : memref<32x1024xf32, #tpu.memory_space<vmem>>, vector<1x16xf32>,
      %get3A_1031 = vector.shape_cast %get3A_1030 : vector<1x16xf32> to vector<16xf32>
      %mul3A_1032 = arith.mulf %get3A_48, %get3A_1031 : vector<16xf32>
      %get3A_1033 = arith.index_cast %scan3A_42 : i32 to index
      %get3A_1034 = arith.constant 976 : index
      %get3A_1035 = tpu.vector_load %arg13[%get3A_1033, %get3A_1034] {strides = array<i32>} : memref<32x1024xf32, #tpu.memory_space<vmem>>, vector<1x16xf32>,
      %get3A_1036 = vector.shape_cast %get3A_1035 : vector<1x16xf32> to vector<16xf32>
      %mul3A_1037 = arith.mulf %get3A_52, %get3A_1036 : vector<16xf32>
      %add3A_1038 = arith.addf %mul3A_1032, %mul3A_1037 : vector<16xf32>
      %swap3A_1039 = arith.index_cast %scan3A_42 : i32 to index
      %swap3A_1040 = arith.constant 976 : index
      %swap3A_1041 = tpu.vector_load %arg14[%swap3A_1039, %swap3A_1040] {strides = array<i32>} : memref<32x1024xf32, #tpu.memory_space<vmem>>, vector<1x16xf32>,
      %swap3A_1042 = vector.shape_cast %swap3A_1041 : vector<1x16xf32> to vector<16xf32>
      %swap3A_1043 = vector.shape_cast %add3A_1038 : vector<16xf32> to vector<1x16xf32>
      tpu.vector_store %arg14[%swap3A_1039, %swap3A_1040], %swap3A_1043 {strides = array<i32>} : memref<32x1024xf32, #tpu.memory_space<vmem>>, vector<1x16xf32>,
      %get3A_1044 = arith.index_cast %scan3A_42 : i32 to index
      %get3A_1045 = arith.constant 992 : index
      %get3A_1046 = tpu.vector_load %arg12[%get3A_1044, %get3A_1045] {strides = array<i32>} : memref<32x1024xf32, #tpu.memory_space<vmem>>, vector<1x16xf32>,
      %get3A_1047 = vector.shape_cast %get3A_1046 : vector<1x16xf32> to vector<16xf32>
      %mul3A_1048 = arith.mulf %get3A_48, %get3A_1047 : vector<16xf32>
      %get3A_1049 = arith.index_cast %scan3A_42 : i32 to index
      %get3A_1050 = arith.constant 992 : index
      %get3A_1051 = tpu.vector_load %arg13[%get3A_1049, %get3A_1050] {strides = array<i32>} : memref<32x1024xf32, #tpu.memory_space<vmem>>, vector<1x16xf32>,
      %get3A_1052 = vector.shape_cast %get3A_1051 : vector<1x16xf32> to vector<16xf32>
      %mul3A_1053 = arith.mulf %get3A_52, %get3A_1052 : vector<16xf32>
      %add3A_1054 = arith.addf %mul3A_1048, %mul3A_1053 : vector<16xf32>
      %swap3A_1055 = arith.index_cast %scan3A_42 : i32 to index
      %swap3A_1056 = arith.constant 992 : index
      %swap3A_1057 = tpu.vector_load %arg14[%swap3A_1055, %swap3A_1056] {strides = array<i32>} : memref<32x1024xf32, #tpu.memory_space<vmem>>, vector<1x16xf32>,
      %swap3A_1058 = vector.shape_cast %swap3A_1057 : vector<1x16xf32> to vector<16xf32>
      %swap3A_1059 = vector.shape_cast %add3A_1054 : vector<16xf32> to vector<1x16xf32>
      tpu.vector_store %arg14[%swap3A_1055, %swap3A_1056], %swap3A_1059 {strides = array<i32>} : memref<32x1024xf32, #tpu.memory_space<vmem>>, vector<1x16xf32>,
      %get3A_1060 = arith.index_cast %scan3A_42 : i32 to index
      %get3A_1061 = arith.constant 1008 : index
      %get3A_1062 = tpu.vector_load %arg12[%get3A_1060, %get3A_1061] {strides = array<i32>} : memref<32x1024xf32, #tpu.memory_space<vmem>>, vector<1x16xf32>,
      %get3A_1063 = vector.shape_cast %get3A_1062 : vector<1x16xf32> to vector<16xf32>
      %mul3A_1064 = arith.mulf %get3A_48, %get3A_1063 : vector<16xf32>
      %get3A_1065 = arith.index_cast %scan3A_42 : i32 to index
      %get3A_1066 = arith.constant 1008 : index
      %get3A_1067 = tpu.vector_load %arg13[%get3A_1065, %get3A_1066] {strides = array<i32>} : memref<32x1024xf32, #tpu.memory_space<vmem>>, vector<1x16xf32>,
      %get3A_1068 = vector.shape_cast %get3A_1067 : vector<1x16xf32> to vector<16xf32>
      %mul3A_1069 = arith.mulf %get3A_52, %get3A_1068 : vector<16xf32>
      %add3A_1070 = arith.addf %mul3A_1064, %mul3A_1069 : vector<16xf32>
      %swap3A_1071 = arith.index_cast %scan3A_42 : i32 to index
      %swap3A_1072 = arith.constant 1008 : index
      %swap3A_1073 = tpu.vector_load %arg14[%swap3A_1071, %swap3A_1072] {strides = array<i32>} : memref<32x1024xf32, #tpu.memory_space<vmem>>, vector<1x16xf32>,
      %swap3A_1074 = vector.shape_cast %swap3A_1073 : vector<1x16xf32> to vector<16xf32>
      %swap3A_1075 = vector.shape_cast %add3A_1070 : vector<16xf32> to vector<1x16xf32>
      tpu.vector_store %arg14[%swap3A_1071, %swap3A_1072], %swap3A_1075 {strides = array<i32>} : memref<32x1024xf32, #tpu.memory_space<vmem>>, vector<1x16xf32>,
      %scan3A_1076 = arith.constant 0 : i32
      scf.yield %scan3A_1076 : i32
    }
    %scan3A_39 = arith.constant 32 : i32
    %add3A_40 = arith.constant 32 : i32
    %add3A_41 = arith.addi %mul3A_2, %add3A_40 : i32
    "tpu.region"() ({
      %run_scoped3A = tpu.sem_alloc : memref<!tpu.dma_semaphore, #tpu.memory_space<semaphore_mem>>
      %dma_start3A_42 = arith.constant 0 : i32
      %dma_start3A_43 = tpu.memref_slice %arg7[%add3A_41, %dma_start3A_42] : memref<2048x1024xf32, #tpu.memory_space<hbm>> -> memref<32x1024xf32, #tpu.memory_space<hbm>>
      %dma_start3A_44 = arith.constant 0 : i32
      %dma_start3A_45 = tpu.memref_slice %arg7[%add3A_41, %dma_start3A_44] : memref<2048x1024xf32, #tpu.memory_space<hbm>> -> memref<32x1024xf32, #tpu.memory_space<hbm>>
      tpu.enqueue_dma source(%arg14 : memref<32x1024xf32, #tpu.memory_space<vmem>>) target(%dma_start3A_45 : memref<32x1024xf32, #tpu.memory_space<hbm>>) target_semaphore(%run_scoped3A : memref<!tpu.dma_semaphore, #tpu.memory_space<semaphore_mem>>)
      %dma_wait3A_46 = arith.constant 0 : i32
      %dma_wait3A_47 = tpu.memref_slice %arg7[%add3A_41, %dma_wait3A_46] : memref<2048x1024xf32, #tpu.memory_space<hbm>> -> memref<32x1024xf32, #tpu.memory_space<hbm>>
      %dma_wait3A_48 = arith.constant 0 : i32
      %dma_wait3A_49 = tpu.memref_slice %arg7[%add3A_41, %dma_wait3A_48] : memref<2048x1024xf32, #tpu.memory_space<hbm>> -> memref<32x1024xf32, #tpu.memory_space<hbm>>
      tpu.wait_dma2 semaphore(%run_scoped3A : memref<!tpu.dma_semaphore, #tpu.memory_space<semaphore_mem>>) src(%arg14 : memref<32x1024xf32, #tpu.memory_space<vmem>>) dst(%dma_wait3A_49 : memref<32x1024xf32, #tpu.memory_space<hbm>>)
      tpu.yield
    }) : () -> ()
    return
  }
}

module attributes {stable_mosaic.version = 14 : i64} {
  func.func @_gate_kernel(%arg0: memref<2048x1024xf32, #tpu.memory_space<vmem>>, %arg1: memref<8x1024xf32, #tpu.memory_space<vmem>>, %arg2: memref<2048x16xf32, #tpu.memory_space<vmem>>, %arg3: memref<2048x16xf32, #tpu.memory_space<vmem>>, %arg4: memref<2048x1xi32, #tpu.memory_space<vmem>>, %arg5: memref<2048x1xi32, #tpu.memory_space<vmem>>, %arg6: memref<128x1xi32, #tpu.memory_space<vmem>>, %arg7: memref<1x1xf32, #tpu.memory_space<vmem>>) attributes {dimension_semantics = [], scalar_prefetch = 0 : i64, scratch_operands = 0 : i64, tpu.core_type = #tpu.core_type<tc>} {
    %get3A = arith.constant 0 : index
    %get3A_0 = arith.constant 0 : index
    %get3A_1 = vector.load %arg0[%get3A, %get3A_0] : memref<2048x1024xf32, #tpu.memory_space<vmem>>, vector<2048x1024xf32>
    %get3A_2 = arith.constant 0 : index
    %get3A_3 = arith.constant 0 : index
    %get3A_4 = vector.load %arg1[%get3A_2, %get3A_3] : memref<8x1024xf32, #tpu.memory_space<vmem>>, vector<8x1024xf32>
    %dot_general3A = arith.constant dense<0.000000e+00> : vector<2048x8xf32>
    %dot_general3A_5 = tpu.matmul %get3A_1, %get3A_4, %dot_general3A {dimension_numbers = #tpu.dot_dimension_numbers<[1], [1], [0], [0], [0, 0, 1, 0], [], []>, transpose_lhs_hint = false} : vector<2048x1024xf32>, vector<8x1024xf32>, vector<2048x8xf32> -> vector<2048x8xf32>
    %iota3A = tpu.iota {dimensions = array<i32: 1>} : vector<2048x8xi32>
    %reduce_max3A = arith.constant dense<0xFF800000> : vector<2048xf32>
    %reduce_max3A_6 = vector.multi_reduction <maximumf>, %dot_general3A_5, %reduce_max3A [1] : vector<2048x8xf32> to vector<2048xf32>
    %broadcast_in_dim3A = vector.shape_cast %reduce_max3A_6 : vector<2048xf32> to vector<2048x1xf32>
    %eq3A = vector.broadcast %broadcast_in_dim3A : vector<2048x1xf32> to vector<2048x8xf32>
    %eq3A_7 = arith.cmpf oeq, %dot_general3A_5, %eq3A : vector<2048x8xf32>
    %jit3A = arith.constant 8 : i32
    %broadcast_in_dim3A_8 = vector.broadcast %jit3A : i32 to vector<2048x8xi32>
    %select_n3A = arith.select %eq3A_7, %iota3A, %broadcast_in_dim3A_8 : vector<2048x8xi1>, vector<2048x8xi32>
    %reduce_min3A = arith.constant dense<2147483647> : vector<2048xi32>
    %reduce_min3A_9 = vector.multi_reduction <minsi>, %select_n3A, %reduce_min3A [1] : vector<2048x8xi32> to vector<2048xi32>
    %broadcast_in_dim3A_10 = vector.shape_cast %reduce_min3A_9 : vector<2048xi32> to vector<2048x1xi32>
    %eq3A_11 = vector.broadcast %broadcast_in_dim3A_10 : vector<2048x1xi32> to vector<2048x8xi32>
    %eq3A_12 = arith.cmpi eq, %iota3A, %eq3A_11 : vector<2048x8xi32>
    %neg3A = arith.constant 0.000000e+00 : f32
    %neg3A_13 = arith.constant 3.400000e+38 : f32
    %neg3A_14 = arith.subf %neg3A, %neg3A_13 : f32
    %broadcast_in_dim3A_15 = vector.broadcast %neg3A_14 : f32 to vector<2048x8xf32>
    %select_n3A_16 = arith.select %eq3A_12, %broadcast_in_dim3A_15, %dot_general3A_5 : vector<2048x8xi1>, vector<2048x8xf32>
    %reduce_max3A_17 = arith.constant dense<0xFF800000> : vector<2048xf32>
    %reduce_max3A_18 = vector.multi_reduction <maximumf>, %select_n3A_16, %reduce_max3A_17 [1] : vector<2048x8xf32> to vector<2048xf32>
    %broadcast_in_dim3A_19 = vector.shape_cast %reduce_max3A_18 : vector<2048xf32> to vector<2048x1xf32>
    %eq3A_20 = vector.broadcast %broadcast_in_dim3A_19 : vector<2048x1xf32> to vector<2048x8xf32>
    %eq3A_21 = arith.cmpf oeq, %select_n3A_16, %eq3A_20 : vector<2048x8xf32>
    %jit3A_22 = arith.constant 8 : i32
    %broadcast_in_dim3A_23 = vector.broadcast %jit3A_22 : i32 to vector<2048x8xi32>
    %select_n3A_24 = arith.select %eq3A_21, %iota3A, %broadcast_in_dim3A_23 : vector<2048x8xi1>, vector<2048x8xi32>
    %reduce_min3A_25 = arith.constant dense<2147483647> : vector<2048xi32>
    %reduce_min3A_26 = vector.multi_reduction <minsi>, %select_n3A_24, %reduce_min3A_25 [1] : vector<2048x8xi32> to vector<2048xi32>
    %broadcast_in_dim3A_27 = vector.shape_cast %reduce_min3A_26 : vector<2048xi32> to vector<2048x1xi32>
    %sub3A = arith.subf %broadcast_in_dim3A, %broadcast_in_dim3A_19 : vector<2048x1xf32>
    %exp3A = math.exp %sub3A : vector<2048x1xf32>
    %add3A = arith.constant 1.000000e+00 : f32
    %add3A_28 = vector.broadcast %add3A : f32 to vector<2048x1xf32>
    %add3A_29 = arith.addf %add3A_28, %exp3A : vector<2048x1xf32>
    %div3A = arith.constant 1.000000e+00 : f32
    %div3A_30 = vector.broadcast %div3A : f32 to vector<2048x1xf32>
    %div3A_31 = arith.divf %div3A_30, %add3A_29 : vector<2048x1xf32>
    %sub3A_32 = arith.constant 1.000000e+00 : f32
    %sub3A_33 = vector.broadcast %sub3A_32 : f32 to vector<2048x1xf32>
    %sub3A_34 = arith.subf %sub3A_33, %div3A_31 : vector<2048x1xf32>
    %eq3A_35 = vector.broadcast %broadcast_in_dim3A_10 : vector<2048x1xi32> to vector<2048x8xi32>
    %eq3A_36 = arith.cmpi eq, %iota3A, %eq3A_35 : vector<2048x8xi32>
    %convert_element_type3A = arith.extui %eq3A_36 : vector<2048x8xi1> to vector<2048x8xi32>
    %convert_element_type3A_37 = arith.sitofp %convert_element_type3A : vector<2048x8xi32> to vector<2048x8xf32>
    %eq3A_38 = vector.broadcast %broadcast_in_dim3A_27 : vector<2048x1xi32> to vector<2048x8xi32>
    %eq3A_39 = arith.cmpi eq, %iota3A, %eq3A_38 : vector<2048x8xi32>
    %convert_element_type3A_40 = arith.extui %eq3A_39 : vector<2048x8xi1> to vector<2048x8xi32>
    %convert_element_type3A_41 = arith.sitofp %convert_element_type3A_40 : vector<2048x8xi32> to vector<2048x8xf32>
    %iota3A_42 = tpu.iota {dimensions = array<i32: 0>} : vector<2048x2048xi32>
    %iota3A_43 = tpu.iota {dimensions = array<i32: 1>} : vector<2048x2048xi32>
    %lt3A = arith.cmpi slt, %iota3A_43, %iota3A_42 : vector<2048x2048xi32>
    %convert_element_type3A_44 = arith.extui %lt3A : vector<2048x2048xi1> to vector<2048x2048xi32>
    %convert_element_type3A_45 = arith.sitofp %convert_element_type3A_44 : vector<2048x2048xi32> to vector<2048x2048xf32>
    %dot_general3A_46 = arith.constant dense<0.000000e+00> : vector<2048x8xf32>
    %dot_general3A_47 = tpu.matmul %convert_element_type3A_45, %convert_element_type3A_37, %dot_general3A_46 {dimension_numbers = #tpu.dot_dimension_numbers<[1], [0], [0], [1], [0, 0, 1, 1], [], []>, transpose_lhs_hint = false} : vector<2048x2048xf32>, vector<2048x8xf32>, vector<2048x8xf32> -> vector<2048x8xf32>
    %dot_general3A_48 = arith.constant dense<0.000000e+00> : vector<2048x8xf32>
    %dot_general3A_49 = tpu.matmul %convert_element_type3A_45, %convert_element_type3A_41, %dot_general3A_48 {dimension_numbers = #tpu.dot_dimension_numbers<[1], [0], [0], [1], [0, 0, 1, 1], [], []>, transpose_lhs_hint = false} : vector<2048x2048xf32>, vector<2048x8xf32>, vector<2048x8xf32> -> vector<2048x8xf32>
    %reduce_sum3A = arith.constant dense<0.000000e+00> : vector<8xf32>
    %reduce_sum3A_50 = vector.multi_reduction <add>, %convert_element_type3A_37, %reduce_sum3A [0] : vector<2048x8xf32> to vector<8xf32>
    %broadcast_in_dim3A_51 = vector.shape_cast %reduce_sum3A_50 : vector<8xf32> to vector<1x8xf32>
    %reduce_sum3A_52 = arith.constant dense<0.000000e+00> : vector<8xf32>
    %reduce_sum3A_53 = vector.multi_reduction <add>, %convert_element_type3A_41, %reduce_sum3A_52 [0] : vector<2048x8xf32> to vector<8xf32>
    %broadcast_in_dim3A_54 = vector.shape_cast %reduce_sum3A_53 : vector<8xf32> to vector<1x8xf32>
    %add3A_55 = arith.addf %broadcast_in_dim3A_51, %broadcast_in_dim3A_54 : vector<1x8xf32>
    %div3A_56 = arith.constant 2.560000e+02 : f32
    %div3A_57 = vector.broadcast %div3A_56 : f32 to vector<1x8xf32>
    %div3A_58 = arith.divf %add3A_55, %div3A_57 : vector<1x8xf32>
    %ceil3A = math.ceil %div3A_58 : vector<1x8xf32>
    %mul3A = arith.constant 2.560000e+02 : f32
    %mul3A_59 = vector.broadcast %mul3A : f32 to vector<1x8xf32>
    %mul3A_60 = arith.mulf %mul3A_59, %ceil3A : vector<1x8xf32>
    %iota3A_61 = tpu.iota {dimensions = array<i32: 0>} : vector<8x8xi32>
    %iota3A_62 = tpu.iota {dimensions = array<i32: 1>} : vector<8x8xi32>
    %lt3A_63 = arith.cmpi slt, %iota3A_61, %iota3A_62 : vector<8x8xi32>
    %convert_element_type3A_64 = arith.extui %lt3A_63 : vector<8x8xi1> to vector<8x8xi32>
    %convert_element_type3A_65 = arith.sitofp %convert_element_type3A_64 : vector<8x8xi32> to vector<8x8xf32>
    %dot_general3A_66 = arith.constant dense<0.000000e+00> : vector<1x8xf32>
    %dot_general3A_67 = tpu.matmul %mul3A_60, %convert_element_type3A_65, %dot_general3A_66 {dimension_numbers = #tpu.dot_dimension_numbers<[1], [0], [0], [1], [0, 0, 1, 1], [], []>, transpose_lhs_hint = false} : vector<1x8xf32>, vector<8x8xf32>, vector<1x8xf32> -> vector<1x8xf32>
    %add3A_68 = vector.broadcast %dot_general3A_67 : vector<1x8xf32> to vector<2048x8xf32>
    %add3A_69 = arith.addf %add3A_68, %dot_general3A_47 : vector<2048x8xf32>
    %mul3A_70 = arith.mulf %convert_element_type3A_37, %add3A_69 : vector<2048x8xf32>
    %reduce_sum3A_71 = arith.constant dense<0.000000e+00> : vector<2048xf32>
    %reduce_sum3A_72 = vector.multi_reduction <add>, %mul3A_70, %reduce_sum3A_71 [1] : vector<2048x8xf32> to vector<2048xf32>
    %broadcast_in_dim3A_73 = vector.shape_cast %reduce_sum3A_72 : vector<2048xf32> to vector<2048x1xf32>
    %add3A_74 = arith.addf %dot_general3A_67, %broadcast_in_dim3A_51 : vector<1x8xf32>
    %add3A_75 = vector.broadcast %add3A_74 : vector<1x8xf32> to vector<2048x8xf32>
    %add3A_76 = arith.addf %add3A_75, %dot_general3A_49 : vector<2048x8xf32>
    %mul3A_77 = arith.mulf %convert_element_type3A_41, %add3A_76 : vector<2048x8xf32>
    %reduce_sum3A_78 = arith.constant dense<0.000000e+00> : vector<2048xf32>
    %reduce_sum3A_79 = vector.multi_reduction <add>, %mul3A_77, %reduce_sum3A_78 [1] : vector<2048x8xf32> to vector<2048xf32>
    %broadcast_in_dim3A_80 = vector.shape_cast %reduce_sum3A_79 : vector<2048xf32> to vector<2048x1xf32>
    %convert_element_type3A_81 = arith.fptosi %broadcast_in_dim3A_73 : vector<2048x1xf32> to vector<2048x1xi32>
    %swap3A = arith.constant 0 : index
    %swap3A_82 = arith.constant 0 : index
    %swap3A_83 = vector.load %arg4[%swap3A, %swap3A_82] : memref<2048x1xi32, #tpu.memory_space<vmem>>, vector<2048x1xi32>
    tpu.vector_store %arg4[%swap3A, %swap3A_82], %convert_element_type3A_81 {strides = array<i32>} : memref<2048x1xi32, #tpu.memory_space<vmem>>, vector<2048x1xi32>,
    %convert_element_type3A_84 = arith.fptosi %broadcast_in_dim3A_80 : vector<2048x1xf32> to vector<2048x1xi32>
    %swap3A_85 = arith.constant 0 : index
    %swap3A_86 = arith.constant 0 : index
    %swap3A_87 = vector.load %arg5[%swap3A_85, %swap3A_86] : memref<2048x1xi32, #tpu.memory_space<vmem>>, vector<2048x1xi32>
    tpu.vector_store %arg5[%swap3A_85, %swap3A_86], %convert_element_type3A_84 {strides = array<i32>} : memref<2048x1xi32, #tpu.memory_space<vmem>>, vector<2048x1xi32>,
    %broadcast_in_dim3A_88 = vector.shape_cast %sub3A_34 : vector<2048x1xf32> to vector<2048x1xf32>
    %broadcast_in_dim3A_89 = vector.broadcast %broadcast_in_dim3A_88 : vector<2048x1xf32> to vector<2048x16xf32>
    %swap3A_90 = arith.constant 0 : index
    %swap3A_91 = arith.constant 0 : index
    %swap3A_92 = vector.load %arg2[%swap3A_90, %swap3A_91] : memref<2048x16xf32, #tpu.memory_space<vmem>>, vector<2048x16xf32>
    tpu.vector_store %arg2[%swap3A_90, %swap3A_91], %broadcast_in_dim3A_89 {strides = array<i32>} : memref<2048x16xf32, #tpu.memory_space<vmem>>, vector<2048x16xf32>,
    %broadcast_in_dim3A_93 = vector.shape_cast %div3A_31 : vector<2048x1xf32> to vector<2048x1xf32>
    %broadcast_in_dim3A_94 = vector.broadcast %broadcast_in_dim3A_93 : vector<2048x1xf32> to vector<2048x16xf32>
    %swap3A_95 = arith.constant 0 : index
    %swap3A_96 = arith.constant 0 : index
    %swap3A_97 = vector.load %arg3[%swap3A_95, %swap3A_96] : memref<2048x16xf32, #tpu.memory_space<vmem>>, vector<2048x16xf32>
    tpu.vector_store %arg3[%swap3A_95, %swap3A_96], %broadcast_in_dim3A_94 {strides = array<i32>} : memref<2048x16xf32, #tpu.memory_space<vmem>>, vector<2048x16xf32>,
    %add3A_98 = arith.addf %dot_general3A_67, %mul3A_60 : vector<1x8xf32>
    %iota3A_99 = tpu.iota {dimensions = array<i32: 0>} : vector<128x8xi32>
    %convert_element_type3A_100 = arith.sitofp %iota3A_99 : vector<128x8xi32> to vector<128x8xf32>
    %mul3A_101 = arith.constant 2.560000e+02 : f32
    %mul3A_102 = vector.broadcast %mul3A_101 : f32 to vector<128x8xf32>
    %mul3A_103 = arith.mulf %convert_element_type3A_100, %mul3A_102 : vector<128x8xf32>
    %ge3A = vector.broadcast %add3A_98 : vector<1x8xf32> to vector<128x8xf32>
    %ge3A_104 = arith.cmpf oge, %mul3A_103, %ge3A : vector<128x8xf32>
    %convert_element_type3A_105 = arith.extui %ge3A_104 : vector<128x8xi1> to vector<128x8xi32>
    %reduce_sum3A_106 = arith.constant dense<0> : vector<128xi32>
    %reduce_sum3A_107 = vector.multi_reduction <add>, %convert_element_type3A_105, %reduce_sum3A_106 [1] : vector<128x8xi32> to vector<128xi32>
    %broadcast_in_dim3A_108 = vector.shape_cast %reduce_sum3A_107 : vector<128xi32> to vector<128x1xi32>
    %min3A = arith.constant 7 : i32
    %min3A_109 = vector.broadcast %min3A : i32 to vector<128x1xi32>
    %min3A_110 = arith.minsi %broadcast_in_dim3A_108, %min3A_109 : vector<128x1xi32>
    %swap3A_111 = arith.constant 0 : index
    %swap3A_112 = arith.constant 0 : index
    %swap3A_113 = vector.load %arg6[%swap3A_111, %swap3A_112] : memref<128x1xi32, #tpu.memory_space<vmem>>, vector<128x1xi32>
    tpu.vector_store %arg6[%swap3A_111, %swap3A_112], %min3A_110 {strides = array<i32>} : memref<128x1xi32, #tpu.memory_space<vmem>>, vector<128x1xi32>,
    %mul3A_114 = vector.broadcast %sub3A_34 : vector<2048x1xf32> to vector<2048x8xf32>
    %mul3A_115 = arith.mulf %convert_element_type3A_37, %mul3A_114 : vector<2048x8xf32>
    %mul3A_116 = vector.broadcast %div3A_31 : vector<2048x1xf32> to vector<2048x8xf32>
    %mul3A_117 = arith.mulf %convert_element_type3A_41, %mul3A_116 : vector<2048x8xf32>
    %add3A_118 = arith.addf %mul3A_115, %mul3A_117 : vector<2048x8xf32>
    %reduce_sum3A_119 = arith.constant dense<0.000000e+00> : vector<8xf32>
    %reduce_sum3A_120 = vector.multi_reduction <add>, %add3A_118, %reduce_sum3A_119 [0] : vector<2048x8xf32> to vector<8xf32>
    %gt3A = arith.constant 0.000000e+00 : f32
    %gt3A_121 = vector.broadcast %gt3A : f32 to vector<2048x1xf32>
    %gt3A_122 = arith.cmpf ogt, %sub3A_34, %gt3A_121 : vector<2048x1xf32>
    %convert_element_type3A_123 = arith.extui %gt3A_122 : vector<2048x1xi1> to vector<2048x1xi32>
    %convert_element_type3A_124 = arith.sitofp %convert_element_type3A_123 : vector<2048x1xi32> to vector<2048x1xf32>
    %mul3A_125 = vector.broadcast %convert_element_type3A_124 : vector<2048x1xf32> to vector<2048x8xf32>
    %mul3A_126 = arith.mulf %convert_element_type3A_37, %mul3A_125 : vector<2048x8xf32>
    %gt3A_127 = arith.constant 0.000000e+00 : f32
    %gt3A_128 = vector.broadcast %gt3A_127 : f32 to vector<2048x1xf32>
    %gt3A_129 = arith.cmpf ogt, %div3A_31, %gt3A_128 : vector<2048x1xf32>
    %convert_element_type3A_130 = arith.extui %gt3A_129 : vector<2048x1xi1> to vector<2048x1xi32>
    %convert_element_type3A_131 = arith.sitofp %convert_element_type3A_130 : vector<2048x1xi32> to vector<2048x1xf32>
    %mul3A_132 = vector.broadcast %convert_element_type3A_131 : vector<2048x1xf32> to vector<2048x8xf32>
    %mul3A_133 = arith.mulf %convert_element_type3A_41, %mul3A_132 : vector<2048x8xf32>
    %add3A_134 = arith.addf %mul3A_126, %mul3A_133 : vector<2048x8xf32>
    %reduce_sum3A_135 = arith.constant dense<0.000000e+00> : vector<8xf32>
    %reduce_sum3A_136 = vector.multi_reduction <add>, %add3A_134, %reduce_sum3A_135 [0] : vector<2048x8xf32> to vector<8xf32>
    %reduce_sum3A_137 = vector.shape_cast %reduce_sum3A_120 : vector<8xf32> to vector<1x8xf32>
    %reduce_sum3A_138 = arith.constant dense<0.000000e+00> : vector<1xf32>
    %reduce_sum3A_139 = vector.multi_reduction <add>, %reduce_sum3A_137, %reduce_sum3A_138 [1] : vector<1x8xf32> to vector<1xf32>
    %reduce_sum3A_140 = vector.shape_cast %reduce_sum3A_139 : vector<1xf32> to vector<1x1xf32>
    %reduce_sum3A_141 = vector.extract %reduce_sum3A_140[0, 0] : f32 from vector<1x1xf32>
    %div3A_142 = arith.constant 8.000000e+00 : f32
    %div3A_143 = arith.divf %reduce_sum3A_141, %div3A_142 : f32
    %sub3A_144 = vector.broadcast %div3A_143 : f32 to vector<8xf32>
    %sub3A_145 = arith.subf %reduce_sum3A_120, %sub3A_144 : vector<8xf32>
    %integer_pow3A = arith.mulf %sub3A_145, %sub3A_145 : vector<8xf32>
    %reduce_sum3A_146 = vector.shape_cast %integer_pow3A : vector<8xf32> to vector<1x8xf32>
    %reduce_sum3A_147 = arith.constant dense<0.000000e+00> : vector<1xf32>
    %reduce_sum3A_148 = vector.multi_reduction <add>, %reduce_sum3A_146, %reduce_sum3A_147 [1] : vector<1x8xf32> to vector<1xf32>
    %reduce_sum3A_149 = vector.shape_cast %reduce_sum3A_148 : vector<1xf32> to vector<1x1xf32>
    %reduce_sum3A_150 = vector.extract %reduce_sum3A_149[0, 0] : f32 from vector<1x1xf32>
    %div3A_151 = arith.constant 7.000000e+00 : f32
    %div3A_152 = arith.divf %reduce_sum3A_150, %div3A_151 : f32
    %mul3A_153 = arith.mulf %div3A_143, %div3A_143 : f32
    %add3A_154 = arith.constant 1.000000e-10 : f32
    %add3A_155 = arith.addf %mul3A_153, %add3A_154 : f32
    %div3A_156 = arith.divf %div3A_152, %add3A_155 : f32
    %reduce_sum3A_157 = vector.shape_cast %reduce_sum3A_136 : vector<8xf32> to vector<1x8xf32>
    %reduce_sum3A_158 = arith.constant dense<0.000000e+00> : vector<1xf32>
    %reduce_sum3A_159 = vector.multi_reduction <add>, %reduce_sum3A_157, %reduce_sum3A_158 [1] : vector<1x8xf32> to vector<1xf32>
    %reduce_sum3A_160 = vector.shape_cast %reduce_sum3A_159 : vector<1xf32> to vector<1x1xf32>
    %reduce_sum3A_161 = vector.extract %reduce_sum3A_160[0, 0] : f32 from vector<1x1xf32>
    %div3A_162 = arith.constant 8.000000e+00 : f32
    %div3A_163 = arith.divf %reduce_sum3A_161, %div3A_162 : f32
    %sub3A_164 = vector.broadcast %div3A_163 : f32 to vector<8xf32>
    %sub3A_165 = arith.subf %reduce_sum3A_136, %sub3A_164 : vector<8xf32>
    %integer_pow3A_166 = arith.mulf %sub3A_165, %sub3A_165 : vector<8xf32>
    %reduce_sum3A_167 = vector.shape_cast %integer_pow3A_166 : vector<8xf32> to vector<1x8xf32>
    %reduce_sum3A_168 = arith.constant dense<0.000000e+00> : vector<1xf32>
    %reduce_sum3A_169 = vector.multi_reduction <add>, %reduce_sum3A_167, %reduce_sum3A_168 [1] : vector<1x8xf32> to vector<1xf32>
    %reduce_sum3A_170 = vector.shape_cast %reduce_sum3A_169 : vector<1xf32> to vector<1x1xf32>
    %reduce_sum3A_171 = vector.extract %reduce_sum3A_170[0, 0] : f32 from vector<1x1xf32>
    %div3A_172 = arith.constant 7.000000e+00 : f32
    %div3A_173 = arith.divf %reduce_sum3A_171, %div3A_172 : f32
    %mul3A_174 = arith.mulf %div3A_163, %div3A_163 : f32
    %add3A_175 = arith.constant 1.000000e-10 : f32
    %add3A_176 = arith.addf %mul3A_174, %add3A_175 : f32
    %div3A_177 = arith.divf %div3A_173, %add3A_176 : f32
    %add3A_178 = arith.addf %div3A_156, %div3A_177 : f32
    %mul3A_179 = arith.constant 0.00999999977 : f32
    %mul3A_180 = arith.mulf %mul3A_179, %add3A_178 : f32
    %reshape3A = vector.broadcast %mul3A_180 : f32 to vector<1x1xf32>
    %swap3A_181 = arith.constant 0 : index
    %swap3A_182 = arith.constant 0 : index
    %swap3A_183 = vector.load %arg7[%swap3A_181, %swap3A_182] : memref<1x1xf32, #tpu.memory_space<vmem>>, vector<1x1xf32>
    tpu.vector_store %arg7[%swap3A_181, %swap3A_182], %reshape3A {strides = array<i32>} : memref<1x1xf32, #tpu.memory_space<vmem>>, vector<1x1xf32>,
    return
  }
}

module attributes {stable_mosaic.version = 14 : i64} {
  func.func @_gmm_kernel(%arg0: i32, %arg1: memref<24xi32, #tpu.memory_space<smem>>, %arg2: memref<256x1024xf32, #tpu.memory_space<vmem>>, %arg3: memref<1x1024x1024xf32, #tpu.memory_space<vmem>>, %arg4: memref<1x1x1024xf32, #tpu.memory_space<vmem>>, %arg5: memref<256x1024xf32, #tpu.memory_space<vmem>>) attributes {dimension_semantics = [#tpu.dimension_semantics<arbitrary>], iteration_bounds = array<i64: 24>, scalar_prefetch = 1 : i64, scratch_operands = 0 : i64, tpu.core_type = #tpu.core_type<tc>, window_params = [{transform_indices = @transform_0, window_bounds = array<i64: 256, 1024>}, {transform_indices = @transform_1, window_bounds = array<i64: 1, 1024, 1024>}, {transform_indices = @transform_2, window_bounds = array<i64: 1, 1, 1024>}, {transform_indices = @transform_3, window_bounds = array<i64: 256, 1024>}]} {
    %get3A = arith.constant 0 : index
    %get3A_0 = arith.constant 0 : index
    %get3A_1 = vector.load %arg2[%get3A, %get3A_0] : memref<256x1024xf32, #tpu.memory_space<vmem>>, vector<256x1024xf32>
    %get3A_2 = arith.constant 0 : index
    %get3A_3 = arith.constant 0 : index
    %get3A_4 = arith.constant 0 : index
    %get3A_5 = vector.load %arg3[%get3A_2, %get3A_3, %get3A_4] : memref<1x1024x1024xf32, #tpu.memory_space<vmem>>, vector<1x1024x1024xf32>
    %get3A_6 = vector.shape_cast %get3A_5 : vector<1x1024x1024xf32> to vector<1024x1024xf32>
    %dot_general3A = arith.constant dense<0.000000e+00> : vector<256x1024xf32>
    %dot_general3A_7 = tpu.matmul %get3A_1, %get3A_6, %dot_general3A {dimension_numbers = #tpu.dot_dimension_numbers<[1], [1], [0], [0], [0, 0, 1, 0], [], []>, transpose_lhs_hint = false} : vector<256x1024xf32>, vector<1024x1024xf32>, vector<256x1024xf32> -> vector<256x1024xf32>
    %get3A_8 = arith.constant 0 : index
    %get3A_9 = arith.constant 0 : index
    %get3A_10 = arith.constant 0 : index
    %get3A_11 = vector.load %arg4[%get3A_8, %get3A_9, %get3A_10] : memref<1x1x1024xf32, #tpu.memory_space<vmem>>, vector<1x1x1024xf32>
    %get3A_12 = vector.shape_cast %get3A_11 : vector<1x1x1024xf32> to vector<1x1024xf32>
    %add3A = vector.broadcast %get3A_12 : vector<1x1024xf32> to vector<256x1024xf32>
    %add3A_13 = arith.addf %dot_general3A_7, %add3A : vector<256x1024xf32>
    %swap3A = arith.constant 0 : index
    %swap3A_14 = arith.constant 0 : index
    %swap3A_15 = vector.load %arg5[%swap3A, %swap3A_14] : memref<256x1024xf32, #tpu.memory_space<vmem>>, vector<256x1024xf32>
    tpu.vector_store %arg5[%swap3A, %swap3A_14], %add3A_13 {strides = array<i32>} : memref<256x1024xf32, #tpu.memory_space<vmem>>, vector<256x1024xf32>,
    return
  }
  func.func @transform_0(%arg0: i32, %arg1: memref<24xi32, #tpu.memory_space<smem>>) -> (i32, i32) {
    %c0_i32 = arith.constant 0 : i32
    %c0_i32_0 = arith.constant 0 : i32
    return %arg0, %c0_i32 : i32, i32
  }
  func.func @transform_1(%arg0: i32, %arg1: memref<24xi32, #tpu.memory_space<smem>>) -> (i32, i32, i32) {
    %get3A = arith.index_cast %arg0 : i32 to index
    %get3A_0 = memref.load %arg1[%get3A] : memref<24xi32, #tpu.memory_space<smem>>
    %c0_i32 = arith.constant 0 : i32
    %c0_i32_1 = arith.constant 0 : i32
    %c0_i32_2 = arith.constant 0 : i32
    return %get3A_0, %c0_i32, %c0_i32_1 : i32, i32, i32
  }
  func.func @transform_2(%arg0: i32, %arg1: memref<24xi32, #tpu.memory_space<smem>>) -> (i32, i32, i32) {
    %get3A = arith.index_cast %arg0 : i32 to index
    %get3A_0 = memref.load %arg1[%get3A] : memref<24xi32, #tpu.memory_space<smem>>
    %c0_i32 = arith.constant 0 : i32
    %c0_i32_1 = arith.constant 0 : i32
    %c0_i32_2 = arith.constant 0 : i32
    return %get3A_0, %c0_i32, %c0_i32_1 : i32, i32, i32
  }
  func.func @transform_3(%arg0: i32, %arg1: memref<24xi32, #tpu.memory_space<smem>>) -> (i32, i32) {
    %c0_i32 = arith.constant 0 : i32
    %c0_i32_0 = arith.constant 0 : i32
    return %arg0, %c0_i32 : i32, i32
  }
}

</mosaic_0001>

<sc_bundles>
// kernel: _moe_routed.6.cloned.1.call-start
scs
__scs_entry_jumppad:
0x0: {  	(pc) =	sbr.rel $0x88, $3  }
0x1: {  	(tag) =	ssettag $0x0;
	lr =	simm.s32 $0x1  }
0x2: {  	[smem:$0x3F9D] =	sst lr;
	_ =	strace $0xD0000000  }
0x3: {  	_ = 	snop  }
0x4: {  	_ = 	snop  }
0x5: {  	_ = 	snop  }
0x6: {  	_ = 	snop  }
0x7: {  	_ = 	snop  }
__scs_overlays_trampoline_lowered:
0x8: {  	[smem:$0x3FAC] =	sst s0  }
0x9: {  	[smem:$0x3FAD] =	sst s1  }
0xa: {  	[smem:$0x3FAE] =	sst s2  }
0xb: {  	[smem:$0x3FAF] =	sst s3  }
0xc: {  	[smem:$0x3FB0] =	sst s4  }
0xd: {  	[smem:$0x3FB1] =	sst s5  }
0xe: {  	[smem:$0x3FB2] =	sst s6  }
0xf: {  	[smem:$0x3FB3] =	sst s7  }
0x10: {  	[smem:$0x3FB4] =	sst s8  }
0x11: {  	[smem:$0x3FB5] =	sst s9;
	s0 =	simm.s32 @!p0 $0x0  }
0x12: {  	s1 =	sld [smem:$0x3F9B];
	s0 =	simm.s32 @p0 $0x1  }
0x13: {  	[smem:$0x3FB6] =	sst s0;
	s0 =	simm.s32 @!p1 $0x0  }
0x14: {  	s2 =	sld [smem:$0x3F9A];
	s0 =	simm.s32 @p1 $0x1  }
0x15: {  	[smem:$0x3FB7] =	sst s0;
	s0 =	simm.s32 @!p2 $0x0  }
0x16: {  	s3 =	sld [smem:$0x3FDB];
	s0 =	simm.s32 @p2 $0x1  }
0x17: {  	s4 =	simm.s32 $0x1BF5;
	[smem:$0x3FB9] =	sst s0  }
0x18: {  	s0 =	sld [smem:$0x3F9C];
	_ =	swait.ge [sflag:s4], $0x0  }
0x19: {  	s7 =	sld [smem:$0x3F9D]  }
0x1a: {  	s8 =	sadd.s32 $0xFFFFE003, lr  }
0x1b: {  	s9 =	sadd.s32 $0xFFFFFEF7, lr;
	s5 =	simm.s32 $0xFFFFFFFF;
	p2 =	slt.u32 s8, $0xFFFFF086  }
0x1c: {  	p1 =	slt.u32 s9, $0xF7A;
	s5 =	simm.s32 @!p2 $0x0  }
0x1d: {  	s5 =	simm.s32 @p1 $0x1;
	p0 =	seq.s32 s7, s2  }
0x1e: {  	s7 =	smul.u32 @!p0 $0xF7A, s2;
	p2 =	seq.s32 @!p0 s5, $0x0  }
0x1f: {  	s9 =	smul.u32 $0xF7A, s1;
	s8 =	simm.s32 @!p0 $0x1BF5;
	p2 =	por !p2, p0  }
0x20: {  	[sflag:s8] =	ssyncset.s32 @!p0 $0xFFFFF086;
	s6 =	sadd.s32 @!p0 s3, s7;
	s7 =	simm.s32 @!p0 $0x108  }
0x21: {  	s3 =	sadd.s32 s3, s9;
	s6 =	sadd.s32 @!p0 $0x88, s6;
	s7 =	simm.s32 @p2 $0x1082  }
0x22: {  	[simem:s7], [sflag:s8] =	dma.local @!p0 [hbm:s6], $0xF7A  }
0x23: {  	s9 =	sor.u32 $0xD0000000, s2;
	s6 =	simm.s32 $0x108;
	_ =	swait.ge @!p0 [sflag:s8], $0x0  }
0x24: {  	s3 =	sadd.s32 $0x88, s3;
	s6 =	simm.s32 @!p1 $0x1082;
	[sflag:s4] =	ssyncset.s32 $0xFFFFF086  }
0x25: {  	[simem:s6], [sflag:s4] =	dma.local [hbm:s3], $0xF7A  }
0x26: {  	[smem:$0x3F9D] =	sst s1;
	(tag) =	ssettag s2;
	_ =	strace s9  }
0x27: {  	s1 =	sld [smem:$0x3FAD]  }
0x28: {  	s2 =	sld [smem:$0x3FAE]  }
0x29: {  	s4 =	sld [smem:$0x3FB0]  }
0x2a: {  	p0 =	seq.s32 s5, $0x0;
	s5 =	sld [smem:$0x3FB1]  }
0x2b: {  	s6 =	sld [smem:$0x3FB2]  }
0x2c: {  	s7 =	sld [smem:$0x3FB3]  }
0x2d: {  	s3 =	simm.s32 $0x108;
	s8 =	sld [smem:$0x3FB4]  }
0x2e: {  	s3 =	simm.s32 @!p0 $0x1082;
	s9 =	sld [smem:$0x3FB5]  }
0x2f: {  	lr =	sadd.s32 s0, s3;
	s0 =	sld [smem:$0x3FAC]  }
0x30: {  	s3 =	sld [smem:$0x3FAF]  }
0x31: {  	[smem:$0x3FB8] =	sst s10  }
0x32: {  	s10 =	sld [smem:$0x3FB6];
	_ =	sdelay $0x3  }
0x33: {  	p0 =	seq.s32 s10, $0x1;
	s10 =	sld [smem:$0x3FB8];
	_ =	sdelay $0x3  }
0x34: {  	[smem:$0x3FB8] =	sst s10  }
0x35: {  	s10 =	sld [smem:$0x3FB7];
	_ =	sdelay $0x3  }
0x36: {  	p1 =	seq.s32 s10, $0x1;
	s10 =	sld [smem:$0x3FB8];
	_ =	sdelay $0x3  }
0x37: {  	[smem:$0x3FB8] =	sst s10  }
0x38: {  	s10 =	sld [smem:$0x3FB9]  }
0x39: {  	_ = 	snop;
	(pc) =	sbr.ind lr, $3  }
0x3a: {  	_ = 	snop  }
0x3b: {  	_ = 	snop  }
0x3c: {  	p2 =	seq.s32 s10, $0x1;
	s10 =	sld [smem:$0x3FB8]  }
0x3d: {  	_ =	shalt  }
0x3e: {  	_ =	shalt  }
0x3f: {  	_ =	shalt  }
0x40: {  	_ =	shalt  }
0x41: {  	_ =	shalt  }
0x42: {  	_ =	shalt  }
0x43: {  	_ =	shalt  }
0x44: {  	_ =	shalt  }
0x45: {  	_ =	shalt  }
0x46: {  	_ =	shalt  }
0x47: {  	_ =	shalt  }
0x48: {  	_ =	shalt  }
0x49: {  	_ =	shalt  }
0x4a: {  	_ =	shalt  }
0x4b: {  	_ =	shalt  }
0x4c: {  	_ =	shalt  }
0x4d: {  	_ =	shalt  }
0x4e: {  	_ =	shalt  }
0x4f: {  	_ =	shalt  }
0x50: {  	_ =	shalt  }
0x51: {  	_ =	shalt  }
0x52: {  	_ =	shalt  }
0x53: {  	_ =	shalt  }
0x54: {  	_ =	shalt  }
0x55: {  	_ =	shalt  }
0x56: {  	_ =	shalt  }
0x57: {  	_ =	shalt  }
0x58: {  	_ =	shalt  }
0x59: {  	_ =	shalt  }
0x5a: {  	_ =	shalt  }
0x5b: {  	_ =	shalt  }
0x5c: {  	_ =	shalt  }
0x5d: {  	_ =	shalt  }
0x5e: {  	_ =	shalt  }
0x5f: {  	_ =	shalt  }
0x60: {  	_ =	shalt  }
0x61: {  	_ =	shalt  }
0x62: {  	_ =	shalt  }
0x63: {  	_ =	shalt  }
0x64: {  	_ =	shalt  }
0x65: {  	_ =	shalt  }
0x66: {  	_ =	shalt  }
0x67: {  	_ =	shalt  }
0x68: {  	_ =	shalt  }
0x69: {  	_ =	shalt  }
0x6a: {  	_ =	shalt  }
0x6b: {  	_ =	shalt  }
0x6c: {  	_ =	shalt  }
0x6d: {  	_ =	shalt  }
0x6e: {  	_ =	shalt  }
0x6f: {  	_ =	shalt  }
0x70: {  	_ =	shalt  }
0x71: {  	_ =	shalt  }
0x72: {  	_ =	shalt  }
0x73: {  	_ =	shalt  }
0x74: {  	_ =	shalt  }
0x75: {  	_ =	shalt  }
0x76: {  	_ =	shalt  }
0x77: {  	_ =	shalt  }
0x78: {  	_ =	shalt  }
0x79: {  	_ =	shalt  }
0x7a: {  	_ =	shalt  }
0x7b: {  	_ =	shalt  }
0x7c: {  	_ =	shalt  }
0x7d: {  	_ =	shalt  }
0x7e: {  	_ =	shalt  }
0x7f: {  	_ =	shalt  }
0x80: {  	_ =	shalt  }
0x81: {  	_ =	shalt  }
0x82: {  	_ =	shalt  }
0x83: {  	_ =	shalt  }
0x84: {  	_ =	shalt  }
0x85: {  	_ =	shalt  }
0x86: {  	_ =	shalt  }
0x87: {  	_ =	shalt  }
.Lfunc_end0:
.L_simem_size_0:
called_computation_lowered:
.L_overlay_start_0:
0x88: {  	s2 =	sld [smem:$0x3FD9]  }
0x89: {  	s3 =	sld [smem:$0x3FFE];
	_ =	sdelay $0x1  }
0x8a: {  	s1 =	srdreg.scid  }
0x8b: {  	s0 =	sand.u32 $0x1, s1  }
0x8c: {  	s17 =	sshll.u32 s0, $0xA;
	s2 =	sadd.s32 s3, s2  }
0x8d: {  	s2 =	sadd.s32 s2, s17  }
0x8e: {  	[smem:$0x3FC4] =	sst s2  }
0x8f: {  	_ = 	snop  }
0x90: {  	s2 =	sld [smem:$0x3FC9];
	(tm) =	ssettm $0x1  }
0x91: {  	s18 =	sld [smem:$0x3FFB];
	_ =	sdelay $0x3  }
0x92: {  	_ =	strace s18  }
0x93: {  	s3 =	sld [smem:$0x3FFC];
	_ =	sdelay $0x3  }
0x94: {  	_ =	strace s3  }
0x95: {  	s3 =	sld [smem:$0x3FFD];
	_ =	sdelay $0x3  }
0x96: {  	_ =	strace s3  }
0x97: {  	_ =	strace $0x8FFFFFFF  }
0x98: {  	s19 =	sld [smem:$0x3FDB];
	_ =	sdelay $0x1  }
0x99: {  	s4 =	simm.s32 $_scs_section_size  }
0x9a: {  	s5 =	simm.s32 $_size__tile_overlayer_lowered;
	s6 =	simm.s32 $_tile_overlayer_lowered  }
0x9b: {  	s22 =	simm.s32 $0x1BFF;
	s21 =	sshll.u32 s6, $0x1;
	s3 =	sadd.s32 s4, s19  }
0x9c: {  	s7 =	simm.s32 $0x0;
	s20 =	sshll.u32 s5, $0x1;
	s5 =	sadd.s32 s21, s3  }
0x9d: {  	[timem:s7], [sflag:s22] =	dma.local [hbm:s5], s20  }
0x9e: {  	_ =	swait.ge [sflag:s22], s20  }
0x9f: {  	s4 =	ssub.s32 $0x0, s20;
	[sflag:s22] =	ssyncset.done $0x0  }
0xa0: {  	[sflag:s22] =	ssyncadd.s32 s4;
	_ =	sdelay $0x1  }
0xa1: {  	s23 =	simm.s32 $0x1B8B  }
0xa2: {  	_ =	swait.ge [sflag:s23], $0x1  }
0xa3: {  	[sflag:s23] =	ssyncset.done $0x0  }
0xa4: {  	s25 =	simm.s32 $0x1B8E;
	s24 =	sld [smem:$0x3FFE];
	[sflag:s23] =	ssyncadd.s32 $0xFFFFFFFF  }
0xa5: {  	s26 =	simm.s32 $execute0_lowered;
	[smem:$0x3FD2] =	sst s25  }
0xa6: {  	s5 =	sshll.u32 s26, $0x1;
	_ =	strace $0x80000046;
	[dreg:$0x1] =	wrdreg $0xFFFFFFFF  }
0xa7: {  	s28 =	simm.s32 $_size_execute0_lowered;
	s3 =	sadd.s32 s3, s5;
	[dreg:$0x0] =	wrdreg $0x0  }
0xa8: {  	s5 =	sshll.u32 s28, $0x1;
	[dreg:$0x2] =	wrdreg s3  }
0xa9: {  	[dreg:$0x3] =	wrdreg s5  }
0xaa: {  	[dreg:$0x4] =	wrdreg $0xC0  }
0xab: {  	_ =	task [dreg:s7], $0x5FFFF  }
0xac: {  	[dreg:$0x1] =	wrdreg $0xFFFFFFFF  }
0xad: {  	[dreg:$0x0] =	wrdreg $0x60  }
0xae: {  	[dreg:$0x2] =	wrdreg s2  }
0xaf: {  	[dreg:$0x3] =	wrdreg s24  }
0xb0: {  	[dreg:$0x4] =	wrdreg $0x9  }
0xb1: {  	_ =	task.clear_ibuf [dreg:s7], $0x5FFFF;
	_ =	strace $0x90000046  }
0xb2: {  	s29 =	simm.s32 $0x9;
	_ =	strace $0x80000048  }
0xb3: {  	_ =	swait.ge [sflag:s29], $0x1  }
0xb4: {  	[sflag:s29] =	ssyncadd.s32 $0xFFFFFFFF  }
0xb5: {  	_ =	strace $0x90000048  }
0xb6: {  	_ =	sfence  }
0xb7: {  	s30 =	sld [smem:$0x0];
	_ =	sdelay $0x2  }
0xb8: {  	s31 =	sshll.u32 s1, $0xD;
	s1 =	sshrl.u32 s1, $0x2  }
0xb9: {  	s3 =	sand.u32 $0x4000, s31;
	s1 =	sadd.s32 s1, s30  }
0xba: {  	s0 =	sor.u32 s3, s0;
	s1 =	sshll.u32 s1, $0x11  }
0xbb: {  	s0 =	sor.u32 s1, s0  }
0xbc: {  	s0 =	sadd.s32 $0x8F2B, s0  }
0xbd: {  	[sflag:s0] =	ssyncadd.remote.s32 $0x1  }
0xbe: {  	_ =	sfence.sel $0xFFFF  }
0xbf: {  	[dreg:$0x0] =	wrdreg $0xFFFFFFFF;
	(pc) =	sbr.abs _section_cstart, $3  }
0xc0: {  	[dreg:$0x1] =	wrdreg $0xFFFFFFFF  }
0xc1: {  	_ =	task.clear_ibuf [dreg:s7], $0x2FFFF;
	_ =	strace $0x9FFFFFFF  }
0xc2: {  	(tm) =	ssettm $0x7FFFFFFF  }
0xc3: {  	_ =	shalt  }
tec
execute0_lowered:
.L_overlay_start_1:
0x0: {  	(tag) =	ssettag $0x1  }
0x1: {  	s0 =	rddreg [dreg:$0x0];
	s1 =	srdreg.scid  }
0x2: {  	s2 =	stileid.u32;
	s6 =	rddreg [dreg:$0x1];
	s26 =	simm.s32 $0x80  }
0x3: {  	s18 =	simm.s32 $0x100;
	s22 =	simm.s32 $0x1900;
	s23 =	simm.s32 $0x2100  }
0x4: {  	s24 =	simm.s32 $0x2900;
	s25 =	simm.s32 $0x3100;
	s28 =	simm.s32 $0x4100  }
0x5: {  	s29 =	simm.s32 $0x4900;
	s30 =	simm.s32 $0x5100;
	s31 =	simm.s32 $0x5900  }
0x6: {  	s10 =	simm.s32 $0x7100;
	s11 =	simm.s32 $0x7900;
	s12 =	simm.s32 $0x8100  }
0x7: {  	s13 =	simm.s32 $0x8900;
	s14 =	simm.s32 $0x9100;
	s15 =	simm.s32 $0x9900  }
0x8: {  	s16 =	simm.s32 $0xA100;
	s17 =	simm.s32 $0xA900;
	s9 =	simm.s32 $0xB100  }
0x9: {  	s1 =	sand.u32 $0x1, s1;
	s3 =	sshll.u32 s2, $0x1;
	s2 =	simm.s32 $0x0  }
0xa: {  	s19 =	simm.s32 $0xB900;
	s4 =	sor.u32 s1, s3;
	[smem:$0x7FF] =	sst s2  }
0xb: {  	s1 =	ssub.s32 $0x2, s1;
	s3 =	sshll.u32 s4, $0x4;
	_ =	strace $0x80000047  }
0xc: {  	s7 =	sshrl.u32 s1, $0x1;
	s4 =	sshll.u32 s4, $0xD;
	[dreg:$0x6] =	wrdreg s26  }
0xd: {  	s26 =	simm.s32 $0x3900;
	s5 =	sadd.s32 s3, s6;
	s0 =	sadd.s32 s0, s4  }
0xe: {  	s3 =	sadd.s32 $0x10800, s6;
	s8 =	sadd.s32 $0x10600, s5;
	[dreg:$0x5] =	wrdreg s0  }
0xf: {  	v2 =	vlaneseq.u32;
	s1 =	ssub.s32 s1, s7;
	s5 =	sadd.s32 $0x10400, s5;
	[dreg:$0x3] =	wrdreg s8  }
0x10: {  	vm0 =	vmmov $0xffff;
	v1 =	vshrl.u32 v2, $0x3;
	s4 =	sadd.s32 $0x10900, s6;
	s7 =	smax.u32 s1, $0x1;
	[dreg:$0x4] =	wrdreg s5  }
0x11: {  	v0 =	vand.u32 $0x7, v2;
	v2 =	vor.u32 $0x8, v2;
	v1 =	vmul.u32 $0x8, v1;
	s5 =	sadd.s32 $0x10A00, s6;
	s6 =	sadd.s32 $0x10B00, s6;
	s8 =	simm.s32 $0x3  }
.LBB2_1:
0x12: {  	s20 =	rddreg [dreg:$0x3]  }
0x13: {  	[tilespmem:s2], [sflag:$0x3] =	stream.linear.gather [hbm4b:s20+s2], $0x80, $0x38;
	[tilespmem:$0x10100] =	vst v63  }
0x14: {  	_ =	swait.ge [sflag:s8], $0x80  }
0x15: {  	s0 =	rddreg [dreg:$0x4];
	[sflag:s8] =	ssyncset.done $0x0  }
0x16: {  	s21 =	rddreg [dreg:$0x6];
	[sflag:s8] =	ssyncadd.s32 $0xFFFFFF80  }
0x17: {  	[tilespmem:s21], [sflag:$0x3] =	stream.linear.gather [hbm4b:s0+s2], $0x80, $0x38;
	[tilespmem:$0x10100] =	vst v63  }
0x18: {  	_ =	swait.ge [sflag:s8], $0x80  }
0x19: {  	[sflag:s8] =	ssyncset.done $0x0  }
0x1a: {  	s1 =	rddreg [dreg:$0x5];
	[sflag:s8] =	ssyncadd.s32 $0xFFFFFF80  }
0x1b: {  	[tilespmem:s18], [sflag:$0x3] =	stream.linear.gather [hbm4b:s1+s2], $0x10000, $0x38;
	[tilespmem:$0x10100] =	vst v63  }
0x1c: {  	_ =	swait.ge [sflag:s8], $0x10000  }
0x1d: {  	[sflag:s8] =	ssyncset.done $0x0  }
0x1e: {  	[sflag:s8] =	ssyncadd.s32 $0xFFFF0000  }
0x1f: {  	v3 =	vld [tilespmem:$0x0];
	_ =	sdelay $0x4  }
0x20: {  	v4 =	vshll.u32 v3, $0x3  }
0x21: {  	v3 =	vand.u32 $0x7, v3;
	v4 =	vand.u32 $0xFFFFFFC0, v4  }
0x22: {  	v3 =	vor.u32 v3, v4  }
0x23: {  	v4 =	vperm.xlane v3, v0;
	_ =	sdelay $0x1  }
0x24: {  	v4 =	vadd.s32 v1, v4;
	_ =	sdelay $0x4  }
0x25: {  	[hbm4b:s3+s2] =	stream.indirect_vreg.scatter [tilespmem:s18], [sflag:$0x1], $0x80, v4, vm0, $0xb8;
	[tilespmem:$0x10100] =	vst v63  }
0x26: {  	s20 =	simm.s32 $0x900;
	v3 =	vperm.xlane v3, v2  }
0x27: {  	[hbm4b:s4+s2] =	stream.indirect_vreg.scatter [tilespmem:s20], [sflag:$0x1], $0x80, v4, vm0, $0xb8;
	[tilespmem:$0x10100] =	vst v63  }
0x28: {  	s21 =	simm.s32 $0x1100;
	v3 =	vadd.s32 v1, v3  }
0x29: {  	[hbm4b:s5+s2] =	stream.indirect_vreg.scatter [tilespmem:s21], [sflag:$0x1], $0x80, v4, vm0, $0xb8;
	[tilespmem:$0x10100] =	vst v63  }
0x2a: {  	_ = 	snop  }
0x2b: {  	[hbm4b:s6+s2] =	stream.indirect_vreg.scatter [tilespmem:s22], [sflag:$0x1], $0x80, v4, vm0, $0xb8;
	[tilespmem:$0x10100] =	vst v63  }
0x2c: {  	_ = 	snop  }
0x2d: {  	[hbm4b:s3+s2] =	stream.indirect_vreg.scatter [tilespmem:s23], [sflag:$0x1], $0x80, v3, vm0, $0xb8;
	[tilespmem:$0x10100] =	vst v63  }
0x2e: {  	_ = 	snop  }
0x2f: {  	[hbm4b:s4+s2] =	stream.indirect_vreg.scatter [tilespmem:s24], [sflag:$0x1], $0x80, v3, vm0, $0xb8;
	[tilespmem:$0x10100] =	vst v63  }
0x30: {  	_ = 	snop  }
0x31: {  	[hbm4b:s5+s2] =	stream.indirect_vreg.scatter [tilespmem:s25], [sflag:$0x1], $0x80, v3, vm0, $0xb8;
	[tilespmem:$0x10100] =	vst v63  }
0x32: {  	_ = 	snop  }
0x33: {  	[hbm4b:s6+s2] =	stream.indirect_vreg.scatter [tilespmem:s26], [sflag:$0x1], $0x80, v3, vm0, $0xb8;
	[tilespmem:$0x10100] =	vst v63  }
0x34: {  	v3 =	vld [tilespmem:$0x10];
	_ =	sdelay $0x4  }
0x35: {  	v57 =	vshll.u32 v3, $0x3  }
0x36: {  	v3 =	vand.u32 $0x7, v3;
	v4 =	vand.u32 $0xFFFFFFC0, v57  }
0x37: {  	v3 =	vor.u32 v3, v4  }
0x38: {  	v4 =	vperm.xlane v3, v0;
	_ =	sdelay $0x1  }
0x39: {  	v4 =	vadd.s32 v1, v4;
	_ =	sdelay $0x4  }
0x3a: {  	[hbm4b:s3+s2] =	stream.indirect_vreg.scatter [tilespmem:s28], [sflag:$0x1], $0x80, v4, vm0, $0xb8;
	[tilespmem:$0x10100] =	vst v63  }
0x3b: {  	v3 =	vperm.xlane v3, v2  }
0x3c: {  	[hbm4b:s4+s2] =	stream.indirect_vreg.scatter [tilespmem:s29], [sflag:$0x1], $0x80, v4, vm0, $0xb8;
	[tilespmem:$0x10100] =	vst v63  }
0x3d: {  	v3 =	vadd.s32 v1, v3  }
0x3e: {  	[hbm4b:s5+s2] =	stream.indirect_vreg.scatter [tilespmem:s30], [sflag:$0x1], $0x80, v4, vm0, $0xb8;
	[tilespmem:$0x10100] =	vst v63  }
0x3f: {  	_ = 	snop  }
0x40: {  	[hbm4b:s6+s2] =	stream.indirect_vreg.scatter [tilespmem:s31], [sflag:$0x1], $0x80, v4, vm0, $0xb8;
	[tilespmem:$0x10100] =	vst v63  }
0x41: {  	s1 =	simm.s32 $0x6100  }
0x42: {  	[hbm4b:s3+s2] =	stream.indirect_vreg.scatter [tilespmem:s1], [sflag:$0x1], $0x80, v3, vm0, $0xb8;
	[tilespmem:$0x10100] =	vst v63  }
0x43: {  	s0 =	simm.s32 $0x6900  }
0x44: {  	[hbm4b:s4+s2] =	stream.indirect_vreg.scatter [tilespmem:s0], [sflag:$0x1], $0x80, v3, vm0, $0xb8;
	[tilespmem:$0x10100] =	vst v63  }
0x45: {  	_ = 	snop  }
0x46: {  	[hbm4b:s5+s2] =	stream.indirect_vreg.scatter [tilespmem:s10], [sflag:$0x1], $0x80, v3, vm0, $0xb8;
	[tilespmem:$0x10100] =	vst v63  }
0x47: {  	_ = 	snop  }
0x48: {  	[hbm4b:s6+s2] =	stream.indirect_vreg.scatter [tilespmem:s11], [sflag:$0x1], $0x80, v3, vm0, $0xb8;
	[tilespmem:$0x10100] =	vst v63  }
0x49: {  	v3 =	vld [tilespmem:$0x20];
	_ =	sdelay $0x4  }
0x4a: {  	v58 =	vshll.u32 v3, $0x3  }
0x4b: {  	v3 =	vand.u32 $0x7, v3;
	v4 =	vand.u32 $0xFFFFFFC0, v58  }
0x4c: {  	v3 =	vor.u32 v3, v4  }
0x4d: {  	v4 =	vperm.xlane v3, v0;
	_ =	sdelay $0x1  }
0x4e: {  	v4 =	vadd.s32 v1, v4;
	_ =	sdelay $0x4  }
0x4f: {  	[hbm4b:s3+s2] =	stream.indirect_vreg.scatter [tilespmem:s12], [sflag:$0x1], $0x80, v4, vm0, $0xb8;
	[tilespmem:$0x10100] =	vst v63  }
0x50: {  	v3 =	vperm.xlane v3, v2  }
0x51: {  	[hbm4b:s4+s2] =	stream.indirect_vreg.scatter [tilespmem:s13], [sflag:$0x1], $0x80, v4, vm0, $0xb8;
	[tilespmem:$0x10100] =	vst v63  }
0x52: {  	v3 =	vadd.s32 v1, v3  }
0x53: {  	[hbm4b:s5+s2] =	stream.indirect_vreg.scatter [tilespmem:s14], [sflag:$0x1], $0x80, v4, vm0, $0xb8;
	[tilespmem:$0x10100] =	vst v63  }
0x54: {  	_ = 	snop  }
0x55: {  	[hbm4b:s6+s2] =	stream.indirect_vreg.scatter [tilespmem:s15], [sflag:$0x1], $0x80, v4, vm0, $0xb8;
	[tilespmem:$0x10100] =	vst v63  }
0x56: {  	_ = 	snop  }
0x57: {  	[hbm4b:s3+s2] =	stream.indirect_vreg.scatter [tilespmem:s16], [sflag:$0x1], $0x80, v3, vm0, $0xb8;
	[tilespmem:$0x10100] =	vst v63  }
0x58: {  	_ = 	snop  }
0x59: {  	[hbm4b:s4+s2] =	stream.indirect_vreg.scatter [tilespmem:s17], [sflag:$0x1], $0x80, v3, vm0, $0xb8;
	[tilespmem:$0x10100] =	vst v63  }
0x5a: {  	_ = 	snop  }
0x5b: {  	[hbm4b:s5+s2] =	stream.indirect_vreg.scatter [tilespmem:s9], [sflag:$0x1], $0x80, v3, vm0, $0xb8;
	[tilespmem:$0x10100] =	vst v63  }
0x5c: {  	_ = 	snop  }
0x5d: {  	[hbm4b:s6+s2] =	stream.indirect_vreg.scatter [tilespmem:s19], [sflag:$0x1], $0x80, v3, vm0, $0xb8;
	[tilespmem:$0x10100] =	vst v63  }
0x5e: {  	v3 =	vld [tilespmem:$0x30];
	_ =	sdelay $0x4  }
0x5f: {  	v59 =	vshll.u32 v3, $0x3  }
0x60: {  	v3 =	vand.u32 $0x7, v3;
	v4 =	vand.u32 $0xFFFFFFC0, v59  }
0x61: {  	v3 =	vor.u32 v3, v4  }
0x62: {  	v4 =	vperm.xlane v3, v0;
	_ =	sdelay $0x1  }
0x63: {  	v4 =	vadd.s32 v1, v4;
	_ =	sdelay $0x3  }
0x64: {  	s0 =	simm.s32 $0xC100  }
0x65: {  	[hbm4b:s3+s2] =	stream.indirect_vreg.scatter [tilespmem:s0], [sflag:$0x1], $0x80, v4, vm0, $0xb8;
	[tilespmem:$0x10100] =	vst v63  }
0x66: {  	v3 =	vperm.xlane v3, v2;
	s0 =	simm.s32 $0xC900  }
0x67: {  	[hbm4b:s4+s2] =	stream.indirect_vreg.scatter [tilespmem:s0], [sflag:$0x1], $0x80, v4, vm0, $0xb8;
	[tilespmem:$0x10100] =	vst v63  }
0x68: {  	v3 =	vadd.s32 v1, v3;
	s0 =	simm.s32 $0xD100  }
0x69: {  	[hbm4b:s5+s2] =	stream.indirect_vreg.scatter [tilespmem:s0], [sflag:$0x1], $0x80, v4, vm0, $0xb8;
	[tilespmem:$0x10100] =	vst v63  }
0x6a: {  	s0 =	simm.s32 $0xD900  }
0x6b: {  	[hbm4b:s6+s2] =	stream.indirect_vreg.scatter [tilespmem:s0], [sflag:$0x1], $0x80, v4, vm0, $0xb8;
	[tilespmem:$0x10100] =	vst v63  }
0x6c: {  	s0 =	simm.s32 $0xE100  }
0x6d: {  	[hbm4b:s3+s2] =	stream.indirect_vreg.scatter [tilespmem:s0], [sflag:$0x1], $0x80, v3, vm0, $0xb8;
	[tilespmem:$0x10100] =	vst v63  }
0x6e: {  	s0 =	simm.s32 $0xE900  }
0x6f: {  	[hbm4b:s4+s2] =	stream.indirect_vreg.scatter [tilespmem:s0], [sflag:$0x1], $0x80, v3, vm0, $0xb8;
	[tilespmem:$0x10100] =	vst v63  }
0x70: {  	s0 =	simm.s32 $0xF100  }
0x71: {  	[hbm4b:s5+s2] =	stream.indirect_vreg.scatter [tilespmem:s0], [sflag:$0x1], $0x80, v3, vm0, $0xb8;
	[tilespmem:$0x10100] =	vst v63  }
0x72: {  	s0 =	simm.s32 $0xF900  }
0x73: {  	[hbm4b:s6+s2] =	stream.indirect_vreg.scatter [tilespmem:s0], [sflag:$0x1], $0x80, v3, vm0, $0xb8;
	[tilespmem:$0x10100] =	vst v63  }
0x74: {  	v3 =	vld [tilespmem:$0x80];
	_ =	sdelay $0x4  }
0x75: {  	v60 =	vshll.u32 v3, $0x3  }
0x76: {  	v3 =	vand.u32 $0x7, v3;
	v4 =	vand.u32 $0xFFFFFFC0, v60  }
0x77: {  	v3 =	vor.u32 v3, v4  }
0x78: {  	v4 =	vperm.xlane v3, v0;
	_ =	sdelay $0x1  }
0x79: {  	v4 =	vadd.s32 v1, v4;
	_ =	sdelay $0x4  }
0x7a: {  	[hbm4b:s3+s2] =	stream.indirect_vreg.scatter [tilespmem:s18], [sflag:$0x2], $0x80, v4, vm0, $0xb8;
	[tilespmem:$0x10100] =	vst v63  }
0x7b: {  	v3 =	vperm.xlane v3, v2  }
0x7c: {  	[hbm4b:s4+s2] =	stream.indirect_vreg.scatter [tilespmem:s20], [sflag:$0x2], $0x80, v4, vm0, $0xb8;
	[tilespmem:$0x10100] =	vst v63  }
0x7d: {  	v3 =	vadd.s32 v1, v3  }
0x7e: {  	[hbm4b:s5+s2] =	stream.indirect_vreg.scatter [tilespmem:s21], [sflag:$0x2], $0x80, v4, vm0, $0xb8;
	[tilespmem:$0x10100] =	vst v63  }
0x7f: {  	_ = 	snop  }
0x80: {  	[hbm4b:s6+s2] =	stream.indirect_vreg.scatter [tilespmem:s22], [sflag:$0x2], $0x80, v4, vm0, $0xb8;
	[tilespmem:$0x10100] =	vst v63  }
0x81: {  	_ = 	snop  }
0x82: {  	[hbm4b:s3+s2] =	stream.indirect_vreg.scatter [tilespmem:s23], [sflag:$0x2], $0x80, v3, vm0, $0xb8;
	[tilespmem:$0x10100] =	vst v63  }
0x83: {  	_ = 	snop  }
0x84: {  	[hbm4b:s4+s2] =	stream.indirect_vreg.scatter [tilespmem:s24], [sflag:$0x2], $0x80, v3, vm0, $0xb8;
	[tilespmem:$0x10100] =	vst v63  }
0x85: {  	_ = 	snop  }
0x86: {  	[hbm4b:s5+s2] =	stream.indirect_vreg.scatter [tilespmem:s25], [sflag:$0x2], $0x80, v3, vm0, $0xb8;
	[tilespmem:$0x10100] =	vst v63  }
0x87: {  	_ = 	snop  }
0x88: {  	[hbm4b:s6+s2] =	stream.indirect_vreg.scatter [tilespmem:s26], [sflag:$0x2], $0x80, v3, vm0, $0xb8;
	[tilespmem:$0x10100] =	vst v63  }
0x89: {  	v3 =	vld [tilespmem:$0x90];
	_ =	sdelay $0x4  }
0x8a: {  	v61 =	vshll.u32 v3, $0x3  }
0x8b: {  	v3 =	vand.u32 $0x7, v3;
	v4 =	vand.u32 $0xFFFFFFC0, v61  }
0x8c: {  	v3 =	vor.u32 v3, v4  }
0x8d: {  	v4 =	vperm.xlane v3, v0;
	_ =	sdelay $0x1  }
0x8e: {  	v4 =	vadd.s32 v1, v4;
	_ =	sdelay $0x4  }
0x8f: {  	[hbm4b:s3+s2] =	stream.indirect_vreg.scatter [tilespmem:s28], [sflag:$0x2], $0x80, v4, vm0, $0xb8;
	[tilespmem:$0x10100] =	vst v63  }
0x90: {  	v3 =	vperm.xlane v3, v2  }
0x91: {  	[hbm4b:s4+s2] =	stream.indirect_vreg.scatter [tilespmem:s29], [sflag:$0x2], $0x80, v4, vm0, $0xb8;
	[tilespmem:$0x10100] =	vst v63  }
0x92: {  	v3 =	vadd.s32 v1, v3  }
0x93: {  	[hbm4b:s5+s2] =	stream.indirect_vreg.scatter [tilespmem:s30], [sflag:$0x2], $0x80, v4, vm0, $0xb8;
	[tilespmem:$0x10100] =	vst v63  }
0x94: {  	_ = 	snop  }
0x95: {  	[hbm4b:s6+s2] =	stream.indirect_vreg.scatter [tilespmem:s31], [sflag:$0x2], $0x80, v4, vm0, $0xb8;
	[tilespmem:$0x10100] =	vst v63  }
0x96: {  	_ = 	snop  }
0x97: {  	[hbm4b:s3+s2] =	stream.indirect_vreg.scatter [tilespmem:s1], [sflag:$0x2], $0x80, v3, vm0, $0xb8;
	[tilespmem:$0x10100] =	vst v63  }
0x98: {  	s20 =	simm.s32 $0x6900  }
0x99: {  	[hbm4b:s4+s2] =	stream.indirect_vreg.scatter [tilespmem:s20], [sflag:$0x2], $0x80, v3, vm0, $0xb8;
	[tilespmem:$0x10100] =	vst v63  }
0x9a: {  	_ = 	snop  }
0x9b: {  	[hbm4b:s5+s2] =	stream.indirect_vreg.scatter [tilespmem:s10], [sflag:$0x2], $0x80, v3, vm0, $0xb8;
	[tilespmem:$0x10100] =	vst v63  }
0x9c: {  	_ = 	snop  }
0x9d: {  	[hbm4b:s6+s2] =	stream.indirect_vreg.scatter [tilespmem:s11], [sflag:$0x2], $0x80, v3, vm0, $0xb8;
	[tilespmem:$0x10100] =	vst v63  }
0x9e: {  	v3 =	vld [tilespmem:$0xA0];
	_ =	sdelay $0x4  }
0x9f: {  	v62 =	vshll.u32 v3, $0x3  }
0xa0: {  	v3 =	vand.u32 $0x7, v3;
	v4 =	vand.u32 $0xFFFFFFC0, v62  }
0xa1: {  	v3 =	vor.u32 v3, v4  }
0xa2: {  	v4 =	vperm.xlane v3, v0;
	_ =	sdelay $0x1  }
0xa3: {  	v4 =	vadd.s32 v1, v4;
	_ =	sdelay $0x4  }
0xa4: {  	[hbm4b:s3+s2] =	stream.indirect_vreg.scatter [tilespmem:s12], [sflag:$0x2], $0x80, v4, vm0, $0xb8;
	[tilespmem:$0x10100] =	vst v63  }
0xa5: {  	v3 =	vperm.xlane v3, v2  }
0xa6: {  	[hbm4b:s4+s2] =	stream.indirect_vreg.scatter [tilespmem:s13], [sflag:$0x2], $0x80, v4, vm0, $0xb8;
	[tilespmem:$0x10100] =	vst v63  }
0xa7: {  	v3 =	vadd.s32 v1, v3  }
0xa8: {  	[hbm4b:s5+s2] =	stream.indirect_vreg.scatter [tilespmem:s14], [sflag:$0x2], $0x80, v4, vm0, $0xb8;
	[tilespmem:$0x10100] =	vst v63  }
0xa9: {  	_ = 	snop  }
0xaa: {  	[hbm4b:s6+s2] =	stream.indirect_vreg.scatter [tilespmem:s15], [sflag:$0x2], $0x80, v4, vm0, $0xb8;
	[tilespmem:$0x10100] =	vst v63  }
0xab: {  	_ = 	snop  }
0xac: {  	[hbm4b:s3+s2] =	stream.indirect_vreg.scatter [tilespmem:s16], [sflag:$0x2], $0x80, v3, vm0, $0xb8;
	[tilespmem:$0x10100] =	vst v63  }
0xad: {  	_ = 	snop  }
0xae: {  	[hbm4b:s4+s2] =	stream.indirect_vreg.scatter [tilespmem:s17], [sflag:$0x2], $0x80, v3, vm0, $0xb8;
	[tilespmem:$0x10100] =	vst v63  }
0xaf: {  	_ = 	snop  }
0xb0: {  	[hbm4b:s5+s2] =	stream.indirect_vreg.scatter [tilespmem:s9], [sflag:$0x2], $0x80, v3, vm0, $0xb8;
	[tilespmem:$0x10100] =	vst v63  }
0xb1: {  	_ = 	snop  }
0xb2: {  	[hbm4b:s6+s2] =	stream.indirect_vreg.scatter [tilespmem:s19], [sflag:$0x2], $0x80, v3, vm0, $0xb8;
	[tilespmem:$0x10100] =	vst v63  }
0xb3: {  	v3 =	vld [tilespmem:$0xB0];
	_ =	sdelay $0x4  }
0xb4: {  	v63 =	vshll.u32 v3, $0x3  }
0xb5: {  	v3 =	vand.u32 $0x7, v3;
	v4 =	vand.u32 $0xFFFFFFC0, v63  }
0xb6: {  	v3 =	vor.u32 v3, v4  }
0xb7: {  	v4 =	vperm.xlane v3, v0;
	_ =	sdelay $0x1  }
0xb8: {  	v4 =	vadd.s32 v1, v4;
	_ =	sdelay $0x3  }
0xb9: {  	s21 =	simm.s32 $0xC100  }
0xba: {  	[hbm4b:s3+s2] =	stream.indirect_vreg.scatter [tilespmem:s21], [sflag:$0x2], $0x80, v4, vm0, $0xb8;
	[tilespmem:$0x10100] =	vst v63  }
0xbb: {  	s20 =	simm.s32 $0xC900;
	v3 =	vperm.xlane v3, v2  }
0xbc: {  	[hbm4b:s4+s2] =	stream.indirect_vreg.scatter [tilespmem:s20], [sflag:$0x2], $0x80, v4, vm0, $0xb8;
	[tilespmem:$0x10100] =	vst v63  }
0xbd: {  	v3 =	vadd.s32 v1, v3;
	s21 =	simm.s32 $0xD100  }
0xbe: {  	[hbm4b:s5+s2] =	stream.indirect_vreg.scatter [tilespmem:s21], [sflag:$0x2], $0x80, v4, vm0, $0xb8;
	[tilespmem:$0x10100] =	vst v63  }
0xbf: {  	s20 =	simm.s32 $0xD900  }
0xc0: {  	[hbm4b:s6+s2] =	stream.indirect_vreg.scatter [tilespmem:s20], [sflag:$0x2], $0x80, v4, vm0, $0xb8;
	[tilespmem:$0x10100] =	vst v63  }
0xc1: {  	s21 =	simm.s32 $0xE100  }
0xc2: {  	[hbm4b:s3+s2] =	stream.indirect_vreg.scatter [tilespmem:s21], [sflag:$0x2], $0x80, v3, vm0, $0xb8;
	[tilespmem:$0x10100] =	vst v63  }
0xc3: {  	s20 =	simm.s32 $0xE900  }
0xc4: {  	[hbm4b:s4+s2] =	stream.indirect_vreg.scatter [tilespmem:s20], [sflag:$0x2], $0x80, v3, vm0, $0xb8;
	[tilespmem:$0x10100] =	vst v63  }
0xc5: {  	s21 =	simm.s32 $0xF100  }
0xc6: {  	[hbm4b:s5+s2] =	stream.indirect_vreg.scatter [tilespmem:s21], [sflag:$0x2], $0x80, v3, vm0, $0xb8;
	[tilespmem:$0x10100] =	vst v63  }
0xc7: {  	s20 =	simm.s32 $0x1  }
0xc8: {  	[hbm4b:s6+s2] =	stream.indirect_vreg.scatter [tilespmem:s0], [sflag:$0x2], $0x80, v3, vm0, $0xb8;
	[tilespmem:$0x10100] =	vst v63  }
0xc9: {  	p0 =	sne.s32 s7, $0x1;
	_ =	swait.ge [sflag:s20], $0x10000  }
.Ltmp0:
0xca: {  	[sflag:s20] =	ssyncset.done $0x0;
	(pc) =	sbr.rel @p0 .LBB2_1-.Ltmp0, $4  }
0xcb: {  	s21 =	simm.s32 $0x2;
	[sflag:s20] =	ssyncadd.s32 $0xFFFF0000  }
0xcc: {  	_ =	swait.ge [sflag:s21], $0x10000  }
0xcd: {  	[sflag:s21] =	ssyncset.done $0x0  }
0xce: {  	s7 =	sadd.s32 $0xFFFFFFFF, s7;
	[sflag:s21] =	ssyncadd.s32 $0xFFFF0000  }
0xcf: {  	_ =	sfence.sel $0x180000  }
0xd0: {  	[bflag:$0x0] =	sbarrier.arrive $0xFFFF  }
0xd1: {  	_ =	strace $0x90000047  }
0xd2: {  	s0 =	stileid.u32;
	[bflag:$0x2] =	sbarrier.arrive $0xFFFF  }
0xd3: {  	p0 =	sne.s32 s0, $0x0;
	s0 =	rddreg [dreg:$0x2]  }
0xd4: {  	s0 =	sadd.s32 @!p0 $0x100000, s0  }
0xd5: {  	[sflag:s0] =	ssyncadd.tile.s32 @!p0 $0x1;
	_ =	shalt  }
.Lfunc_end2:
_tile_overlayer_lowered:
.L_overlay_start_2:
0xd6: {  	(tag) =	ssettag $0x2  }
0xd7: {  	s0 =	rddreg [dreg:$0x0];
	s2 =	stileid.u32  }
0xd8: {  	s1 =	rddreg [dreg:$0x1];
	p0 =	sne.s32 s2, $0x0  }
0xd9: {  	s3 =	rddreg [dreg:$0x2];
	[bflag:$0x3] =	sbarrier.arrive $0xFFFF;
	s2 =	simm.s32 @!p0 $0x1C03  }
0xda: {  	[timem:s3], [sflag:s2] =	dma.local @!p0 [hbm:s0], s1  }
0xdb: {  	s0 =	simm.s32 @!p0 $0x3  }
0xdc: {  	_ =	swait.ge @!p0 [sflag:s0], s1  }
0xdd: {  	s1 =	ssub.s32 @!p0 $0x0, s1;
	[sflag:s0] =	ssyncset.done @!p0 $0x0  }
0xde: {  	[sflag:s0] =	ssyncadd.s32 @!p0 s1  }
0xdf: {  	[bflag:$0x3] =	sbarrier.arrive $0xFFFF  }
0xe0: {  	_ =	shalt  }

// kernel: _moe_routed.9.cloned.1.call-start
scs
__scs_entry_jumppad:
0x0: {  	(pc) =	sbr.rel $0x88, $3  }
0x1: {  	(tag) =	ssettag $0x0;
	lr =	simm.s32 $0x1  }
0x2: {  	[smem:$0x3F9D] =	sst lr;
	_ =	strace $0xD0000000  }
0x3: {  	_ = 	snop  }
0x4: {  	_ = 	snop  }
0x5: {  	_ = 	snop  }
0x6: {  	_ = 	snop  }
0x7: {  	_ = 	snop  }
__scs_overlays_trampoline_lowered:
0x8: {  	[smem:$0x3FAC] =	sst s0  }
0x9: {  	[smem:$0x3FAD] =	sst s1  }
0xa: {  	[smem:$0x3FAE] =	sst s2  }
0xb: {  	[smem:$0x3FAF] =	sst s3  }
0xc: {  	[smem:$0x3FB0] =	sst s4  }
0xd: {  	[smem:$0x3FB1] =	sst s5  }
0xe: {  	[smem:$0x3FB2] =	sst s6  }
0xf: {  	[smem:$0x3FB3] =	sst s7  }
0x10: {  	[smem:$0x3FB4] =	sst s8  }
0x11: {  	[smem:$0x3FB5] =	sst s9;
	s0 =	simm.s32 @!p0 $0x0  }
0x12: {  	s1 =	sld [smem:$0x3F9B];
	s0 =	simm.s32 @p0 $0x1  }
0x13: {  	[smem:$0x3FB6] =	sst s0;
	s0 =	simm.s32 @!p1 $0x0  }
0x14: {  	s2 =	sld [smem:$0x3F9A];
	s0 =	simm.s32 @p1 $0x1  }
0x15: {  	[smem:$0x3FB7] =	sst s0;
	s0 =	simm.s32 @!p2 $0x0  }
0x16: {  	s3 =	sld [smem:$0x3FDB];
	s0 =	simm.s32 @p2 $0x1  }
0x17: {  	s4 =	simm.s32 $0x1BF5;
	[smem:$0x3FB9] =	sst s0  }
0x18: {  	s0 =	sld [smem:$0x3F9C];
	_ =	swait.ge [sflag:s4], $0x0  }
0x19: {  	s7 =	sld [smem:$0x3F9D]  }
0x1a: {  	s8 =	sadd.s32 $0xFFFFE003, lr  }
0x1b: {  	s9 =	sadd.s32 $0xFFFFFEF7, lr;
	s5 =	simm.s32 $0xFFFFFFFF;
	p2 =	slt.u32 s8, $0xFFFFF086  }
0x1c: {  	p1 =	slt.u32 s9, $0xF7A;
	s5 =	simm.s32 @!p2 $0x0  }
0x1d: {  	s5 =	simm.s32 @p1 $0x1;
	p0 =	seq.s32 s7, s2  }
0x1e: {  	s7 =	smul.u32 @!p0 $0xF7A, s2;
	p2 =	seq.s32 @!p0 s5, $0x0  }
0x1f: {  	s9 =	smul.u32 $0xF7A, s1;
	s8 =	simm.s32 @!p0 $0x1BF5;
	p2 =	por !p2, p0  }
0x20: {  	[sflag:s8] =	ssyncset.s32 @!p0 $0xFFFFF086;
	s6 =	sadd.s32 @!p0 s3, s7;
	s7 =	simm.s32 @!p0 $0x108  }
0x21: {  	s3 =	sadd.s32 s3, s9;
	s6 =	sadd.s32 @!p0 $0x88, s6;
	s7 =	simm.s32 @p2 $0x1082  }
0x22: {  	[simem:s7], [sflag:s8] =	dma.local @!p0 [hbm:s6], $0xF7A  }
0x23: {  	s9 =	sor.u32 $0xD0000000, s2;
	s6 =	simm.s32 $0x108;
	_ =	swait.ge @!p0 [sflag:s8], $0x0  }
0x24: {  	s3 =	sadd.s32 $0x88, s3;
	s6 =	simm.s32 @!p1 $0x1082;
	[sflag:s4] =	ssyncset.s32 $0xFFFFF086  }
0x25: {  	[simem:s6], [sflag:s4] =	dma.local [hbm:s3], $0xF7A  }
0x26: {  	[smem:$0x3F9D] =	sst s1;
	(tag) =	ssettag s2;
	_ =	strace s9  }
0x27: {  	s1 =	sld [smem:$0x3FAD]  }
0x28: {  	s2 =	sld [smem:$0x3FAE]  }
0x29: {  	s4 =	sld [smem:$0x3FB0]  }
0x2a: {  	p0 =	seq.s32 s5, $0x0;
	s5 =	sld [smem:$0x3FB1]  }
0x2b: {  	s6 =	sld [smem:$0x3FB2]  }
0x2c: {  	s7 =	sld [smem:$0x3FB3]  }
0x2d: {  	s3 =	simm.s32 $0x108;
	s8 =	sld [smem:$0x3FB4]  }
0x2e: {  	s3 =	simm.s32 @!p0 $0x1082;
	s9 =	sld [smem:$0x3FB5]  }
0x2f: {  	lr =	sadd.s32 s0, s3;
	s0 =	sld [smem:$0x3FAC]  }
0x30: {  	s3 =	sld [smem:$0x3FAF]  }
0x31: {  	[smem:$0x3FB8] =	sst s10  }
0x32: {  	s10 =	sld [smem:$0x3FB6];
	_ =	sdelay $0x3  }
0x33: {  	p0 =	seq.s32 s10, $0x1;
	s10 =	sld [smem:$0x3FB8];
	_ =	sdelay $0x3  }
0x34: {  	[smem:$0x3FB8] =	sst s10  }
0x35: {  	s10 =	sld [smem:$0x3FB7];
	_ =	sdelay $0x3  }
0x36: {  	p1 =	seq.s32 s10, $0x1;
	s10 =	sld [smem:$0x3FB8];
	_ =	sdelay $0x3  }
0x37: {  	[smem:$0x3FB8] =	sst s10  }
0x38: {  	s10 =	sld [smem:$0x3FB9]  }
0x39: {  	_ = 	snop;
	(pc) =	sbr.ind lr, $3  }
0x3a: {  	_ = 	snop  }
0x3b: {  	_ = 	snop  }
0x3c: {  	p2 =	seq.s32 s10, $0x1;
	s10 =	sld [smem:$0x3FB8]  }
0x3d: {  	_ =	shalt  }
0x3e: {  	_ =	shalt  }
0x3f: {  	_ =	shalt  }
0x40: {  	_ =	shalt  }
0x41: {  	_ =	shalt  }
0x42: {  	_ =	shalt  }
0x43: {  	_ =	shalt  }
0x44: {  	_ =	shalt  }
0x45: {  	_ =	shalt  }
0x46: {  	_ =	shalt  }
0x47: {  	_ =	shalt  }
0x48: {  	_ =	shalt  }
0x49: {  	_ =	shalt  }
0x4a: {  	_ =	shalt  }
0x4b: {  	_ =	shalt  }
0x4c: {  	_ =	shalt  }
0x4d: {  	_ =	shalt  }
0x4e: {  	_ =	shalt  }
0x4f: {  	_ =	shalt  }
0x50: {  	_ =	shalt  }
0x51: {  	_ =	shalt  }
0x52: {  	_ =	shalt  }
0x53: {  	_ =	shalt  }
0x54: {  	_ =	shalt  }
0x55: {  	_ =	shalt  }
0x56: {  	_ =	shalt  }
0x57: {  	_ =	shalt  }
0x58: {  	_ =	shalt  }
0x59: {  	_ =	shalt  }
0x5a: {  	_ =	shalt  }
0x5b: {  	_ =	shalt  }
0x5c: {  	_ =	shalt  }
0x5d: {  	_ =	shalt  }
0x5e: {  	_ =	shalt  }
0x5f: {  	_ =	shalt  }
0x60: {  	_ =	shalt  }
0x61: {  	_ =	shalt  }
0x62: {  	_ =	shalt  }
0x63: {  	_ =	shalt  }
0x64: {  	_ =	shalt  }
0x65: {  	_ =	shalt  }
0x66: {  	_ =	shalt  }
0x67: {  	_ =	shalt  }
0x68: {  	_ =	shalt  }
0x69: {  	_ =	shalt  }
0x6a: {  	_ =	shalt  }
0x6b: {  	_ =	shalt  }
0x6c: {  	_ =	shalt  }
0x6d: {  	_ =	shalt  }
0x6e: {  	_ =	shalt  }
0x6f: {  	_ =	shalt  }
0x70: {  	_ =	shalt  }
0x71: {  	_ =	shalt  }
0x72: {  	_ =	shalt  }
0x73: {  	_ =	shalt  }
0x74: {  	_ =	shalt  }
0x75: {  	_ =	shalt  }
0x76: {  	_ =	shalt  }
0x77: {  	_ =	shalt  }
0x78: {  	_ =	shalt  }
0x79: {  	_ =	shalt  }
0x7a: {  	_ =	shalt  }
0x7b: {  	_ =	shalt  }
0x7c: {  	_ =	shalt  }
0x7d: {  	_ =	shalt  }
0x7e: {  	_ =	shalt  }
0x7f: {  	_ =	shalt  }
0x80: {  	_ =	shalt  }
0x81: {  	_ =	shalt  }
0x82: {  	_ =	shalt  }
0x83: {  	_ =	shalt  }
0x84: {  	_ =	shalt  }
0x85: {  	_ =	shalt  }
0x86: {  	_ =	shalt  }
0x87: {  	_ =	shalt  }
.Lfunc_end0:
.L_simem_size_0:
called_computation.1_lowered:
.L_overlay_start_0:
0x88: {  	s2 =	sld [smem:$0x3FD9]  }
0x89: {  	s3 =	sld [smem:$0x3FFE];
	_ =	sdelay $0x1  }
0x8a: {  	s1 =	srdreg.scid  }
0x8b: {  	s0 =	sand.u32 $0x1, s1  }
0x8c: {  	s14 =	sshll.u32 s0, $0xA;
	s2 =	sadd.s32 s3, s2  }
0x8d: {  	s2 =	sadd.s32 s2, s14  }
0x8e: {  	[smem:$0x3FC4] =	sst s2  }
0x8f: {  	_ = 	snop  }
0x90: {  	s2 =	sld [smem:$0x3FD0];
	_ =	sdelay $0x2  }
0x91: {  	s15 =	simm.s32 $0xA;
	s4 =	simm.s32 $0x10  }
0x92: {  	[smem:s4], [sflag:s15] =	dma.local [hbm:s2], $0x1  }
0x93: {  	_ =	swait.eq [sflag:s15], $0x1  }
0x94: {  	[sflag:s15] =	ssyncset.done $0x0  }
0x95: {  	[sflag:s15] =	ssyncadd.s32 $0xFFFFFFFF  }
0x96: {  	s16 =	sld [smem:$0x10];
	(tm) =	ssettm $0x1  }
0x97: {  	s17 =	sld [smem:$0x3FFB];
	_ =	sdelay $0x3  }
0x98: {  	_ =	strace s17  }
0x99: {  	s3 =	sld [smem:$0x3FFC];
	_ =	sdelay $0x3  }
0x9a: {  	_ =	strace s3  }
0x9b: {  	s3 =	sld [smem:$0x3FFD];
	_ =	sdelay $0x3  }
0x9c: {  	_ =	strace s3  }
0x9d: {  	_ =	strace $0x8FFFFFFF  }
0x9e: {  	s18 =	sld [smem:$0x3FDB];
	_ =	sdelay $0x1  }
0x9f: {  	s19 =	simm.s32 $_scs_section_size  }
0xa0: {  	s5 =	simm.s32 $_size__tile_overlayer_lowered;
	s6 =	simm.s32 $_tile_overlayer_lowered  }
0xa1: {  	s22 =	simm.s32 $0x1BFF;
	s21 =	sshll.u32 s6, $0x1;
	s3 =	sadd.s32 s19, s18  }
0xa2: {  	s7 =	simm.s32 $0x0;
	s20 =	sshll.u32 s5, $0x1;
	s5 =	sadd.s32 s21, s3  }
0xa3: {  	[timem:s7], [sflag:s22] =	dma.local [hbm:s5], s20  }
0xa4: {  	_ =	swait.ge [sflag:s22], s20  }
0xa5: {  	s4 =	ssub.s32 $0x0, s20;
	[sflag:s22] =	ssyncset.done $0x0  }
0xa6: {  	[sflag:s22] =	ssyncadd.s32 s4;
	_ =	sdelay $0x1  }
0xa7: {  	s23 =	simm.s32 $0x1B8B  }
0xa8: {  	_ =	swait.ge [sflag:s23], $0x1  }
0xa9: {  	[sflag:s23] =	ssyncset.done $0x0  }
0xaa: {  	s25 =	simm.s32 $0x1B8E;
	s24 =	sld [smem:$0x3FFE];
	[sflag:s23] =	ssyncadd.s32 $0xFFFFFFFF  }
0xab: {  	s26 =	simm.s32 $execute0_lowered;
	[smem:$0x3FD2] =	sst s25  }
0xac: {  	s5 =	sshll.u32 s26, $0x1;
	_ =	strace $0x80000049;
	[dreg:$0x1] =	wrdreg $0xFFFFFFFF  }
0xad: {  	s28 =	simm.s32 $_size_execute0_lowered;
	s3 =	sadd.s32 s3, s5;
	[dreg:$0x0] =	wrdreg $0x0  }
0xae: {  	s5 =	sshll.u32 s28, $0x1;
	[dreg:$0x2] =	wrdreg s3  }
0xaf: {  	[dreg:$0x3] =	wrdreg s5  }
0xb0: {  	[dreg:$0x4] =	wrdreg $0xC0  }
0xb1: {  	_ =	task [dreg:s7], $0x5FFFF  }
0xb2: {  	[dreg:$0x1] =	wrdreg $0xFFFFFFFF  }
0xb3: {  	[dreg:$0x0] =	wrdreg $0x60  }
0xb4: {  	[dreg:$0x2] =	wrdreg s24  }
0xb5: {  	[dreg:$0x3] =	wrdreg s16  }
0xb6: {  	[dreg:$0x4] =	wrdreg $0x9  }
0xb7: {  	_ =	task.clear_ibuf [dreg:s7], $0x5FFFF;
	_ =	strace $0x90000049  }
0xb8: {  	s29 =	simm.s32 $0x9;
	_ =	strace $0x8000004B  }
0xb9: {  	_ =	swait.ge [sflag:s29], $0x1  }
0xba: {  	[sflag:s29] =	ssyncadd.s32 $0xFFFFFFFF  }
0xbb: {  	_ =	strace $0x9000004B  }
0xbc: {  	_ =	sfence  }
0xbd: {  	s30 =	sld [smem:$0x0];
	_ =	sdelay $0x2  }
0xbe: {  	s31 =	sshll.u32 s1, $0xD;
	s1 =	sshrl.u32 s1, $0x2  }
0xbf: {  	s3 =	sand.u32 $0x4000, s31;
	s1 =	sadd.s32 s1, s30  }
0xc0: {  	s0 =	sor.u32 s3, s0;
	s1 =	sshll.u32 s1, $0x11  }
0xc1: {  	s0 =	sor.u32 s1, s0  }
0xc2: {  	s0 =	sadd.s32 $0x8F2B, s0  }
0xc3: {  	[sflag:s0] =	ssyncadd.remote.s32 $0x1  }
0xc4: {  	_ =	sfence.sel $0xFFFF  }
0xc5: {  	[dreg:$0x0] =	wrdreg $0xFFFFFFFF;
	(pc) =	sbr.abs _section_cstart, $3  }
0xc6: {  	[dreg:$0x1] =	wrdreg $0xFFFFFFFF  }
0xc7: {  	_ =	task.clear_ibuf [dreg:s7], $0x2FFFF;
	_ =	strace $0x9FFFFFFF  }
0xc8: {  	(tm) =	ssettm $0x7FFFFFFF  }
0xc9: {  	_ =	shalt  }
tec
execute0_lowered:
.L_overlay_start_1:
0x0: {  	(tag) =	ssettag $0x1  }
0x1: {  	s0 =	rddreg [dreg:$0x0]  }
0x2: {  	s1 =	rddreg [dreg:$0x1]  }
0x3: {  	s2 =	simm.s32 $0x0;
	s3 =	srdreg.scid;
	s5 =	stileid.u32  }
0x4: {  	s16 =	simm.s32 $0x3;
	s28 =	simm.s32 $0x12900;
	s29 =	simm.s32 $0x13100  }
0x5: {  	s30 =	simm.s32 $0x1;
	s31 =	simm.s32 $0x14100;
	s14 =	simm.s32 $0x0  }
0x6: {  	[smem:$0x7FF] =	sst s2;
	s4 =	sand.u32 $0x1, s3;
	s5 =	sshll.u32 s5, $0x1  }
0x7: {  	s3 =	sadd.s32 $0xD0800, s0;
	s6 =	sadd.s32 $0x10600, s0;
	s12 =	sadd.s32 $0x10400, s0  }
0x8: {  	s9 =	sadd.s32 $0xD0A00, s0;
	s10 =	sadd.s32 $0xD0B00, s0;
	s5 =	sor.u32 s4, s5  }
0x9: {  	_ =	strace $0x8000004A;
	s4 =	ssub.s32 $0x2, s4;
	s7 =	sshll.u32 s5, $0xA  }
0xa: {  	s8 =	sshrl.u32 s4, $0x1;
	s13 =	sshll.u32 s5, $0x4;
	s5 =	sshll.u32 s5, $0xD  }
0xb: {  	s7 =	sadd.s32 s7, s0;
	s4 =	ssub.s32 s4, s8;
	s21 =	sadd.s32 s6, s13  }
0xc: {  	s22 =	sadd.s32 s12, s13;
	s8 =	sadd.s32 $0xD0900, s0;
	s11 =	sadd.s32 s1, s5  }
0xd: {  	s23 =	sor.u32 $0x4, s13;
	s5 =	simm.s32 $0xD900;
	[dreg:$0x5] =	wrdreg s21  }
0xe: {  	s13 =	simm.s32 $0x2;
	s20 =	sadd.s32 $0x400, s7;
	[dreg:$0x6] =	wrdreg s22  }
0xf: {  	s7 =	sadd.s32 $0x8400, s7;
	s24 =	sadd.s32 s6, s23;
	[dreg:$0x3] =	wrdreg s20  }
0x10: {  	s0 =	sadd.s32 s12, s23;
	s25 =	sadd.s32 $0x1000, s11;
	[dreg:$0x4] =	wrdreg s7  }
0x11: {  	v2 =	vlaneseq.u32;
	s26 =	smax.u32 s4, $0x1;
	s6 =	simm.s32 $0xE900;
	[dreg:$0x7] =	wrdreg s24  }
0x12: {  	v0 =	vand.u32 $0x7, v2;
	v1 =	vshrl.u32 v2, $0x3;
	s21 =	simm.s32 $0xF100;
	s22 =	simm.s32 $0x10100;
	[dreg:$0x8] =	wrdreg s0  }
0x13: {  	v63 =	vor.u32 $0x8, v2;
	[tilespmem:$0x1FFD0] =	vst v0;
	v62 =	vmul.u32 $0x8, v1;
	s23 =	simm.s32 $0x10900;
	s12 =	simm.s32 $0x13900;
	[dreg:$0x9] =	wrdreg s25  }
0x14: {  	[tilespmem:$0x1FFF0] =	vst v63;
	[dreg:$0xa] =	wrdreg s26;
	s20 =	simm.s32 $0xE100;
	s7 =	simm.s32 $0xF900  }
0x15: {  	vm0 =	vmmov $0xffff;
	[tilespmem:$0x1FFE0] =	vst v62;
	s24 =	simm.s32 $0x11100;
	s25 =	simm.s32 $0x11900;
	s26 =	simm.s32 $0x12100  }
.LBB2_1:
0x16: {  	s0 =	simm.s32 $0x100;
	s1 =	rddreg [dreg:$0x3]  }
0x17: {  	[tilespmem:s0], [sflag:$0x3] =	stream.linear.gather [hbm4b:s1+s2], $0x2000, $0x38;
	[tilespmem:$0x1C100] =	vst v63  }
0x18: {  	_ =	swait.ge [sflag:s16], $0x2000  }
0x19: {  	[sflag:s16] =	ssyncset.done $0x0  }
0x1a: {  	s15 =	simm.s32 $0x2100;
	s17 =	rddreg [dreg:$0x4];
	[sflag:s16] =	ssyncadd.s32 $0xFFFFE000  }
0x1b: {  	[tilespmem:s15], [sflag:$0x3] =	stream.linear.gather [hbm4b:s17+s2], $0x2000, $0x38;
	[tilespmem:$0x1C100] =	vst v63  }
0x1c: {  	_ =	swait.ge [sflag:s16], $0x2000  }
0x1d: {  	[sflag:s16] =	ssyncset.done $0x0  }
0x1e: {  	s18 =	rddreg [dreg:$0x5];
	[sflag:s16] =	ssyncadd.s32 $0xFFFFE000  }
0x1f: {  	[tilespmem:s2], [sflag:$0x3] =	stream.linear.gather [hbm4b:s18+s2], $0x20, $0x38;
	[tilespmem:$0x1C100] =	vst v63  }
0x20: {  	_ =	swait.ge [sflag:s16], $0x20  }
0x21: {  	[sflag:s16] =	ssyncset.done $0x0  }
0x22: {  	s4 =	simm.s32 $0x80;
	s19 =	rddreg [dreg:$0x6];
	[sflag:s16] =	ssyncadd.s32 $0xFFFFFFE0  }
0x23: {  	[tilespmem:s4], [sflag:$0x3] =	stream.linear.gather [hbm4b:s19+s2], $0x20, $0x38;
	[tilespmem:$0x1C100] =	vst v63  }
0x24: {  	_ =	swait.ge [sflag:s16], $0x20  }
0x25: {  	[sflag:s16] =	ssyncset.done $0x0  }
0x26: {  	[sflag:s16] =	ssyncadd.s32 $0xFFFFFFE0  }
0x27: {  	v3 =	vld [tilespmem:$0x0];
	_ =	sdelay $0x2  }
0x28: {  	v0 =	vld [tilespmem:$0x1FFD0];
	_ =	sdelay $0x1  }
0x29: {  	v1 =	vld [tilespmem:$0x1FFE0];
	v4 =	vshll.u32 v3, $0x3  }
0x2a: {  	v3 =	vand.u32 $0x7, v3;
	v4 =	vand.u32 $0xFFFFFFC0, v4  }
0x2b: {  	v3 =	vor.u32 v3, v4  }
0x2c: {  	v4 =	vperm.xlane v3, v0;
	_ =	sdelay $0x1  }
0x2d: {  	v4 =	vadd.s32 v1, v4  }
0x2e: {  	v2 =	vld [tilespmem:$0x1FFF0];
	_ =	sdelay $0x2  }
0x2f: {  	s17 =	simm.s32 $0x4100  }
0x30: {  	[tilespmem:s17], [sflag:$0x1] =	stream.indirect_vreg.gather [hbm4b:s3+s2], $0x80, v4, vm0, $0xb8;
	[tilespmem:$0x1C100] =	vst v63  }
0x31: {  	s18 =	simm.s32 $0x4900;
	v3 =	vperm.xlane v3, v2  }
0x32: {  	[tilespmem:s18], [sflag:$0x1] =	stream.indirect_vreg.gather [hbm4b:s8+s2], $0x80, v4, vm0, $0xb8;
	[tilespmem:$0x1C100] =	vst v63  }
0x33: {  	s19 =	simm.s32 $0x5100;
	v3 =	vadd.s32 v1, v3  }
0x34: {  	[tilespmem:s19], [sflag:$0x1] =	stream.indirect_vreg.gather [hbm4b:s9+s2], $0x80, v4, vm0, $0xb8;
	[tilespmem:$0x1C100] =	vst v63  }
0x35: {  	s4 =	simm.s32 $0x5900  }
0x36: {  	[tilespmem:s4], [sflag:$0x1] =	stream.indirect_vreg.gather [hbm4b:s10+s2], $0x80, v4, vm0, $0xb8;
	[tilespmem:$0x1C100] =	vst v63  }
0x37: {  	s17 =	simm.s32 $0x6100  }
0x38: {  	[tilespmem:s17], [sflag:$0x1] =	stream.indirect_vreg.gather [hbm4b:s3+s2], $0x80, v3, vm0, $0xb8;
	[tilespmem:$0x1C100] =	vst v63  }
0x39: {  	s18 =	simm.s32 $0x6900  }
0x3a: {  	[tilespmem:s18], [sflag:$0x1] =	stream.indirect_vreg.gather [hbm4b:s8+s2], $0x80, v3, vm0, $0xb8;
	[tilespmem:$0x1C100] =	vst v63  }
0x3b: {  	s19 =	simm.s32 $0x7100  }
0x3c: {  	[tilespmem:s19], [sflag:$0x1] =	stream.indirect_vreg.gather [hbm4b:s9+s2], $0x80, v3, vm0, $0xb8;
	[tilespmem:$0x1C100] =	vst v63  }
0x3d: {  	s4 =	simm.s32 $0x7900  }
0x3e: {  	[tilespmem:s4], [sflag:$0x1] =	stream.indirect_vreg.gather [hbm4b:s10+s2], $0x80, v3, vm0, $0xb8;
	[tilespmem:$0x1C100] =	vst v63  }
0x3f: {  	v3 =	vld [tilespmem:$0x10];
	_ =	sdelay $0x4  }
0x40: {  	v61 =	vshll.u32 v3, $0x3  }
0x41: {  	v3 =	vand.u32 $0x7, v3;
	v4 =	vand.u32 $0xFFFFFFC0, v61  }
0x42: {  	v3 =	vor.u32 v3, v4  }
0x43: {  	v4 =	vperm.xlane v3, v0;
	_ =	sdelay $0x1  }
0x44: {  	v4 =	vadd.s32 v1, v4;
	_ =	sdelay $0x3  }
0x45: {  	s17 =	simm.s32 $0x8100  }
0x46: {  	[tilespmem:s17], [sflag:$0x1] =	stream.indirect_vreg.gather [hbm4b:s3+s2], $0x80, v4, vm0, $0xb8;
	[tilespmem:$0x1C100] =	vst v63  }
0x47: {  	s18 =	simm.s32 $0x8900;
	v3 =	vperm.xlane v3, v2  }
0x48: {  	[tilespmem:s18], [sflag:$0x1] =	stream.indirect_vreg.gather [hbm4b:s8+s2], $0x80, v4, vm0, $0xb8;
	[tilespmem:$0x1C100] =	vst v63  }
0x49: {  	s19 =	simm.s32 $0x9100;
	v3 =	vadd.s32 v1, v3  }
0x4a: {  	[tilespmem:s19], [sflag:$0x1] =	stream.indirect_vreg.gather [hbm4b:s9+s2], $0x80, v4, vm0, $0xb8;
	[tilespmem:$0x1C100] =	vst v63  }
0x4b: {  	s4 =	simm.s32 $0x9900  }
0x4c: {  	[tilespmem:s4], [sflag:$0x1] =	stream.indirect_vreg.gather [hbm4b:s10+s2], $0x80, v4, vm0, $0xb8;
	[tilespmem:$0x1C100] =	vst v63  }
0x4d: {  	s17 =	simm.s32 $0xA100  }
0x4e: {  	[tilespmem:s17], [sflag:$0x1] =	stream.indirect_vreg.gather [hbm4b:s3+s2], $0x80, v3, vm0, $0xb8;
	[tilespmem:$0x1C100] =	vst v63  }
0x4f: {  	s18 =	simm.s32 $0xA900  }
0x50: {  	[tilespmem:s18], [sflag:$0x1] =	stream.indirect_vreg.gather [hbm4b:s8+s2], $0x80, v3, vm0, $0xb8;
	[tilespmem:$0x1C100] =	vst v63  }
0x51: {  	s19 =	simm.s32 $0xB100  }
0x52: {  	[tilespmem:s19], [sflag:$0x1] =	stream.indirect_vreg.gather [hbm4b:s9+s2], $0x80, v3, vm0, $0xb8;
	[tilespmem:$0x1C100] =	vst v63  }
0x53: {  	s4 =	simm.s32 $0xB900  }
0x54: {  	[tilespmem:s4], [sflag:$0x1] =	stream.indirect_vreg.gather [hbm4b:s10+s2], $0x80, v3, vm0, $0xb8;
	[tilespmem:$0x1C100] =	vst v63  }
0x55: {  	v3 =	vld [tilespmem:$0x80];
	_ =	sdelay $0x4  }
0x56: {  	v62 =	vshll.u32 v3, $0x3  }
0x57: {  	v3 =	vand.u32 $0x7, v3;
	v4 =	vand.u32 $0xFFFFFFC0, v62  }
0x58: {  	v3 =	vor.u32 v3, v4  }
0x59: {  	v4 =	vperm.xlane v3, v0;
	_ =	sdelay $0x1  }
0x5a: {  	v4 =	vadd.s32 v1, v4;
	_ =	sdelay $0x3  }
0x5b: {  	s17 =	simm.s32 $0xC100  }
0x5c: {  	[tilespmem:s17], [sflag:$0x2] =	stream.indirect_vreg.gather [hbm4b:s3+s2], $0x80, v4, vm0, $0xb8;
	[tilespmem:$0x1C100] =	vst v63  }
0x5d: {  	s18 =	simm.s32 $0xC900;
	v3 =	vperm.xlane v3, v2  }
0x5e: {  	[tilespmem:s18], [sflag:$0x2] =	stream.indirect_vreg.gather [hbm4b:s8+s2], $0x80, v4, vm0, $0xb8;
	[tilespmem:$0x1C100] =	vst v63  }
0x5f: {  	s19 =	simm.s32 $0xD100;
	v3 =	vadd.s32 v1, v3  }
0x60: {  	[tilespmem:s19], [sflag:$0x2] =	stream.indirect_vreg.gather [hbm4b:s9+s2], $0x80, v4, vm0, $0xb8;
	[tilespmem:$0x1C100] =	vst v63  }
0x61: {  	_ = 	snop  }
0x62: {  	[tilespmem:s5], [sflag:$0x2] =	stream.indirect_vreg.gather [hbm4b:s10+s2], $0x80, v4, vm0, $0xb8;
	[tilespmem:$0x1C100] =	vst v63  }
0x63: {  	_ = 	snop  }
0x64: {  	[tilespmem:s20], [sflag:$0x2] =	stream.indirect_vreg.gather [hbm4b:s3+s2], $0x80, v3, vm0, $0xb8;
	[tilespmem:$0x1C100] =	vst v63  }
0x65: {  	_ = 	snop  }
0x66: {  	[tilespmem:s6], [sflag:$0x2] =	stream.indirect_vreg.gather [hbm4b:s8+s2], $0x80, v3, vm0, $0xb8;
	[tilespmem:$0x1C100] =	vst v63  }
0x67: {  	_ = 	snop  }
0x68: {  	[tilespmem:s21], [sflag:$0x2] =	stream.indirect_vreg.gather [hbm4b:s9+s2], $0x80, v3, vm0, $0xb8;
	[tilespmem:$0x1C100] =	vst v63  }
0x69: {  	_ = 	snop  }
0x6a: {  	[tilespmem:s7], [sflag:$0x2] =	stream.indirect_vreg.gather [hbm4b:s10+s2], $0x80, v3, vm0, $0xb8;
	[tilespmem:$0x1C100] =	vst v63  }
0x6b: {  	v3 =	vld [tilespmem:$0x90];
	_ =	sdelay $0x4  }
0x6c: {  	v63 =	vshll.u32 v3, $0x3  }
0x6d: {  	v3 =	vand.u32 $0x7, v3;
	v4 =	vand.u32 $0xFFFFFFC0, v63  }
0x6e: {  	v3 =	vor.u32 v3, v4  }
0x6f: {  	v4 =	vperm.xlane v3, v0;
	_ =	sdelay $0x1  }
0x70: {  	v4 =	vadd.s32 v1, v4;
	_ =	sdelay $0x4  }
0x71: {  	[tilespmem:s22], [sflag:$0x2] =	stream.indirect_vreg.gather [hbm4b:s3+s2], $0x80, v4, vm0, $0xb8;
	[tilespmem:$0x1C100] =	vst v63  }
0x72: {  	v3 =	vperm.xlane v3, v2  }
0x73: {  	[tilespmem:s23], [sflag:$0x2] =	stream.indirect_vreg.gather [hbm4b:s8+s2], $0x80, v4, vm0, $0xb8;
	[tilespmem:$0x1C100] =	vst v63  }
0x74: {  	v3 =	vadd.s32 v1, v3  }
0x75: {  	[tilespmem:s24], [sflag:$0x2] =	stream.indirect_vreg.gather [hbm4b:s9+s2], $0x80, v4, vm0, $0xb8;
	[tilespmem:$0x1C100] =	vst v63  }
0x76: {  	_ = 	snop  }
0x77: {  	[tilespmem:s25], [sflag:$0x2] =	stream.indirect_vreg.gather [hbm4b:s10+s2], $0x80, v4, vm0, $0xb8;
	[tilespmem:$0x1C100] =	vst v63  }
0x78: {  	_ = 	snop  }
0x79: {  	[tilespmem:s26], [sflag:$0x2] =	stream.indirect_vreg.gather [hbm4b:s3+s2], $0x80, v3, vm0, $0xb8;
	[tilespmem:$0x1C100] =	vst v63  }
0x7a: {  	_ = 	snop  }
0x7b: {  	[tilespmem:s28], [sflag:$0x2] =	stream.indirect_vreg.gather [hbm4b:s8+s2], $0x80, v3, vm0, $0xb8;
	[tilespmem:$0x1C100] =	vst v63  }
0x7c: {  	_ = 	snop  }
0x7d: {  	[tilespmem:s29], [sflag:$0x2] =	stream.indirect_vreg.gather [hbm4b:s9+s2], $0x80, v3, vm0, $0xb8;
	[tilespmem:$0x1C100] =	vst v63  }
0x7e: {  	_ = 	snop  }
0x7f: {  	[tilespmem:s12], [sflag:$0x2] =	stream.indirect_vreg.gather [hbm4b:s10+s2], $0x80, v3, vm0, $0xb8;
	[tilespmem:$0x1C100] =	vst v63  }
0x80: {  	_ =	swait.ge [sflag:s30], $0x8000  }
0x81: {  	[sflag:s30] =	ssyncset.done $0x0  }
0x82: {  	[sflag:s30] =	ssyncadd.s32 $0xFFFF8000  }
0x83: {  	_ =	swait.ge [sflag:s13], $0x8000  }
0x84: {  	s1 =	simm.s32 $0x0;
	[sflag:s13] =	ssyncset.done $0x0  }
0x85: {  	s4 =	simm.s32 $0x0;
	s17 =	simm.s32 $0x0;
	[sflag:s13] =	ssyncadd.s32 $0xFFFF8000  }
.LBB2_2:
0x86: {  	v3 =	vld [tilespmem:s0+$0x0];
	s18 =	sand.u32 $0x6000, s17;
	s19 =	sand.u32 $0x380, s4  }
0x87: {  	v4 =	vld [tilespmem:s15+$0x0];
	s18 =	sor.u32 s19, s18  }
0x88: {  	v6 =	vld [tilespmem:s18+$0x4100]  }
0x89: {  	v7 =	vld [tilespmem:s18+$0xC100]  }
0x8a: {  	v10 =	vld [tilespmem:s18+$0x4110]  }
0x8b: {  	v11 =	vld [tilespmem:s18+$0xC110]  }
0x8c: {  	v14 =	vld [tilespmem:s18+$0x4120]  }
0x8d: {  	v17 =	vld [tilespmem:s18+$0xC120]  }
0x8e: {  	v20 =	vld [tilespmem:s18+$0x4130]  }
0x8f: {  	v21 =	vld [tilespmem:s18+$0xC130]  }
0x90: {  	v26 =	vld [tilespmem:s18+$0x4140]  }
0x91: {  	v27 =	vld [tilespmem:s18+$0xC140]  }
0x92: {  	v28 =	vld [tilespmem:s18+$0x4150]  }
0x93: {  	v29 =	vld [tilespmem:s18+$0xC150]  }
0x94: {  	v30 =	vld [tilespmem:s18+$0x4160]  }
0x95: {  	v31 =	vld [tilespmem:s18+$0xC160]  }
0x96: {  	v32 =	vld [tilespmem:s18+$0x4170]  }
0x97: {  	v33 =	vld [tilespmem:s18+$0xC170]  }
0x98: {  	v34 =	vld [tilespmem:s18+$0x4500]  }
0x99: {  	v35 =	vld [tilespmem:s18+$0xC500]  }
0x9a: {  	v36 =	vld [tilespmem:s18+$0x4510]  }
0x9b: {  	v37 =	vld [tilespmem:s18+$0xC510]  }
0x9c: {  	v38 =	vld [tilespmem:s18+$0x4520]  }
0x9d: {  	v39 =	vld [tilespmem:s18+$0xC520]  }
0x9e: {  	v40 =	vld [tilespmem:s18+$0x4530]  }
0x9f: {  	v41 =	vld [tilespmem:s18+$0xC530]  }
0xa0: {  	v42 =	vld [tilespmem:s18+$0x4540]  }
0xa1: {  	v43 =	vld [tilespmem:s18+$0xC540]  }
0xa2: {  	v44 =	vld [tilespmem:s18+$0x4550]  }
0xa3: {  	v45 =	vld [tilespmem:s18+$0xC550]  }
0xa4: {  	v46 =	vld [tilespmem:s18+$0x4560]  }
0xa5: {  	v47 =	vld [tilespmem:s18+$0xC560]  }
0xa6: {  	v48 =	vld [tilespmem:s18+$0x4570]  }
0xa7: {  	v49 =	vld [tilespmem:s18+$0xC570]  }
0xa8: {  	v50 =	vld [tilespmem:s18+$0x4900]  }
0xa9: {  	v51 =	vld [tilespmem:s18+$0xC900]  }
0xaa: {  	v52 =	vld [tilespmem:s18+$0x4910]  }
0xab: {  	v53 =	vld [tilespmem:s18+$0xC910]  }
0xac: {  	v54 =	vld [tilespmem:s18+$0x4920]  }
0xad: {  	v55 =	vld [tilespmem:s18+$0xC920]  }
0xae: {  	v56 =	vld [tilespmem:s18+$0x4930]  }
0xaf: {  	v57 =	vld [tilespmem:s18+$0xC930]  }
0xb0: {  	v58 =	vld [tilespmem:s18+$0x4940]  }
0xb1: {  	v59 =	vld [tilespmem:s18+$0xC940]  }
0xb2: {  	v60 =	vld [tilespmem:s18+$0x4950]  }
0xb3: {  	v61 =	vld [tilespmem:s18+$0xC950]  }
0xb4: {  	v62 =	vld [tilespmem:s18+$0x4960]  }
0xb5: {  	v63 =	vld [tilespmem:s18+$0xC960]  }
0xb6: {  	v5 =	vld [tilespmem:s18+$0x4970]  }
0xb7: {  	v2 =	vld [tilespmem:s18+$0xC970]  }
0xb8: {  	v24 =	vld [tilespmem:s18+$0x4D00]  }
0xb9: {  	v25 =	vld [tilespmem:s18+$0xCD00]  }
0xba: {  	v22 =	vld [tilespmem:s18+$0x4D10]  }
0xbb: {  	v23 =	vld [tilespmem:s18+$0xCD10]  }
0xbc: {  	v18 =	vld [tilespmem:s18+$0x4D20]  }
0xbd: {  	v19 =	vld [tilespmem:s18+$0xCD20]  }
0xbe: {  	v15 =	vld [tilespmem:s18+$0x4D30]  }
0xbf: {  	v0 =	vld [tilespmem:s18+$0x4D60]  }
0xc0: {  	v16 =	vld [tilespmem:s18+$0xCD30]  }
0xc1: {  	v12 =	vld [tilespmem:s18+$0x4D40]  }
0xc2: {  	v13 =	vld [tilespmem:s18+$0xCD40]  }
0xc3: {  	v8 =	vld [tilespmem:s18+$0x4D50];
	v1 =	vmul.f32 v6, v3  }
0xc4: {  	v9 =	vld [tilespmem:s18+$0xCD50];
	[tilespmem:$0x1FFC0] =	vst v0;
	v0 =	vmul.f32 v7, v4;
	v10 =	vmul.f32 v10, v3  }
0xc5: {  	v7 =	vld [tilespmem:s18+$0xCD60];
	v11 =	vmul.f32 v11, v4;
	v14 =	vmul.f32 v14, v3  }
0xc6: {  	v6 =	vld [tilespmem:s18+$0x4D70];
	v17 =	vmul.f32 v17, v4;
	v20 =	vmul.f32 v20, v3  }
0xc7: {  	v21 =	vmul.f32 v21, v4;
	v26 =	vmul.f32 v26, v3;
	v1 =	vadd.f32 v0, v1;
	v0 =	vld [tilespmem:s18+$0xCD70]  }
0xc8: {  	v5 =	vmul.f32 v5, v3;
	v2 =	vmul.f32 v2, v4;
	v10 =	vadd.f32 v11, v10;
	v11 =	vld [tilespmem:s18+$0x5100]  }
0xc9: {  	v24 =	vmul.f32 v24, v3;
	v25 =	vmul.f32 v25, v4;
	[tilespmem:s18+$0x14100] =	vst v1;
	v1 =	vadd.f32 v17, v14;
	v14 =	vld [tilespmem:s18+$0xD100]  }
0xca: {  	[tilespmem:s18+$0x14110] =	vst v10;
	v10 =	vadd.f32 v21, v20;
	v21 =	vmul.f32 v28, v3;
	v28 =	vmul.f32 v29, v4;
	v17 =	vld [tilespmem:s18+$0x5110]  }
0xcb: {  	v27 =	vmul.f32 v27, v4;
	v34 =	vmul.f32 v34, v3;
	v2 =	vadd.f32 v2, v5;
	v20 =	vld [tilespmem:s18+$0xD110]  }
0xcc: {  	v35 =	vmul.f32 v35, v4;
	v25 =	vadd.f32 v25, v24;
	[tilespmem:s18+$0x14130] =	vst v10;
	v10 =	vadd.f32 v28, v21;
	v21 =	vld [tilespmem:s18+$0x5120]  }
0xcd: {  	v29 =	vmul.f32 v33, v4;
	[tilespmem:s18+$0x14120] =	vst v1;
	v1 =	vadd.f32 v27, v26;
	v27 =	vmul.f32 v31, v4;
	v31 =	vld [tilespmem:s18+$0x5130]  }
0xce: {  	[tilespmem:s18+$0x14970] =	vst v2;
	v26 =	vmul.f32 v30, v3;
	v28 =	vmul.f32 v32, v3;
	v32 =	vld [tilespmem:s18+$0xD130]  }
0xcf: {  	v38 =	vmul.f32 v38, v3;
	[tilespmem:s18+$0x14D00] =	vst v25;
	v30 =	vmul.f32 v15, v3;
	v15 =	vld [tilespmem:s18+$0x5540]  }
0xd0: {  	v39 =	vmul.f32 v39, v4;
	v33 =	vadd.f32 v27, v26;
	v26 =	vld [tilespmem:s18+$0xD120];
	[tilespmem:s18+$0x14150] =	vst v10;
	v10 =	vadd.f32 v29, v28  }
0xd1: {  	[tilespmem:s18+$0x14140] =	vst v1;
	v28 =	vmul.f32 v36, v3;
	v36 =	vmul.f32 v37, v4;
	v37 =	vadd.f32 v35, v34;
	v34 =	vld [tilespmem:s18+$0xD140]  }
0xd2: {  	v40 =	vmul.f32 v40, v3;
	v52 =	vmul.f32 v52, v3;
	v35 =	vld [tilespmem:s18+$0x5150];
	[tilespmem:s18+$0x14160] =	vst v33  }
0xd3: {  	v18 =	vmul.f32 v18, v3;
	v27 =	vld [tilespmem:s18+$0xD520];
	[tilespmem:s18+$0x14170] =	vst v10;
	v10 =	vadd.f32 v36, v28;
	v36 =	vmul.f32 v41, v4  }
0xd4: {  	v33 =	vld [tilespmem:s18+$0x5140];
	[tilespmem:s18+$0x14500] =	vst v37;
	v37 =	vadd.f32 v39, v38;
	v38 =	vmul.f32 v42, v3;
	v39 =	vmul.f32 v43, v4  }
0xd5: {  	v41 =	vmul.f32 v45, v4;
	v28 =	vld [tilespmem:s18+$0x5520];
	[tilespmem:s18+$0x14510] =	vst v10;
	v10 =	vadd.f32 v36, v40;
	v40 =	vmul.f32 v44, v3  }
0xd6: {  	v43 =	vmul.f32 v46, v3;
	[tilespmem:s18+$0x14520] =	vst v37;
	v42 =	vadd.f32 v39, v38;
	v44 =	vmul.f32 v47, v4;
	v36 =	vld [tilespmem:s18+$0xD150]  }
0xd7: {  	v46 =	vmul.f32 v48, v3;
	v47 =	vmul.f32 v49, v4;
	v37 =	vld [tilespmem:s18+$0x5160];
	[tilespmem:s18+$0x14530] =	vst v10;
	v45 =	vadd.f32 v41, v40  }
0xd8: {  	v49 =	vmul.f32 v50, v3;
	v50 =	vmul.f32 v51, v4;
	v38 =	vld [tilespmem:s18+$0xD160];
	[tilespmem:s18+$0x14540] =	vst v42;
	v48 =	vadd.f32 v44, v43  }
0xd9: {  	v19 =	vmul.f32 v19, v4;
	v39 =	vld [tilespmem:s18+$0x5170];
	v51 =	vadd.f32 v47, v46;
	v44 =	vmul.f32 v53, v4;
	[tilespmem:s18+$0x14550] =	vst v45  }
0xda: {  	v46 =	vmul.f32 v54, v3;
	v47 =	vmul.f32 v55, v4;
	v40 =	vld [tilespmem:s18+$0xD170];
	[tilespmem:s18+$0x14560] =	vst v48;
	v45 =	vadd.f32 v50, v49  }
0xdb: {  	v41 =	vld [tilespmem:s18+$0x5500];
	v53 =	vmul.f32 v59, v4;
	v55 =	vmul.f32 v60, v3;
	[tilespmem:s18+$0x14570] =	vst v51;
	v48 =	vadd.f32 v44, v52  }
0xdc: {  	v42 =	vld [tilespmem:s18+$0xD500];
	v49 =	vmul.f32 v56, v3;
	v50 =	vmul.f32 v57, v4;
	v51 =	vadd.f32 v47, v46;
	[tilespmem:s18+$0x14900] =	vst v45  }
0xdd: {  	v43 =	vld [tilespmem:s18+$0x5510];
	v59 =	vmul.f32 v63, v4;
	v52 =	vmul.f32 v58, v3;
	v46 =	vadd.f32 v19, v18;
	[tilespmem:s18+$0x14910] =	vst v48  }
0xde: {  	v63 =	vmul.f32 v23, v4;
	v23 =	vld [tilespmem:s18+$0xD530];
	v56 =	vmul.f32 v61, v4;
	v54 =	vadd.f32 v50, v49;
	[tilespmem:s18+$0x14920] =	vst v51  }
0xdf: {  	v58 =	vmul.f32 v62, v3;
	v44 =	vld [tilespmem:s18+$0xD510];
	v57 =	vadd.f32 v53, v52;
	[tilespmem:s18+$0x14D20] =	vst v46  }
0xe0: {  	v62 =	vmul.f32 v22, v3;
	v22 =	vld [tilespmem:s18+$0x5530];
	v60 =	vadd.f32 v56, v55;
	[tilespmem:s18+$0x14930] =	vst v54  }
0xe1: {  	v12 =	vmul.f32 v12, v3;
	v13 =	vmul.f32 v13, v4;
	v18 =	vld [tilespmem:s18+$0x5910];
	v61 =	vadd.f32 v59, v58;
	[tilespmem:s18+$0x14940] =	vst v57  }
0xe2: {  	v25 =	vmul.f32 v34, v4;
	v24 =	vmul.f32 v33, v3;
	v19 =	vld [tilespmem:s18+$0xD910];
	v29 =	vadd.f32 v63, v62;
	[tilespmem:s18+$0x14950] =	vst v60  }
0xe3: {  	v45 =	vmul.f32 v16, v4;
	v16 =	vld [tilespmem:s18+$0xD540];
	v48 =	vmul.f32 v8, v3;
	v50 =	vadd.f32 v13, v12;
	[tilespmem:s18+$0x14960] =	vst v61  }
0xe4: {  	v49 =	vmul.f32 v9, v4;
	v9 =	vld [tilespmem:s18+$0x5550];
	v63 =	vmul.f32 v31, v3;
	v31 =	vadd.f32 v25, v24;
	[tilespmem:s18+$0x14D10] =	vst v29  }
0xe5: {  	v0 =	vmul.f32 v0, v4;
	v51 =	vld [tilespmem:$0x1FFC0];
	v53 =	vmul.f32 v6, v3;
	v47 =	vadd.f32 v45, v30;
	[tilespmem:s18+$0x14D40] =	vst v50  }
0xe6: {  	v12 =	vld [tilespmem:s18+$0xD550];
	v55 =	vmul.f32 v11, v3;
	v56 =	vmul.f32 v14, v4;
	v52 =	vadd.f32 v49, v48;
	[tilespmem:s18+$0x15140] =	vst v31  }
0xe7: {  	v6 =	vld [tilespmem:s18+$0x5560];
	v58 =	vmul.f32 v20, v4;
	v20 =	vmul.f32 v32, v4;
	v0 =	vadd.f32 v0, v53;
	[tilespmem:s18+$0x14D30] =	vst v47  }
0xe8: {  	v33 =	vmul.f32 v38, v4;
	v11 =	vld [tilespmem:s18+$0x5570];
	v32 =	vmul.f32 v37, v3;
	v59 =	vadd.f32 v56, v55;
	[tilespmem:s18+$0x14D50] =	vst v52  }
0xe9: {  	v13 =	vld [tilespmem:s18+$0xD570];
	v57 =	vmul.f32 v17, v3;
	v61 =	vmul.f32 v26, v4;
	v26 =	vadd.f32 v20, v63;
	[tilespmem:s18+$0x14D70] =	vst v0  }
0xea: {  	v7 =	vmul.f32 v7, v4;
	v14 =	vld [tilespmem:s18+$0x5900];
	v60 =	vmul.f32 v21, v3;
	v37 =	vadd.f32 v33, v32;
	[tilespmem:s18+$0x15100] =	vst v59  }
0xeb: {  	v17 =	vld [tilespmem:s18+$0xD900];
	v29 =	vmul.f32 v35, v3;
	v30 =	vmul.f32 v36, v4;
	v62 =	vadd.f32 v58, v57;
	[tilespmem:s18+$0x15130] =	vst v26  }
0xec: {  	v35 =	vmul.f32 v39, v3;
	v36 =	vmul.f32 v40, v4;
	v20 =	vld [tilespmem:s18+$0x5920];
	v21 =	vadd.f32 v61, v60;
	[tilespmem:s18+$0x15160] =	vst v37  }
0xed: {  	v38 =	vmul.f32 v41, v3;
	v39 =	vmul.f32 v42, v4;
	v40 =	vld [tilespmem:s18+$0xD920];
	v34 =	vadd.f32 v30, v29;
	[tilespmem:s18+$0x15110] =	vst v62  }
0xee: {  	v42 =	vmul.f32 v43, v3;
	v48 =	vld [tilespmem:s18+$0xD930];
	v43 =	vmul.f32 v44, v4;
	v41 =	vadd.f32 v36, v35;
	[tilespmem:s18+$0x15120] =	vst v21  }
0xef: {  	v46 =	vmul.f32 v28, v3;
	v56 =	vld [tilespmem:s18+$0xD940];
	v45 =	vadd.f32 v39, v38;
	v47 =	vmul.f32 v27, v4;
	[tilespmem:s18+$0x15150] =	vst v34  }
0xf0: {  	v63 =	vld [tilespmem:s18+$0xD950];
	v50 =	vmul.f32 v22, v3;
	v10 =	vmul.f32 v51, v3;
	v49 =	vadd.f32 v43, v42;
	[tilespmem:s18+$0x15170] =	vst v41  }
0xf1: {  	v31 =	vld [tilespmem:s18+$0xD960];
	v33 =	vmul.f32 v18, v3;
	v51 =	vmul.f32 v23, v4;
	[tilespmem:s18+$0x15500] =	vst v45;
	v53 =	vadd.f32 v47, v46  }
0xf2: {  	v44 =	vld [tilespmem:s18+$0x5930];
	v58 =	vmul.f32 v9, v3;
	v59 =	vmul.f32 v12, v4;
	v54 =	vadd.f32 v7, v10;
	[tilespmem:s18+$0x15510] =	vst v49  }
0xf3: {  	v52 =	vld [tilespmem:s18+$0x5940];
	v23 =	vmul.f32 v11, v3;
	v26 =	vmul.f32 v13, v4;
	v57 =	vadd.f32 v51, v50;
	[tilespmem:s18+$0x15520] =	vst v53  }
0xf4: {  	v60 =	vld [tilespmem:s18+$0x5950];
	v55 =	vmul.f32 v16, v4;
	v34 =	vmul.f32 v19, v4;
	v16 =	vadd.f32 v59, v58;
	[tilespmem:s18+$0x14D60] =	vst v54  }
0xf5: {  	v27 =	vld [tilespmem:s18+$0x5960];
	v29 =	vmul.f32 v14, v3;
	v30 =	vmul.f32 v17, v4;
	v32 =	vadd.f32 v26, v23;
	[tilespmem:s18+$0x15530] =	vst v57  }
0xf6: {  	v35 =	vld [tilespmem:s18+$0x5970];
	v37 =	vmul.f32 v20, v3;
	v38 =	vmul.f32 v40, v4;
	v40 =	vadd.f32 v34, v33;
	[tilespmem:s18+$0x15550] =	vst v16  }
0xf7: {  	v39 =	vld [tilespmem:s18+$0xD970];
	v42 =	vmul.f32 v48, v4;
	v41 =	vmul.f32 v44, v3;
	v36 =	vadd.f32 v30, v29;
	[tilespmem:s18+$0x15570] =	vst v32  }
0xf8: {  	v10 =	vld [tilespmem:s18+$0xD560];
	v54 =	vmul.f32 v15, v3;
	v43 =	vadd.f32 v38, v37;
	[tilespmem:s18+$0x15910] =	vst v40  }
0xf9: {  	v45 =	vmul.f32 v56, v4;
	v44 =	vmul.f32 v52, v3;
	v46 =	vadd.f32 v42, v41;
	[tilespmem:s18+$0x15900] =	vst v36  }
0xfa: {  	v48 =	vmul.f32 v63, v4;
	v47 =	vmul.f32 v60, v3;
	v61 =	vadd.f32 v55, v54;
	[tilespmem:s18+$0x15920] =	vst v43  }
0xfb: {  	v51 =	vmul.f32 v31, v4;
	v50 =	vmul.f32 v27, v3;
	v49 =	vadd.f32 v45, v44;
	[tilespmem:s18+$0x15930] =	vst v46  }
0xfc: {  	v53 =	vmul.f32 v35, v3;
	v52 =	vadd.f32 v48, v47;
	v54 =	vmul.f32 v39, v4;
	[tilespmem:s18+$0x15540] =	vst v61  }
0xfd: {  	v6 =	vmul.f32 v6, v3;
	v55 =	vadd.f32 v51, v50;
	v62 =	vmul.f32 v10, v4;
	[tilespmem:s18+$0x15940] =	vst v49  }
0xfe: {  	s19 =	sand.u32 $0x7, s1;
	[tilespmem:s18+$0x15950] =	vst v52;
	v56 =	vadd.f32 v54, v53  }
0xff: {  	s19 =	sshll.u32 s19, $0x7;
	[tilespmem:s18+$0x15960] =	vst v55;
	v28 =	vadd.f32 v62, v6  }
0x100: {  	s19 =	sadd.s32 s19, s17;
	[tilespmem:s18+$0x15970] =	vst v56  }
0x101: {  	[tilespmem:s18+$0x15560] =	vst v28;
	s18 =	sor.u32 $0x1C00, s19  }
0x102: {  	v0 =	vld [tilespmem:s18+$0x4100]  }
0x103: {  	v1 =	vld [tilespmem:s18+$0xC100];
	_ =	sdelay $0x4  }
0x104: {  	v0 =	vmul.f32 v0, v3;
	v1 =	vmul.f32 v1, v4;
	_ =	sdelay $0x1  }
0x105: {  	v0 =	vadd.f32 v1, v0;
	_ =	sdelay $0x1  }
0x106: {  	[tilespmem:s18+$0x14100] =	vst v0;
	s18 =	sor.u32 $0x1C10, s19  }
0x107: {  	v0 =	vld [tilespmem:s18+$0x4100]  }
0x108: {  	v57 =	vld [tilespmem:s18+$0xC100];
	_ =	sdelay $0x4  }
0x109: {  	v0 =	vmul.f32 v0, v3;
	v1 =	vmul.f32 v57, v4;
	_ =	sdelay $0x1  }
0x10a: {  	v0 =	vadd.f32 v1, v0;
	_ =	sdelay $0x1  }
0x10b: {  	[tilespmem:s18+$0x14100] =	vst v0;
	s18 =	sor.u32 $0x1C20, s19  }
0x10c: {  	v0 =	vld [tilespmem:s18+$0x4100]  }
0x10d: {  	v58 =	vld [tilespmem:s18+$0xC100];
	_ =	sdelay $0x4  }
0x10e: {  	v0 =	vmul.f32 v0, v3;
	v1 =	vmul.f32 v58, v4;
	_ =	sdelay $0x1  }
0x10f: {  	v0 =	vadd.f32 v1, v0;
	_ =	sdelay $0x1  }
0x110: {  	[tilespmem:s18+$0x14100] =	vst v0;
	s18 =	sor.u32 $0x1C30, s19  }
0x111: {  	v0 =	vld [tilespmem:s18+$0x4100]  }
0x112: {  	v59 =	vld [tilespmem:s18+$0xC100];
	_ =	sdelay $0x4  }
0x113: {  	v0 =	vmul.f32 v0, v3;
	v1 =	vmul.f32 v59, v4;
	_ =	sdelay $0x1  }
0x114: {  	v0 =	vadd.f32 v1, v0;
	_ =	sdelay $0x1  }
0x115: {  	[tilespmem:s18+$0x14100] =	vst v0;
	s18 =	sor.u32 $0x1C40, s19  }
0x116: {  	v0 =	vld [tilespmem:s18+$0x4100]  }
0x117: {  	v60 =	vld [tilespmem:s18+$0xC100];
	_ =	sdelay $0x4  }
0x118: {  	v0 =	vmul.f32 v0, v3;
	v1 =	vmul.f32 v60, v4;
	_ =	sdelay $0x1  }
0x119: {  	v0 =	vadd.f32 v1, v0;
	_ =	sdelay $0x1  }
0x11a: {  	[tilespmem:s18+$0x14100] =	vst v0;
	s18 =	sor.u32 $0x1C50, s19  }
0x11b: {  	v0 =	vld [tilespmem:s18+$0x4100]  }
0x11c: {  	v61 =	vld [tilespmem:s18+$0xC100];
	_ =	sdelay $0x4  }
0x11d: {  	v0 =	vmul.f32 v0, v3;
	v1 =	vmul.f32 v61, v4;
	_ =	sdelay $0x1  }
0x11e: {  	v0 =	vadd.f32 v1, v0;
	_ =	sdelay $0x1  }
0x11f: {  	[tilespmem:s18+$0x14100] =	vst v0;
	s18 =	sor.u32 $0x1C60, s19  }
0x120: {  	v0 =	vld [tilespmem:s18+$0x4100]  }
0x121: {  	v62 =	vld [tilespmem:s18+$0xC100];
	_ =	sdelay $0x4  }
0x122: {  	v0 =	vmul.f32 v0, v3;
	v1 =	vmul.f32 v62, v4;
	_ =	sdelay $0x1  }
0x123: {  	v0 =	vadd.f32 v1, v0;
	_ =	sdelay $0x1  }
0x124: {  	s19 =	sor.u32 $0x1C70, s19;
	[tilespmem:s18+$0x14100] =	vst v0  }
0x125: {  	v0 =	vld [tilespmem:s19+$0x4100]  }
0x126: {  	v63 =	vld [tilespmem:s19+$0xC100];
	_ =	sdelay $0x3  }
0x127: {  	p0 =	sne.s32 s4, $0xF80  }
.Ltmp0:
0x128: {  	v0 =	vmul.f32 v0, v3;
	v1 =	vmul.f32 v63, v4;
	(pc) =	sbr.rel @p0 .LBB2_2-.Ltmp0, $4  }
0x129: {  	_ = 	snop  }
0x12a: {  	v0 =	vadd.f32 v1, v0  }
0x12b: {  	s0 =	sadd.s32 $0x80, s0;
	s15 =	sadd.s32 $0x80, s15  }
0x12c: {  	s4 =	sadd.s32 $0x80, s4;
	s1 =	sadd.s32 $0x1, s1;
	s17 =	sadd.s32 $0x400, s17;
	[tilespmem:s19+$0x14100] =	vst v0  }
0x12d: {  	s0 =	simm.s32 $0x0  }
0x12e: {  	[hbm4b:s11+s0] =	stream.linear.scatter [tilespmem:s31], [sflag:$0x3], $0x8000, $0x38;
	[tilespmem:$0x1C100] =	vst v63  }
0x12f: {  	_ =	swait.ge [sflag:s16], $0x8000  }
0x130: {  	[sflag:s16] =	ssyncset.done $0x0  }
0x131: {  	s1 =	rddreg [dreg:$0x7];
	[sflag:s16] =	ssyncadd.s32 $0xFFFF8000  }
0x132: {  	[tilespmem:s0], [sflag:$0x3] =	stream.linear.gather [hbm4b:s1+s0], $0x20, $0x38;
	[tilespmem:$0x1C100] =	vst v63  }
0x133: {  	_ =	swait.ge [sflag:s16], $0x20  }
0x134: {  	[sflag:s16] =	ssyncset.done $0x0  }
0x135: {  	s4 =	simm.s32 $0x80;
	s19 =	rddreg [dreg:$0x8];
	[sflag:s16] =	ssyncadd.s32 $0xFFFFFFE0  }
0x136: {  	[tilespmem:s4], [sflag:$0x3] =	stream.linear.gather [hbm4b:s19+s0], $0x20, $0x38;
	[tilespmem:$0x1C100] =	vst v63  }
0x137: {  	_ =	swait.ge [sflag:s16], $0x20  }
0x138: {  	[sflag:s16] =	ssyncset.done $0x0  }
0x139: {  	[sflag:s16] =	ssyncadd.s32 $0xFFFFFFE0  }
0x13a: {  	v0 =	vld [tilespmem:$0x0];
	_ =	sdelay $0x2  }
0x13b: {  	v2 =	vld [tilespmem:$0x1FFD0];
	_ =	sdelay $0x1  }
0x13c: {  	v3 =	vld [tilespmem:$0x1FFE0];
	v1 =	vshll.u32 v0, $0x3  }
0x13d: {  	v0 =	vand.u32 $0x7, v0;
	v1 =	vand.u32 $0xFFFFFFC0, v1  }
0x13e: {  	v0 =	vor.u32 v0, v1  }
0x13f: {  	v1 =	vperm.xlane v0, v2;
	_ =	sdelay $0x1  }
0x140: {  	v1 =	vadd.s32 v3, v1  }
0x141: {  	v4 =	vld [tilespmem:$0x1FFF0];
	_ =	sdelay $0x2  }
0x142: {  	s15 =	simm.s32 $0x4100  }
0x143: {  	[tilespmem:s15], [sflag:$0x1] =	stream.indirect_vreg.gather [hbm4b:s3+s0], $0x80, v1, vm0, $0xb8;
	[tilespmem:$0x1C100] =	vst v63  }
0x144: {  	s17 =	simm.s32 $0x4900;
	v0 =	vperm.xlane v0, v4  }
0x145: {  	[tilespmem:s17], [sflag:$0x1] =	stream.indirect_vreg.gather [hbm4b:s8+s0], $0x80, v1, vm0, $0xb8;
	[tilespmem:$0x1C100] =	vst v63  }
0x146: {  	s18 =	simm.s32 $0x5100;
	v0 =	vadd.s32 v3, v0  }
0x147: {  	[tilespmem:s18], [sflag:$0x1] =	stream.indirect_vreg.gather [hbm4b:s9+s0], $0x80, v1, vm0, $0xb8;
	[tilespmem:$0x1C100] =	vst v63  }
0x148: {  	s19 =	simm.s32 $0x5900  }
0x149: {  	[tilespmem:s19], [sflag:$0x1] =	stream.indirect_vreg.gather [hbm4b:s10+s0], $0x80, v1, vm0, $0xb8;
	[tilespmem:$0x1C100] =	vst v63  }
0x14a: {  	s4 =	simm.s32 $0x6100  }
0x14b: {  	[tilespmem:s4], [sflag:$0x1] =	stream.indirect_vreg.gather [hbm4b:s3+s0], $0x80, v0, vm0, $0xb8;
	[tilespmem:$0x1C100] =	vst v63  }
0x14c: {  	s15 =	simm.s32 $0x6900  }
0x14d: {  	[tilespmem:s15], [sflag:$0x1] =	stream.indirect_vreg.gather [hbm4b:s8+s0], $0x80, v0, vm0, $0xb8;
	[tilespmem:$0x1C100] =	vst v63  }
0x14e: {  	s17 =	simm.s32 $0x7100  }
0x14f: {  	[tilespmem:s17], [sflag:$0x1] =	stream.indirect_vreg.gather [hbm4b:s9+s0], $0x80, v0, vm0, $0xb8;
	[tilespmem:$0x1C100] =	vst v63  }
0x150: {  	s18 =	simm.s32 $0x7900  }
0x151: {  	[tilespmem:s18], [sflag:$0x1] =	stream.indirect_vreg.gather [hbm4b:s10+s0], $0x80, v0, vm0, $0xb8;
	[tilespmem:$0x1C100] =	vst v63  }
0x152: {  	v0 =	vld [tilespmem:$0x10];
	_ =	sdelay $0x4  }
0x153: {  	v61 =	vshll.u32 v0, $0x3  }
0x154: {  	v0 =	vand.u32 $0x7, v0;
	v1 =	vand.u32 $0xFFFFFFC0, v61  }
0x155: {  	v0 =	vor.u32 v0, v1  }
0x156: {  	v1 =	vperm.xlane v0, v2;
	_ =	sdelay $0x1  }
0x157: {  	v1 =	vadd.s32 v3, v1;
	_ =	sdelay $0x3  }
0x158: {  	s19 =	simm.s32 $0x8100  }
0x159: {  	[tilespmem:s19], [sflag:$0x1] =	stream.indirect_vreg.gather [hbm4b:s3+s0], $0x80, v1, vm0, $0xb8;
	[tilespmem:$0x1C100] =	vst v63  }
0x15a: {  	s4 =	simm.s32 $0x8900;
	v0 =	vperm.xlane v0, v4  }
0x15b: {  	[tilespmem:s4], [sflag:$0x1] =	stream.indirect_vreg.gather [hbm4b:s8+s0], $0x80, v1, vm0, $0xb8;
	[tilespmem:$0x1C100] =	vst v63  }
0x15c: {  	s15 =	simm.s32 $0x9100;
	v0 =	vadd.s32 v3, v0  }
0x15d: {  	[tilespmem:s15], [sflag:$0x1] =	stream.indirect_vreg.gather [hbm4b:s9+s0], $0x80, v1, vm0, $0xb8;
	[tilespmem:$0x1C100] =	vst v63  }
0x15e: {  	s17 =	simm.s32 $0x9900  }
0x15f: {  	[tilespmem:s17], [sflag:$0x1] =	stream.indirect_vreg.gather [hbm4b:s10+s0], $0x80, v1, vm0, $0xb8;
	[tilespmem:$0x1C100] =	vst v63  }
0x160: {  	s18 =	simm.s32 $0xA100  }
0x161: {  	[tilespmem:s18], [sflag:$0x1] =	stream.indirect_vreg.gather [hbm4b:s3+s0], $0x80, v0, vm0, $0xb8;
	[tilespmem:$0x1C100] =	vst v63  }
0x162: {  	s19 =	simm.s32 $0xA900  }
0x163: {  	[tilespmem:s19], [sflag:$0x1] =	stream.indirect_vreg.gather [hbm4b:s8+s0], $0x80, v0, vm0, $0xb8;
	[tilespmem:$0x1C100] =	vst v63  }
0x164: {  	s4 =	simm.s32 $0xB100  }
0x165: {  	[tilespmem:s4], [sflag:$0x1] =	stream.indirect_vreg.gather [hbm4b:s9+s0], $0x80, v0, vm0, $0xb8;
	[tilespmem:$0x1C100] =	vst v63  }
0x166: {  	s15 =	simm.s32 $0xB900  }
0x167: {  	[tilespmem:s15], [sflag:$0x1] =	stream.indirect_vreg.gather [hbm4b:s10+s0], $0x80, v0, vm0, $0xb8;
	[tilespmem:$0x1C100] =	vst v63  }
0x168: {  	v0 =	vld [tilespmem:$0x80];
	_ =	sdelay $0x4  }
0x169: {  	v62 =	vshll.u32 v0, $0x3  }
0x16a: {  	v0 =	vand.u32 $0x7, v0;
	v1 =	vand.u32 $0xFFFFFFC0, v62  }
0x16b: {  	v0 =	vor.u32 v0, v1  }
0x16c: {  	v1 =	vperm.xlane v0, v2;
	_ =	sdelay $0x1  }
0x16d: {  	v1 =	vadd.s32 v3, v1;
	_ =	sdelay $0x3  }
0x16e: {  	s17 =	simm.s32 $0xC100  }
0x16f: {  	[tilespmem:s17], [sflag:$0x2] =	stream.indirect_vreg.gather [hbm4b:s3+s0], $0x80, v1, vm0, $0xb8;
	[tilespmem:$0x1C100] =	vst v63  }
0x170: {  	s18 =	simm.s32 $0xC900;
	v0 =	vperm.xlane v0, v4  }
0x171: {  	[tilespmem:s18], [sflag:$0x2] =	stream.indirect_vreg.gather [hbm4b:s8+s0], $0x80, v1, vm0, $0xb8;
	[tilespmem:$0x1C100] =	vst v63  }
0x172: {  	s19 =	simm.s32 $0xD100;
	v0 =	vadd.s32 v3, v0  }
0x173: {  	[tilespmem:s19], [sflag:$0x2] =	stream.indirect_vreg.gather [hbm4b:s9+s0], $0x80, v1, vm0, $0xb8;
	[tilespmem:$0x1C100] =	vst v63  }
0x174: {  	_ = 	snop  }
0x175: {  	[tilespmem:s5], [sflag:$0x2] =	stream.indirect_vreg.gather [hbm4b:s10+s0], $0x80, v1, vm0, $0xb8;
	[tilespmem:$0x1C100] =	vst v63  }
0x176: {  	_ = 	snop  }
0x177: {  	[tilespmem:s20], [sflag:$0x2] =	stream.indirect_vreg.gather [hbm4b:s3+s0], $0x80, v0, vm0, $0xb8;
	[tilespmem:$0x1C100] =	vst v63  }
0x178: {  	_ = 	snop  }
0x179: {  	[tilespmem:s6], [sflag:$0x2] =	stream.indirect_vreg.gather [hbm4b:s8+s0], $0x80, v0, vm0, $0xb8;
	[tilespmem:$0x1C100] =	vst v63  }
0x17a: {  	_ = 	snop  }
0x17b: {  	[tilespmem:s21], [sflag:$0x2] =	stream.indirect_vreg.gather [hbm4b:s9+s0], $0x80, v0, vm0, $0xb8;
	[tilespmem:$0x1C100] =	vst v63  }
0x17c: {  	_ = 	snop  }
0x17d: {  	[tilespmem:s7], [sflag:$0x2] =	stream.indirect_vreg.gather [hbm4b:s10+s0], $0x80, v0, vm0, $0xb8;
	[tilespmem:$0x1C100] =	vst v63  }
0x17e: {  	v0 =	vld [tilespmem:$0x90];
	_ =	sdelay $0x4  }
0x17f: {  	v63 =	vshll.u32 v0, $0x3  }
0x180: {  	v0 =	vand.u32 $0x7, v0;
	v1 =	vand.u32 $0xFFFFFFC0, v63  }
0x181: {  	v0 =	vor.u32 v0, v1  }
0x182: {  	v1 =	vperm.xlane v0, v2;
	_ =	sdelay $0x1  }
0x183: {  	v1 =	vadd.s32 v3, v1;
	_ =	sdelay $0x4  }
0x184: {  	[tilespmem:s22], [sflag:$0x2] =	stream.indirect_vreg.gather [hbm4b:s3+s0], $0x80, v1, vm0, $0xb8;
	[tilespmem:$0x1C100] =	vst v63  }
0x185: {  	v0 =	vperm.xlane v0, v4  }
0x186: {  	[tilespmem:s23], [sflag:$0x2] =	stream.indirect_vreg.gather [hbm4b:s8+s0], $0x80, v1, vm0, $0xb8;
	[tilespmem:$0x1C100] =	vst v63  }
0x187: {  	v0 =	vadd.s32 v3, v0  }
0x188: {  	[tilespmem:s24], [sflag:$0x2] =	stream.indirect_vreg.gather [hbm4b:s9+s0], $0x80, v1, vm0, $0xb8;
	[tilespmem:$0x1C100] =	vst v63  }
0x189: {  	_ = 	snop  }
0x18a: {  	[tilespmem:s25], [sflag:$0x2] =	stream.indirect_vreg.gather [hbm4b:s10+s0], $0x80, v1, vm0, $0xb8;
	[tilespmem:$0x1C100] =	vst v63  }
0x18b: {  	_ = 	snop  }
0x18c: {  	[tilespmem:s26], [sflag:$0x2] =	stream.indirect_vreg.gather [hbm4b:s3+s0], $0x80, v0, vm0, $0xb8;
	[tilespmem:$0x1C100] =	vst v63  }
0x18d: {  	_ = 	snop  }
0x18e: {  	[tilespmem:s28], [sflag:$0x2] =	stream.indirect_vreg.gather [hbm4b:s8+s0], $0x80, v0, vm0, $0xb8;
	[tilespmem:$0x1C100] =	vst v63  }
0x18f: {  	_ = 	snop  }
0x190: {  	[tilespmem:s29], [sflag:$0x2] =	stream.indirect_vreg.gather [hbm4b:s9+s0], $0x80, v0, vm0, $0xb8;
	[tilespmem:$0x1C100] =	vst v63  }
0x191: {  	_ = 	snop  }
0x192: {  	[tilespmem:s12], [sflag:$0x2] =	stream.indirect_vreg.gather [hbm4b:s10+s0], $0x80, v0, vm0, $0xb8;
	[tilespmem:$0x1C100] =	vst v63  }
0x193: {  	_ =	swait.ge [sflag:s30], $0x8000  }
0x194: {  	[sflag:s30] =	ssyncset.done $0x0  }
0x195: {  	[sflag:s30] =	ssyncadd.s32 $0xFFFF8000  }
0x196: {  	_ =	swait.ge [sflag:s13], $0x8000  }
0x197: {  	s1 =	simm.s32 $0x3100;
	s4 =	simm.s32 $0x0;
	[sflag:s13] =	ssyncset.done $0x0  }
0x198: {  	s15 =	simm.s32 $0x1100;
	s17 =	simm.s32 $0x0;
	[sflag:s13] =	ssyncadd.s32 $0xFFFF8000  }
.LBB2_4:
0x199: {  	v3 =	vld [tilespmem:s15+$0x0];
	s18 =	sand.u32 $0x6000, s17;
	s19 =	sand.u32 $0x380, s4  }
0x19a: {  	v4 =	vld [tilespmem:s1+$0x0];
	s18 =	sor.u32 s19, s18  }
0x19b: {  	v0 =	vld [tilespmem:s18+$0x4100]  }
0x19c: {  	v1 =	vld [tilespmem:s18+$0xC100]  }
0x19d: {  	v2 =	vld [tilespmem:s18+$0x4110]  }
0x19e: {  	v6 =	vld [tilespmem:s18+$0xC110]  }
0x19f: {  	v10 =	vld [tilespmem:s18+$0x4120]  }
0x1a0: {  	v11 =	vld [tilespmem:s18+$0xC120]  }
0x1a1: {  	v14 =	vld [tilespmem:s18+$0x4130]  }
0x1a2: {  	v17 =	vld [tilespmem:s18+$0xC130]  }
0x1a3: {  	v20 =	vld [tilespmem:s18+$0x4140]  }
0x1a4: {  	v21 =	vld [tilespmem:s18+$0xC140]  }
0x1a5: {  	v26 =	vld [tilespmem:s18+$0x4150]  }
0x1a6: {  	v27 =	vld [tilespmem:s18+$0xC150]  }
0x1a7: {  	v28 =	vld [tilespmem:s18+$0x4160]  }
0x1a8: {  	v29 =	vld [tilespmem:s18+$0xC160]  }
0x1a9: {  	v30 =	vld [tilespmem:s18+$0x4170]  }
0x1aa: {  	v31 =	vld [tilespmem:s18+$0xC170]  }
0x1ab: {  	v32 =	vld [tilespmem:s18+$0x4500]  }
0x1ac: {  	v33 =	vld [tilespmem:s18+$0xC500]  }
0x1ad: {  	v34 =	vld [tilespmem:s18+$0x4510]  }
0x1ae: {  	v35 =	vld [tilespmem:s18+$0xC510]  }
0x1af: {  	v36 =	vld [tilespmem:s18+$0x4520]  }
0x1b0: {  	v37 =	vld [tilespmem:s18+$0xC520]  }
0x1b1: {  	v38 =	vld [tilespmem:s18+$0x4530]  }
0x1b2: {  	v39 =	vld [tilespmem:s18+$0xC530]  }
0x1b3: {  	v40 =	vld [tilespmem:s18+$0x4540]  }
0x1b4: {  	v41 =	vld [tilespmem:s18+$0xC540]  }
0x1b5: {  	v42 =	vld [tilespmem:s18+$0x4550]  }
0x1b6: {  	v43 =	vld [tilespmem:s18+$0xC550]  }
0x1b7: {  	v44 =	vld [tilespmem:s18+$0x4560]  }
0x1b8: {  	v45 =	vld [tilespmem:s18+$0xC560]  }
0x1b9: {  	v46 =	vld [tilespmem:s18+$0x4570]  }
0x1ba: {  	v47 =	vld [tilespmem:s18+$0xC570]  }
0x1bb: {  	v48 =	vld [tilespmem:s18+$0x4900]  }
0x1bc: {  	v49 =	vld [tilespmem:s18+$0xC900]  }
0x1bd: {  	v50 =	vld [tilespmem:s18+$0x4910]  }
0x1be: {  	v51 =	vld [tilespmem:s18+$0xC910]  }
0x1bf: {  	v52 =	vld [tilespmem:s18+$0x4920]  }
0x1c0: {  	v53 =	vld [tilespmem:s18+$0xC920]  }
0x1c1: {  	v54 =	vld [tilespmem:s18+$0x4930]  }
0x1c2: {  	v55 =	vld [tilespmem:s18+$0xC930]  }
0x1c3: {  	v56 =	vld [tilespmem:s18+$0x4940]  }
0x1c4: {  	v57 =	vld [tilespmem:s18+$0xC940]  }
0x1c5: {  	v58 =	vld [tilespmem:s18+$0x4950]  }
0x1c6: {  	v59 =	vld [tilespmem:s18+$0xC950]  }
0x1c7: {  	v60 =	vld [tilespmem:s18+$0x4960]  }
0x1c8: {  	v61 =	vld [tilespmem:s18+$0xC960]  }
0x1c9: {  	v62 =	vld [tilespmem:s18+$0x4970]  }
0x1ca: {  	v63 =	vld [tilespmem:s18+$0xC970]  }
0x1cb: {  	v24 =	vld [tilespmem:s18+$0x4D00]  }
0x1cc: {  	v25 =	vld [tilespmem:s18+$0xCD00]  }
0x1cd: {  	v22 =	vld [tilespmem:s18+$0x4D10]  }
0x1ce: {  	v23 =	vld [tilespmem:s18+$0xCD10]  }
0x1cf: {  	v18 =	vld [tilespmem:s18+$0x4D20]  }
0x1d0: {  	v19 =	vld [tilespmem:s18+$0xCD20]  }
0x1d1: {  	v15 =	vld [tilespmem:s18+$0x4D30]  }
0x1d2: {  	v16 =	vld [tilespmem:s18+$0xCD30]  }
0x1d3: {  	v5 =	vld [tilespmem:s18+$0x4D60]  }
0x1d4: {  	v12 =	vld [tilespmem:s18+$0x4D40]  }
0x1d5: {  	v13 =	vld [tilespmem:s18+$0xCD40]  }
0x1d6: {  	v8 =	vld [tilespmem:s18+$0x4D50]  }
0x1d7: {  	v9 =	vld [tilespmem:s18+$0xCD50];
	v0 =	vmul.f32 v0, v3;
	v1 =	vmul.f32 v1, v4  }
0x1d8: {  	v7 =	vld [tilespmem:s18+$0xCD60];
	[tilespmem:$0x1FFA0] =	vst v5;
	v5 =	vmul.f32 v2, v3;
	v2 =	vmul.f32 v6, v4  }
0x1d9: {  	v6 =	vld [tilespmem:s18+$0x4D70];
	v17 =	vmul.f32 v17, v4;
	v0 =	vadd.f32 v1, v0  }
0x1da: {  	v1 =	vmul.f32 v10, v3;
	v10 =	vld [tilespmem:s18+$0xCD70];
	v5 =	vadd.f32 v2, v5;
	v2 =	vmul.f32 v14, v3  }
0x1db: {  	v11 =	vmul.f32 v11, v4;
	v14 =	vld [tilespmem:s18+$0xD100]  }
0x1dc: {  	v26 =	vmul.f32 v26, v3;
	v2 =	vadd.f32 v17, v2;
	v17 =	vld [tilespmem:s18+$0x5110]  }
0x1dd: {  	[tilespmem:s18+$0x14100] =	vst v0;
	v0 =	vadd.f32 v11, v1;
	v1 =	vmul.f32 v20, v3;
	v11 =	vmul.f32 v21, v4;
	v20 =	vld [tilespmem:s18+$0xD110]  }
0x1de: {  	v27 =	vmul.f32 v27, v4;
	v30 =	vmul.f32 v30, v3;
	v21 =	vld [tilespmem:s18+$0x5120];
	[tilespmem:$0x1FFB0] =	vst v6  }
0x1df: {  	v31 =	vmul.f32 v31, v4;
	v33 =	vmul.f32 v33, v4;
	v6 =	vld [tilespmem:s18+$0x5100];
	[tilespmem:s18+$0x14120] =	vst v0;
	v0 =	vadd.f32 v11, v1  }
0x1e0: {  	v1 =	vmul.f32 v28, v3;
	v11 =	vmul.f32 v29, v4;
	[tilespmem:s18+$0x14130] =	vst v2;
	v2 =	vadd.f32 v27, v26;
	v26 =	vld [tilespmem:s18+$0xD120]  }
0x1e1: {  	[tilespmem:s18+$0x14110] =	vst v5;
	v5 =	vmul.f32 v34, v3;
	v34 =	vmul.f32 v37, v4;
	v28 =	vld [tilespmem:s18+$0x5130]  }
0x1e2: {  	v37 =	vmul.f32 v39, v4;
	v29 =	vld [tilespmem:s18+$0xD130];
	[tilespmem:s18+$0x14140] =	vst v0;
	v0 =	vadd.f32 v11, v1;
	v1 =	vmul.f32 v32, v3  }
0x1e3: {  	v27 =	vmul.f32 v16, v4;
	v16 =	vld [tilespmem:s18+$0x5540];
	[tilespmem:s18+$0x14150] =	vst v2;
	v2 =	vadd.f32 v31, v30;
	v32 =	vmul.f32 v35, v4  }
0x1e4: {  	v30 =	vld [tilespmem:s18+$0x5140];
	[tilespmem:s18+$0x14160] =	vst v0;
	v0 =	vadd.f32 v33, v1;
	v33 =	vmul.f32 v36, v3;
	v36 =	vmul.f32 v38, v3  }
0x1e5: {  	v39 =	vmul.f32 v40, v3;
	v40 =	vmul.f32 v41, v4;
	v31 =	vld [tilespmem:s18+$0xD140];
	[tilespmem:s18+$0x14170] =	vst v2;
	v35 =	vadd.f32 v32, v5  }
0x1e6: {  	v42 =	vmul.f32 v42, v3;
	v11 =	vld [tilespmem:s18+$0xD550];
	[tilespmem:s18+$0x14500] =	vst v0;
	v38 =	vadd.f32 v34, v33;
	v41 =	vadd.f32 v37, v36  }
0x1e7: {  	v32 =	vld [tilespmem:s18+$0x5150];
	[tilespmem:s18+$0x14510] =	vst v35;
	v36 =	vmul.f32 v43, v4;
	v37 =	vadd.f32 v40, v39;
	v39 =	vmul.f32 v45, v4  }
0x1e8: {  	v33 =	vld [tilespmem:s18+$0xD150];
	v45 =	vmul.f32 v49, v4;
	[tilespmem:s18+$0x14520] =	vst v38;
	v38 =	vmul.f32 v44, v3  }
0x1e9: {  	v34 =	vld [tilespmem:s18+$0x5160];
	[tilespmem:s18+$0x14530] =	vst v41;
	v40 =	vadd.f32 v36, v42;
	v41 =	vmul.f32 v46, v3;
	v42 =	vmul.f32 v47, v4  }
0x1ea: {  	v35 =	vld [tilespmem:s18+$0xD160];
	[tilespmem:s18+$0x14540] =	vst v37;
	v44 =	vmul.f32 v48, v3;
	v47 =	vmul.f32 v50, v3;
	v43 =	vadd.f32 v39, v38  }
0x1eb: {  	v48 =	vmul.f32 v51, v4;
	v36 =	vld [tilespmem:s18+$0x5170];
	v50 =	vmul.f32 v52, v3;
	[tilespmem:s18+$0x14550] =	vst v40;
	v46 =	vadd.f32 v42, v41  }
0x1ec: {  	v51 =	vmul.f32 v53, v4;
	v37 =	vld [tilespmem:s18+$0xD170];
	v53 =	vmul.f32 v54, v3;
	v49 =	vadd.f32 v45, v44;
	[tilespmem:s18+$0x14560] =	vst v43  }
0x1ed: {  	v54 =	vmul.f32 v55, v4;
	v52 =	vadd.f32 v48, v47;
	v38 =	vld [tilespmem:s18+$0x5500];
	v44 =	vmul.f32 v56, v3;
	[tilespmem:s18+$0x14570] =	vst v46  }
0x1ee: {  	v55 =	vadd.f32 v51, v50;
	v45 =	vmul.f32 v57, v4;
	v39 =	vld [tilespmem:s18+$0xD500];
	v47 =	vmul.f32 v58, v3;
	[tilespmem:s18+$0x14900] =	vst v49  }
0x1ef: {  	v48 =	vmul.f32 v59, v4;
	v40 =	vld [tilespmem:s18+$0x5510];
	v50 =	vmul.f32 v60, v3;
	[tilespmem:s18+$0x14910] =	vst v52;
	v46 =	vadd.f32 v54, v53  }
0x1f0: {  	v51 =	vmul.f32 v61, v4;
	v41 =	vld [tilespmem:s18+$0xD510];
	v56 =	vmul.f32 v24, v3;
	[tilespmem:s18+$0x14920] =	vst v55;
	v49 =	vadd.f32 v45, v44  }
0x1f1: {  	v42 =	vld [tilespmem:s18+$0x5520];
	v57 =	vmul.f32 v25, v4;
	v59 =	vmul.f32 v22, v3;
	v52 =	vadd.f32 v48, v47;
	[tilespmem:s18+$0x14930] =	vst v46  }
0x1f2: {  	v24 =	vld [tilespmem:s18+$0xD520];
	v60 =	vmul.f32 v23, v4;
	v25 =	vmul.f32 v15, v3;
	v55 =	vadd.f32 v51, v50;
	[tilespmem:s18+$0x14940] =	vst v49  }
0x1f3: {  	v23 =	vld [tilespmem:s18+$0x5530];
	v53 =	vmul.f32 v62, v3;
	v54 =	vmul.f32 v63, v4;
	v61 =	vadd.f32 v57, v56;
	[tilespmem:s18+$0x14950] =	vst v52  }
0x1f4: {  	v15 =	vld [tilespmem:s18+$0x5900];
	v62 =	vmul.f32 v18, v3;
	v63 =	vmul.f32 v19, v4;
	v22 =	vadd.f32 v60, v59;
	[tilespmem:s18+$0x14960] =	vst v55  }
0x1f5: {  	v18 =	vld [tilespmem:s18+$0xD530];
	v44 =	vmul.f32 v12, v3;
	v45 =	vmul.f32 v13, v4;
	v58 =	vadd.f32 v54, v53;
	[tilespmem:s18+$0x14D00] =	vst v61  }
0x1f6: {  	v12 =	vld [tilespmem:s18+$0xD540];
	v47 =	vmul.f32 v8, v3;
	v48 =	vmul.f32 v9, v4;
	v43 =	vadd.f32 v63, v62;
	[tilespmem:s18+$0x14D10] =	vst v22  }
0x1f7: {  	v9 =	vld [tilespmem:s18+$0x5550];
	v56 =	vmul.f32 v14, v4;
	v59 =	vmul.f32 v20, v4;
	v46 =	vadd.f32 v27, v25;
	[tilespmem:s18+$0x14970] =	vst v58  }
0x1f8: {  	v50 =	vld [tilespmem:$0x1FFA0];
	v20 =	vmul.f32 v28, v3;
	v49 =	vadd.f32 v45, v44;
	v55 =	vmul.f32 v6, v3;
	[tilespmem:s18+$0x14D20] =	vst v43  }
0x1f9: {  	v13 =	vld [tilespmem:s18+$0x5570];
	v51 =	vadd.f32 v48, v47;
	v61 =	vmul.f32 v21, v3;
	v62 =	vmul.f32 v26, v4;
	[tilespmem:s18+$0x14D30] =	vst v46  }
0x1fa: {  	v14 =	vld [tilespmem:s18+$0xD570];
	v28 =	vmul.f32 v32, v3;
	v21 =	vmul.f32 v29, v4;
	[tilespmem:s18+$0x14D40] =	vst v49;
	v60 =	vadd.f32 v56, v55  }
0x1fb: {  	v19 =	vld [tilespmem:s18+$0x5910];
	v25 =	vmul.f32 v30, v3;
	v26 =	vmul.f32 v31, v4;
	[tilespmem:s18+$0x14D50] =	vst v51;
	v22 =	vadd.f32 v62, v61  }
0x1fc: {  	v32 =	vmul.f32 v35, v4;
	v52 =	vld [tilespmem:$0x1FFB0];
	v29 =	vmul.f32 v33, v4;
	v27 =	vadd.f32 v21, v20;
	[tilespmem:s18+$0x15100] =	vst v60  }
0x1fd: {  	v53 =	vmul.f32 v10, v4;
	v10 =	vld [tilespmem:s18+$0x5560];
	v31 =	vmul.f32 v34, v3;
	v30 =	vadd.f32 v26, v25;
	[tilespmem:s18+$0x15120] =	vst v22  }
0x1fe: {  	v35 =	vmul.f32 v37, v4;
	v34 =	vmul.f32 v36, v3;
	v44 =	vld [tilespmem:s18+$0x5930];
	v33 =	vadd.f32 v29, v28;
	[tilespmem:s18+$0x15130] =	vst v27  }
0x1ff: {  	v48 =	vld [tilespmem:s18+$0xD930];
	v37 =	vmul.f32 v38, v3;
	v38 =	vmul.f32 v39, v4;
	v36 =	vadd.f32 v32, v31;
	[tilespmem:s18+$0x15140] =	vst v30  }
0x200: {  	v58 =	vmul.f32 v17, v3;
	v17 =	vld [tilespmem:s18+$0xD900];
	v39 =	vadd.f32 v35, v34;
	[tilespmem:s18+$0x15150] =	vst v33  }
0x201: {  	v40 =	vmul.f32 v40, v3;
	v20 =	vld [tilespmem:s18+$0xD910];
	v43 =	vmul.f32 v41, v4;
	v45 =	vadd.f32 v38, v37;
	[tilespmem:s18+$0x15160] =	vst v36  }
0x202: {  	v7 =	vmul.f32 v7, v4;
	v21 =	vld [tilespmem:s18+$0x5920];
	v1 =	vmul.f32 v50, v3;
	v63 =	vadd.f32 v59, v58;
	[tilespmem:s18+$0x15170] =	vst v39  }
0x203: {  	v56 =	vld [tilespmem:s18+$0xD940];
	v49 =	vadd.f32 v43, v40;
	v58 =	vmul.f32 v9, v3;
	v59 =	vmul.f32 v11, v4;
	[tilespmem:s18+$0x15500] =	vst v45  }
0x204: {  	v28 =	vld [tilespmem:s18+$0x5960];
	v26 =	vmul.f32 v13, v3;
	v27 =	vmul.f32 v14, v4;
	v54 =	vadd.f32 v7, v1;
	[tilespmem:s18+$0x15110] =	vst v63  }
0x205: {  	v32 =	vld [tilespmem:s18+$0xD960];
	v50 =	vmul.f32 v23, v3;
	v5 =	vmul.f32 v52, v3;
	[tilespmem:s18+$0x15510] =	vst v49;
	v23 =	vadd.f32 v59, v58  }
0x206: {  	v47 =	vmul.f32 v24, v4;
	v46 =	vmul.f32 v42, v3;
	v22 =	vld [tilespmem:s18+$0xD920];
	v33 =	vadd.f32 v27, v26;
	[tilespmem:s18+$0x14D60] =	vst v54  }
0x207: {  	v60 =	vld [tilespmem:s18+$0x5950];
	v42 =	vmul.f32 v44, v3;
	v43 =	vmul.f32 v48, v4;
	v57 =	vadd.f32 v53, v5;
	[tilespmem:s18+$0x15550] =	vst v23  }
0x208: {  	v51 =	vmul.f32 v18, v4;
	v36 =	vld [tilespmem:s18+$0x5970];
	v53 =	vadd.f32 v47, v46;
	[tilespmem:s18+$0x15570] =	vst v33  }
0x209: {  	v55 =	vmul.f32 v12, v4;
	v40 =	vld [tilespmem:s18+$0xD970];
	v54 =	vmul.f32 v16, v3;
	v47 =	vadd.f32 v43, v42;
	[tilespmem:s18+$0x14D70] =	vst v57  }
0x20a: {  	v30 =	vmul.f32 v15, v3;
	v7 =	vld [tilespmem:s18+$0xD560];
	v31 =	vmul.f32 v17, v4;
	v57 =	vadd.f32 v51, v50;
	[tilespmem:s18+$0x15520] =	vst v53  }
0x20b: {  	v34 =	vmul.f32 v19, v3;
	v52 =	vld [tilespmem:s18+$0x5940];
	v35 =	vmul.f32 v20, v4;
	v61 =	vadd.f32 v55, v54;
	[tilespmem:s18+$0x15930] =	vst v47  }
0x20c: {  	v16 =	vld [tilespmem:s18+$0xD950];
	v38 =	vmul.f32 v21, v3;
	v37 =	vadd.f32 v31, v30;
	v39 =	vmul.f32 v22, v4;
	[tilespmem:s18+$0x15530] =	vst v57  }
0x20d: {  	v41 =	vadd.f32 v35, v34;
	v50 =	vmul.f32 v28, v3;
	v51 =	vmul.f32 v32, v4;
	[tilespmem:s18+$0x15540] =	vst v61  }
0x20e: {  	v53 =	vmul.f32 v36, v3;
	v54 =	vmul.f32 v40, v4;
	[tilespmem:s18+$0x15900] =	vst v37;
	v44 =	vadd.f32 v39, v38  }
0x20f: {  	v62 =	vmul.f32 v10, v3;
	v63 =	vmul.f32 v7, v4;
	[tilespmem:s18+$0x15910] =	vst v41;
	v55 =	vadd.f32 v51, v50  }
0x210: {  	v46 =	vmul.f32 v56, v4;
	v45 =	vmul.f32 v52, v3;
	v56 =	vadd.f32 v54, v53;
	[tilespmem:s18+$0x15920] =	vst v44  }
0x211: {  	v48 =	vmul.f32 v60, v3;
	v29 =	vadd.f32 v63, v62;
	v7 =	vmul.f32 v16, v4;
	[tilespmem:s18+$0x15960] =	vst v55  }
0x212: {  	s19 =	sand.u32 $0x7, s0;
	v49 =	vadd.f32 v46, v45;
	[tilespmem:s18+$0x15970] =	vst v56  }
0x213: {  	s19 =	sshll.u32 s19, $0x7;
	[tilespmem:s18+$0x15560] =	vst v29;
	v52 =	vadd.f32 v7, v48  }
0x214: {  	s19 =	sadd.s32 s19, s17;
	[tilespmem:s18+$0x15940] =	vst v49  }
0x215: {  	[tilespmem:s18+$0x15950] =	vst v52;
	s18 =	sor.u32 $0x1C00, s19  }
0x216: {  	v0 =	vld [tilespmem:s18+$0x4100]  }
0x217: {  	v1 =	vld [tilespmem:s18+$0xC100];
	_ =	sdelay $0x4  }
0x218: {  	v0 =	vmul.f32 v0, v3;
	v1 =	vmul.f32 v1, v4;
	_ =	sdelay $0x1  }
0x219: {  	v0 =	vadd.f32 v1, v0;
	_ =	sdelay $0x1  }
0x21a: {  	[tilespmem:s18+$0x14100] =	vst v0;
	s18 =	sor.u32 $0x1C10, s19  }
0x21b: {  	v0 =	vld [tilespmem:s18+$0x4100]  }
0x21c: {  	v57 =	vld [tilespmem:s18+$0xC100];
	_ =	sdelay $0x4  }
0x21d: {  	v0 =	vmul.f32 v0, v3;
	v1 =	vmul.f32 v57, v4;
	_ =	sdelay $0x1  }
0x21e: {  	v0 =	vadd.f32 v1, v0;
	_ =	sdelay $0x1  }
0x21f: {  	[tilespmem:s18+$0x14100] =	vst v0;
	s18 =	sor.u32 $0x1C20, s19  }
0x220: {  	v0 =	vld [tilespmem:s18+$0x4100]  }
0x221: {  	v58 =	vld [tilespmem:s18+$0xC100];
	_ =	sdelay $0x4  }
0x222: {  	v0 =	vmul.f32 v0, v3;
	v1 =	vmul.f32 v58, v4;
	_ =	sdelay $0x1  }
0x223: {  	v0 =	vadd.f32 v1, v0;
	_ =	sdelay $0x1  }
0x224: {  	[tilespmem:s18+$0x14100] =	vst v0;
	s18 =	sor.u32 $0x1C30, s19  }
0x225: {  	v0 =	vld [tilespmem:s18+$0x4100]  }
0x226: {  	v59 =	vld [tilespmem:s18+$0xC100];
	_ =	sdelay $0x4  }
0x227: {  	v0 =	vmul.f32 v0, v3;
	v1 =	vmul.f32 v59, v4;
	_ =	sdelay $0x1  }
0x228: {  	v0 =	vadd.f32 v1, v0;
	_ =	sdelay $0x1  }
0x229: {  	[tilespmem:s18+$0x14100] =	vst v0;
	s18 =	sor.u32 $0x1C40, s19  }
0x22a: {  	v0 =	vld [tilespmem:s18+$0x4100]  }
0x22b: {  	v60 =	vld [tilespmem:s18+$0xC100];
	_ =	sdelay $0x4  }
0x22c: {  	v0 =	vmul.f32 v0, v3;
	v1 =	vmul.f32 v60, v4;
	_ =	sdelay $0x1  }
0x22d: {  	v0 =	vadd.f32 v1, v0;
	_ =	sdelay $0x1  }
0x22e: {  	[tilespmem:s18+$0x14100] =	vst v0;
	s18 =	sor.u32 $0x1C50, s19  }
0x22f: {  	v0 =	vld [tilespmem:s18+$0x4100]  }
0x230: {  	v61 =	vld [tilespmem:s18+$0xC100];
	_ =	sdelay $0x4  }
0x231: {  	v0 =	vmul.f32 v0, v3;
	v1 =	vmul.f32 v61, v4;
	_ =	sdelay $0x1  }
0x232: {  	v0 =	vadd.f32 v1, v0;
	_ =	sdelay $0x1  }
0x233: {  	[tilespmem:s18+$0x14100] =	vst v0;
	s18 =	sor.u32 $0x1C60, s19  }
0x234: {  	v0 =	vld [tilespmem:s18+$0x4100]  }
0x235: {  	v62 =	vld [tilespmem:s18+$0xC100];
	_ =	sdelay $0x4  }
0x236: {  	v0 =	vmul.f32 v0, v3;
	v1 =	vmul.f32 v62, v4;
	_ =	sdelay $0x1  }
0x237: {  	v0 =	vadd.f32 v1, v0;
	_ =	sdelay $0x1  }
0x238: {  	s19 =	sor.u32 $0x1C70, s19;
	[tilespmem:s18+$0x14100] =	vst v0  }
0x239: {  	v0 =	vld [tilespmem:s19+$0x4100]  }
0x23a: {  	v63 =	vld [tilespmem:s19+$0xC100];
	_ =	sdelay $0x3  }
0x23b: {  	p0 =	sne.s32 s4, $0xF80  }
.Ltmp1:
0x23c: {  	v0 =	vmul.f32 v0, v3;
	v1 =	vmul.f32 v63, v4;
	(pc) =	sbr.rel @p0 .LBB2_4-.Ltmp1, $4  }
0x23d: {  	_ = 	snop  }
0x23e: {  	v0 =	vadd.f32 v1, v0  }
0x23f: {  	s15 =	sadd.s32 $0x80, s15;
	s1 =	sadd.s32 $0x80, s1  }
0x240: {  	s4 =	sadd.s32 $0x80, s4;
	s0 =	sadd.s32 $0x1, s0;
	s17 =	sadd.s32 $0x400, s17;
	[tilespmem:s19+$0x14100] =	vst v0  }
0x241: {  	s0 =	rddreg [dreg:$0x9]  }
0x242: {  	[hbm4b:s0+s2] =	stream.linear.scatter [tilespmem:s31], [sflag:$0x3], $0x8000, $0x38;
	[tilespmem:$0x1C100] =	vst v63  }
0x243: {  	_ =	swait.ge [sflag:s16], $0x8000  }
0x244: {  	s14 =	sadd.s32 $0x1, s14;
	s19 =	rddreg [dreg:$0xa]  }
0x245: {  	p0 =	sne.s32 s14, s19  }
.Ltmp2:
0x246: {  	_ = 	snop;
	(pc) =	sbr.rel @p0 .LBB2_1-.Ltmp2, $3  }
0x247: {  	_ =	sdelay $0x1  }
0x248: {  	[sflag:s16] =	ssyncset.done $0x0  }
0x249: {  	[sflag:s16] =	ssyncadd.s32 $0xFFFF8000  }
0x24a: {  	_ =	sfence.sel $0x180000  }
0x24b: {  	[bflag:$0x0] =	sbarrier.arrive $0xFFFF  }
0x24c: {  	_ =	strace $0x9000004A  }
0x24d: {  	s0 =	stileid.u32;
	[bflag:$0x2] =	sbarrier.arrive $0xFFFF  }
0x24e: {  	p0 =	sne.s32 s0, $0x0;
	s0 =	rddreg [dreg:$0x2]  }
0x24f: {  	s0 =	sadd.s32 @!p0 $0x100000, s0  }
0x250: {  	[sflag:s0] =	ssyncadd.tile.s32 @!p0 $0x1;
	_ =	shalt  }
.Lfunc_end2:
_tile_overlayer_lowered:
.L_overlay_start_2:
0x251: {  	(tag) =	ssettag $0x2  }
0x252: {  	s0 =	rddreg [dreg:$0x0];
	s2 =	stileid.u32  }
0x253: {  	s1 =	rddreg [dreg:$0x1];
	p0 =	sne.s32 s2, $0x0  }
0x254: {  	s3 =	rddreg [dreg:$0x2];
	[bflag:$0x3] =	sbarrier.arrive $0xFFFF;
	s2 =	simm.s32 @!p0 $0x1C03  }
0x255: {  	[timem:s3], [sflag:s2] =	dma.local @!p0 [hbm:s0], s1  }
0x256: {  	s0 =	simm.s32 @!p0 $0x3  }
0x257: {  	_ =	swait.ge @!p0 [sflag:s0], s1  }
0x258: {  	s1 =	ssub.s32 @!p0 $0x0, s1;
	[sflag:s0] =	ssyncset.done @!p0 $0x0  }
0x259: {  	[sflag:s0] =	ssyncadd.s32 @!p0 s1  }
0x25a: {  	[bflag:$0x3] =	sbarrier.arrive $0xFFFF  }
0x25b: {  	_ =	shalt  }

</sc_bundles>
